<compile_context>
chip_gen: v7x
topology: tpu7x:2x2x1
jax: 0.10.2.dev20260603
libtpu: 0.0.44.dev20260713+nightly
codegen_flags: <defaults>
</compile_context>

<pallas_src>
import functools

import jax
import jax.numpy as jnp
from jax import lax
from jax.experimental import pallas as pl
from jax.experimental.pallas import tpu as pltpu
from jax.experimental.pallas import tpu_sc as plsc

N = 10000
E = 160000
F = 128
DE = 16
DPE = 768

NC = 2
NS = 16
NW = NC * NS
PER_W = E // NW
C = 40
G_ITERS = PER_W // C
RT = 640
RT_LAST = N - 15 * RT

_SC_MESH = plsc.VectorSubcoreMesh(core_axis_name="c", subcore_axis_name="s")


CG = 128
EH = E // 2
CH_H = EH // CG
T_FULL = CH_H // NW
W_EXTRA = CH_H - T_FULL * NW


def _gather_body(tab_hbm, dst_hbm, src_hbm, xd_hbm, xs_hbm,
                 idxa, idxb, rda, rdb, rsa, rsb,
                 gda, gdb, gsa, gsb):
    c = lax.axis_index("c")
    s = lax.axis_index("s")
    w = c * NS + s

    def fire(t, idx, rd, rs, gd, gs):
        off = pl.multiple_of((w + t * NW) * CG, 8)
        pltpu.sync_copy(dst_hbm.at[pl.ds(off, CG)], idx.at[0])
        pltpu.sync_copy(src_hbm.at[pl.ds(off, CG)], idx.at[1])
        pltpu.make_async_copy(tab_hbm.at[idx.at[0]], rd, gd).start()
        pltpu.make_async_copy(tab_hbm.at[idx.at[1]], rs, gs).start()

    def drain(t, idx, rd, rs, gd, gs):
        off = pl.multiple_of((w + t * NW) * CG, 8)
        pltpu.make_async_copy(tab_hbm.at[idx.at[0]], rd, gd).wait()
        pltpu.sync_copy(rd, xd_hbm.at[pl.ds(off, CG)])
        pltpu.make_async_copy(tab_hbm.at[idx.at[1]], rs, gs).wait()
        pltpu.sync_copy(rs, xs_hbm.at[pl.ds(off, CG)])

    fire(0, idxa, rda, rsa, gda, gsa)

    def body(k, carry):
        fire(2 * k + 1, idxb, rdb, rsb, gdb, gsb)
        drain(2 * k, idxa, rda, rsa, gda, gsa)
        fire(2 * k + 2, idxa, rda, rsa, gda, gsa)
        drain(2 * k + 1, idxb, rdb, rsb, gdb, gsb)
        return carry

    lax.fori_loop(0, (T_FULL - 1) // 2, body, 0)
    drain(T_FULL - 1, idxa, rda, rsa, gda, gsa)

    @pl.when(w < W_EXTRA)
    def _():
        fire(T_FULL, idxb, rdb, rsb, gdb, gsb)
        drain(T_FULL, idxb, rdb, rsb, gdb, gsb)


_gather2 = functools.partial(
    pl.kernel,
    out_type=[jax.ShapeDtypeStruct((EH, F), jnp.float32),
              jax.ShapeDtypeStruct((EH, F), jnp.float32)],
    mesh=_SC_MESH,
    scratch_types=[pltpu.VMEM((2, CG), jnp.int32),
                   pltpu.VMEM((2, CG), jnp.int32),
                   pltpu.VMEM((CG, F), jnp.float32),
                   pltpu.VMEM((CG, F), jnp.float32),
                   pltpu.VMEM((CG, F), jnp.float32),
                   pltpu.VMEM((CG, F), jnp.float32),
                   pltpu.SemaphoreType.DMA,
                   pltpu.SemaphoreType.DMA,
                   pltpu.SemaphoreType.DMA,
                   pltpu.SemaphoreType.DMA],
)(_gather_body)


CH_S = EH // C
TS_FULL = CH_S // NW
WS_EXTRA = CH_S - TS_FULL * NW


def _scatter_body(msg_hbm, init0_hbm, init1_hbm, dst_hbm,
                  p0_hbm, p1_hbm,
                  idxa, idxb, ra, rb, acc_sh, ia, ib, ma, mb):
    c = lax.axis_index("c")
    s = lax.axis_index("s")
    w = c * NS + s
    roff = s * RT

    @pl.when((c == 0) & (s < NS - 1))
    def _():
        pltpu.sync_copy(init0_hbm.at[pl.ds(roff, RT)],
                        acc_sh.at[pl.ds(roff, RT)])

    @pl.when((c == 0) & (s == NS - 1))
    def _():
        pltpu.sync_copy(init0_hbm.at[pl.ds(roff, RT_LAST)],
                        acc_sh.at[pl.ds(roff, RT_LAST)])

    @pl.when((c != 0) & (s < NS - 1))
    def _():
        pltpu.sync_copy(init1_hbm.at[pl.ds(roff, RT)],
                        acc_sh.at[pl.ds(roff, RT)])

    @pl.when((c != 0) & (s == NS - 1))
    def _():
        pltpu.sync_copy(init1_hbm.at[pl.ds(roff, RT_LAST)],
                        acc_sh.at[pl.ds(roff, RT_LAST)])

    plsc.subcore_barrier()

    def fire(t, idx, rbuf, si, sm):
        off = pl.multiple_of((w + t * NW) * C, 8)
        pltpu.make_async_copy(dst_hbm.at[pl.ds(off, C)], idx, si).start()
        pltpu.make_async_copy(msg_hbm.at[pl.ds(off, C)], rbuf, sm).start()

    def drain(t, idx, rbuf, si, sm):
        pltpu.make_async_copy(dst_hbm.at[pl.ds(0, C)], idx, si).wait()
        pltpu.make_async_copy(msg_hbm.at[pl.ds(0, C)], rbuf, sm).wait()
        pltpu.sync_copy(rbuf, acc_sh.at[idx], add=True)

    fire(0, idxa, ra, ia, ma)

    def body(k, carry):
        fire(2 * k + 1, idxb, rb, ib, mb)
        drain(2 * k, idxa, ra, ia, ma)
        fire(2 * k + 2, idxa, ra, ia, ma)
        drain(2 * k + 1, idxb, rb, ib, mb)
        return carry

    lax.fori_loop(0, TS_FULL // 2 - 1, body, 0)
    fire(TS_FULL - 1, idxb, rb, ib, mb)
    drain(TS_FULL - 2, idxa, ra, ia, ma)
    drain(TS_FULL - 1, idxb, rb, ib, mb)

    @pl.when(w < WS_EXTRA)
    def _():
        fire(TS_FULL, idxa, ra, ia, ma)
        drain(TS_FULL, idxa, ra, ia, ma)

    plsc.subcore_barrier()

    @pl.when((c == 0) & (s < NS - 1))
    def _():
        pltpu.sync_copy(acc_sh.at[pl.ds(roff, RT)], p0_hbm.at[pl.ds(roff, RT)])

    @pl.when((c == 0) & (s == NS - 1))
    def _():
        pltpu.sync_copy(acc_sh.at[pl.ds(roff, RT_LAST)],
                        p0_hbm.at[pl.ds(roff, RT_LAST)])

    @pl.when((c != 0) & (s < NS - 1))
    def _():
        pltpu.sync_copy(acc_sh.at[pl.ds(roff, RT)], p1_hbm.at[pl.ds(roff, RT)])

    @pl.when((c != 0) & (s == NS - 1))
    def _():
        pltpu.sync_copy(acc_sh.at[pl.ds(roff, RT_LAST)],
                        p1_hbm.at[pl.ds(roff, RT_LAST)])


_scatter = functools.partial(
    pl.kernel,
    out_type=[jax.ShapeDtypeStruct((N, F), jnp.float32),
              jax.ShapeDtypeStruct((N, F), jnp.float32)],
    mesh=_SC_MESH,
    scratch_types=[pltpu.VMEM((C,), jnp.int32),
                   pltpu.VMEM((C,), jnp.int32),
                   pltpu.VMEM((C, F), jnp.float32),
                   pltpu.VMEM((C, F), jnp.float32),
                   pltpu.VMEM_SHARED((N, F), jnp.float32),
                   pltpu.SemaphoreType.DMA,
                   pltpu.SemaphoreType.DMA,
                   pltpu.SemaphoreType.DMA,
                   pltpu.SemaphoreType.DMA],
)(_scatter_body)


BE1 = 1600
BE2 = 1000
BN = 2000
Z = 2 * F + DPE


def _sig(v):
    return 0.5 + 0.5 * jnp.tanh(0.5 * v)


def _p1_body(e_ref, xd_ref, xs_ref, Wpre_ref, bpre_ref,
             Wcat_ref, bcat_ref, Wcd_ref,
             msg_ref, c_ref, d_ref):
    bf = jnp.bfloat16
    e0 = jnp.tanh(
        jnp.dot(e_ref[...].astype(bf), Wpre_ref[...],
                preferred_element_type=jnp.float32) + bpre_ref[...])
    z = jnp.concatenate([xd_ref[...].astype(bf), xs_ref[...].astype(bf),
                         e0.astype(bf)], axis=1)
    u = (jnp.dot(z, Wcat_ref[...], preferred_element_type=jnp.float32)
         + bcat_ref[...])
    msg_ref[...] = jax.nn.relu(u[:, :F]) * _sig(u[:, F:2 * F])
    e1 = (e0 * (1.0 + _sig(u[:, 2 * F:]))).astype(bf)
    cd = jnp.dot(e1, Wcd_ref[...], preferred_element_type=jnp.float32)
    c_ref[...] = cd[:, :F].astype(bf)
    d_ref[...] = cd[:, F:].astype(bf)


def _p1(e, xd, xs, W_pre, b_pre, Wcat, bcat, Wcd):
    full = lambda shp: pl.BlockSpec(shp, lambda i: (0, 0))
    eb = lambda w: pl.BlockSpec((BE1, w), lambda i: (i, 0))
    return pl.pallas_call(
        _p1_body,
        grid=(EH // BE1,),
        in_specs=[eb(DE), eb(F), eb(F),
                  full((DE, DPE)), full((1, DPE)),
                  full((Z, Z)), full((1, Z)),
                  full((DPE, 2 * F))],
        out_specs=[eb(F), eb(F), eb(F)],
        out_shape=[jax.ShapeDtypeStruct((EH, F), jnp.float32),
                   jax.ShapeDtypeStruct((EH, F), jnp.bfloat16),
                   jax.ShapeDtypeStruct((EH, F), jnp.bfloat16)],
    )(e, xd, xs, W_pre, b_pre, Wcat, bcat, Wcd)


def _add_body(p0_ref, p1_ref, x_ref, x1_ref, sum_ref):
    i = pl.program_id(0)
    v = p0_ref[...] + p1_ref[...] - x_ref[...]
    x1_ref[...] = v

    @pl.when(i == 0)
    def _():
        sum_ref[...] = jnp.zeros_like(sum_ref)

    sum_ref[...] += jnp.sum(v, axis=0, keepdims=True)


def _addsum(p0, p1, x):
    return pl.pallas_call(
        _add_body,
        grid=(N // BN,),
        in_specs=[pl.BlockSpec((BN, F), lambda i: (i, 0)),
                  pl.BlockSpec((BN, F), lambda i: (i, 0)),
                  pl.BlockSpec((BN, F), lambda i: (i, 0))],
        out_specs=[pl.BlockSpec((BN, F), lambda i: (i, 0)),
                   pl.BlockSpec((1, F), lambda i: (0, 0))],
        out_shape=[jax.ShapeDtypeStruct((N, F), jnp.float32),
                   jax.ShapeDtypeStruct((1, F), jnp.float32)],
    )(p0, p1, x)


def _p2_body(x1d_ref, x1s_ref, c_ref, d_ref,
             Ws2n_ref, bs2_ref, Wf2n_ref, bf2_ref, acc_ref):
    i = pl.program_id(0)

    @pl.when(i == 0)
    def _():
        acc_ref[...] = jnp.zeros_like(acc_ref)

    z2 = jnp.concatenate([x1d_ref[...].astype(jnp.bfloat16),
                          x1s_ref[...].astype(jnp.bfloat16)], axis=1)
    s2 = (jnp.dot(z2, Ws2n_ref[...], preferred_element_type=jnp.float32)
          + c_ref[...] + bs2_ref[...])
    f2 = (jnp.dot(z2, Wf2n_ref[...], preferred_element_type=jnp.float32)
          + d_ref[...] + bf2_ref[...])
    m = jax.nn.relu(s2) * _sig(f2)
    acc_ref[...] += jnp.sum(m, axis=0, keepdims=True)


def _p2(x1d, x1s, cc, dd, Ws2n, bs2, Wf2n, bf2):
    full = lambda shp: pl.BlockSpec(shp, lambda i: (0, 0))
    eb = lambda w: pl.BlockSpec((BE2, w), lambda i: (i, 0))
    return pl.pallas_call(
        _p2_body,
        grid=(EH // BE2,),
        in_specs=[eb(F), eb(F), eb(F), eb(F),
                  full((2 * F, F)), full((1, F)),
                  full((2 * F, F)), full((1, F))],
        out_specs=full((1, F)),
        out_shape=jax.ShapeDtypeStruct((1, F), jnp.float32),
    )(x1d, x1s, cc, dd, Ws2n, bs2, Wf2n, bf2)


def _finish_body(sumx1_ref, acca_ref, accb_ref, Wout_ref, bout_ref, out_ref):
    pooled = sumx1_ref[...] + acca_ref[...] + accb_ref[...]
    logits = (jnp.dot(pooled, Wout_ref[...],
                      preferred_element_type=jnp.float32) + bout_ref[...])
    mx = jnp.max(logits, axis=-1, keepdims=True)
    ex = jnp.exp(logits - mx)
    out_ref[...] = ex / jnp.sum(ex, axis=-1, keepdims=True)


def _finish(sumx1, acca, accb, W_out, b_out):
    return pl.pallas_call(
        _finish_body,
        out_shape=jax.ShapeDtypeStruct((1, 32), jnp.float32),
    )(sumx1, acca, accb, W_out, b_out)


def kernel(x, edge_index, e,
           W_pre, b_pre,
           Wf1, bf1, Ws1, bs1, We1, be1,
           Wf2, bf2, Ws2, bs2, We2, be2,
           W_out, b_out):
    dst = edge_index[0]
    src = edge_index[1]

    bf = jnp.bfloat16
    dsts = (dst[:EH], dst[EH:])
    srcs = (src[:EH], src[EH:])
    es = (e[:EH], e[EH:])
    Wpre16 = W_pre.astype(bf)
    bpre = b_pre.reshape(1, DPE)

    Wcat = jnp.concatenate([Ws1, Wf1, We1], axis=1).astype(bf)
    bcat = jnp.concatenate([bs1, bf1, be1]).reshape(1, Z)
    Wcd = jnp.concatenate([Ws2[2 * F:], Wf2[2 * F:]], axis=1).astype(bf)

    g1 = [_gather2(x, dsts[h], srcs[h]) for h in range(2)]
    r1 = [_p1(es[h], g1[h][0], g1[h][1], Wpre16, bpre, Wcat, bcat, Wcd)
          for h in range(2)]
    pa0, pa1 = _scatter(r1[0][0], x, x, dsts[0])
    p0, p1 = _scatter(r1[1][0], pa0, pa1, dsts[1])
    x1, sumx1 = _addsum(p0, p1, x)
    g2 = [_gather2(x1, dsts[h], srcs[h]) for h in range(2)]
    accs = [_p2(g2[h][0], g2[h][1], r1[h][1], r1[h][2],
                Ws2[:2 * F].astype(bf), bs2.reshape(1, F),
                Wf2[:2 * F].astype(bf), bf2.reshape(1, F))
            for h in range(2)]
    out = _finish(sumx1, accs[0], accs[1], W_out, b_out.reshape(1, 32))
    return out.reshape(32)

# --- scband reference (transcript-rebuilt; emitter-appended) ---
"""Pipeline reference for scband-crystal-gcn-47218870452991 (READ-ONLY COPY).

The authoritative reference and input builder live on the scoring server;
editing this copy changes nothing except your own understanding.
"""

import jax, jax.numpy as jnp
import numpy as np

N = 10000
E = 160000
F = 128
DE = 16
DPE = 768
Z = 2 * F + DPE
NL = 32


def _glorot(key, shape):
    fan_in, fan_out = shape[0], shape[1]
    lim = np.sqrt(6.0 / (fan_in + fan_out))
    return jax.random.uniform(key, shape, jnp.float32, -lim, lim)


def setup_inputs(seed: int = 0) -> dict:
    key = jax.random.key(seed)
    ks = jax.random.split(key, 16)
    x = jax.random.normal(ks[0], (N, F), jnp.float32)
    edge_index = jax.random.randint(ks[1], (2, E), 0, N, jnp.int32)
    e = jax.random.normal(ks[2], (E, DE), jnp.float32)
    W_pre = _glorot(ks[3], (DE, DPE)); b_pre = jnp.zeros((DPE,), jnp.float32)
    Wf1 = _glorot(ks[4], (Z, F)); bf1 = jnp.zeros((F,), jnp.float32)
    Ws1 = _glorot(ks[5], (Z, F)); bs1 = jnp.zeros((F,), jnp.float32)
    We1 = _glorot(ks[6], (Z, DPE)); be1 = jnp.zeros((DPE,), jnp.float32)
    Wf2 = _glorot(ks[7], (Z, F)); bf2 = jnp.zeros((F,), jnp.float32)
    Ws2 = _glorot(ks[8], (Z, F)); bs2 = jnp.zeros((F,), jnp.float32)
    We2 = _glorot(ks[9], (Z, DPE)); be2 = jnp.zeros((DPE,), jnp.float32)
    W_out = _glorot(ks[10], (F, NL)); b_out = jnp.zeros((NL,), jnp.float32)
    return {"x": x, "edge_index": edge_index, "e": e,
            "W_pre": W_pre, "b_pre": b_pre,
            "Wf1": Wf1, "bf1": bf1, "Ws1": Ws1, "bs1": bs1, "We1": We1, "be1": be1,
            "Wf2": Wf2, "bf2": bf2, "Ws2": Ws2, "bs2": bs2, "We2": We2, "be2": be2,
            "W_out": W_out, "b_out": b_out}


def _crystal_conv(x, dst, src, e, Wf, bf, Ws, bs, We, be):
    # z_ij = x_i || x_j || e_ji
    z = jnp.concatenate([x[dst], x[src], e], axis=-1)
    msg = jax.nn.relu(z @ Ws + bs) * jax.nn.sigmoid(z @ Wf + bf)
    agg = jax.ops.segment_sum(msg, dst, num_segments=x.shape[0])
    e_gate = jax.nn.sigmoid(z @ We + be)
    return x + agg, e_gate


def reference(x, edge_index, e,
              W_pre, b_pre,
              Wf1, bf1, Ws1, bs1, We1, be1,
              Wf2, bf2, Ws2, bs2, We2, be2,
              W_out, b_out):
    dst = edge_index[0]
    src = edge_index[1]
    # pre_edge: Dense(768, tanh)
    e0 = jnp.tanh(e @ W_pre + b_pre)
    # dropout is identity at inference
    x1, g1 = _crystal_conv(x, dst, src, e0, Wf1, bf1, Ws1, bs1, We1, be1)
    e1 = e0 + e0 * g1
    x2, g2 = _crystal_conv(x1, dst, src, e1, Wf2, bf2, Ws2, bs2, We2, be2)
    # GlobalSumPool (single mode): sum over nodes
    pooled = jnp.sum(x2, axis=0)
    out = jax.nn.softmax(pooled @ W_out + b_out)
    return out

if __name__ == "__main__":
    import jax
    _d = setup_inputs()
    print(jax.jit(kernel)(*tuple(_d.values())))

</pallas_src>

<mosaic_0001>
#map = affine_map<(d0, d1) -> (0, 0)>
#map1 = affine_map<(d0, d1) -> (0)>
module attributes {stable_mosaic.version = 14 : i64} {
  func.func @_gather_body(%arg0: i32, %arg1: i32, %arg2: memref<10000x128xf32, #tpu.memory_space<hbm>>, %arg3: memref<80000xi32, #tpu.memory_space<hbm>>, %arg4: memref<80000xi32, #tpu.memory_space<hbm>>, %arg5: memref<80000x128xf32, #tpu.memory_space<hbm>>, %arg6: memref<80000x128xf32, #tpu.memory_space<hbm>>, %arg7: memref<2x128xi32, #tpu.memory_space<vmem>>, %arg8: memref<2x128xi32, #tpu.memory_space<vmem>>, %arg9: memref<128x128xf32, #tpu.memory_space<vmem>>, %arg10: memref<128x128xf32, #tpu.memory_space<vmem>>, %arg11: memref<128x128xf32, #tpu.memory_space<vmem>>, %arg12: memref<128x128xf32, #tpu.memory_space<vmem>>, %arg13: memref<!tpu.dma_semaphore, #tpu.memory_space<semaphore_mem>>, %arg14: memref<!tpu.dma_semaphore, #tpu.memory_space<semaphore_mem>>, %arg15: memref<!tpu.dma_semaphore, #tpu.memory_space<semaphore_mem>>, %arg16: memref<!tpu.dma_semaphore, #tpu.memory_space<semaphore_mem>>) attributes {dimension_semantics = [#tpu.dimension_semantics<core_parallel>, #tpu.dimension_semantics<subcore_parallel>], iteration_bounds = array<i64: 2, 16>, scalar_prefetch = 0 : i64, scratch_operands = 10 : i64, tpu.core_type = #tpu.core_type<sc_vector_subcore>, window_params = [{transform_indices = #map}, {transform_indices = #map1}, {transform_indices = #map1}, {transform_indices = #map}, {transform_indices = #map}]} {
    %mul3A = arith.constant 16 : i32
    %mul3A_0 = arith.muli %arg0, %mul3A : i32
    %add3A = arith.addi %mul3A_0, %arg1 : i32
    %add3A_1 = arith.constant 0 : i32
    %add3A_2 = arith.addi %add3A, %add3A_1 : i32
    %mul3A_3 = arith.constant 128 : i32
    %mul3A_4 = arith.muli %add3A_2, %mul3A_3 : i32
    %multiple_of3A = tpu.assume_multiple %mul3A_4, 8 : i32
    %run_scoped3A = arith.constant 0 : i32
    "tpu.region"() ({
      %run_scoped3A_44 = tpu.sem_alloc : memref<!tpu.dma_semaphore, #tpu.memory_space<semaphore_mem>>
      %dma_start3A_45 = arith.constant 0 : i32
      %dma_start3A_46 = tpu.memref_slice %arg7[%run_scoped3A, %dma_start3A_45] : memref<2x128xi32, #tpu.memory_space<vmem>> -> memref<1x128xi32, #tpu.memory_space<vmem>>
      %dma_start3A_47 = tpu.memref_squeeze %dma_start3A_46 : memref<1x128xi32, #tpu.memory_space<vmem>> -> memref<128xi32, #tpu.memory_space<vmem>>
      %dma_start3A_48 = tpu.memref_slice %arg3[%multiple_of3A] : memref<80000xi32, #tpu.memory_space<hbm>> -> memref<128xi32, #tpu.memory_space<hbm>>
      %dma_start3A_49 = arith.constant 0 : i32
      %dma_start3A_50 = tpu.memref_slice %arg7[%run_scoped3A, %dma_start3A_49] : memref<2x128xi32, #tpu.memory_space<vmem>> -> memref<1x128xi32, #tpu.memory_space<vmem>>
      %dma_start3A_51 = tpu.memref_squeeze %dma_start3A_50 : memref<1x128xi32, #tpu.memory_space<vmem>> -> memref<128xi32, #tpu.memory_space<vmem>>
      %dma_start3A_52 = tpu.memref_slice %arg3[%multiple_of3A] : memref<80000xi32, #tpu.memory_space<hbm>> -> memref<128xi32, #tpu.memory_space<hbm>>
      tpu.enqueue_dma source(%dma_start3A_52 : memref<128xi32, #tpu.memory_space<hbm>>) target(%dma_start3A_51 : memref<128xi32, #tpu.memory_space<vmem>>) target_semaphore(%run_scoped3A_44 : memref<!tpu.dma_semaphore, #tpu.memory_space<semaphore_mem>>)
      %dma_wait3A_53 = arith.constant 0 : i32
      %dma_wait3A_54 = tpu.memref_slice %arg7[%run_scoped3A, %dma_wait3A_53] : memref<2x128xi32, #tpu.memory_space<vmem>> -> memref<1x128xi32, #tpu.memory_space<vmem>>
      %dma_wait3A_55 = tpu.memref_squeeze %dma_wait3A_54 : memref<1x128xi32, #tpu.memory_space<vmem>> -> memref<128xi32, #tpu.memory_space<vmem>>
      %dma_wait3A_56 = tpu.memref_slice %arg3[%multiple_of3A] : memref<80000xi32, #tpu.memory_space<hbm>> -> memref<128xi32, #tpu.memory_space<hbm>>
      %dma_wait3A_57 = arith.constant 0 : i32
      %dma_wait3A_58 = tpu.memref_slice %arg7[%run_scoped3A, %dma_wait3A_57] : memref<2x128xi32, #tpu.memory_space<vmem>> -> memref<1x128xi32, #tpu.memory_space<vmem>>
      %dma_wait3A_59 = tpu.memref_squeeze %dma_wait3A_58 : memref<1x128xi32, #tpu.memory_space<vmem>> -> memref<128xi32, #tpu.memory_space<vmem>>
      %dma_wait3A_60 = tpu.memref_slice %arg3[%multiple_of3A] : memref<80000xi32, #tpu.memory_space<hbm>> -> memref<128xi32, #tpu.memory_space<hbm>>
      tpu.wait_dma2 semaphore(%run_scoped3A_44 : memref<!tpu.dma_semaphore, #tpu.memory_space<semaphore_mem>>) src(%dma_wait3A_60 : memref<128xi32, #tpu.memory_space<hbm>>) dst(%dma_wait3A_59 : memref<128xi32, #tpu.memory_space<vmem>>)
      tpu.yield
    }) : () -> ()
    %run_scoped3A_5 = arith.constant 1 : i32
    "tpu.region"() ({
      %run_scoped3A_44 = tpu.sem_alloc : memref<!tpu.dma_semaphore, #tpu.memory_space<semaphore_mem>>
      %dma_start3A_45 = arith.constant 0 : i32
      %dma_start3A_46 = tpu.memref_slice %arg7[%run_scoped3A_5, %dma_start3A_45] : memref<2x128xi32, #tpu.memory_space<vmem>> -> memref<1x128xi32, #tpu.memory_space<vmem>>
      %dma_start3A_47 = tpu.memref_squeeze %dma_start3A_46 : memref<1x128xi32, #tpu.memory_space<vmem>> -> memref<128xi32, #tpu.memory_space<vmem>>
      %dma_start3A_48 = tpu.memref_slice %arg4[%multiple_of3A] : memref<80000xi32, #tpu.memory_space<hbm>> -> memref<128xi32, #tpu.memory_space<hbm>>
      %dma_start3A_49 = arith.constant 0 : i32
      %dma_start3A_50 = tpu.memref_slice %arg7[%run_scoped3A_5, %dma_start3A_49] : memref<2x128xi32, #tpu.memory_space<vmem>> -> memref<1x128xi32, #tpu.memory_space<vmem>>
      %dma_start3A_51 = tpu.memref_squeeze %dma_start3A_50 : memref<1x128xi32, #tpu.memory_space<vmem>> -> memref<128xi32, #tpu.memory_space<vmem>>
      %dma_start3A_52 = tpu.memref_slice %arg4[%multiple_of3A] : memref<80000xi32, #tpu.memory_space<hbm>> -> memref<128xi32, #tpu.memory_space<hbm>>
      tpu.enqueue_dma source(%dma_start3A_52 : memref<128xi32, #tpu.memory_space<hbm>>) target(%dma_start3A_51 : memref<128xi32, #tpu.memory_space<vmem>>) target_semaphore(%run_scoped3A_44 : memref<!tpu.dma_semaphore, #tpu.memory_space<semaphore_mem>>)
      %dma_wait3A_53 = arith.constant 0 : i32
      %dma_wait3A_54 = tpu.memref_slice %arg7[%run_scoped3A_5, %dma_wait3A_53] : memref<2x128xi32, #tpu.memory_space<vmem>> -> memref<1x128xi32, #tpu.memory_space<vmem>>
      %dma_wait3A_55 = tpu.memref_squeeze %dma_wait3A_54 : memref<1x128xi32, #tpu.memory_space<vmem>> -> memref<128xi32, #tpu.memory_space<vmem>>
      %dma_wait3A_56 = tpu.memref_slice %arg4[%multiple_of3A] : memref<80000xi32, #tpu.memory_space<hbm>> -> memref<128xi32, #tpu.memory_space<hbm>>
      %dma_wait3A_57 = arith.constant 0 : i32
      %dma_wait3A_58 = tpu.memref_slice %arg7[%run_scoped3A_5, %dma_wait3A_57] : memref<2x128xi32, #tpu.memory_space<vmem>> -> memref<1x128xi32, #tpu.memory_space<vmem>>
      %dma_wait3A_59 = tpu.memref_squeeze %dma_wait3A_58 : memref<1x128xi32, #tpu.memory_space<vmem>> -> memref<128xi32, #tpu.memory_space<vmem>>
      %dma_wait3A_60 = tpu.memref_slice %arg4[%multiple_of3A] : memref<80000xi32, #tpu.memory_space<hbm>> -> memref<128xi32, #tpu.memory_space<hbm>>
      tpu.wait_dma2 semaphore(%run_scoped3A_44 : memref<!tpu.dma_semaphore, #tpu.memory_space<semaphore_mem>>) src(%dma_wait3A_60 : memref<128xi32, #tpu.memory_space<hbm>>) dst(%dma_wait3A_59 : memref<128xi32, #tpu.memory_space<vmem>>)
      tpu.yield
    }) : () -> ()
    %dma_start3A = arith.constant 0 : i32
    %dma_start3A_6 = arith.constant 0 : i32
    %dma_start3A_7 = tpu.memref_slice %arg7[%dma_start3A, %dma_start3A_6] : memref<2x128xi32, #tpu.memory_space<vmem>> -> memref<1x128xi32, #tpu.memory_space<vmem>>
    %dma_start3A_8 = tpu.memref_squeeze %dma_start3A_7 : memref<1x128xi32, #tpu.memory_space<vmem>> -> memref<128xi32, #tpu.memory_space<vmem>>
    %dma_start3A_9 = arith.constant 0 : i32
    %dma_start3A_10 = arith.constant 0 : i32
    %dma_start3A_11 = tpu.memref_slice %arg2[%dma_start3A_9, %dma_start3A_10] : memref<10000x128xf32, #tpu.memory_space<hbm>> -> memref<10000x128xf32, #tpu.memory_space<hbm>>
    tpu.enqueue_indirect_dma source(%dma_start3A_11 : memref<10000x128xf32, #tpu.memory_space<hbm>>) target(%arg9 : memref<128x128xf32, #tpu.memory_space<vmem>>) offsets(%dma_start3A_8 : memref<128xi32, #tpu.memory_space<vmem>>) semaphore(%arg13 : memref<!tpu.dma_semaphore, #tpu.memory_space<semaphore_mem>>)
    %dma_start3A_12 = arith.constant 1 : i32
    %dma_start3A_13 = arith.constant 0 : i32
    %dma_start3A_14 = tpu.memref_slice %arg7[%dma_start3A_12, %dma_start3A_13] : memref<2x128xi32, #tpu.memory_space<vmem>> -> memref<1x128xi32, #tpu.memory_space<vmem>>
    %dma_start3A_15 = tpu.memref_squeeze %dma_start3A_14 : memref<1x128xi32, #tpu.memory_space<vmem>> -> memref<128xi32, #tpu.memory_space<vmem>>
    %dma_start3A_16 = arith.constant 0 : i32
    %dma_start3A_17 = arith.constant 0 : i32
    %dma_start3A_18 = tpu.memref_slice %arg2[%dma_start3A_16, %dma_start3A_17] : memref<10000x128xf32, #tpu.memory_space<hbm>> -> memref<10000x128xf32, #tpu.memory_space<hbm>>
    tpu.enqueue_indirect_dma source(%dma_start3A_18 : memref<10000x128xf32, #tpu.memory_space<hbm>>) target(%arg11 : memref<128x128xf32, #tpu.memory_space<vmem>>) offsets(%dma_start3A_15 : memref<128xi32, #tpu.memory_space<vmem>>) semaphore(%arg15 : memref<!tpu.dma_semaphore, #tpu.memory_space<semaphore_mem>>)
    %scan3A = arith.constant 0 : i32
    %scan3A_19 = arith.constant 0 : i32
    %scan3A_20 = arith.constant 9 : i32
    %scan3A_21 = arith.addi %scan3A_19, %scan3A_20 : i32
    %scan3A_22 = arith.constant 1 : i32
    scf.for %scan3A_44 = %scan3A_19 to %scan3A_21 step %scan3A_22  : i32 {
      %mul3A_45 = arith.constant 2 : i32
      %mul3A_46 = arith.muli %mul3A_45, %scan3A_44 : i32
      %add3A_47 = arith.constant 1 : i32
      %add3A_48 = arith.addi %mul3A_46, %add3A_47 : i32
      %mul3A_49 = arith.constant 32 : i32
      %mul3A_50 = arith.muli %add3A_48, %mul3A_49 : i32
      %add3A_51 = arith.addi %add3A, %mul3A_50 : i32
      %mul3A_52 = arith.constant 128 : i32
      %mul3A_53 = arith.muli %add3A_51, %mul3A_52 : i32
      %multiple_of3A_54 = tpu.assume_multiple %mul3A_53, 8 : i32
      %run_scoped3A_55 = arith.constant 0 : i32
      "tpu.region"() ({
        %run_scoped3A_143 = tpu.sem_alloc : memref<!tpu.dma_semaphore, #tpu.memory_space<semaphore_mem>>
        %dma_start3A_144 = arith.constant 0 : i32
        %dma_start3A_145 = tpu.memref_slice %arg8[%run_scoped3A_55, %dma_start3A_144] : memref<2x128xi32, #tpu.memory_space<vmem>> -> memref<1x128xi32, #tpu.memory_space<vmem>>
        %dma_start3A_146 = tpu.memref_squeeze %dma_start3A_145 : memref<1x128xi32, #tpu.memory_space<vmem>> -> memref<128xi32, #tpu.memory_space<vmem>>
        %dma_start3A_147 = tpu.memref_slice %arg3[%multiple_of3A_54] : memref<80000xi32, #tpu.memory_space<hbm>> -> memref<128xi32, #tpu.memory_space<hbm>>
        %dma_start3A_148 = arith.constant 0 : i32
        %dma_start3A_149 = tpu.memref_slice %arg8[%run_scoped3A_55, %dma_start3A_148] : memref<2x128xi32, #tpu.memory_space<vmem>> -> memref<1x128xi32, #tpu.memory_space<vmem>>
        %dma_start3A_150 = tpu.memref_squeeze %dma_start3A_149 : memref<1x128xi32, #tpu.memory_space<vmem>> -> memref<128xi32, #tpu.memory_space<vmem>>
        %dma_start3A_151 = tpu.memref_slice %arg3[%multiple_of3A_54] : memref<80000xi32, #tpu.memory_space<hbm>> -> memref<128xi32, #tpu.memory_space<hbm>>
        tpu.enqueue_dma source(%dma_start3A_151 : memref<128xi32, #tpu.memory_space<hbm>>) target(%dma_start3A_150 : memref<128xi32, #tpu.memory_space<vmem>>) target_semaphore(%run_scoped3A_143 : memref<!tpu.dma_semaphore, #tpu.memory_space<semaphore_mem>>)
        %dma_wait3A_152 = arith.constant 0 : i32
        %dma_wait3A_153 = tpu.memref_slice %arg8[%run_scoped3A_55, %dma_wait3A_152] : memref<2x128xi32, #tpu.memory_space<vmem>> -> memref<1x128xi32, #tpu.memory_space<vmem>>
        %dma_wait3A_154 = tpu.memref_squeeze %dma_wait3A_153 : memref<1x128xi32, #tpu.memory_space<vmem>> -> memref<128xi32, #tpu.memory_space<vmem>>
        %dma_wait3A_155 = tpu.memref_slice %arg3[%multiple_of3A_54] : memref<80000xi32, #tpu.memory_space<hbm>> -> memref<128xi32, #tpu.memory_space<hbm>>
        %dma_wait3A_156 = arith.constant 0 : i32
        %dma_wait3A_157 = tpu.memref_slice %arg8[%run_scoped3A_55, %dma_wait3A_156] : memref<2x128xi32, #tpu.memory_space<vmem>> -> memref<1x128xi32, #tpu.memory_space<vmem>>
        %dma_wait3A_158 = tpu.memref_squeeze %dma_wait3A_157 : memref<1x128xi32, #tpu.memory_space<vmem>> -> memref<128xi32, #tpu.memory_space<vmem>>
        %dma_wait3A_159 = tpu.memref_slice %arg3[%multiple_of3A_54] : memref<80000xi32, #tpu.memory_space<hbm>> -> memref<128xi32, #tpu.memory_space<hbm>>
        tpu.wait_dma2 semaphore(%run_scoped3A_143 : memref<!tpu.dma_semaphore, #tpu.memory_space<semaphore_mem>>) src(%dma_wait3A_159 : memref<128xi32, #tpu.memory_space<hbm>>) dst(%dma_wait3A_158 : memref<128xi32, #tpu.memory_space<vmem>>)
        tpu.yield
      }) : () -> ()
      %run_scoped3A_56 = arith.constant 1 : i32
      "tpu.region"() ({
        %run_scoped3A_143 = tpu.sem_alloc : memref<!tpu.dma_semaphore, #tpu.memory_space<semaphore_mem>>
        %dma_start3A_144 = arith.constant 0 : i32
        %dma_start3A_145 = tpu.memref_slice %arg8[%run_scoped3A_56, %dma_start3A_144] : memref<2x128xi32, #tpu.memory_space<vmem>> -> memref<1x128xi32, #tpu.memory_space<vmem>>
        %dma_start3A_146 = tpu.memref_squeeze %dma_start3A_145 : memref<1x128xi32, #tpu.memory_space<vmem>> -> memref<128xi32, #tpu.memory_space<vmem>>
        %dma_start3A_147 = tpu.memref_slice %arg4[%multiple_of3A_54] : memref<80000xi32, #tpu.memory_space<hbm>> -> memref<128xi32, #tpu.memory_space<hbm>>
        %dma_start3A_148 = arith.constant 0 : i32
        %dma_start3A_149 = tpu.memref_slice %arg8[%run_scoped3A_56, %dma_start3A_148] : memref<2x128xi32, #tpu.memory_space<vmem>> -> memref<1x128xi32, #tpu.memory_space<vmem>>
        %dma_start3A_150 = tpu.memref_squeeze %dma_start3A_149 : memref<1x128xi32, #tpu.memory_space<vmem>> -> memref<128xi32, #tpu.memory_space<vmem>>
        %dma_start3A_151 = tpu.memref_slice %arg4[%multiple_of3A_54] : memref<80000xi32, #tpu.memory_space<hbm>> -> memref<128xi32, #tpu.memory_space<hbm>>
        tpu.enqueue_dma source(%dma_start3A_151 : memref<128xi32, #tpu.memory_space<hbm>>) target(%dma_start3A_150 : memref<128xi32, #tpu.memory_space<vmem>>) target_semaphore(%run_scoped3A_143 : memref<!tpu.dma_semaphore, #tpu.memory_space<semaphore_mem>>)
        %dma_wait3A_152 = arith.constant 0 : i32
        %dma_wait3A_153 = tpu.memref_slice %arg8[%run_scoped3A_56, %dma_wait3A_152] : memref<2x128xi32, #tpu.memory_space<vmem>> -> memref<1x128xi32, #tpu.memory_space<vmem>>
        %dma_wait3A_154 = tpu.memref_squeeze %dma_wait3A_153 : memref<1x128xi32, #tpu.memory_space<vmem>> -> memref<128xi32, #tpu.memory_space<vmem>>
        %dma_wait3A_155 = tpu.memref_slice %arg4[%multiple_of3A_54] : memref<80000xi32, #tpu.memory_space<hbm>> -> memref<128xi32, #tpu.memory_space<hbm>>
        %dma_wait3A_156 = arith.constant 0 : i32
        %dma_wait3A_157 = tpu.memref_slice %arg8[%run_scoped3A_56, %dma_wait3A_156] : memref<2x128xi32, #tpu.memory_space<vmem>> -> memref<1x128xi32, #tpu.memory_space<vmem>>
        %dma_wait3A_158 = tpu.memref_squeeze %dma_wait3A_157 : memref<1x128xi32, #tpu.memory_space<vmem>> -> memref<128xi32, #tpu.memory_space<vmem>>
        %dma_wait3A_159 = tpu.memref_slice %arg4[%multiple_of3A_54] : memref<80000xi32, #tpu.memory_space<hbm>> -> memref<128xi32, #tpu.memory_space<hbm>>
        tpu.wait_dma2 semaphore(%run_scoped3A_143 : memref<!tpu.dma_semaphore, #tpu.memory_space<semaphore_mem>>) src(%dma_wait3A_159 : memref<128xi32, #tpu.memory_space<hbm>>) dst(%dma_wait3A_158 : memref<128xi32, #tpu.memory_space<vmem>>)
        tpu.yield
      }) : () -> ()
      %dma_start3A_57 = arith.constant 0 : i32
      %dma_start3A_58 = arith.constant 0 : i32
      %dma_start3A_59 = tpu.memref_slice %arg8[%dma_start3A_57, %dma_start3A_58] : memref<2x128xi32, #tpu.memory_space<vmem>> -> memref<1x128xi32, #tpu.memory_space<vmem>>
      %dma_start3A_60 = tpu.memref_squeeze %dma_start3A_59 : memref<1x128xi32, #tpu.memory_space<vmem>> -> memref<128xi32, #tpu.memory_space<vmem>>
      %dma_start3A_61 = arith.constant 0 : i32
      %dma_start3A_62 = arith.constant 0 : i32
      %dma_start3A_63 = tpu.memref_slice %arg2[%dma_start3A_61, %dma_start3A_62] : memref<10000x128xf32, #tpu.memory_space<hbm>> -> memref<10000x128xf32, #tpu.memory_space<hbm>>
      tpu.enqueue_indirect_dma source(%dma_start3A_63 : memref<10000x128xf32, #tpu.memory_space<hbm>>) target(%arg10 : memref<128x128xf32, #tpu.memory_space<vmem>>) offsets(%dma_start3A_60 : memref<128xi32, #tpu.memory_space<vmem>>) semaphore(%arg14 : memref<!tpu.dma_semaphore, #tpu.memory_space<semaphore_mem>>)
      %dma_start3A_64 = arith.constant 1 : i32
      %dma_start3A_65 = arith.constant 0 : i32
      %dma_start3A_66 = tpu.memref_slice %arg8[%dma_start3A_64, %dma_start3A_65] : memref<2x128xi32, #tpu.memory_space<vmem>> -> memref<1x128xi32, #tpu.memory_space<vmem>>
      %dma_start3A_67 = tpu.memref_squeeze %dma_start3A_66 : memref<1x128xi32, #tpu.memory_space<vmem>> -> memref<128xi32, #tpu.memory_space<vmem>>
      %dma_start3A_68 = arith.constant 0 : i32
      %dma_start3A_69 = arith.constant 0 : i32
      %dma_start3A_70 = tpu.memref_slice %arg2[%dma_start3A_68, %dma_start3A_69] : memref<10000x128xf32, #tpu.memory_space<hbm>> -> memref<10000x128xf32, #tpu.memory_space<hbm>>
      tpu.enqueue_indirect_dma source(%dma_start3A_70 : memref<10000x128xf32, #tpu.memory_space<hbm>>) target(%arg12 : memref<128x128xf32, #tpu.memory_space<vmem>>) offsets(%dma_start3A_67 : memref<128xi32, #tpu.memory_space<vmem>>) semaphore(%arg16 : memref<!tpu.dma_semaphore, #tpu.memory_space<semaphore_mem>>)
      %mul3A_71 = arith.constant 2 : i32
      %mul3A_72 = arith.muli %mul3A_71, %scan3A_44 : i32
      %mul3A_73 = arith.constant 32 : i32
      %mul3A_74 = arith.muli %mul3A_72, %mul3A_73 : i32
      %add3A_75 = arith.addi %add3A, %mul3A_74 : i32
      %mul3A_76 = arith.constant 128 : i32
      %mul3A_77 = arith.muli %add3A_75, %mul3A_76 : i32
      %multiple_of3A_78 = tpu.assume_multiple %mul3A_77, 8 : i32
      %dma_wait3A_79 = arith.constant 0 : i32
      %dma_wait3A_80 = arith.constant 0 : i32
      %dma_wait3A_81 = tpu.memref_slice %arg7[%dma_wait3A_79, %dma_wait3A_80] : memref<2x128xi32, #tpu.memory_space<vmem>> -> memref<1x128xi32, #tpu.memory_space<vmem>>
      %dma_wait3A_82 = tpu.memref_squeeze %dma_wait3A_81 : memref<1x128xi32, #tpu.memory_space<vmem>> -> memref<128xi32, #tpu.memory_space<vmem>>
      %dma_wait3A_83 = arith.constant 0 : i32
      %dma_wait3A_84 = arith.constant 0 : i32
      %dma_wait3A_85 = tpu.memref_slice %arg2[%dma_wait3A_83, %dma_wait3A_84] : memref<10000x128xf32, #tpu.memory_space<hbm>> -> memref<10000x128xf32, #tpu.memory_space<hbm>>
      tpu.wait_indirect_dma semaphore(%arg13 : memref<!tpu.dma_semaphore, #tpu.memory_space<semaphore_mem>>) src(%dma_wait3A_85 : memref<10000x128xf32, #tpu.memory_space<hbm>>) dst(%arg9 : memref<128x128xf32, #tpu.memory_space<vmem>>)
      "tpu.region"() ({
        %run_scoped3A_143 = tpu.sem_alloc : memref<!tpu.dma_semaphore, #tpu.memory_space<semaphore_mem>>
        %dma_start3A_144 = arith.constant 0 : i32
        %dma_start3A_145 = tpu.memref_slice %arg5[%multiple_of3A_78, %dma_start3A_144] : memref<80000x128xf32, #tpu.memory_space<hbm>> -> memref<128x128xf32, #tpu.memory_space<hbm>>
        %dma_start3A_146 = arith.constant 0 : i32
        %dma_start3A_147 = tpu.memref_slice %arg5[%multiple_of3A_78, %dma_start3A_146] : memref<80000x128xf32, #tpu.memory_space<hbm>> -> memref<128x128xf32, #tpu.memory_space<hbm>>
        tpu.enqueue_dma source(%arg9 : memref<128x128xf32, #tpu.memory_space<vmem>>) target(%dma_start3A_147 : memref<128x128xf32, #tpu.memory_space<hbm>>) target_semaphore(%run_scoped3A_143 : memref<!tpu.dma_semaphore, #tpu.memory_space<semaphore_mem>>)
        %dma_wait3A_148 = arith.constant 0 : i32
        %dma_wait3A_149 = tpu.memref_slice %arg5[%multiple_of3A_78, %dma_wait3A_148] : memref<80000x128xf32, #tpu.memory_space<hbm>> -> memref<128x128xf32, #tpu.memory_space<hbm>>
        %dma_wait3A_150 = arith.constant 0 : i32
        %dma_wait3A_151 = tpu.memref_slice %arg5[%multiple_of3A_78, %dma_wait3A_150] : memref<80000x128xf32, #tpu.memory_space<hbm>> -> memref<128x128xf32, #tpu.memory_space<hbm>>
        tpu.wait_dma2 semaphore(%run_scoped3A_143 : memref<!tpu.dma_semaphore, #tpu.memory_space<semaphore_mem>>) src(%arg9 : memref<128x128xf32, #tpu.memory_space<vmem>>) dst(%dma_wait3A_151 : memref<128x128xf32, #tpu.memory_space<hbm>>)
        tpu.yield
      }) : () -> ()
      %dma_wait3A_86 = arith.constant 1 : i32
      %dma_wait3A_87 = arith.constant 0 : i32
      %dma_wait3A_88 = tpu.memref_slice %arg7[%dma_wait3A_86, %dma_wait3A_87] : memref<2x128xi32, #tpu.memory_space<vmem>> -> memref<1x128xi32, #tpu.memory_space<vmem>>
      %dma_wait3A_89 = tpu.memref_squeeze %dma_wait3A_88 : memref<1x128xi32, #tpu.memory_space<vmem>> -> memref<128xi32, #tpu.memory_space<vmem>>
      %dma_wait3A_90 = arith.constant 0 : i32
      %dma_wait3A_91 = arith.constant 0 : i32
      %dma_wait3A_92 = tpu.memref_slice %arg2[%dma_wait3A_90, %dma_wait3A_91] : memref<10000x128xf32, #tpu.memory_space<hbm>> -> memref<10000x128xf32, #tpu.memory_space<hbm>>
      tpu.wait_indirect_dma semaphore(%arg15 : memref<!tpu.dma_semaphore, #tpu.memory_space<semaphore_mem>>) src(%dma_wait3A_92 : memref<10000x128xf32, #tpu.memory_space<hbm>>) dst(%arg11 : memref<128x128xf32, #tpu.memory_space<vmem>>)
      "tpu.region"() ({
        %run_scoped3A_143 = tpu.sem_alloc : memref<!tpu.dma_semaphore, #tpu.memory_space<semaphore_mem>>
        %dma_start3A_144 = arith.constant 0 : i32
        %dma_start3A_145 = tpu.memref_slice %arg6[%multiple_of3A_78, %dma_start3A_144] : memref<80000x128xf32, #tpu.memory_space<hbm>> -> memref<128x128xf32, #tpu.memory_space<hbm>>
        %dma_start3A_146 = arith.constant 0 : i32
        %dma_start3A_147 = tpu.memref_slice %arg6[%multiple_of3A_78, %dma_start3A_146] : memref<80000x128xf32, #tpu.memory_space<hbm>> -> memref<128x128xf32, #tpu.memory_space<hbm>>
        tpu.enqueue_dma source(%arg11 : memref<128x128xf32, #tpu.memory_space<vmem>>) target(%dma_start3A_147 : memref<128x128xf32, #tpu.memory_space<hbm>>) target_semaphore(%run_scoped3A_143 : memref<!tpu.dma_semaphore, #tpu.memory_space<semaphore_mem>>)
        %dma_wait3A_148 = arith.constant 0 : i32
        %dma_wait3A_149 = tpu.memref_slice %arg6[%multiple_of3A_78, %dma_wait3A_148] : memref<80000x128xf32, #tpu.memory_space<hbm>> -> memref<128x128xf32, #tpu.memory_space<hbm>>
        %dma_wait3A_150 = arith.constant 0 : i32
        %dma_wait3A_151 = tpu.memref_slice %arg6[%multiple_of3A_78, %dma_wait3A_150] : memref<80000x128xf32, #tpu.memory_space<hbm>> -> memref<128x128xf32, #tpu.memory_space<hbm>>
        tpu.wait_dma2 semaphore(%run_scoped3A_143 : memref<!tpu.dma_semaphore, #tpu.memory_space<semaphore_mem>>) src(%arg11 : memref<128x128xf32, #tpu.memory_space<vmem>>) dst(%dma_wait3A_151 : memref<128x128xf32, #tpu.memory_space<hbm>>)
        tpu.yield
      }) : () -> ()
      %mul3A_93 = arith.constant 2 : i32
      %mul3A_94 = arith.muli %mul3A_93, %scan3A_44 : i32
      %add3A_95 = arith.constant 2 : i32
      %add3A_96 = arith.addi %mul3A_94, %add3A_95 : i32
      %mul3A_97 = arith.constant 32 : i32
      %mul3A_98 = arith.muli %add3A_96, %mul3A_97 : i32
      %add3A_99 = arith.addi %add3A, %mul3A_98 : i32
      %mul3A_100 = arith.constant 128 : i32
      %mul3A_101 = arith.muli %add3A_99, %mul3A_100 : i32
      %multiple_of3A_102 = tpu.assume_multiple %mul3A_101, 8 : i32
      %run_scoped3A_103 = arith.constant 0 : i32
      "tpu.region"() ({
        %run_scoped3A_143 = tpu.sem_alloc : memref<!tpu.dma_semaphore, #tpu.memory_space<semaphore_mem>>
        %dma_start3A_144 = arith.constant 0 : i32
        %dma_start3A_145 = tpu.memref_slice %arg7[%run_scoped3A_103, %dma_start3A_144] : memref<2x128xi32, #tpu.memory_space<vmem>> -> memref<1x128xi32, #tpu.memory_space<vmem>>
        %dma_start3A_146 = tpu.memref_squeeze %dma_start3A_145 : memref<1x128xi32, #tpu.memory_space<vmem>> -> memref<128xi32, #tpu.memory_space<vmem>>
        %dma_start3A_147 = tpu.memref_slice %arg3[%multiple_of3A_102] : memref<80000xi32, #tpu.memory_space<hbm>> -> memref<128xi32, #tpu.memory_space<hbm>>
        %dma_start3A_148 = arith.constant 0 : i32
        %dma_start3A_149 = tpu.memref_slice %arg7[%run_scoped3A_103, %dma_start3A_148] : memref<2x128xi32, #tpu.memory_space<vmem>> -> memref<1x128xi32, #tpu.memory_space<vmem>>
        %dma_start3A_150 = tpu.memref_squeeze %dma_start3A_149 : memref<1x128xi32, #tpu.memory_space<vmem>> -> memref<128xi32, #tpu.memory_space<vmem>>
        %dma_start3A_151 = tpu.memref_slice %arg3[%multiple_of3A_102] : memref<80000xi32, #tpu.memory_space<hbm>> -> memref<128xi32, #tpu.memory_space<hbm>>
        tpu.enqueue_dma source(%dma_start3A_151 : memref<128xi32, #tpu.memory_space<hbm>>) target(%dma_start3A_150 : memref<128xi32, #tpu.memory_space<vmem>>) target_semaphore(%run_scoped3A_143 : memref<!tpu.dma_semaphore, #tpu.memory_space<semaphore_mem>>)
        %dma_wait3A_152 = arith.constant 0 : i32
        %dma_wait3A_153 = tpu.memref_slice %arg7[%run_scoped3A_103, %dma_wait3A_152] : memref<2x128xi32, #tpu.memory_space<vmem>> -> memref<1x128xi32, #tpu.memory_space<vmem>>
        %dma_wait3A_154 = tpu.memref_squeeze %dma_wait3A_153 : memref<1x128xi32, #tpu.memory_space<vmem>> -> memref<128xi32, #tpu.memory_space<vmem>>
        %dma_wait3A_155 = tpu.memref_slice %arg3[%multiple_of3A_102] : memref<80000xi32, #tpu.memory_space<hbm>> -> memref<128xi32, #tpu.memory_space<hbm>>
        %dma_wait3A_156 = arith.constant 0 : i32
        %dma_wait3A_157 = tpu.memref_slice %arg7[%run_scoped3A_103, %dma_wait3A_156] : memref<2x128xi32, #tpu.memory_space<vmem>> -> memref<1x128xi32, #tpu.memory_space<vmem>>
        %dma_wait3A_158 = tpu.memref_squeeze %dma_wait3A_157 : memref<1x128xi32, #tpu.memory_space<vmem>> -> memref<128xi32, #tpu.memory_space<vmem>>
        %dma_wait3A_159 = tpu.memref_slice %arg3[%multiple_of3A_102] : memref<80000xi32, #tpu.memory_space<hbm>> -> memref<128xi32, #tpu.memory_space<hbm>>
        tpu.wait_dma2 semaphore(%run_scoped3A_143 : memref<!tpu.dma_semaphore, #tpu.memory_space<semaphore_mem>>) src(%dma_wait3A_159 : memref<128xi32, #tpu.memory_space<hbm>>) dst(%dma_wait3A_158 : memref<128xi32, #tpu.memory_space<vmem>>)
        tpu.yield
      }) : () -> ()
      %run_scoped3A_104 = arith.constant 1 : i32
      "tpu.region"() ({
        %run_scoped3A_143 = tpu.sem_alloc : memref<!tpu.dma_semaphore, #tpu.memory_space<semaphore_mem>>
        %dma_start3A_144 = arith.constant 0 : i32
        %dma_start3A_145 = tpu.memref_slice %arg7[%run_scoped3A_104, %dma_start3A_144] : memref<2x128xi32, #tpu.memory_space<vmem>> -> memref<1x128xi32, #tpu.memory_space<vmem>>
        %dma_start3A_146 = tpu.memref_squeeze %dma_start3A_145 : memref<1x128xi32, #tpu.memory_space<vmem>> -> memref<128xi32, #tpu.memory_space<vmem>>
        %dma_start3A_147 = tpu.memref_slice %arg4[%multiple_of3A_102] : memref<80000xi32, #tpu.memory_space<hbm>> -> memref<128xi32, #tpu.memory_space<hbm>>
        %dma_start3A_148 = arith.constant 0 : i32
        %dma_start3A_149 = tpu.memref_slice %arg7[%run_scoped3A_104, %dma_start3A_148] : memref<2x128xi32, #tpu.memory_space<vmem>> -> memref<1x128xi32, #tpu.memory_space<vmem>>
        %dma_start3A_150 = tpu.memref_squeeze %dma_start3A_149 : memref<1x128xi32, #tpu.memory_space<vmem>> -> memref<128xi32, #tpu.memory_space<vmem>>
        %dma_start3A_151 = tpu.memref_slice %arg4[%multiple_of3A_102] : memref<80000xi32, #tpu.memory_space<hbm>> -> memref<128xi32, #tpu.memory_space<hbm>>
        tpu.enqueue_dma source(%dma_start3A_151 : memref<128xi32, #tpu.memory_space<hbm>>) target(%dma_start3A_150 : memref<128xi32, #tpu.memory_space<vmem>>) target_semaphore(%run_scoped3A_143 : memref<!tpu.dma_semaphore, #tpu.memory_space<semaphore_mem>>)
        %dma_wait3A_152 = arith.constant 0 : i32
        %dma_wait3A_153 = tpu.memref_slice %arg7[%run_scoped3A_104, %dma_wait3A_152] : memref<2x128xi32, #tpu.memory_space<vmem>> -> memref<1x128xi32, #tpu.memory_space<vmem>>
        %dma_wait3A_154 = tpu.memref_squeeze %dma_wait3A_153 : memref<1x128xi32, #tpu.memory_space<vmem>> -> memref<128xi32, #tpu.memory_space<vmem>>
        %dma_wait3A_155 = tpu.memref_slice %arg4[%multiple_of3A_102] : memref<80000xi32, #tpu.memory_space<hbm>> -> memref<128xi32, #tpu.memory_space<hbm>>
        %dma_wait3A_156 = arith.constant 0 : i32
        %dma_wait3A_157 = tpu.memref_slice %arg7[%run_scoped3A_104, %dma_wait3A_156] : memref<2x128xi32, #tpu.memory_space<vmem>> -> memref<1x128xi32, #tpu.memory_space<vmem>>
        %dma_wait3A_158 = tpu.memref_squeeze %dma_wait3A_157 : memref<1x128xi32, #tpu.memory_space<vmem>> -> memref<128xi32, #tpu.memory_space<vmem>>
        %dma_wait3A_159 = tpu.memref_slice %arg4[%multiple_of3A_102] : memref<80000xi32, #tpu.memory_space<hbm>> -> memref<128xi32, #tpu.memory_space<hbm>>
        tpu.wait_dma2 semaphore(%run_scoped3A_143 : memref<!tpu.dma_semaphore, #tpu.memory_space<semaphore_mem>>) src(%dma_wait3A_159 : memref<128xi32, #tpu.memory_space<hbm>>) dst(%dma_wait3A_158 : memref<128xi32, #tpu.memory_space<vmem>>)
        tpu.yield
      }) : () -> ()
      %dma_start3A_105 = arith.constant 0 : i32
      %dma_start3A_106 = arith.constant 0 : i32
      %dma_start3A_107 = tpu.memref_slice %arg7[%dma_start3A_105, %dma_start3A_106] : memref<2x128xi32, #tpu.memory_space<vmem>> -> memref<1x128xi32, #tpu.memory_space<vmem>>
      %dma_start3A_108 = tpu.memref_squeeze %dma_start3A_107 : memref<1x128xi32, #tpu.memory_space<vmem>> -> memref<128xi32, #tpu.memory_space<vmem>>
      %dma_start3A_109 = arith.constant 0 : i32
      %dma_start3A_110 = arith.constant 0 : i32
      %dma_start3A_111 = tpu.memref_slice %arg2[%dma_start3A_109, %dma_start3A_110] : memref<10000x128xf32, #tpu.memory_space<hbm>> -> memref<10000x128xf32, #tpu.memory_space<hbm>>
      tpu.enqueue_indirect_dma source(%dma_start3A_111 : memref<10000x128xf32, #tpu.memory_space<hbm>>) target(%arg9 : memref<128x128xf32, #tpu.memory_space<vmem>>) offsets(%dma_start3A_108 : memref<128xi32, #tpu.memory_space<vmem>>) semaphore(%arg13 : memref<!tpu.dma_semaphore, #tpu.memory_space<semaphore_mem>>)
      %dma_start3A_112 = arith.constant 1 : i32
      %dma_start3A_113 = arith.constant 0 : i32
      %dma_start3A_114 = tpu.memref_slice %arg7[%dma_start3A_112, %dma_start3A_113] : memref<2x128xi32, #tpu.memory_space<vmem>> -> memref<1x128xi32, #tpu.memory_space<vmem>>
      %dma_start3A_115 = tpu.memref_squeeze %dma_start3A_114 : memref<1x128xi32, #tpu.memory_space<vmem>> -> memref<128xi32, #tpu.memory_space<vmem>>
      %dma_start3A_116 = arith.constant 0 : i32
      %dma_start3A_117 = arith.constant 0 : i32
      %dma_start3A_118 = tpu.memref_slice %arg2[%dma_start3A_116, %dma_start3A_117] : memref<10000x128xf32, #tpu.memory_space<hbm>> -> memref<10000x128xf32, #tpu.memory_space<hbm>>
      tpu.enqueue_indirect_dma source(%dma_start3A_118 : memref<10000x128xf32, #tpu.memory_space<hbm>>) target(%arg11 : memref<128x128xf32, #tpu.memory_space<vmem>>) offsets(%dma_start3A_115 : memref<128xi32, #tpu.memory_space<vmem>>) semaphore(%arg15 : memref<!tpu.dma_semaphore, #tpu.memory_space<semaphore_mem>>)
      %mul3A_119 = arith.constant 2 : i32
      %mul3A_120 = arith.muli %mul3A_119, %scan3A_44 : i32
      %add3A_121 = arith.constant 1 : i32
      %add3A_122 = arith.addi %mul3A_120, %add3A_121 : i32
      %mul3A_123 = arith.constant 32 : i32
      %mul3A_124 = arith.muli %add3A_122, %mul3A_123 : i32
      %add3A_125 = arith.addi %add3A, %mul3A_124 : i32
      %mul3A_126 = arith.constant 128 : i32
      %mul3A_127 = arith.muli %add3A_125, %mul3A_126 : i32
      %multiple_of3A_128 = tpu.assume_multiple %mul3A_127, 8 : i32
      %dma_wait3A_129 = arith.constant 0 : i32
      %dma_wait3A_130 = arith.constant 0 : i32
      %dma_wait3A_131 = tpu.memref_slice %arg8[%dma_wait3A_129, %dma_wait3A_130] : memref<2x128xi32, #tpu.memory_space<vmem>> -> memref<1x128xi32, #tpu.memory_space<vmem>>
      %dma_wait3A_132 = tpu.memref_squeeze %dma_wait3A_131 : memref<1x128xi32, #tpu.memory_space<vmem>> -> memref<128xi32, #tpu.memory_space<vmem>>
      %dma_wait3A_133 = arith.constant 0 : i32
      %dma_wait3A_134 = arith.constant 0 : i32
      %dma_wait3A_135 = tpu.memref_slice %arg2[%dma_wait3A_133, %dma_wait3A_134] : memref<10000x128xf32, #tpu.memory_space<hbm>> -> memref<10000x128xf32, #tpu.memory_space<hbm>>
      tpu.wait_indirect_dma semaphore(%arg14 : memref<!tpu.dma_semaphore, #tpu.memory_space<semaphore_mem>>) src(%dma_wait3A_135 : memref<10000x128xf32, #tpu.memory_space<hbm>>) dst(%arg10 : memref<128x128xf32, #tpu.memory_space<vmem>>)
      "tpu.region"() ({
        %run_scoped3A_143 = tpu.sem_alloc : memref<!tpu.dma_semaphore, #tpu.memory_space<semaphore_mem>>
        %dma_start3A_144 = arith.constant 0 : i32
        %dma_start3A_145 = tpu.memref_slice %arg5[%multiple_of3A_128, %dma_start3A_144] : memref<80000x128xf32, #tpu.memory_space<hbm>> -> memref<128x128xf32, #tpu.memory_space<hbm>>
        %dma_start3A_146 = arith.constant 0 : i32
        %dma_start3A_147 = tpu.memref_slice %arg5[%multiple_of3A_128, %dma_start3A_146] : memref<80000x128xf32, #tpu.memory_space<hbm>> -> memref<128x128xf32, #tpu.memory_space<hbm>>
        tpu.enqueue_dma source(%arg10 : memref<128x128xf32, #tpu.memory_space<vmem>>) target(%dma_start3A_147 : memref<128x128xf32, #tpu.memory_space<hbm>>) target_semaphore(%run_scoped3A_143 : memref<!tpu.dma_semaphore, #tpu.memory_space<semaphore_mem>>)
        %dma_wait3A_148 = arith.constant 0 : i32
        %dma_wait3A_149 = tpu.memref_slice %arg5[%multiple_of3A_128, %dma_wait3A_148] : memref<80000x128xf32, #tpu.memory_space<hbm>> -> memref<128x128xf32, #tpu.memory_space<hbm>>
        %dma_wait3A_150 = arith.constant 0 : i32
        %dma_wait3A_151 = tpu.memref_slice %arg5[%multiple_of3A_128, %dma_wait3A_150] : memref<80000x128xf32, #tpu.memory_space<hbm>> -> memref<128x128xf32, #tpu.memory_space<hbm>>
        tpu.wait_dma2 semaphore(%run_scoped3A_143 : memref<!tpu.dma_semaphore, #tpu.memory_space<semaphore_mem>>) src(%arg10 : memref<128x128xf32, #tpu.memory_space<vmem>>) dst(%dma_wait3A_151 : memref<128x128xf32, #tpu.memory_space<hbm>>)
        tpu.yield
      }) : () -> ()
      %dma_wait3A_136 = arith.constant 1 : i32
      %dma_wait3A_137 = arith.constant 0 : i32
      %dma_wait3A_138 = tpu.memref_slice %arg8[%dma_wait3A_136, %dma_wait3A_137] : memref<2x128xi32, #tpu.memory_space<vmem>> -> memref<1x128xi32, #tpu.memory_space<vmem>>
      %dma_wait3A_139 = tpu.memref_squeeze %dma_wait3A_138 : memref<1x128xi32, #tpu.memory_space<vmem>> -> memref<128xi32, #tpu.memory_space<vmem>>
      %dma_wait3A_140 = arith.constant 0 : i32
      %dma_wait3A_141 = arith.constant 0 : i32
      %dma_wait3A_142 = tpu.memref_slice %arg2[%dma_wait3A_140, %dma_wait3A_141] : memref<10000x128xf32, #tpu.memory_space<hbm>> -> memref<10000x128xf32, #tpu.memory_space<hbm>>
      tpu.wait_indirect_dma semaphore(%arg16 : memref<!tpu.dma_semaphore, #tpu.memory_space<semaphore_mem>>) src(%dma_wait3A_142 : memref<10000x128xf32, #tpu.memory_space<hbm>>) dst(%arg12 : memref<128x128xf32, #tpu.memory_space<vmem>>)
      "tpu.region"() ({
        %run_scoped3A_143 = tpu.sem_alloc : memref<!tpu.dma_semaphore, #tpu.memory_space<semaphore_mem>>
        %dma_start3A_144 = arith.constant 0 : i32
        %dma_start3A_145 = tpu.memref_slice %arg6[%multiple_of3A_128, %dma_start3A_144] : memref<80000x128xf32, #tpu.memory_space<hbm>> -> memref<128x128xf32, #tpu.memory_space<hbm>>
        %dma_start3A_146 = arith.constant 0 : i32
        %dma_start3A_147 = tpu.memref_slice %arg6[%multiple_of3A_128, %dma_start3A_146] : memref<80000x128xf32, #tpu.memory_space<hbm>> -> memref<128x128xf32, #tpu.memory_space<hbm>>
        tpu.enqueue_dma source(%arg12 : memref<128x128xf32, #tpu.memory_space<vmem>>) target(%dma_start3A_147 : memref<128x128xf32, #tpu.memory_space<hbm>>) target_semaphore(%run_scoped3A_143 : memref<!tpu.dma_semaphore, #tpu.memory_space<semaphore_mem>>)
        %dma_wait3A_148 = arith.constant 0 : i32
        %dma_wait3A_149 = tpu.memref_slice %arg6[%multiple_of3A_128, %dma_wait3A_148] : memref<80000x128xf32, #tpu.memory_space<hbm>> -> memref<128x128xf32, #tpu.memory_space<hbm>>
        %dma_wait3A_150 = arith.constant 0 : i32
        %dma_wait3A_151 = tpu.memref_slice %arg6[%multiple_of3A_128, %dma_wait3A_150] : memref<80000x128xf32, #tpu.memory_space<hbm>> -> memref<128x128xf32, #tpu.memory_space<hbm>>
        tpu.wait_dma2 semaphore(%run_scoped3A_143 : memref<!tpu.dma_semaphore, #tpu.memory_space<semaphore_mem>>) src(%arg12 : memref<128x128xf32, #tpu.memory_space<vmem>>) dst(%dma_wait3A_151 : memref<128x128xf32, #tpu.memory_space<hbm>>)
        tpu.yield
      }) : () -> ()
    }
    %scan3A_23 = arith.constant 9 : i32
    %add3A_24 = arith.constant 576 : i32
    %add3A_25 = arith.addi %add3A, %add3A_24 : i32
    %mul3A_26 = arith.constant 128 : i32
    %mul3A_27 = arith.muli %add3A_25, %mul3A_26 : i32
    %multiple_of3A_28 = tpu.assume_multiple %mul3A_27, 8 : i32
    %dma_wait3A = arith.constant 0 : i32
    %dma_wait3A_29 = arith.constant 0 : i32
    %dma_wait3A_30 = tpu.memref_slice %arg7[%dma_wait3A, %dma_wait3A_29] : memref<2x128xi32, #tpu.memory_space<vmem>> -> memref<1x128xi32, #tpu.memory_space<vmem>>
    %dma_wait3A_31 = tpu.memref_squeeze %dma_wait3A_30 : memref<1x128xi32, #tpu.memory_space<vmem>> -> memref<128xi32, #tpu.memory_space<vmem>>
    %dma_wait3A_32 = arith.constant 0 : i32
    %dma_wait3A_33 = arith.constant 0 : i32
    %dma_wait3A_34 = tpu.memref_slice %arg2[%dma_wait3A_32, %dma_wait3A_33] : memref<10000x128xf32, #tpu.memory_space<hbm>> -> memref<10000x128xf32, #tpu.memory_space<hbm>>
    tpu.wait_indirect_dma semaphore(%arg13 : memref<!tpu.dma_semaphore, #tpu.memory_space<semaphore_mem>>) src(%dma_wait3A_34 : memref<10000x128xf32, #tpu.memory_space<hbm>>) dst(%arg9 : memref<128x128xf32, #tpu.memory_space<vmem>>)
    "tpu.region"() ({
      %run_scoped3A_44 = tpu.sem_alloc : memref<!tpu.dma_semaphore, #tpu.memory_space<semaphore_mem>>
      %dma_start3A_45 = arith.constant 0 : i32
      %dma_start3A_46 = tpu.memref_slice %arg5[%multiple_of3A_28, %dma_start3A_45] : memref<80000x128xf32, #tpu.memory_space<hbm>> -> memref<128x128xf32, #tpu.memory_space<hbm>>
      %dma_start3A_47 = arith.constant 0 : i32
      %dma_start3A_48 = tpu.memref_slice %arg5[%multiple_of3A_28, %dma_start3A_47] : memref<80000x128xf32, #tpu.memory_space<hbm>> -> memref<128x128xf32, #tpu.memory_space<hbm>>
      tpu.enqueue_dma source(%arg9 : memref<128x128xf32, #tpu.memory_space<vmem>>) target(%dma_start3A_48 : memref<128x128xf32, #tpu.memory_space<hbm>>) target_semaphore(%run_scoped3A_44 : memref<!tpu.dma_semaphore, #tpu.memory_space<semaphore_mem>>)
      %dma_wait3A_49 = arith.constant 0 : i32
      %dma_wait3A_50 = tpu.memref_slice %arg5[%multiple_of3A_28, %dma_wait3A_49] : memref<80000x128xf32, #tpu.memory_space<hbm>> -> memref<128x128xf32, #tpu.memory_space<hbm>>
      %dma_wait3A_51 = arith.constant 0 : i32
      %dma_wait3A_52 = tpu.memref_slice %arg5[%multiple_of3A_28, %dma_wait3A_51] : memref<80000x128xf32, #tpu.memory_space<hbm>> -> memref<128x128xf32, #tpu.memory_space<hbm>>
      tpu.wait_dma2 semaphore(%run_scoped3A_44 : memref<!tpu.dma_semaphore, #tpu.memory_space<semaphore_mem>>) src(%arg9 : memref<128x128xf32, #tpu.memory_space<vmem>>) dst(%dma_wait3A_52 : memref<128x128xf32, #tpu.memory_space<hbm>>)
      tpu.yield
    }) : () -> ()
    %dma_wait3A_35 = arith.constant 1 : i32
    %dma_wait3A_36 = arith.constant 0 : i32
    %dma_wait3A_37 = tpu.memref_slice %arg7[%dma_wait3A_35, %dma_wait3A_36] : memref<2x128xi32, #tpu.memory_space<vmem>> -> memref<1x128xi32, #tpu.memory_space<vmem>>
    %dma_wait3A_38 = tpu.memref_squeeze %dma_wait3A_37 : memref<1x128xi32, #tpu.memory_space<vmem>> -> memref<128xi32, #tpu.memory_space<vmem>>
    %dma_wait3A_39 = arith.constant 0 : i32
    %dma_wait3A_40 = arith.constant 0 : i32
    %dma_wait3A_41 = tpu.memref_slice %arg2[%dma_wait3A_39, %dma_wait3A_40] : memref<10000x128xf32, #tpu.memory_space<hbm>> -> memref<10000x128xf32, #tpu.memory_space<hbm>>
    tpu.wait_indirect_dma semaphore(%arg15 : memref<!tpu.dma_semaphore, #tpu.memory_space<semaphore_mem>>) src(%dma_wait3A_41 : memref<10000x128xf32, #tpu.memory_space<hbm>>) dst(%arg11 : memref<128x128xf32, #tpu.memory_space<vmem>>)
    "tpu.region"() ({
      %run_scoped3A_44 = tpu.sem_alloc : memref<!tpu.dma_semaphore, #tpu.memory_space<semaphore_mem>>
      %dma_start3A_45 = arith.constant 0 : i32
      %dma_start3A_46 = tpu.memref_slice %arg6[%multiple_of3A_28, %dma_start3A_45] : memref<80000x128xf32, #tpu.memory_space<hbm>> -> memref<128x128xf32, #tpu.memory_space<hbm>>
      %dma_start3A_47 = arith.constant 0 : i32
      %dma_start3A_48 = tpu.memref_slice %arg6[%multiple_of3A_28, %dma_start3A_47] : memref<80000x128xf32, #tpu.memory_space<hbm>> -> memref<128x128xf32, #tpu.memory_space<hbm>>
      tpu.enqueue_dma source(%arg11 : memref<128x128xf32, #tpu.memory_space<vmem>>) target(%dma_start3A_48 : memref<128x128xf32, #tpu.memory_space<hbm>>) target_semaphore(%run_scoped3A_44 : memref<!tpu.dma_semaphore, #tpu.memory_space<semaphore_mem>>)
      %dma_wait3A_49 = arith.constant 0 : i32
      %dma_wait3A_50 = tpu.memref_slice %arg6[%multiple_of3A_28, %dma_wait3A_49] : memref<80000x128xf32, #tpu.memory_space<hbm>> -> memref<128x128xf32, #tpu.memory_space<hbm>>
      %dma_wait3A_51 = arith.constant 0 : i32
      %dma_wait3A_52 = tpu.memref_slice %arg6[%multiple_of3A_28, %dma_wait3A_51] : memref<80000x128xf32, #tpu.memory_space<hbm>> -> memref<128x128xf32, #tpu.memory_space<hbm>>
      tpu.wait_dma2 semaphore(%run_scoped3A_44 : memref<!tpu.dma_semaphore, #tpu.memory_space<semaphore_mem>>) src(%arg11 : memref<128x128xf32, #tpu.memory_space<vmem>>) dst(%dma_wait3A_52 : memref<128x128xf32, #tpu.memory_space<hbm>>)
      tpu.yield
    }) : () -> ()
    %lt3A = arith.constant 17 : i32
    %lt3A_42 = arith.cmpi slt, %add3A, %lt3A : i32
    %convert_element_type3A = arith.extui %lt3A_42 : i1 to i32
    %cond3A = arith.constant 0 : i32
    %cond3A_43 = arith.cmpi ne, %convert_element_type3A, %cond3A : i32
    scf.if %cond3A_43 {
      %add3A_44 = arith.constant 608 : i32
      %add3A_45 = arith.addi %add3A, %add3A_44 : i32
      %mul3A_46 = arith.constant 128 : i32
      %mul3A_47 = arith.muli %add3A_45, %mul3A_46 : i32
      %multiple_of3A_48 = tpu.assume_multiple %mul3A_47, 8 : i32
      %run_scoped3A_49 = arith.constant 0 : i32
      "tpu.region"() ({
        %run_scoped3A_84 = tpu.sem_alloc : memref<!tpu.dma_semaphore, #tpu.memory_space<semaphore_mem>>
        %dma_start3A_85 = arith.constant 0 : i32
        %dma_start3A_86 = tpu.memref_slice %arg8[%run_scoped3A_49, %dma_start3A_85] : memref<2x128xi32, #tpu.memory_space<vmem>> -> memref<1x128xi32, #tpu.memory_space<vmem>>
        %dma_start3A_87 = tpu.memref_squeeze %dma_start3A_86 : memref<1x128xi32, #tpu.memory_space<vmem>> -> memref<128xi32, #tpu.memory_space<vmem>>
        %dma_start3A_88 = tpu.memref_slice %arg3[%multiple_of3A_48] : memref<80000xi32, #tpu.memory_space<hbm>> -> memref<128xi32, #tpu.memory_space<hbm>>
        %dma_start3A_89 = arith.constant 0 : i32
        %dma_start3A_90 = tpu.memref_slice %arg8[%run_scoped3A_49, %dma_start3A_89] : memref<2x128xi32, #tpu.memory_space<vmem>> -> memref<1x128xi32, #tpu.memory_space<vmem>>
        %dma_start3A_91 = tpu.memref_squeeze %dma_start3A_90 : memref<1x128xi32, #tpu.memory_space<vmem>> -> memref<128xi32, #tpu.memory_space<vmem>>
        %dma_start3A_92 = tpu.memref_slice %arg3[%multiple_of3A_48] : memref<80000xi32, #tpu.memory_space<hbm>> -> memref<128xi32, #tpu.memory_space<hbm>>
        tpu.enqueue_dma source(%dma_start3A_92 : memref<128xi32, #tpu.memory_space<hbm>>) target(%dma_start3A_91 : memref<128xi32, #tpu.memory_space<vmem>>) target_semaphore(%run_scoped3A_84 : memref<!tpu.dma_semaphore, #tpu.memory_space<semaphore_mem>>)
        %dma_wait3A_93 = arith.constant 0 : i32
        %dma_wait3A_94 = tpu.memref_slice %arg8[%run_scoped3A_49, %dma_wait3A_93] : memref<2x128xi32, #tpu.memory_space<vmem>> -> memref<1x128xi32, #tpu.memory_space<vmem>>
        %dma_wait3A_95 = tpu.memref_squeeze %dma_wait3A_94 : memref<1x128xi32, #tpu.memory_space<vmem>> -> memref<128xi32, #tpu.memory_space<vmem>>
        %dma_wait3A_96 = tpu.memref_slice %arg3[%multiple_of3A_48] : memref<80000xi32, #tpu.memory_space<hbm>> -> memref<128xi32, #tpu.memory_space<hbm>>
        %dma_wait3A_97 = arith.constant 0 : i32
        %dma_wait3A_98 = tpu.memref_slice %arg8[%run_scoped3A_49, %dma_wait3A_97] : memref<2x128xi32, #tpu.memory_space<vmem>> -> memref<1x128xi32, #tpu.memory_space<vmem>>
        %dma_wait3A_99 = tpu.memref_squeeze %dma_wait3A_98 : memref<1x128xi32, #tpu.memory_space<vmem>> -> memref<128xi32, #tpu.memory_space<vmem>>
        %dma_wait3A_100 = tpu.memref_slice %arg3[%multiple_of3A_48] : memref<80000xi32, #tpu.memory_space<hbm>> -> memref<128xi32, #tpu.memory_space<hbm>>
        tpu.wait_dma2 semaphore(%run_scoped3A_84 : memref<!tpu.dma_semaphore, #tpu.memory_space<semaphore_mem>>) src(%dma_wait3A_100 : memref<128xi32, #tpu.memory_space<hbm>>) dst(%dma_wait3A_99 : memref<128xi32, #tpu.memory_space<vmem>>)
        tpu.yield
      }) : () -> ()
      %run_scoped3A_50 = arith.constant 1 : i32
      "tpu.region"() ({
        %run_scoped3A_84 = tpu.sem_alloc : memref<!tpu.dma_semaphore, #tpu.memory_space<semaphore_mem>>
        %dma_start3A_85 = arith.constant 0 : i32
        %dma_start3A_86 = tpu.memref_slice %arg8[%run_scoped3A_50, %dma_start3A_85] : memref<2x128xi32, #tpu.memory_space<vmem>> -> memref<1x128xi32, #tpu.memory_space<vmem>>
        %dma_start3A_87 = tpu.memref_squeeze %dma_start3A_86 : memref<1x128xi32, #tpu.memory_space<vmem>> -> memref<128xi32, #tpu.memory_space<vmem>>
        %dma_start3A_88 = tpu.memref_slice %arg4[%multiple_of3A_48] : memref<80000xi32, #tpu.memory_space<hbm>> -> memref<128xi32, #tpu.memory_space<hbm>>
        %dma_start3A_89 = arith.constant 0 : i32
        %dma_start3A_90 = tpu.memref_slice %arg8[%run_scoped3A_50, %dma_start3A_89] : memref<2x128xi32, #tpu.memory_space<vmem>> -> memref<1x128xi32, #tpu.memory_space<vmem>>
        %dma_start3A_91 = tpu.memref_squeeze %dma_start3A_90 : memref<1x128xi32, #tpu.memory_space<vmem>> -> memref<128xi32, #tpu.memory_space<vmem>>
        %dma_start3A_92 = tpu.memref_slice %arg4[%multiple_of3A_48] : memref<80000xi32, #tpu.memory_space<hbm>> -> memref<128xi32, #tpu.memory_space<hbm>>
        tpu.enqueue_dma source(%dma_start3A_92 : memref<128xi32, #tpu.memory_space<hbm>>) target(%dma_start3A_91 : memref<128xi32, #tpu.memory_space<vmem>>) target_semaphore(%run_scoped3A_84 : memref<!tpu.dma_semaphore, #tpu.memory_space<semaphore_mem>>)
        %dma_wait3A_93 = arith.constant 0 : i32
        %dma_wait3A_94 = tpu.memref_slice %arg8[%run_scoped3A_50, %dma_wait3A_93] : memref<2x128xi32, #tpu.memory_space<vmem>> -> memref<1x128xi32, #tpu.memory_space<vmem>>
        %dma_wait3A_95 = tpu.memref_squeeze %dma_wait3A_94 : memref<1x128xi32, #tpu.memory_space<vmem>> -> memref<128xi32, #tpu.memory_space<vmem>>
        %dma_wait3A_96 = tpu.memref_slice %arg4[%multiple_of3A_48] : memref<80000xi32, #tpu.memory_space<hbm>> -> memref<128xi32, #tpu.memory_space<hbm>>
        %dma_wait3A_97 = arith.constant 0 : i32
        %dma_wait3A_98 = tpu.memref_slice %arg8[%run_scoped3A_50, %dma_wait3A_97] : memref<2x128xi32, #tpu.memory_space<vmem>> -> memref<1x128xi32, #tpu.memory_space<vmem>>
        %dma_wait3A_99 = tpu.memref_squeeze %dma_wait3A_98 : memref<1x128xi32, #tpu.memory_space<vmem>> -> memref<128xi32, #tpu.memory_space<vmem>>
        %dma_wait3A_100 = tpu.memref_slice %arg4[%multiple_of3A_48] : memref<80000xi32, #tpu.memory_space<hbm>> -> memref<128xi32, #tpu.memory_space<hbm>>
        tpu.wait_dma2 semaphore(%run_scoped3A_84 : memref<!tpu.dma_semaphore, #tpu.memory_space<semaphore_mem>>) src(%dma_wait3A_100 : memref<128xi32, #tpu.memory_space<hbm>>) dst(%dma_wait3A_99 : memref<128xi32, #tpu.memory_space<vmem>>)
        tpu.yield
      }) : () -> ()
      %dma_start3A_51 = arith.constant 0 : i32
      %dma_start3A_52 = arith.constant 0 : i32
      %dma_start3A_53 = tpu.memref_slice %arg8[%dma_start3A_51, %dma_start3A_52] : memref<2x128xi32, #tpu.memory_space<vmem>> -> memref<1x128xi32, #tpu.memory_space<vmem>>
      %dma_start3A_54 = tpu.memref_squeeze %dma_start3A_53 : memref<1x128xi32, #tpu.memory_space<vmem>> -> memref<128xi32, #tpu.memory_space<vmem>>
      %dma_start3A_55 = arith.constant 0 : i32
      %dma_start3A_56 = arith.constant 0 : i32
      %dma_start3A_57 = tpu.memref_slice %arg2[%dma_start3A_55, %dma_start3A_56] : memref<10000x128xf32, #tpu.memory_space<hbm>> -> memref<10000x128xf32, #tpu.memory_space<hbm>>
      tpu.enqueue_indirect_dma source(%dma_start3A_57 : memref<10000x128xf32, #tpu.memory_space<hbm>>) target(%arg10 : memref<128x128xf32, #tpu.memory_space<vmem>>) offsets(%dma_start3A_54 : memref<128xi32, #tpu.memory_space<vmem>>) semaphore(%arg14 : memref<!tpu.dma_semaphore, #tpu.memory_space<semaphore_mem>>)
      %dma_start3A_58 = arith.constant 1 : i32
      %dma_start3A_59 = arith.constant 0 : i32
      %dma_start3A_60 = tpu.memref_slice %arg8[%dma_start3A_58, %dma_start3A_59] : memref<2x128xi32, #tpu.memory_space<vmem>> -> memref<1x128xi32, #tpu.memory_space<vmem>>
      %dma_start3A_61 = tpu.memref_squeeze %dma_start3A_60 : memref<1x128xi32, #tpu.memory_space<vmem>> -> memref<128xi32, #tpu.memory_space<vmem>>
      %dma_start3A_62 = arith.constant 0 : i32
      %dma_start3A_63 = arith.constant 0 : i32
      %dma_start3A_64 = tpu.memref_slice %arg2[%dma_start3A_62, %dma_start3A_63] : memref<10000x128xf32, #tpu.memory_space<hbm>> -> memref<10000x128xf32, #tpu.memory_space<hbm>>
      tpu.enqueue_indirect_dma source(%dma_start3A_64 : memref<10000x128xf32, #tpu.memory_space<hbm>>) target(%arg12 : memref<128x128xf32, #tpu.memory_space<vmem>>) offsets(%dma_start3A_61 : memref<128xi32, #tpu.memory_space<vmem>>) semaphore(%arg16 : memref<!tpu.dma_semaphore, #tpu.memory_space<semaphore_mem>>)
      %add3A_65 = arith.constant 608 : i32
      %add3A_66 = arith.addi %add3A, %add3A_65 : i32
      %mul3A_67 = arith.constant 128 : i32
      %mul3A_68 = arith.muli %add3A_66, %mul3A_67 : i32
      %multiple_of3A_69 = tpu.assume_multiple %mul3A_68, 8 : i32
      %dma_wait3A_70 = arith.constant 0 : i32
      %dma_wait3A_71 = arith.constant 0 : i32
      %dma_wait3A_72 = tpu.memref_slice %arg8[%dma_wait3A_70, %dma_wait3A_71] : memref<2x128xi32, #tpu.memory_space<vmem>> -> memref<1x128xi32, #tpu.memory_space<vmem>>
      %dma_wait3A_73 = tpu.memref_squeeze %dma_wait3A_72 : memref<1x128xi32, #tpu.memory_space<vmem>> -> memref<128xi32, #tpu.memory_space<vmem>>
      %dma_wait3A_74 = arith.constant 0 : i32
      %dma_wait3A_75 = arith.constant 0 : i32
      %dma_wait3A_76 = tpu.memref_slice %arg2[%dma_wait3A_74, %dma_wait3A_75] : memref<10000x128xf32, #tpu.memory_space<hbm>> -> memref<10000x128xf32, #tpu.memory_space<hbm>>
      tpu.wait_indirect_dma semaphore(%arg14 : memref<!tpu.dma_semaphore, #tpu.memory_space<semaphore_mem>>) src(%dma_wait3A_76 : memref<10000x128xf32, #tpu.memory_space<hbm>>) dst(%arg10 : memref<128x128xf32, #tpu.memory_space<vmem>>)
      "tpu.region"() ({
        %run_scoped3A_84 = tpu.sem_alloc : memref<!tpu.dma_semaphore, #tpu.memory_space<semaphore_mem>>
        %dma_start3A_85 = arith.constant 0 : i32
        %dma_start3A_86 = tpu.memref_slice %arg5[%multiple_of3A_69, %dma_start3A_85] : memref<80000x128xf32, #tpu.memory_space<hbm>> -> memref<128x128xf32, #tpu.memory_space<hbm>>
        %dma_start3A_87 = arith.constant 0 : i32
        %dma_start3A_88 = tpu.memref_slice %arg5[%multiple_of3A_69, %dma_start3A_87] : memref<80000x128xf32, #tpu.memory_space<hbm>> -> memref<128x128xf32, #tpu.memory_space<hbm>>
        tpu.enqueue_dma source(%arg10 : memref<128x128xf32, #tpu.memory_space<vmem>>) target(%dma_start3A_88 : memref<128x128xf32, #tpu.memory_space<hbm>>) target_semaphore(%run_scoped3A_84 : memref<!tpu.dma_semaphore, #tpu.memory_space<semaphore_mem>>)
        %dma_wait3A_89 = arith.constant 0 : i32
        %dma_wait3A_90 = tpu.memref_slice %arg5[%multiple_of3A_69, %dma_wait3A_89] : memref<80000x128xf32, #tpu.memory_space<hbm>> -> memref<128x128xf32, #tpu.memory_space<hbm>>
        %dma_wait3A_91 = arith.constant 0 : i32
        %dma_wait3A_92 = tpu.memref_slice %arg5[%multiple_of3A_69, %dma_wait3A_91] : memref<80000x128xf32, #tpu.memory_space<hbm>> -> memref<128x128xf32, #tpu.memory_space<hbm>>
        tpu.wait_dma2 semaphore(%run_scoped3A_84 : memref<!tpu.dma_semaphore, #tpu.memory_space<semaphore_mem>>) src(%arg10 : memref<128x128xf32, #tpu.memory_space<vmem>>) dst(%dma_wait3A_92 : memref<128x128xf32, #tpu.memory_space<hbm>>)
        tpu.yield
      }) : () -> ()
      %dma_wait3A_77 = arith.constant 1 : i32
      %dma_wait3A_78 = arith.constant 0 : i32
      %dma_wait3A_79 = tpu.memref_slice %arg8[%dma_wait3A_77, %dma_wait3A_78] : memref<2x128xi32, #tpu.memory_space<vmem>> -> memref<1x128xi32, #tpu.memory_space<vmem>>
      %dma_wait3A_80 = tpu.memref_squeeze %dma_wait3A_79 : memref<1x128xi32, #tpu.memory_space<vmem>> -> memref<128xi32, #tpu.memory_space<vmem>>
      %dma_wait3A_81 = arith.constant 0 : i32
      %dma_wait3A_82 = arith.constant 0 : i32
      %dma_wait3A_83 = tpu.memref_slice %arg2[%dma_wait3A_81, %dma_wait3A_82] : memref<10000x128xf32, #tpu.memory_space<hbm>> -> memref<10000x128xf32, #tpu.memory_space<hbm>>
      tpu.wait_indirect_dma semaphore(%arg16 : memref<!tpu.dma_semaphore, #tpu.memory_space<semaphore_mem>>) src(%dma_wait3A_83 : memref<10000x128xf32, #tpu.memory_space<hbm>>) dst(%arg12 : memref<128x128xf32, #tpu.memory_space<vmem>>)
      "tpu.region"() ({
        %run_scoped3A_84 = tpu.sem_alloc : memref<!tpu.dma_semaphore, #tpu.memory_space<semaphore_mem>>
        %dma_start3A_85 = arith.constant 0 : i32
        %dma_start3A_86 = tpu.memref_slice %arg6[%multiple_of3A_69, %dma_start3A_85] : memref<80000x128xf32, #tpu.memory_space<hbm>> -> memref<128x128xf32, #tpu.memory_space<hbm>>
        %dma_start3A_87 = arith.constant 0 : i32
        %dma_start3A_88 = tpu.memref_slice %arg6[%multiple_of3A_69, %dma_start3A_87] : memref<80000x128xf32, #tpu.memory_space<hbm>> -> memref<128x128xf32, #tpu.memory_space<hbm>>
        tpu.enqueue_dma source(%arg12 : memref<128x128xf32, #tpu.memory_space<vmem>>) target(%dma_start3A_88 : memref<128x128xf32, #tpu.memory_space<hbm>>) target_semaphore(%run_scoped3A_84 : memref<!tpu.dma_semaphore, #tpu.memory_space<semaphore_mem>>)
        %dma_wait3A_89 = arith.constant 0 : i32
        %dma_wait3A_90 = tpu.memref_slice %arg6[%multiple_of3A_69, %dma_wait3A_89] : memref<80000x128xf32, #tpu.memory_space<hbm>> -> memref<128x128xf32, #tpu.memory_space<hbm>>
        %dma_wait3A_91 = arith.constant 0 : i32
        %dma_wait3A_92 = tpu.memref_slice %arg6[%multiple_of3A_69, %dma_wait3A_91] : memref<80000x128xf32, #tpu.memory_space<hbm>> -> memref<128x128xf32, #tpu.memory_space<hbm>>
        tpu.wait_dma2 semaphore(%run_scoped3A_84 : memref<!tpu.dma_semaphore, #tpu.memory_space<semaphore_mem>>) src(%arg12 : memref<128x128xf32, #tpu.memory_space<vmem>>) dst(%dma_wait3A_92 : memref<128x128xf32, #tpu.memory_space<hbm>>)
        tpu.yield
      }) : () -> ()
    } else {
    }
    return
  }
}

#map = affine_map<(d0, d1) -> (0, 0)>
#map1 = affine_map<(d0, d1) -> (0)>
module attributes {stable_mosaic.version = 14 : i64} {
  func.func @_scatter_body(%arg0: i32, %arg1: i32, %arg2: memref<80000x128xf32, #tpu.memory_space<hbm>>, %arg3: memref<10000x128xf32, #tpu.memory_space<hbm>>, %arg4: memref<10000x128xf32, #tpu.memory_space<hbm>>, %arg5: memref<80000xi32, #tpu.memory_space<hbm>>, %arg6: memref<10000x128xf32, #tpu.memory_space<hbm>>, %arg7: memref<10000x128xf32, #tpu.memory_space<hbm>>, %arg8: memref<40xi32, #tpu.memory_space<vmem>>, %arg9: memref<40xi32, #tpu.memory_space<vmem>>, %arg10: memref<40x128xf32, #tpu.memory_space<vmem>>, %arg11: memref<40x128xf32, #tpu.memory_space<vmem>>, %arg12: memref<10000x128xf32, #tpu.memory_space<vmem_shared>>, %arg13: memref<!tpu.dma_semaphore, #tpu.memory_space<semaphore_mem>>, %arg14: memref<!tpu.dma_semaphore, #tpu.memory_space<semaphore_mem>>, %arg15: memref<!tpu.dma_semaphore, #tpu.memory_space<semaphore_mem>>, %arg16: memref<!tpu.dma_semaphore, #tpu.memory_space<semaphore_mem>>) attributes {dimension_semantics = [#tpu.dimension_semantics<core_parallel>, #tpu.dimension_semantics<subcore_parallel>], iteration_bounds = array<i64: 2, 16>, scalar_prefetch = 0 : i64, scratch_operands = 9 : i64, tpu.core_type = #tpu.core_type<sc_vector_subcore>, window_params = [{transform_indices = #map}, {transform_indices = #map}, {transform_indices = #map}, {transform_indices = #map1}, {transform_indices = #map}, {transform_indices = #map}]} {
    %mul3A = arith.constant 16 : i32
    %mul3A_0 = arith.muli %arg0, %mul3A : i32
    %add3A = arith.addi %mul3A_0, %arg1 : i32
    %mul3A_1 = arith.constant 640 : i32
    %mul3A_2 = arith.muli %arg1, %mul3A_1 : i32
    %eq3A = arith.constant 0 : i32
    %eq3A_3 = arith.cmpi eq, %arg0, %eq3A : i32
    %lt3A = arith.constant 15 : i32
    %lt3A_4 = arith.cmpi slt, %arg1, %lt3A : i32
    %and3A = arith.andi %eq3A_3, %lt3A_4 : i1
    %convert_element_type3A = arith.extui %and3A : i1 to i32
    %cond3A = arith.constant 0 : i32
    %cond3A_5 = arith.cmpi ne, %convert_element_type3A, %cond3A : i32
    scf.if %cond3A_5 {
      "tpu.region"() ({
        %run_scoped3A = tpu.sem_alloc : memref<!tpu.dma_semaphore, #tpu.memory_space<semaphore_mem>>
        %dma_start3A_111 = arith.constant 0 : i32
        %dma_start3A_112 = tpu.memref_slice %arg12[%mul3A_2, %dma_start3A_111] : memref<10000x128xf32, #tpu.memory_space<vmem_shared>> -> memref<640x128xf32, #tpu.memory_space<vmem_shared>>
        %dma_start3A_113 = arith.constant 0 : i32
        %dma_start3A_114 = tpu.memref_slice %arg3[%mul3A_2, %dma_start3A_113] : memref<10000x128xf32, #tpu.memory_space<hbm>> -> memref<640x128xf32, #tpu.memory_space<hbm>>
        tpu.enqueue_dma source(%dma_start3A_114 : memref<640x128xf32, #tpu.memory_space<hbm>>) target(%dma_start3A_112 : memref<640x128xf32, #tpu.memory_space<vmem_shared>>) target_semaphore(%run_scoped3A : memref<!tpu.dma_semaphore, #tpu.memory_space<semaphore_mem>>)
        %dma_wait3A_115 = arith.constant 0 : i32
        %dma_wait3A_116 = tpu.memref_slice %arg12[%mul3A_2, %dma_wait3A_115] : memref<10000x128xf32, #tpu.memory_space<vmem_shared>> -> memref<640x128xf32, #tpu.memory_space<vmem_shared>>
        %dma_wait3A_117 = arith.constant 0 : i32
        %dma_wait3A_118 = tpu.memref_slice %arg3[%mul3A_2, %dma_wait3A_117] : memref<10000x128xf32, #tpu.memory_space<hbm>> -> memref<640x128xf32, #tpu.memory_space<hbm>>
        tpu.wait_dma2 semaphore(%run_scoped3A : memref<!tpu.dma_semaphore, #tpu.memory_space<semaphore_mem>>) src(%dma_wait3A_118 : memref<640x128xf32, #tpu.memory_space<hbm>>) dst(%dma_wait3A_116 : memref<640x128xf32, #tpu.memory_space<vmem_shared>>)
        tpu.yield
      }) : () -> ()
    } else {
    }
    %eq3A_6 = arith.constant 0 : i32
    %eq3A_7 = arith.cmpi eq, %arg0, %eq3A_6 : i32
    %eq3A_8 = arith.constant 15 : i32
    %eq3A_9 = arith.cmpi eq, %arg1, %eq3A_8 : i32
    %and3A_10 = arith.andi %eq3A_7, %eq3A_9 : i1
    %convert_element_type3A_11 = arith.extui %and3A_10 : i1 to i32
    %cond3A_12 = arith.constant 0 : i32
    %cond3A_13 = arith.cmpi ne, %convert_element_type3A_11, %cond3A_12 : i32
    scf.if %cond3A_13 {
      "tpu.region"() ({
        %run_scoped3A = tpu.sem_alloc : memref<!tpu.dma_semaphore, #tpu.memory_space<semaphore_mem>>
        %dma_start3A_111 = arith.constant 0 : i32
        %dma_start3A_112 = tpu.memref_slice %arg12[%mul3A_2, %dma_start3A_111] : memref<10000x128xf32, #tpu.memory_space<vmem_shared>> -> memref<400x128xf32, #tpu.memory_space<vmem_shared>>
        %dma_start3A_113 = arith.constant 0 : i32
        %dma_start3A_114 = tpu.memref_slice %arg3[%mul3A_2, %dma_start3A_113] : memref<10000x128xf32, #tpu.memory_space<hbm>> -> memref<400x128xf32, #tpu.memory_space<hbm>>
        tpu.enqueue_dma source(%dma_start3A_114 : memref<400x128xf32, #tpu.memory_space<hbm>>) target(%dma_start3A_112 : memref<400x128xf32, #tpu.memory_space<vmem_shared>>) target_semaphore(%run_scoped3A : memref<!tpu.dma_semaphore, #tpu.memory_space<semaphore_mem>>)
        %dma_wait3A_115 = arith.constant 0 : i32
        %dma_wait3A_116 = tpu.memref_slice %arg12[%mul3A_2, %dma_wait3A_115] : memref<10000x128xf32, #tpu.memory_space<vmem_shared>> -> memref<400x128xf32, #tpu.memory_space<vmem_shared>>
        %dma_wait3A_117 = arith.constant 0 : i32
        %dma_wait3A_118 = tpu.memref_slice %arg3[%mul3A_2, %dma_wait3A_117] : memref<10000x128xf32, #tpu.memory_space<hbm>> -> memref<400x128xf32, #tpu.memory_space<hbm>>
        tpu.wait_dma2 semaphore(%run_scoped3A : memref<!tpu.dma_semaphore, #tpu.memory_space<semaphore_mem>>) src(%dma_wait3A_118 : memref<400x128xf32, #tpu.memory_space<hbm>>) dst(%dma_wait3A_116 : memref<400x128xf32, #tpu.memory_space<vmem_shared>>)
        tpu.yield
      }) : () -> ()
    } else {
    }
    %ne3A = arith.constant 0 : i32
    %ne3A_14 = arith.cmpi ne, %arg0, %ne3A : i32
    %lt3A_15 = arith.constant 15 : i32
    %lt3A_16 = arith.cmpi slt, %arg1, %lt3A_15 : i32
    %and3A_17 = arith.andi %ne3A_14, %lt3A_16 : i1
    %convert_element_type3A_18 = arith.extui %and3A_17 : i1 to i32
    %cond3A_19 = arith.constant 0 : i32
    %cond3A_20 = arith.cmpi ne, %convert_element_type3A_18, %cond3A_19 : i32
    scf.if %cond3A_20 {
      "tpu.region"() ({
        %run_scoped3A = tpu.sem_alloc : memref<!tpu.dma_semaphore, #tpu.memory_space<semaphore_mem>>
        %dma_start3A_111 = arith.constant 0 : i32
        %dma_start3A_112 = tpu.memref_slice %arg12[%mul3A_2, %dma_start3A_111] : memref<10000x128xf32, #tpu.memory_space<vmem_shared>> -> memref<640x128xf32, #tpu.memory_space<vmem_shared>>
        %dma_start3A_113 = arith.constant 0 : i32
        %dma_start3A_114 = tpu.memref_slice %arg4[%mul3A_2, %dma_start3A_113] : memref<10000x128xf32, #tpu.memory_space<hbm>> -> memref<640x128xf32, #tpu.memory_space<hbm>>
        tpu.enqueue_dma source(%dma_start3A_114 : memref<640x128xf32, #tpu.memory_space<hbm>>) target(%dma_start3A_112 : memref<640x128xf32, #tpu.memory_space<vmem_shared>>) target_semaphore(%run_scoped3A : memref<!tpu.dma_semaphore, #tpu.memory_space<semaphore_mem>>)
        %dma_wait3A_115 = arith.constant 0 : i32
        %dma_wait3A_116 = tpu.memref_slice %arg12[%mul3A_2, %dma_wait3A_115] : memref<10000x128xf32, #tpu.memory_space<vmem_shared>> -> memref<640x128xf32, #tpu.memory_space<vmem_shared>>
        %dma_wait3A_117 = arith.constant 0 : i32
        %dma_wait3A_118 = tpu.memref_slice %arg4[%mul3A_2, %dma_wait3A_117] : memref<10000x128xf32, #tpu.memory_space<hbm>> -> memref<640x128xf32, #tpu.memory_space<hbm>>
        tpu.wait_dma2 semaphore(%run_scoped3A : memref<!tpu.dma_semaphore, #tpu.memory_space<semaphore_mem>>) src(%dma_wait3A_118 : memref<640x128xf32, #tpu.memory_space<hbm>>) dst(%dma_wait3A_116 : memref<640x128xf32, #tpu.memory_space<vmem_shared>>)
        tpu.yield
      }) : () -> ()
    } else {
    }
    %ne3A_21 = arith.constant 0 : i32
    %ne3A_22 = arith.cmpi ne, %arg0, %ne3A_21 : i32
    %eq3A_23 = arith.constant 15 : i32
    %eq3A_24 = arith.cmpi eq, %arg1, %eq3A_23 : i32
    %and3A_25 = arith.andi %ne3A_22, %eq3A_24 : i1
    %convert_element_type3A_26 = arith.extui %and3A_25 : i1 to i32
    %cond3A_27 = arith.constant 0 : i32
    %cond3A_28 = arith.cmpi ne, %convert_element_type3A_26, %cond3A_27 : i32
    scf.if %cond3A_28 {
      "tpu.region"() ({
        %run_scoped3A = tpu.sem_alloc : memref<!tpu.dma_semaphore, #tpu.memory_space<semaphore_mem>>
        %dma_start3A_111 = arith.constant 0 : i32
        %dma_start3A_112 = tpu.memref_slice %arg12[%mul3A_2, %dma_start3A_111] : memref<10000x128xf32, #tpu.memory_space<vmem_shared>> -> memref<400x128xf32, #tpu.memory_space<vmem_shared>>
        %dma_start3A_113 = arith.constant 0 : i32
        %dma_start3A_114 = tpu.memref_slice %arg4[%mul3A_2, %dma_start3A_113] : memref<10000x128xf32, #tpu.memory_space<hbm>> -> memref<400x128xf32, #tpu.memory_space<hbm>>
        tpu.enqueue_dma source(%dma_start3A_114 : memref<400x128xf32, #tpu.memory_space<hbm>>) target(%dma_start3A_112 : memref<400x128xf32, #tpu.memory_space<vmem_shared>>) target_semaphore(%run_scoped3A : memref<!tpu.dma_semaphore, #tpu.memory_space<semaphore_mem>>)
        %dma_wait3A_115 = arith.constant 0 : i32
        %dma_wait3A_116 = tpu.memref_slice %arg12[%mul3A_2, %dma_wait3A_115] : memref<10000x128xf32, #tpu.memory_space<vmem_shared>> -> memref<400x128xf32, #tpu.memory_space<vmem_shared>>
        %dma_wait3A_117 = arith.constant 0 : i32
        %dma_wait3A_118 = tpu.memref_slice %arg4[%mul3A_2, %dma_wait3A_117] : memref<10000x128xf32, #tpu.memory_space<hbm>> -> memref<400x128xf32, #tpu.memory_space<hbm>>
        tpu.wait_dma2 semaphore(%run_scoped3A : memref<!tpu.dma_semaphore, #tpu.memory_space<semaphore_mem>>) src(%dma_wait3A_118 : memref<400x128xf32, #tpu.memory_space<hbm>>) dst(%dma_wait3A_116 : memref<400x128xf32, #tpu.memory_space<vmem_shared>>)
        tpu.yield
      }) : () -> ()
    } else {
    }
    %barrier3A = arith.constant 0 : index
    tpu.barrier barrier_id(%barrier3A)
    %add3A_29 = arith.constant 0 : i32
    %add3A_30 = arith.addi %add3A, %add3A_29 : i32
    %mul3A_31 = arith.constant 40 : i32
    %mul3A_32 = arith.muli %add3A_30, %mul3A_31 : i32
    %multiple_of3A = tpu.assume_multiple %mul3A_32, 8 : i32
    %dma_start3A = tpu.memref_slice %arg5[%multiple_of3A] : memref<80000xi32, #tpu.memory_space<hbm>> -> memref<40xi32, #tpu.memory_space<hbm>>
    %dma_start3A_33 = tpu.memref_slice %arg5[%multiple_of3A] : memref<80000xi32, #tpu.memory_space<hbm>> -> memref<40xi32, #tpu.memory_space<hbm>>
    tpu.enqueue_dma source(%dma_start3A_33 : memref<40xi32, #tpu.memory_space<hbm>>) target(%arg8 : memref<40xi32, #tpu.memory_space<vmem>>) target_semaphore(%arg13 : memref<!tpu.dma_semaphore, #tpu.memory_space<semaphore_mem>>)
    %dma_start3A_34 = arith.constant 0 : i32
    %dma_start3A_35 = tpu.memref_slice %arg2[%multiple_of3A, %dma_start3A_34] : memref<80000x128xf32, #tpu.memory_space<hbm>> -> memref<40x128xf32, #tpu.memory_space<hbm>>
    %dma_start3A_36 = arith.constant 0 : i32
    %dma_start3A_37 = tpu.memref_slice %arg2[%multiple_of3A, %dma_start3A_36] : memref<80000x128xf32, #tpu.memory_space<hbm>> -> memref<40x128xf32, #tpu.memory_space<hbm>>
    tpu.enqueue_dma source(%dma_start3A_37 : memref<40x128xf32, #tpu.memory_space<hbm>>) target(%arg10 : memref<40x128xf32, #tpu.memory_space<vmem>>) target_semaphore(%arg15 : memref<!tpu.dma_semaphore, #tpu.memory_space<semaphore_mem>>)
    %scan3A = arith.constant 0 : i32
    %scan3A_38 = arith.constant 0 : i32
    %scan3A_39 = arith.constant 30 : i32
    %scan3A_40 = arith.addi %scan3A_38, %scan3A_39 : i32
    %scan3A_41 = arith.constant 1 : i32
    scf.for %scan3A_111 = %scan3A_38 to %scan3A_40 step %scan3A_41  : i32 {
      %mul3A_112 = arith.constant 2 : i32
      %mul3A_113 = arith.muli %mul3A_112, %scan3A_111 : i32
      %add3A_114 = arith.constant 1 : i32
      %add3A_115 = arith.addi %mul3A_113, %add3A_114 : i32
      %mul3A_116 = arith.constant 32 : i32
      %mul3A_117 = arith.muli %add3A_115, %mul3A_116 : i32
      %add3A_118 = arith.addi %add3A, %mul3A_117 : i32
      %mul3A_119 = arith.constant 40 : i32
      %mul3A_120 = arith.muli %add3A_118, %mul3A_119 : i32
      %multiple_of3A_121 = tpu.assume_multiple %mul3A_120, 8 : i32
      %dma_start3A_122 = tpu.memref_slice %arg5[%multiple_of3A_121] : memref<80000xi32, #tpu.memory_space<hbm>> -> memref<40xi32, #tpu.memory_space<hbm>>
      %dma_start3A_123 = tpu.memref_slice %arg5[%multiple_of3A_121] : memref<80000xi32, #tpu.memory_space<hbm>> -> memref<40xi32, #tpu.memory_space<hbm>>
      tpu.enqueue_dma source(%dma_start3A_123 : memref<40xi32, #tpu.memory_space<hbm>>) target(%arg9 : memref<40xi32, #tpu.memory_space<vmem>>) target_semaphore(%arg14 : memref<!tpu.dma_semaphore, #tpu.memory_space<semaphore_mem>>)
      %dma_start3A_124 = arith.constant 0 : i32
      %dma_start3A_125 = tpu.memref_slice %arg2[%multiple_of3A_121, %dma_start3A_124] : memref<80000x128xf32, #tpu.memory_space<hbm>> -> memref<40x128xf32, #tpu.memory_space<hbm>>
      %dma_start3A_126 = arith.constant 0 : i32
      %dma_start3A_127 = tpu.memref_slice %arg2[%multiple_of3A_121, %dma_start3A_126] : memref<80000x128xf32, #tpu.memory_space<hbm>> -> memref<40x128xf32, #tpu.memory_space<hbm>>
      tpu.enqueue_dma source(%dma_start3A_127 : memref<40x128xf32, #tpu.memory_space<hbm>>) target(%arg11 : memref<40x128xf32, #tpu.memory_space<vmem>>) target_semaphore(%arg16 : memref<!tpu.dma_semaphore, #tpu.memory_space<semaphore_mem>>)
      %mul3A_128 = arith.constant 2 : i32
      %mul3A_129 = arith.muli %mul3A_128, %scan3A_111 : i32
      %dma_wait3A_130 = arith.constant 0 : i32
      %dma_wait3A_131 = tpu.memref_slice %arg5[%dma_wait3A_130] : memref<80000xi32, #tpu.memory_space<hbm>> -> memref<40xi32, #tpu.memory_space<hbm>>
      %dma_wait3A_132 = arith.constant 0 : i32
      %dma_wait3A_133 = tpu.memref_slice %arg5[%dma_wait3A_132] : memref<80000xi32, #tpu.memory_space<hbm>> -> memref<40xi32, #tpu.memory_space<hbm>>
      tpu.wait_dma2 semaphore(%arg13 : memref<!tpu.dma_semaphore, #tpu.memory_space<semaphore_mem>>) src(%dma_wait3A_133 : memref<40xi32, #tpu.memory_space<hbm>>) dst(%arg8 : memref<40xi32, #tpu.memory_space<vmem>>)
      %dma_wait3A_134 = arith.constant 0 : i32
      %dma_wait3A_135 = arith.constant 0 : i32
      %dma_wait3A_136 = tpu.memref_slice %arg2[%dma_wait3A_134, %dma_wait3A_135] : memref<80000x128xf32, #tpu.memory_space<hbm>> -> memref<40x128xf32, #tpu.memory_space<hbm>>
      %dma_wait3A_137 = arith.constant 0 : i32
      %dma_wait3A_138 = arith.constant 0 : i32
      %dma_wait3A_139 = tpu.memref_slice %arg2[%dma_wait3A_137, %dma_wait3A_138] : memref<80000x128xf32, #tpu.memory_space<hbm>> -> memref<40x128xf32, #tpu.memory_space<hbm>>
      tpu.wait_dma2 semaphore(%arg15 : memref<!tpu.dma_semaphore, #tpu.memory_space<semaphore_mem>>) src(%dma_wait3A_139 : memref<40x128xf32, #tpu.memory_space<hbm>>) dst(%arg10 : memref<40x128xf32, #tpu.memory_space<vmem>>)
      "tpu.region"() ({
        %run_scoped3A = tpu.sem_alloc : memref<!tpu.dma_semaphore, #tpu.memory_space<semaphore_mem>>
        %dma_start3A_170 = arith.constant 0 : i32
        %dma_start3A_171 = arith.constant 0 : i32
        %dma_start3A_172 = tpu.memref_slice %arg12[%dma_start3A_170, %dma_start3A_171] : memref<10000x128xf32, #tpu.memory_space<vmem_shared>> -> memref<10000x128xf32, #tpu.memory_space<vmem_shared>>
        tpu.enqueue_indirect_dma source(%arg10 : memref<40x128xf32, #tpu.memory_space<vmem>>) target(%dma_start3A_172 : memref<10000x128xf32, #tpu.memory_space<vmem_shared>>) offsets(%arg8 : memref<40xi32, #tpu.memory_space<vmem>>) semaphore(%run_scoped3A : memref<!tpu.dma_semaphore, #tpu.memory_space<semaphore_mem>>) {add = true}
        %dma_wait3A_173 = arith.constant 0 : i32
        %dma_wait3A_174 = arith.constant 0 : i32
        %dma_wait3A_175 = tpu.memref_slice %arg12[%dma_wait3A_173, %dma_wait3A_174] : memref<10000x128xf32, #tpu.memory_space<vmem_shared>> -> memref<10000x128xf32, #tpu.memory_space<vmem_shared>>
        tpu.wait_indirect_dma semaphore(%run_scoped3A : memref<!tpu.dma_semaphore, #tpu.memory_space<semaphore_mem>>) src(%arg10 : memref<40x128xf32, #tpu.memory_space<vmem>>) dst(%dma_wait3A_175 : memref<10000x128xf32, #tpu.memory_space<vmem_shared>>)
        tpu.yield
      }) : () -> ()
      %mul3A_140 = arith.constant 2 : i32
      %mul3A_141 = arith.muli %mul3A_140, %scan3A_111 : i32
      %add3A_142 = arith.constant 2 : i32
      %add3A_143 = arith.addi %mul3A_141, %add3A_142 : i32
      %mul3A_144 = arith.constant 32 : i32
      %mul3A_145 = arith.muli %add3A_143, %mul3A_144 : i32
      %add3A_146 = arith.addi %add3A, %mul3A_145 : i32
      %mul3A_147 = arith.constant 40 : i32
      %mul3A_148 = arith.muli %add3A_146, %mul3A_147 : i32
      %multiple_of3A_149 = tpu.assume_multiple %mul3A_148, 8 : i32
      %dma_start3A_150 = tpu.memref_slice %arg5[%multiple_of3A_149] : memref<80000xi32, #tpu.memory_space<hbm>> -> memref<40xi32, #tpu.memory_space<hbm>>
      %dma_start3A_151 = tpu.memref_slice %arg5[%multiple_of3A_149] : memref<80000xi32, #tpu.memory_space<hbm>> -> memref<40xi32, #tpu.memory_space<hbm>>
      tpu.enqueue_dma source(%dma_start3A_151 : memref<40xi32, #tpu.memory_space<hbm>>) target(%arg8 : memref<40xi32, #tpu.memory_space<vmem>>) target_semaphore(%arg13 : memref<!tpu.dma_semaphore, #tpu.memory_space<semaphore_mem>>)
      %dma_start3A_152 = arith.constant 0 : i32
      %dma_start3A_153 = tpu.memref_slice %arg2[%multiple_of3A_149, %dma_start3A_152] : memref<80000x128xf32, #tpu.memory_space<hbm>> -> memref<40x128xf32, #tpu.memory_space<hbm>>
      %dma_start3A_154 = arith.constant 0 : i32
      %dma_start3A_155 = tpu.memref_slice %arg2[%multiple_of3A_149, %dma_start3A_154] : memref<80000x128xf32, #tpu.memory_space<hbm>> -> memref<40x128xf32, #tpu.memory_space<hbm>>
      tpu.enqueue_dma source(%dma_start3A_155 : memref<40x128xf32, #tpu.memory_space<hbm>>) target(%arg10 : memref<40x128xf32, #tpu.memory_space<vmem>>) target_semaphore(%arg15 : memref<!tpu.dma_semaphore, #tpu.memory_space<semaphore_mem>>)
      %mul3A_156 = arith.constant 2 : i32
      %mul3A_157 = arith.muli %mul3A_156, %scan3A_111 : i32
      %add3A_158 = arith.constant 1 : i32
      %add3A_159 = arith.addi %mul3A_157, %add3A_158 : i32
      %dma_wait3A_160 = arith.constant 0 : i32
      %dma_wait3A_161 = tpu.memref_slice %arg5[%dma_wait3A_160] : memref<80000xi32, #tpu.memory_space<hbm>> -> memref<40xi32, #tpu.memory_space<hbm>>
      %dma_wait3A_162 = arith.constant 0 : i32
      %dma_wait3A_163 = tpu.memref_slice %arg5[%dma_wait3A_162] : memref<80000xi32, #tpu.memory_space<hbm>> -> memref<40xi32, #tpu.memory_space<hbm>>
      tpu.wait_dma2 semaphore(%arg14 : memref<!tpu.dma_semaphore, #tpu.memory_space<semaphore_mem>>) src(%dma_wait3A_163 : memref<40xi32, #tpu.memory_space<hbm>>) dst(%arg9 : memref<40xi32, #tpu.memory_space<vmem>>)
      %dma_wait3A_164 = arith.constant 0 : i32
      %dma_wait3A_165 = arith.constant 0 : i32
      %dma_wait3A_166 = tpu.memref_slice %arg2[%dma_wait3A_164, %dma_wait3A_165] : memref<80000x128xf32, #tpu.memory_space<hbm>> -> memref<40x128xf32, #tpu.memory_space<hbm>>
      %dma_wait3A_167 = arith.constant 0 : i32
      %dma_wait3A_168 = arith.constant 0 : i32
      %dma_wait3A_169 = tpu.memref_slice %arg2[%dma_wait3A_167, %dma_wait3A_168] : memref<80000x128xf32, #tpu.memory_space<hbm>> -> memref<40x128xf32, #tpu.memory_space<hbm>>
      tpu.wait_dma2 semaphore(%arg16 : memref<!tpu.dma_semaphore, #tpu.memory_space<semaphore_mem>>) src(%dma_wait3A_169 : memref<40x128xf32, #tpu.memory_space<hbm>>) dst(%arg11 : memref<40x128xf32, #tpu.memory_space<vmem>>)
      "tpu.region"() ({
        %run_scoped3A = tpu.sem_alloc : memref<!tpu.dma_semaphore, #tpu.memory_space<semaphore_mem>>
        %dma_start3A_170 = arith.constant 0 : i32
        %dma_start3A_171 = arith.constant 0 : i32
        %dma_start3A_172 = tpu.memref_slice %arg12[%dma_start3A_170, %dma_start3A_171] : memref<10000x128xf32, #tpu.memory_space<vmem_shared>> -> memref<10000x128xf32, #tpu.memory_space<vmem_shared>>
        tpu.enqueue_indirect_dma source(%arg11 : memref<40x128xf32, #tpu.memory_space<vmem>>) target(%dma_start3A_172 : memref<10000x128xf32, #tpu.memory_space<vmem_shared>>) offsets(%arg9 : memref<40xi32, #tpu.memory_space<vmem>>) semaphore(%run_scoped3A : memref<!tpu.dma_semaphore, #tpu.memory_space<semaphore_mem>>) {add = true}
        %dma_wait3A_173 = arith.constant 0 : i32
        %dma_wait3A_174 = arith.constant 0 : i32
        %dma_wait3A_175 = tpu.memref_slice %arg12[%dma_wait3A_173, %dma_wait3A_174] : memref<10000x128xf32, #tpu.memory_space<vmem_shared>> -> memref<10000x128xf32, #tpu.memory_space<vmem_shared>>
        tpu.wait_indirect_dma semaphore(%run_scoped3A : memref<!tpu.dma_semaphore, #tpu.memory_space<semaphore_mem>>) src(%arg11 : memref<40x128xf32, #tpu.memory_space<vmem>>) dst(%dma_wait3A_175 : memref<10000x128xf32, #tpu.memory_space<vmem_shared>>)
        tpu.yield
      }) : () -> ()
    }
    %scan3A_42 = arith.constant 30 : i32
    %add3A_43 = arith.constant 1952 : i32
    %add3A_44 = arith.addi %add3A, %add3A_43 : i32
    %mul3A_45 = arith.constant 40 : i32
    %mul3A_46 = arith.muli %add3A_44, %mul3A_45 : i32
    %multiple_of3A_47 = tpu.assume_multiple %mul3A_46, 8 : i32
    %dma_start3A_48 = tpu.memref_slice %arg5[%multiple_of3A_47] : memref<80000xi32, #tpu.memory_space<hbm>> -> memref<40xi32, #tpu.memory_space<hbm>>
    %dma_start3A_49 = tpu.memref_slice %arg5[%multiple_of3A_47] : memref<80000xi32, #tpu.memory_space<hbm>> -> memref<40xi32, #tpu.memory_space<hbm>>
    tpu.enqueue_dma source(%dma_start3A_49 : memref<40xi32, #tpu.memory_space<hbm>>) target(%arg9 : memref<40xi32, #tpu.memory_space<vmem>>) target_semaphore(%arg14 : memref<!tpu.dma_semaphore, #tpu.memory_space<semaphore_mem>>)
    %dma_start3A_50 = arith.constant 0 : i32
    %dma_start3A_51 = tpu.memref_slice %arg2[%multiple_of3A_47, %dma_start3A_50] : memref<80000x128xf32, #tpu.memory_space<hbm>> -> memref<40x128xf32, #tpu.memory_space<hbm>>
    %dma_start3A_52 = arith.constant 0 : i32
    %dma_start3A_53 = tpu.memref_slice %arg2[%multiple_of3A_47, %dma_start3A_52] : memref<80000x128xf32, #tpu.memory_space<hbm>> -> memref<40x128xf32, #tpu.memory_space<hbm>>
    tpu.enqueue_dma source(%dma_start3A_53 : memref<40x128xf32, #tpu.memory_space<hbm>>) target(%arg11 : memref<40x128xf32, #tpu.memory_space<vmem>>) target_semaphore(%arg16 : memref<!tpu.dma_semaphore, #tpu.memory_space<semaphore_mem>>)
    %dma_wait3A = arith.constant 0 : i32
    %dma_wait3A_54 = tpu.memref_slice %arg5[%dma_wait3A] : memref<80000xi32, #tpu.memory_space<hbm>> -> memref<40xi32, #tpu.memory_space<hbm>>
    %dma_wait3A_55 = arith.constant 0 : i32
    %dma_wait3A_56 = tpu.memref_slice %arg5[%dma_wait3A_55] : memref<80000xi32, #tpu.memory_space<hbm>> -> memref<40xi32, #tpu.memory_space<hbm>>
    tpu.wait_dma2 semaphore(%arg13 : memref<!tpu.dma_semaphore, #tpu.memory_space<semaphore_mem>>) src(%dma_wait3A_56 : memref<40xi32, #tpu.memory_space<hbm>>) dst(%arg8 : memref<40xi32, #tpu.memory_space<vmem>>)
    %dma_wait3A_57 = arith.constant 0 : i32
    %dma_wait3A_58 = arith.constant 0 : i32
    %dma_wait3A_59 = tpu.memref_slice %arg2[%dma_wait3A_57, %dma_wait3A_58] : memref<80000x128xf32, #tpu.memory_space<hbm>> -> memref<40x128xf32, #tpu.memory_space<hbm>>
    %dma_wait3A_60 = arith.constant 0 : i32
    %dma_wait3A_61 = arith.constant 0 : i32
    %dma_wait3A_62 = tpu.memref_slice %arg2[%dma_wait3A_60, %dma_wait3A_61] : memref<80000x128xf32, #tpu.memory_space<hbm>> -> memref<40x128xf32, #tpu.memory_space<hbm>>
    tpu.wait_dma2 semaphore(%arg15 : memref<!tpu.dma_semaphore, #tpu.memory_space<semaphore_mem>>) src(%dma_wait3A_62 : memref<40x128xf32, #tpu.memory_space<hbm>>) dst(%arg10 : memref<40x128xf32, #tpu.memory_space<vmem>>)
    "tpu.region"() ({
      %run_scoped3A = tpu.sem_alloc : memref<!tpu.dma_semaphore, #tpu.memory_space<semaphore_mem>>
      %dma_start3A_111 = arith.constant 0 : i32
      %dma_start3A_112 = arith.constant 0 : i32
      %dma_start3A_113 = tpu.memref_slice %arg12[%dma_start3A_111, %dma_start3A_112] : memref<10000x128xf32, #tpu.memory_space<vmem_shared>> -> memref<10000x128xf32, #tpu.memory_space<vmem_shared>>
      tpu.enqueue_indirect_dma source(%arg10 : memref<40x128xf32, #tpu.memory_space<vmem>>) target(%dma_start3A_113 : memref<10000x128xf32, #tpu.memory_space<vmem_shared>>) offsets(%arg8 : memref<40xi32, #tpu.memory_space<vmem>>) semaphore(%run_scoped3A : memref<!tpu.dma_semaphore, #tpu.memory_space<semaphore_mem>>) {add = true}
      %dma_wait3A_114 = arith.constant 0 : i32
      %dma_wait3A_115 = arith.constant 0 : i32
      %dma_wait3A_116 = tpu.memref_slice %arg12[%dma_wait3A_114, %dma_wait3A_115] : memref<10000x128xf32, #tpu.memory_space<vmem_shared>> -> memref<10000x128xf32, #tpu.memory_space<vmem_shared>>
      tpu.wait_indirect_dma semaphore(%run_scoped3A : memref<!tpu.dma_semaphore, #tpu.memory_space<semaphore_mem>>) src(%arg10 : memref<40x128xf32, #tpu.memory_space<vmem>>) dst(%dma_wait3A_116 : memref<10000x128xf32, #tpu.memory_space<vmem_shared>>)
      tpu.yield
    }) : () -> ()
    %dma_wait3A_63 = arith.constant 0 : i32
    %dma_wait3A_64 = tpu.memref_slice %arg5[%dma_wait3A_63] : memref<80000xi32, #tpu.memory_space<hbm>> -> memref<40xi32, #tpu.memory_space<hbm>>
    %dma_wait3A_65 = arith.constant 0 : i32
    %dma_wait3A_66 = tpu.memref_slice %arg5[%dma_wait3A_65] : memref<80000xi32, #tpu.memory_space<hbm>> -> memref<40xi32, #tpu.memory_space<hbm>>
    tpu.wait_dma2 semaphore(%arg14 : memref<!tpu.dma_semaphore, #tpu.memory_space<semaphore_mem>>) src(%dma_wait3A_66 : memref<40xi32, #tpu.memory_space<hbm>>) dst(%arg9 : memref<40xi32, #tpu.memory_space<vmem>>)
    %dma_wait3A_67 = arith.constant 0 : i32
    %dma_wait3A_68 = arith.constant 0 : i32
    %dma_wait3A_69 = tpu.memref_slice %arg2[%dma_wait3A_67, %dma_wait3A_68] : memref<80000x128xf32, #tpu.memory_space<hbm>> -> memref<40x128xf32, #tpu.memory_space<hbm>>
    %dma_wait3A_70 = arith.constant 0 : i32
    %dma_wait3A_71 = arith.constant 0 : i32
    %dma_wait3A_72 = tpu.memref_slice %arg2[%dma_wait3A_70, %dma_wait3A_71] : memref<80000x128xf32, #tpu.memory_space<hbm>> -> memref<40x128xf32, #tpu.memory_space<hbm>>
    tpu.wait_dma2 semaphore(%arg16 : memref<!tpu.dma_semaphore, #tpu.memory_space<semaphore_mem>>) src(%dma_wait3A_72 : memref<40x128xf32, #tpu.memory_space<hbm>>) dst(%arg11 : memref<40x128xf32, #tpu.memory_space<vmem>>)
    "tpu.region"() ({
      %run_scoped3A = tpu.sem_alloc : memref<!tpu.dma_semaphore, #tpu.memory_space<semaphore_mem>>
      %dma_start3A_111 = arith.constant 0 : i32
      %dma_start3A_112 = arith.constant 0 : i32
      %dma_start3A_113 = tpu.memref_slice %arg12[%dma_start3A_111, %dma_start3A_112] : memref<10000x128xf32, #tpu.memory_space<vmem_shared>> -> memref<10000x128xf32, #tpu.memory_space<vmem_shared>>
      tpu.enqueue_indirect_dma source(%arg11 : memref<40x128xf32, #tpu.memory_space<vmem>>) target(%dma_start3A_113 : memref<10000x128xf32, #tpu.memory_space<vmem_shared>>) offsets(%arg9 : memref<40xi32, #tpu.memory_space<vmem>>) semaphore(%run_scoped3A : memref<!tpu.dma_semaphore, #tpu.memory_space<semaphore_mem>>) {add = true}
      %dma_wait3A_114 = arith.constant 0 : i32
      %dma_wait3A_115 = arith.constant 0 : i32
      %dma_wait3A_116 = tpu.memref_slice %arg12[%dma_wait3A_114, %dma_wait3A_115] : memref<10000x128xf32, #tpu.memory_space<vmem_shared>> -> memref<10000x128xf32, #tpu.memory_space<vmem_shared>>
      tpu.wait_indirect_dma semaphore(%run_scoped3A : memref<!tpu.dma_semaphore, #tpu.memory_space<semaphore_mem>>) src(%arg11 : memref<40x128xf32, #tpu.memory_space<vmem>>) dst(%dma_wait3A_116 : memref<10000x128xf32, #tpu.memory_space<vmem_shared>>)
      tpu.yield
    }) : () -> ()
    %lt3A_73 = arith.constant 16 : i32
    %lt3A_74 = arith.cmpi slt, %add3A, %lt3A_73 : i32
    %convert_element_type3A_75 = arith.extui %lt3A_74 : i1 to i32
    %cond3A_76 = arith.constant 0 : i32
    %cond3A_77 = arith.cmpi ne, %convert_element_type3A_75, %cond3A_76 : i32
    scf.if %cond3A_77 {
      %add3A_111 = arith.constant 1984 : i32
      %add3A_112 = arith.addi %add3A, %add3A_111 : i32
      %mul3A_113 = arith.constant 40 : i32
      %mul3A_114 = arith.muli %add3A_112, %mul3A_113 : i32
      %multiple_of3A_115 = tpu.assume_multiple %mul3A_114, 8 : i32
      %dma_start3A_116 = tpu.memref_slice %arg5[%multiple_of3A_115] : memref<80000xi32, #tpu.memory_space<hbm>> -> memref<40xi32, #tpu.memory_space<hbm>>
      %dma_start3A_117 = tpu.memref_slice %arg5[%multiple_of3A_115] : memref<80000xi32, #tpu.memory_space<hbm>> -> memref<40xi32, #tpu.memory_space<hbm>>
      tpu.enqueue_dma source(%dma_start3A_117 : memref<40xi32, #tpu.memory_space<hbm>>) target(%arg8 : memref<40xi32, #tpu.memory_space<vmem>>) target_semaphore(%arg13 : memref<!tpu.dma_semaphore, #tpu.memory_space<semaphore_mem>>)
      %dma_start3A_118 = arith.constant 0 : i32
      %dma_start3A_119 = tpu.memref_slice %arg2[%multiple_of3A_115, %dma_start3A_118] : memref<80000x128xf32, #tpu.memory_space<hbm>> -> memref<40x128xf32, #tpu.memory_space<hbm>>
      %dma_start3A_120 = arith.constant 0 : i32
      %dma_start3A_121 = tpu.memref_slice %arg2[%multiple_of3A_115, %dma_start3A_120] : memref<80000x128xf32, #tpu.memory_space<hbm>> -> memref<40x128xf32, #tpu.memory_space<hbm>>
      tpu.enqueue_dma source(%dma_start3A_121 : memref<40x128xf32, #tpu.memory_space<hbm>>) target(%arg10 : memref<40x128xf32, #tpu.memory_space<vmem>>) target_semaphore(%arg15 : memref<!tpu.dma_semaphore, #tpu.memory_space<semaphore_mem>>)
      %dma_wait3A_122 = arith.constant 0 : i32
      %dma_wait3A_123 = tpu.memref_slice %arg5[%dma_wait3A_122] : memref<80000xi32, #tpu.memory_space<hbm>> -> memref<40xi32, #tpu.memory_space<hbm>>
      %dma_wait3A_124 = arith.constant 0 : i32
      %dma_wait3A_125 = tpu.memref_slice %arg5[%dma_wait3A_124] : memref<80000xi32, #tpu.memory_space<hbm>> -> memref<40xi32, #tpu.memory_space<hbm>>
      tpu.wait_dma2 semaphore(%arg13 : memref<!tpu.dma_semaphore, #tpu.memory_space<semaphore_mem>>) src(%dma_wait3A_125 : memref<40xi32, #tpu.memory_space<hbm>>) dst(%arg8 : memref<40xi32, #tpu.memory_space<vmem>>)
      %dma_wait3A_126 = arith.constant 0 : i32
      %dma_wait3A_127 = arith.constant 0 : i32
      %dma_wait3A_128 = tpu.memref_slice %arg2[%dma_wait3A_126, %dma_wait3A_127] : memref<80000x128xf32, #tpu.memory_space<hbm>> -> memref<40x128xf32, #tpu.memory_space<hbm>>
      %dma_wait3A_129 = arith.constant 0 : i32
      %dma_wait3A_130 = arith.constant 0 : i32
      %dma_wait3A_131 = tpu.memref_slice %arg2[%dma_wait3A_129, %dma_wait3A_130] : memref<80000x128xf32, #tpu.memory_space<hbm>> -> memref<40x128xf32, #tpu.memory_space<hbm>>
      tpu.wait_dma2 semaphore(%arg15 : memref<!tpu.dma_semaphore, #tpu.memory_space<semaphore_mem>>) src(%dma_wait3A_131 : memref<40x128xf32, #tpu.memory_space<hbm>>) dst(%arg10 : memref<40x128xf32, #tpu.memory_space<vmem>>)
      "tpu.region"() ({
        %run_scoped3A = tpu.sem_alloc : memref<!tpu.dma_semaphore, #tpu.memory_space<semaphore_mem>>
        %dma_start3A_132 = arith.constant 0 : i32
        %dma_start3A_133 = arith.constant 0 : i32
        %dma_start3A_134 = tpu.memref_slice %arg12[%dma_start3A_132, %dma_start3A_133] : memref<10000x128xf32, #tpu.memory_space<vmem_shared>> -> memref<10000x128xf32, #tpu.memory_space<vmem_shared>>
        tpu.enqueue_indirect_dma source(%arg10 : memref<40x128xf32, #tpu.memory_space<vmem>>) target(%dma_start3A_134 : memref<10000x128xf32, #tpu.memory_space<vmem_shared>>) offsets(%arg8 : memref<40xi32, #tpu.memory_space<vmem>>) semaphore(%run_scoped3A : memref<!tpu.dma_semaphore, #tpu.memory_space<semaphore_mem>>) {add = true}
        %dma_wait3A_135 = arith.constant 0 : i32
        %dma_wait3A_136 = arith.constant 0 : i32
        %dma_wait3A_137 = tpu.memref_slice %arg12[%dma_wait3A_135, %dma_wait3A_136] : memref<10000x128xf32, #tpu.memory_space<vmem_shared>> -> memref<10000x128xf32, #tpu.memory_space<vmem_shared>>
        tpu.wait_indirect_dma semaphore(%run_scoped3A : memref<!tpu.dma_semaphore, #tpu.memory_space<semaphore_mem>>) src(%arg10 : memref<40x128xf32, #tpu.memory_space<vmem>>) dst(%dma_wait3A_137 : memref<10000x128xf32, #tpu.memory_space<vmem_shared>>)
        tpu.yield
      }) : () -> ()
    } else {
    }
    %barrier3A_78 = arith.constant 0 : index
    tpu.barrier barrier_id(%barrier3A_78)
    %eq3A_79 = arith.constant 0 : i32
    %eq3A_80 = arith.cmpi eq, %arg0, %eq3A_79 : i32
    %lt3A_81 = arith.constant 15 : i32
    %lt3A_82 = arith.cmpi slt, %arg1, %lt3A_81 : i32
    %and3A_83 = arith.andi %eq3A_80, %lt3A_82 : i1
    %convert_element_type3A_84 = arith.extui %and3A_83 : i1 to i32
    %cond3A_85 = arith.constant 0 : i32
    %cond3A_86 = arith.cmpi ne, %convert_element_type3A_84, %cond3A_85 : i32
    scf.if %cond3A_86 {
      "tpu.region"() ({
        %run_scoped3A = tpu.sem_alloc : memref<!tpu.dma_semaphore, #tpu.memory_space<semaphore_mem>>
        %dma_start3A_111 = arith.constant 0 : i32
        %dma_start3A_112 = tpu.memref_slice %arg6[%mul3A_2, %dma_start3A_111] : memref<10000x128xf32, #tpu.memory_space<hbm>> -> memref<640x128xf32, #tpu.memory_space<hbm>>
        %dma_start3A_113 = arith.constant 0 : i32
        %dma_start3A_114 = tpu.memref_slice %arg12[%mul3A_2, %dma_start3A_113] : memref<10000x128xf32, #tpu.memory_space<vmem_shared>> -> memref<640x128xf32, #tpu.memory_space<vmem_shared>>
        tpu.enqueue_dma source(%dma_start3A_114 : memref<640x128xf32, #tpu.memory_space<vmem_shared>>) target(%dma_start3A_112 : memref<640x128xf32, #tpu.memory_space<hbm>>) target_semaphore(%run_scoped3A : memref<!tpu.dma_semaphore, #tpu.memory_space<semaphore_mem>>)
        %dma_wait3A_115 = arith.constant 0 : i32
        %dma_wait3A_116 = tpu.memref_slice %arg6[%mul3A_2, %dma_wait3A_115] : memref<10000x128xf32, #tpu.memory_space<hbm>> -> memref<640x128xf32, #tpu.memory_space<hbm>>
        %dma_wait3A_117 = arith.constant 0 : i32
        %dma_wait3A_118 = tpu.memref_slice %arg12[%mul3A_2, %dma_wait3A_117] : memref<10000x128xf32, #tpu.memory_space<vmem_shared>> -> memref<640x128xf32, #tpu.memory_space<vmem_shared>>
        tpu.wait_dma2 semaphore(%run_scoped3A : memref<!tpu.dma_semaphore, #tpu.memory_space<semaphore_mem>>) src(%dma_wait3A_118 : memref<640x128xf32, #tpu.memory_space<vmem_shared>>) dst(%dma_wait3A_116 : memref<640x128xf32, #tpu.memory_space<hbm>>)
        tpu.yield
      }) : () -> ()
    } else {
    }
    %eq3A_87 = arith.constant 0 : i32
    %eq3A_88 = arith.cmpi eq, %arg0, %eq3A_87 : i32
    %eq3A_89 = arith.constant 15 : i32
    %eq3A_90 = arith.cmpi eq, %arg1, %eq3A_89 : i32
    %and3A_91 = arith.andi %eq3A_88, %eq3A_90 : i1
    %convert_element_type3A_92 = arith.extui %and3A_91 : i1 to i32
    %cond3A_93 = arith.constant 0 : i32
    %cond3A_94 = arith.cmpi ne, %convert_element_type3A_92, %cond3A_93 : i32
    scf.if %cond3A_94 {
      "tpu.region"() ({
        %run_scoped3A = tpu.sem_alloc : memref<!tpu.dma_semaphore, #tpu.memory_space<semaphore_mem>>
        %dma_start3A_111 = arith.constant 0 : i32
        %dma_start3A_112 = tpu.memref_slice %arg6[%mul3A_2, %dma_start3A_111] : memref<10000x128xf32, #tpu.memory_space<hbm>> -> memref<400x128xf32, #tpu.memory_space<hbm>>
        %dma_start3A_113 = arith.constant 0 : i32
        %dma_start3A_114 = tpu.memref_slice %arg12[%mul3A_2, %dma_start3A_113] : memref<10000x128xf32, #tpu.memory_space<vmem_shared>> -> memref<400x128xf32, #tpu.memory_space<vmem_shared>>
        tpu.enqueue_dma source(%dma_start3A_114 : memref<400x128xf32, #tpu.memory_space<vmem_shared>>) target(%dma_start3A_112 : memref<400x128xf32, #tpu.memory_space<hbm>>) target_semaphore(%run_scoped3A : memref<!tpu.dma_semaphore, #tpu.memory_space<semaphore_mem>>)
        %dma_wait3A_115 = arith.constant 0 : i32
        %dma_wait3A_116 = tpu.memref_slice %arg6[%mul3A_2, %dma_wait3A_115] : memref<10000x128xf32, #tpu.memory_space<hbm>> -> memref<400x128xf32, #tpu.memory_space<hbm>>
        %dma_wait3A_117 = arith.constant 0 : i32
        %dma_wait3A_118 = tpu.memref_slice %arg12[%mul3A_2, %dma_wait3A_117] : memref<10000x128xf32, #tpu.memory_space<vmem_shared>> -> memref<400x128xf32, #tpu.memory_space<vmem_shared>>
        tpu.wait_dma2 semaphore(%run_scoped3A : memref<!tpu.dma_semaphore, #tpu.memory_space<semaphore_mem>>) src(%dma_wait3A_118 : memref<400x128xf32, #tpu.memory_space<vmem_shared>>) dst(%dma_wait3A_116 : memref<400x128xf32, #tpu.memory_space<hbm>>)
        tpu.yield
      }) : () -> ()
    } else {
    }
    %ne3A_95 = arith.constant 0 : i32
    %ne3A_96 = arith.cmpi ne, %arg0, %ne3A_95 : i32
    %lt3A_97 = arith.constant 15 : i32
    %lt3A_98 = arith.cmpi slt, %arg1, %lt3A_97 : i32
    %and3A_99 = arith.andi %ne3A_96, %lt3A_98 : i1
    %convert_element_type3A_100 = arith.extui %and3A_99 : i1 to i32
    %cond3A_101 = arith.constant 0 : i32
    %cond3A_102 = arith.cmpi ne, %convert_element_type3A_100, %cond3A_101 : i32
    scf.if %cond3A_102 {
      "tpu.region"() ({
        %run_scoped3A = tpu.sem_alloc : memref<!tpu.dma_semaphore, #tpu.memory_space<semaphore_mem>>
        %dma_start3A_111 = arith.constant 0 : i32
        %dma_start3A_112 = tpu.memref_slice %arg7[%mul3A_2, %dma_start3A_111] : memref<10000x128xf32, #tpu.memory_space<hbm>> -> memref<640x128xf32, #tpu.memory_space<hbm>>
        %dma_start3A_113 = arith.constant 0 : i32
        %dma_start3A_114 = tpu.memref_slice %arg12[%mul3A_2, %dma_start3A_113] : memref<10000x128xf32, #tpu.memory_space<vmem_shared>> -> memref<640x128xf32, #tpu.memory_space<vmem_shared>>
        tpu.enqueue_dma source(%dma_start3A_114 : memref<640x128xf32, #tpu.memory_space<vmem_shared>>) target(%dma_start3A_112 : memref<640x128xf32, #tpu.memory_space<hbm>>) target_semaphore(%run_scoped3A : memref<!tpu.dma_semaphore, #tpu.memory_space<semaphore_mem>>)
        %dma_wait3A_115 = arith.constant 0 : i32
        %dma_wait3A_116 = tpu.memref_slice %arg7[%mul3A_2, %dma_wait3A_115] : memref<10000x128xf32, #tpu.memory_space<hbm>> -> memref<640x128xf32, #tpu.memory_space<hbm>>
        %dma_wait3A_117 = arith.constant 0 : i32
        %dma_wait3A_118 = tpu.memref_slice %arg12[%mul3A_2, %dma_wait3A_117] : memref<10000x128xf32, #tpu.memory_space<vmem_shared>> -> memref<640x128xf32, #tpu.memory_space<vmem_shared>>
        tpu.wait_dma2 semaphore(%run_scoped3A : memref<!tpu.dma_semaphore, #tpu.memory_space<semaphore_mem>>) src(%dma_wait3A_118 : memref<640x128xf32, #tpu.memory_space<vmem_shared>>) dst(%dma_wait3A_116 : memref<640x128xf32, #tpu.memory_space<hbm>>)
        tpu.yield
      }) : () -> ()
    } else {
    }
    %ne3A_103 = arith.constant 0 : i32
    %ne3A_104 = arith.cmpi ne, %arg0, %ne3A_103 : i32
    %eq3A_105 = arith.constant 15 : i32
    %eq3A_106 = arith.cmpi eq, %arg1, %eq3A_105 : i32
    %and3A_107 = arith.andi %ne3A_104, %eq3A_106 : i1
    %convert_element_type3A_108 = arith.extui %and3A_107 : i1 to i32
    %cond3A_109 = arith.constant 0 : i32
    %cond3A_110 = arith.cmpi ne, %convert_element_type3A_108, %cond3A_109 : i32
    scf.if %cond3A_110 {
      "tpu.region"() ({
        %run_scoped3A = tpu.sem_alloc : memref<!tpu.dma_semaphore, #tpu.memory_space<semaphore_mem>>
        %dma_start3A_111 = arith.constant 0 : i32
        %dma_start3A_112 = tpu.memref_slice %arg7[%mul3A_2, %dma_start3A_111] : memref<10000x128xf32, #tpu.memory_space<hbm>> -> memref<400x128xf32, #tpu.memory_space<hbm>>
        %dma_start3A_113 = arith.constant 0 : i32
        %dma_start3A_114 = tpu.memref_slice %arg12[%mul3A_2, %dma_start3A_113] : memref<10000x128xf32, #tpu.memory_space<vmem_shared>> -> memref<400x128xf32, #tpu.memory_space<vmem_shared>>
        tpu.enqueue_dma source(%dma_start3A_114 : memref<400x128xf32, #tpu.memory_space<vmem_shared>>) target(%dma_start3A_112 : memref<400x128xf32, #tpu.memory_space<hbm>>) target_semaphore(%run_scoped3A : memref<!tpu.dma_semaphore, #tpu.memory_space<semaphore_mem>>)
        %dma_wait3A_115 = arith.constant 0 : i32
        %dma_wait3A_116 = tpu.memref_slice %arg7[%mul3A_2, %dma_wait3A_115] : memref<10000x128xf32, #tpu.memory_space<hbm>> -> memref<400x128xf32, #tpu.memory_space<hbm>>
        %dma_wait3A_117 = arith.constant 0 : i32
        %dma_wait3A_118 = tpu.memref_slice %arg12[%mul3A_2, %dma_wait3A_117] : memref<10000x128xf32, #tpu.memory_space<vmem_shared>> -> memref<400x128xf32, #tpu.memory_space<vmem_shared>>
        tpu.wait_dma2 semaphore(%run_scoped3A : memref<!tpu.dma_semaphore, #tpu.memory_space<semaphore_mem>>) src(%dma_wait3A_118 : memref<400x128xf32, #tpu.memory_space<vmem_shared>>) dst(%dma_wait3A_116 : memref<400x128xf32, #tpu.memory_space<hbm>>)
        tpu.yield
      }) : () -> ()
    } else {
    }
    return
  }
}

#map = affine_map<(d0, d1) -> (0, 0)>
#map1 = affine_map<(d0, d1) -> (0)>
module attributes {stable_mosaic.version = 14 : i64} {
  func.func @_gather_body(%arg0: i32, %arg1: i32, %arg2: memref<10000x128xf32, #tpu.memory_space<hbm>>, %arg3: memref<80000xi32, #tpu.memory_space<hbm>>, %arg4: memref<80000xi32, #tpu.memory_space<hbm>>, %arg5: memref<80000x128xf32, #tpu.memory_space<hbm>>, %arg6: memref<80000x128xf32, #tpu.memory_space<hbm>>, %arg7: memref<2x128xi32, #tpu.memory_space<vmem>>, %arg8: memref<2x128xi32, #tpu.memory_space<vmem>>, %arg9: memref<128x128xf32, #tpu.memory_space<vmem>>, %arg10: memref<128x128xf32, #tpu.memory_space<vmem>>, %arg11: memref<128x128xf32, #tpu.memory_space<vmem>>, %arg12: memref<128x128xf32, #tpu.memory_space<vmem>>, %arg13: memref<!tpu.dma_semaphore, #tpu.memory_space<semaphore_mem>>, %arg14: memref<!tpu.dma_semaphore, #tpu.memory_space<semaphore_mem>>, %arg15: memref<!tpu.dma_semaphore, #tpu.memory_space<semaphore_mem>>, %arg16: memref<!tpu.dma_semaphore, #tpu.memory_space<semaphore_mem>>) attributes {dimension_semantics = [#tpu.dimension_semantics<core_parallel>, #tpu.dimension_semantics<subcore_parallel>], iteration_bounds = array<i64: 2, 16>, scalar_prefetch = 0 : i64, scratch_operands = 10 : i64, tpu.core_type = #tpu.core_type<sc_vector_subcore>, window_params = [{transform_indices = #map}, {transform_indices = #map1}, {transform_indices = #map1}, {transform_indices = #map}, {transform_indices = #map}]} {
    %mul3A = arith.constant 16 : i32
    %mul3A_0 = arith.muli %arg0, %mul3A : i32
    %add3A = arith.addi %mul3A_0, %arg1 : i32
    %add3A_1 = arith.constant 0 : i32
    %add3A_2 = arith.addi %add3A, %add3A_1 : i32
    %mul3A_3 = arith.constant 128 : i32
    %mul3A_4 = arith.muli %add3A_2, %mul3A_3 : i32
    %multiple_of3A = tpu.assume_multiple %mul3A_4, 8 : i32
    %run_scoped3A = arith.constant 0 : i32
    "tpu.region"() ({
      %run_scoped3A_44 = tpu.sem_alloc : memref<!tpu.dma_semaphore, #tpu.memory_space<semaphore_mem>>
      %dma_start3A_45 = arith.constant 0 : i32
      %dma_start3A_46 = tpu.memref_slice %arg7[%run_scoped3A, %dma_start3A_45] : memref<2x128xi32, #tpu.memory_space<vmem>> -> memref<1x128xi32, #tpu.memory_space<vmem>>
      %dma_start3A_47 = tpu.memref_squeeze %dma_start3A_46 : memref<1x128xi32, #tpu.memory_space<vmem>> -> memref<128xi32, #tpu.memory_space<vmem>>
      %dma_start3A_48 = tpu.memref_slice %arg3[%multiple_of3A] : memref<80000xi32, #tpu.memory_space<hbm>> -> memref<128xi32, #tpu.memory_space<hbm>>
      %dma_start3A_49 = arith.constant 0 : i32
      %dma_start3A_50 = tpu.memref_slice %arg7[%run_scoped3A, %dma_start3A_49] : memref<2x128xi32, #tpu.memory_space<vmem>> -> memref<1x128xi32, #tpu.memory_space<vmem>>
      %dma_start3A_51 = tpu.memref_squeeze %dma_start3A_50 : memref<1x128xi32, #tpu.memory_space<vmem>> -> memref<128xi32, #tpu.memory_space<vmem>>
      %dma_start3A_52 = tpu.memref_slice %arg3[%multiple_of3A] : memref<80000xi32, #tpu.memory_space<hbm>> -> memref<128xi32, #tpu.memory_space<hbm>>
      tpu.enqueue_dma source(%dma_start3A_52 : memref<128xi32, #tpu.memory_space<hbm>>) target(%dma_start3A_51 : memref<128xi32, #tpu.memory_space<vmem>>) target_semaphore(%run_scoped3A_44 : memref<!tpu.dma_semaphore, #tpu.memory_space<semaphore_mem>>)
      %dma_wait3A_53 = arith.constant 0 : i32
      %dma_wait3A_54 = tpu.memref_slice %arg7[%run_scoped3A, %dma_wait3A_53] : memref<2x128xi32, #tpu.memory_space<vmem>> -> memref<1x128xi32, #tpu.memory_space<vmem>>
      %dma_wait3A_55 = tpu.memref_squeeze %dma_wait3A_54 : memref<1x128xi32, #tpu.memory_space<vmem>> -> memref<128xi32, #tpu.memory_space<vmem>>
      %dma_wait3A_56 = tpu.memref_slice %arg3[%multiple_of3A] : memref<80000xi32, #tpu.memory_space<hbm>> -> memref<128xi32, #tpu.memory_space<hbm>>
      %dma_wait3A_57 = arith.constant 0 : i32
      %dma_wait3A_58 = tpu.memref_slice %arg7[%run_scoped3A, %dma_wait3A_57] : memref<2x128xi32, #tpu.memory_space<vmem>> -> memref<1x128xi32, #tpu.memory_space<vmem>>
      %dma_wait3A_59 = tpu.memref_squeeze %dma_wait3A_58 : memref<1x128xi32, #tpu.memory_space<vmem>> -> memref<128xi32, #tpu.memory_space<vmem>>
      %dma_wait3A_60 = tpu.memref_slice %arg3[%multiple_of3A] : memref<80000xi32, #tpu.memory_space<hbm>> -> memref<128xi32, #tpu.memory_space<hbm>>
      tpu.wait_dma2 semaphore(%run_scoped3A_44 : memref<!tpu.dma_semaphore, #tpu.memory_space<semaphore_mem>>) src(%dma_wait3A_60 : memref<128xi32, #tpu.memory_space<hbm>>) dst(%dma_wait3A_59 : memref<128xi32, #tpu.memory_space<vmem>>)
      tpu.yield
    }) : () -> ()
    %run_scoped3A_5 = arith.constant 1 : i32
    "tpu.region"() ({
      %run_scoped3A_44 = tpu.sem_alloc : memref<!tpu.dma_semaphore, #tpu.memory_space<semaphore_mem>>
      %dma_start3A_45 = arith.constant 0 : i32
      %dma_start3A_46 = tpu.memref_slice %arg7[%run_scoped3A_5, %dma_start3A_45] : memref<2x128xi32, #tpu.memory_space<vmem>> -> memref<1x128xi32, #tpu.memory_space<vmem>>
      %dma_start3A_47 = tpu.memref_squeeze %dma_start3A_46 : memref<1x128xi32, #tpu.memory_space<vmem>> -> memref<128xi32, #tpu.memory_space<vmem>>
      %dma_start3A_48 = tpu.memref_slice %arg4[%multiple_of3A] : memref<80000xi32, #tpu.memory_space<hbm>> -> memref<128xi32, #tpu.memory_space<hbm>>
      %dma_start3A_49 = arith.constant 0 : i32
      %dma_start3A_50 = tpu.memref_slice %arg7[%run_scoped3A_5, %dma_start3A_49] : memref<2x128xi32, #tpu.memory_space<vmem>> -> memref<1x128xi32, #tpu.memory_space<vmem>>
      %dma_start3A_51 = tpu.memref_squeeze %dma_start3A_50 : memref<1x128xi32, #tpu.memory_space<vmem>> -> memref<128xi32, #tpu.memory_space<vmem>>
      %dma_start3A_52 = tpu.memref_slice %arg4[%multiple_of3A] : memref<80000xi32, #tpu.memory_space<hbm>> -> memref<128xi32, #tpu.memory_space<hbm>>
      tpu.enqueue_dma source(%dma_start3A_52 : memref<128xi32, #tpu.memory_space<hbm>>) target(%dma_start3A_51 : memref<128xi32, #tpu.memory_space<vmem>>) target_semaphore(%run_scoped3A_44 : memref<!tpu.dma_semaphore, #tpu.memory_space<semaphore_mem>>)
      %dma_wait3A_53 = arith.constant 0 : i32
      %dma_wait3A_54 = tpu.memref_slice %arg7[%run_scoped3A_5, %dma_wait3A_53] : memref<2x128xi32, #tpu.memory_space<vmem>> -> memref<1x128xi32, #tpu.memory_space<vmem>>
      %dma_wait3A_55 = tpu.memref_squeeze %dma_wait3A_54 : memref<1x128xi32, #tpu.memory_space<vmem>> -> memref<128xi32, #tpu.memory_space<vmem>>
      %dma_wait3A_56 = tpu.memref_slice %arg4[%multiple_of3A] : memref<80000xi32, #tpu.memory_space<hbm>> -> memref<128xi32, #tpu.memory_space<hbm>>
      %dma_wait3A_57 = arith.constant 0 : i32
      %dma_wait3A_58 = tpu.memref_slice %arg7[%run_scoped3A_5, %dma_wait3A_57] : memref<2x128xi32, #tpu.memory_space<vmem>> -> memref<1x128xi32, #tpu.memory_space<vmem>>
      %dma_wait3A_59 = tpu.memref_squeeze %dma_wait3A_58 : memref<1x128xi32, #tpu.memory_space<vmem>> -> memref<128xi32, #tpu.memory_space<vmem>>
      %dma_wait3A_60 = tpu.memref_slice %arg4[%multiple_of3A] : memref<80000xi32, #tpu.memory_space<hbm>> -> memref<128xi32, #tpu.memory_space<hbm>>
      tpu.wait_dma2 semaphore(%run_scoped3A_44 : memref<!tpu.dma_semaphore, #tpu.memory_space<semaphore_mem>>) src(%dma_wait3A_60 : memref<128xi32, #tpu.memory_space<hbm>>) dst(%dma_wait3A_59 : memref<128xi32, #tpu.memory_space<vmem>>)
      tpu.yield
    }) : () -> ()
    %dma_start3A = arith.constant 0 : i32
    %dma_start3A_6 = arith.constant 0 : i32
    %dma_start3A_7 = tpu.memref_slice %arg7[%dma_start3A, %dma_start3A_6] : memref<2x128xi32, #tpu.memory_space<vmem>> -> memref<1x128xi32, #tpu.memory_space<vmem>>
    %dma_start3A_8 = tpu.memref_squeeze %dma_start3A_7 : memref<1x128xi32, #tpu.memory_space<vmem>> -> memref<128xi32, #tpu.memory_space<vmem>>
    %dma_start3A_9 = arith.constant 0 : i32
    %dma_start3A_10 = arith.constant 0 : i32
    %dma_start3A_11 = tpu.memref_slice %arg2[%dma_start3A_9, %dma_start3A_10] : memref<10000x128xf32, #tpu.memory_space<hbm>> -> memref<10000x128xf32, #tpu.memory_space<hbm>>
    tpu.enqueue_indirect_dma source(%dma_start3A_11 : memref<10000x128xf32, #tpu.memory_space<hbm>>) target(%arg9 : memref<128x128xf32, #tpu.memory_space<vmem>>) offsets(%dma_start3A_8 : memref<128xi32, #tpu.memory_space<vmem>>) semaphore(%arg13 : memref<!tpu.dma_semaphore, #tpu.memory_space<semaphore_mem>>)
    %dma_start3A_12 = arith.constant 1 : i32
    %dma_start3A_13 = arith.constant 0 : i32
    %dma_start3A_14 = tpu.memref_slice %arg7[%dma_start3A_12, %dma_start3A_13] : memref<2x128xi32, #tpu.memory_space<vmem>> -> memref<1x128xi32, #tpu.memory_space<vmem>>
    %dma_start3A_15 = tpu.memref_squeeze %dma_start3A_14 : memref<1x128xi32, #tpu.memory_space<vmem>> -> memref<128xi32, #tpu.memory_space<vmem>>
    %dma_start3A_16 = arith.constant 0 : i32
    %dma_start3A_17 = arith.constant 0 : i32
    %dma_start3A_18 = tpu.memref_slice %arg2[%dma_start3A_16, %dma_start3A_17] : memref<10000x128xf32, #tpu.memory_space<hbm>> -> memref<10000x128xf32, #tpu.memory_space<hbm>>
    tpu.enqueue_indirect_dma source(%dma_start3A_18 : memref<10000x128xf32, #tpu.memory_space<hbm>>) target(%arg11 : memref<128x128xf32, #tpu.memory_space<vmem>>) offsets(%dma_start3A_15 : memref<128xi32, #tpu.memory_space<vmem>>) semaphore(%arg15 : memref<!tpu.dma_semaphore, #tpu.memory_space<semaphore_mem>>)
    %scan3A = arith.constant 0 : i32
    %scan3A_19 = arith.constant 0 : i32
    %scan3A_20 = arith.constant 9 : i32
    %scan3A_21 = arith.addi %scan3A_19, %scan3A_20 : i32
    %scan3A_22 = arith.constant 1 : i32
    scf.for %scan3A_44 = %scan3A_19 to %scan3A_21 step %scan3A_22  : i32 {
      %mul3A_45 = arith.constant 2 : i32
      %mul3A_46 = arith.muli %mul3A_45, %scan3A_44 : i32
      %add3A_47 = arith.constant 1 : i32
      %add3A_48 = arith.addi %mul3A_46, %add3A_47 : i32
      %mul3A_49 = arith.constant 32 : i32
      %mul3A_50 = arith.muli %add3A_48, %mul3A_49 : i32
      %add3A_51 = arith.addi %add3A, %mul3A_50 : i32
      %mul3A_52 = arith.constant 128 : i32
      %mul3A_53 = arith.muli %add3A_51, %mul3A_52 : i32
      %multiple_of3A_54 = tpu.assume_multiple %mul3A_53, 8 : i32
      %run_scoped3A_55 = arith.constant 0 : i32
      "tpu.region"() ({
        %run_scoped3A_143 = tpu.sem_alloc : memref<!tpu.dma_semaphore, #tpu.memory_space<semaphore_mem>>
        %dma_start3A_144 = arith.constant 0 : i32
        %dma_start3A_145 = tpu.memref_slice %arg8[%run_scoped3A_55, %dma_start3A_144] : memref<2x128xi32, #tpu.memory_space<vmem>> -> memref<1x128xi32, #tpu.memory_space<vmem>>
        %dma_start3A_146 = tpu.memref_squeeze %dma_start3A_145 : memref<1x128xi32, #tpu.memory_space<vmem>> -> memref<128xi32, #tpu.memory_space<vmem>>
        %dma_start3A_147 = tpu.memref_slice %arg3[%multiple_of3A_54] : memref<80000xi32, #tpu.memory_space<hbm>> -> memref<128xi32, #tpu.memory_space<hbm>>
        %dma_start3A_148 = arith.constant 0 : i32
        %dma_start3A_149 = tpu.memref_slice %arg8[%run_scoped3A_55, %dma_start3A_148] : memref<2x128xi32, #tpu.memory_space<vmem>> -> memref<1x128xi32, #tpu.memory_space<vmem>>
        %dma_start3A_150 = tpu.memref_squeeze %dma_start3A_149 : memref<1x128xi32, #tpu.memory_space<vmem>> -> memref<128xi32, #tpu.memory_space<vmem>>
        %dma_start3A_151 = tpu.memref_slice %arg3[%multiple_of3A_54] : memref<80000xi32, #tpu.memory_space<hbm>> -> memref<128xi32, #tpu.memory_space<hbm>>
        tpu.enqueue_dma source(%dma_start3A_151 : memref<128xi32, #tpu.memory_space<hbm>>) target(%dma_start3A_150 : memref<128xi32, #tpu.memory_space<vmem>>) target_semaphore(%run_scoped3A_143 : memref<!tpu.dma_semaphore, #tpu.memory_space<semaphore_mem>>)
        %dma_wait3A_152 = arith.constant 0 : i32
        %dma_wait3A_153 = tpu.memref_slice %arg8[%run_scoped3A_55, %dma_wait3A_152] : memref<2x128xi32, #tpu.memory_space<vmem>> -> memref<1x128xi32, #tpu.memory_space<vmem>>
        %dma_wait3A_154 = tpu.memref_squeeze %dma_wait3A_153 : memref<1x128xi32, #tpu.memory_space<vmem>> -> memref<128xi32, #tpu.memory_space<vmem>>
        %dma_wait3A_155 = tpu.memref_slice %arg3[%multiple_of3A_54] : memref<80000xi32, #tpu.memory_space<hbm>> -> memref<128xi32, #tpu.memory_space<hbm>>
        %dma_wait3A_156 = arith.constant 0 : i32
        %dma_wait3A_157 = tpu.memref_slice %arg8[%run_scoped3A_55, %dma_wait3A_156] : memref<2x128xi32, #tpu.memory_space<vmem>> -> memref<1x128xi32, #tpu.memory_space<vmem>>
        %dma_wait3A_158 = tpu.memref_squeeze %dma_wait3A_157 : memref<1x128xi32, #tpu.memory_space<vmem>> -> memref<128xi32, #tpu.memory_space<vmem>>
        %dma_wait3A_159 = tpu.memref_slice %arg3[%multiple_of3A_54] : memref<80000xi32, #tpu.memory_space<hbm>> -> memref<128xi32, #tpu.memory_space<hbm>>
        tpu.wait_dma2 semaphore(%run_scoped3A_143 : memref<!tpu.dma_semaphore, #tpu.memory_space<semaphore_mem>>) src(%dma_wait3A_159 : memref<128xi32, #tpu.memory_space<hbm>>) dst(%dma_wait3A_158 : memref<128xi32, #tpu.memory_space<vmem>>)
        tpu.yield
      }) : () -> ()
      %run_scoped3A_56 = arith.constant 1 : i32
      "tpu.region"() ({
        %run_scoped3A_143 = tpu.sem_alloc : memref<!tpu.dma_semaphore, #tpu.memory_space<semaphore_mem>>
        %dma_start3A_144 = arith.constant 0 : i32
        %dma_start3A_145 = tpu.memref_slice %arg8[%run_scoped3A_56, %dma_start3A_144] : memref<2x128xi32, #tpu.memory_space<vmem>> -> memref<1x128xi32, #tpu.memory_space<vmem>>
        %dma_start3A_146 = tpu.memref_squeeze %dma_start3A_145 : memref<1x128xi32, #tpu.memory_space<vmem>> -> memref<128xi32, #tpu.memory_space<vmem>>
        %dma_start3A_147 = tpu.memref_slice %arg4[%multiple_of3A_54] : memref<80000xi32, #tpu.memory_space<hbm>> -> memref<128xi32, #tpu.memory_space<hbm>>
        %dma_start3A_148 = arith.constant 0 : i32
        %dma_start3A_149 = tpu.memref_slice %arg8[%run_scoped3A_56, %dma_start3A_148] : memref<2x128xi32, #tpu.memory_space<vmem>> -> memref<1x128xi32, #tpu.memory_space<vmem>>
        %dma_start3A_150 = tpu.memref_squeeze %dma_start3A_149 : memref<1x128xi32, #tpu.memory_space<vmem>> -> memref<128xi32, #tpu.memory_space<vmem>>
        %dma_start3A_151 = tpu.memref_slice %arg4[%multiple_of3A_54] : memref<80000xi32, #tpu.memory_space<hbm>> -> memref<128xi32, #tpu.memory_space<hbm>>
        tpu.enqueue_dma source(%dma_start3A_151 : memref<128xi32, #tpu.memory_space<hbm>>) target(%dma_start3A_150 : memref<128xi32, #tpu.memory_space<vmem>>) target_semaphore(%run_scoped3A_143 : memref<!tpu.dma_semaphore, #tpu.memory_space<semaphore_mem>>)
        %dma_wait3A_152 = arith.constant 0 : i32
        %dma_wait3A_153 = tpu.memref_slice %arg8[%run_scoped3A_56, %dma_wait3A_152] : memref<2x128xi32, #tpu.memory_space<vmem>> -> memref<1x128xi32, #tpu.memory_space<vmem>>
        %dma_wait3A_154 = tpu.memref_squeeze %dma_wait3A_153 : memref<1x128xi32, #tpu.memory_space<vmem>> -> memref<128xi32, #tpu.memory_space<vmem>>
        %dma_wait3A_155 = tpu.memref_slice %arg4[%multiple_of3A_54] : memref<80000xi32, #tpu.memory_space<hbm>> -> memref<128xi32, #tpu.memory_space<hbm>>
        %dma_wait3A_156 = arith.constant 0 : i32
        %dma_wait3A_157 = tpu.memref_slice %arg8[%run_scoped3A_56, %dma_wait3A_156] : memref<2x128xi32, #tpu.memory_space<vmem>> -> memref<1x128xi32, #tpu.memory_space<vmem>>
        %dma_wait3A_158 = tpu.memref_squeeze %dma_wait3A_157 : memref<1x128xi32, #tpu.memory_space<vmem>> -> memref<128xi32, #tpu.memory_space<vmem>>
        %dma_wait3A_159 = tpu.memref_slice %arg4[%multiple_of3A_54] : memref<80000xi32, #tpu.memory_space<hbm>> -> memref<128xi32, #tpu.memory_space<hbm>>
        tpu.wait_dma2 semaphore(%run_scoped3A_143 : memref<!tpu.dma_semaphore, #tpu.memory_space<semaphore_mem>>) src(%dma_wait3A_159 : memref<128xi32, #tpu.memory_space<hbm>>) dst(%dma_wait3A_158 : memref<128xi32, #tpu.memory_space<vmem>>)
        tpu.yield
      }) : () -> ()
      %dma_start3A_57 = arith.constant 0 : i32
      %dma_start3A_58 = arith.constant 0 : i32
      %dma_start3A_59 = tpu.memref_slice %arg8[%dma_start3A_57, %dma_start3A_58] : memref<2x128xi32, #tpu.memory_space<vmem>> -> memref<1x128xi32, #tpu.memory_space<vmem>>
      %dma_start3A_60 = tpu.memref_squeeze %dma_start3A_59 : memref<1x128xi32, #tpu.memory_space<vmem>> -> memref<128xi32, #tpu.memory_space<vmem>>
      %dma_start3A_61 = arith.constant 0 : i32
      %dma_start3A_62 = arith.constant 0 : i32
      %dma_start3A_63 = tpu.memref_slice %arg2[%dma_start3A_61, %dma_start3A_62] : memref<10000x128xf32, #tpu.memory_space<hbm>> -> memref<10000x128xf32, #tpu.memory_space<hbm>>
      tpu.enqueue_indirect_dma source(%dma_start3A_63 : memref<10000x128xf32, #tpu.memory_space<hbm>>) target(%arg10 : memref<128x128xf32, #tpu.memory_space<vmem>>) offsets(%dma_start3A_60 : memref<128xi32, #tpu.memory_space<vmem>>) semaphore(%arg14 : memref<!tpu.dma_semaphore, #tpu.memory_space<semaphore_mem>>)
      %dma_start3A_64 = arith.constant 1 : i32
      %dma_start3A_65 = arith.constant 0 : i32
      %dma_start3A_66 = tpu.memref_slice %arg8[%dma_start3A_64, %dma_start3A_65] : memref<2x128xi32, #tpu.memory_space<vmem>> -> memref<1x128xi32, #tpu.memory_space<vmem>>
      %dma_start3A_67 = tpu.memref_squeeze %dma_start3A_66 : memref<1x128xi32, #tpu.memory_space<vmem>> -> memref<128xi32, #tpu.memory_space<vmem>>
      %dma_start3A_68 = arith.constant 0 : i32
      %dma_start3A_69 = arith.constant 0 : i32
      %dma_start3A_70 = tpu.memref_slice %arg2[%dma_start3A_68, %dma_start3A_69] : memref<10000x128xf32, #tpu.memory_space<hbm>> -> memref<10000x128xf32, #tpu.memory_space<hbm>>
      tpu.enqueue_indirect_dma source(%dma_start3A_70 : memref<10000x128xf32, #tpu.memory_space<hbm>>) target(%arg12 : memref<128x128xf32, #tpu.memory_space<vmem>>) offsets(%dma_start3A_67 : memref<128xi32, #tpu.memory_space<vmem>>) semaphore(%arg16 : memref<!tpu.dma_semaphore, #tpu.memory_space<semaphore_mem>>)
      %mul3A_71 = arith.constant 2 : i32
      %mul3A_72 = arith.muli %mul3A_71, %scan3A_44 : i32
      %mul3A_73 = arith.constant 32 : i32
      %mul3A_74 = arith.muli %mul3A_72, %mul3A_73 : i32
      %add3A_75 = arith.addi %add3A, %mul3A_74 : i32
      %mul3A_76 = arith.constant 128 : i32
      %mul3A_77 = arith.muli %add3A_75, %mul3A_76 : i32
      %multiple_of3A_78 = tpu.assume_multiple %mul3A_77, 8 : i32
      %dma_wait3A_79 = arith.constant 0 : i32
      %dma_wait3A_80 = arith.constant 0 : i32
      %dma_wait3A_81 = tpu.memref_slice %arg7[%dma_wait3A_79, %dma_wait3A_80] : memref<2x128xi32, #tpu.memory_space<vmem>> -> memref<1x128xi32, #tpu.memory_space<vmem>>
      %dma_wait3A_82 = tpu.memref_squeeze %dma_wait3A_81 : memref<1x128xi32, #tpu.memory_space<vmem>> -> memref<128xi32, #tpu.memory_space<vmem>>
      %dma_wait3A_83 = arith.constant 0 : i32
      %dma_wait3A_84 = arith.constant 0 : i32
      %dma_wait3A_85 = tpu.memref_slice %arg2[%dma_wait3A_83, %dma_wait3A_84] : memref<10000x128xf32, #tpu.memory_space<hbm>> -> memref<10000x128xf32, #tpu.memory_space<hbm>>
      tpu.wait_indirect_dma semaphore(%arg13 : memref<!tpu.dma_semaphore, #tpu.memory_space<semaphore_mem>>) src(%dma_wait3A_85 : memref<10000x128xf32, #tpu.memory_space<hbm>>) dst(%arg9 : memref<128x128xf32, #tpu.memory_space<vmem>>)
      "tpu.region"() ({
        %run_scoped3A_143 = tpu.sem_alloc : memref<!tpu.dma_semaphore, #tpu.memory_space<semaphore_mem>>
        %dma_start3A_144 = arith.constant 0 : i32
        %dma_start3A_145 = tpu.memref_slice %arg5[%multiple_of3A_78, %dma_start3A_144] : memref<80000x128xf32, #tpu.memory_space<hbm>> -> memref<128x128xf32, #tpu.memory_space<hbm>>
        %dma_start3A_146 = arith.constant 0 : i32
        %dma_start3A_147 = tpu.memref_slice %arg5[%multiple_of3A_78, %dma_start3A_146] : memref<80000x128xf32, #tpu.memory_space<hbm>> -> memref<128x128xf32, #tpu.memory_space<hbm>>
        tpu.enqueue_dma source(%arg9 : memref<128x128xf32, #tpu.memory_space<vmem>>) target(%dma_start3A_147 : memref<128x128xf32, #tpu.memory_space<hbm>>) target_semaphore(%run_scoped3A_143 : memref<!tpu.dma_semaphore, #tpu.memory_space<semaphore_mem>>)
        %dma_wait3A_148 = arith.constant 0 : i32
        %dma_wait3A_149 = tpu.memref_slice %arg5[%multiple_of3A_78, %dma_wait3A_148] : memref<80000x128xf32, #tpu.memory_space<hbm>> -> memref<128x128xf32, #tpu.memory_space<hbm>>
        %dma_wait3A_150 = arith.constant 0 : i32
        %dma_wait3A_151 = tpu.memref_slice %arg5[%multiple_of3A_78, %dma_wait3A_150] : memref<80000x128xf32, #tpu.memory_space<hbm>> -> memref<128x128xf32, #tpu.memory_space<hbm>>
        tpu.wait_dma2 semaphore(%run_scoped3A_143 : memref<!tpu.dma_semaphore, #tpu.memory_space<semaphore_mem>>) src(%arg9 : memref<128x128xf32, #tpu.memory_space<vmem>>) dst(%dma_wait3A_151 : memref<128x128xf32, #tpu.memory_space<hbm>>)
        tpu.yield
      }) : () -> ()
      %dma_wait3A_86 = arith.constant 1 : i32
      %dma_wait3A_87 = arith.constant 0 : i32
      %dma_wait3A_88 = tpu.memref_slice %arg7[%dma_wait3A_86, %dma_wait3A_87] : memref<2x128xi32, #tpu.memory_space<vmem>> -> memref<1x128xi32, #tpu.memory_space<vmem>>
      %dma_wait3A_89 = tpu.memref_squeeze %dma_wait3A_88 : memref<1x128xi32, #tpu.memory_space<vmem>> -> memref<128xi32, #tpu.memory_space<vmem>>
      %dma_wait3A_90 = arith.constant 0 : i32
      %dma_wait3A_91 = arith.constant 0 : i32
      %dma_wait3A_92 = tpu.memref_slice %arg2[%dma_wait3A_90, %dma_wait3A_91] : memref<10000x128xf32, #tpu.memory_space<hbm>> -> memref<10000x128xf32, #tpu.memory_space<hbm>>
      tpu.wait_indirect_dma semaphore(%arg15 : memref<!tpu.dma_semaphore, #tpu.memory_space<semaphore_mem>>) src(%dma_wait3A_92 : memref<10000x128xf32, #tpu.memory_space<hbm>>) dst(%arg11 : memref<128x128xf32, #tpu.memory_space<vmem>>)
      "tpu.region"() ({
        %run_scoped3A_143 = tpu.sem_alloc : memref<!tpu.dma_semaphore, #tpu.memory_space<semaphore_mem>>
        %dma_start3A_144 = arith.constant 0 : i32
        %dma_start3A_145 = tpu.memref_slice %arg6[%multiple_of3A_78, %dma_start3A_144] : memref<80000x128xf32, #tpu.memory_space<hbm>> -> memref<128x128xf32, #tpu.memory_space<hbm>>
        %dma_start3A_146 = arith.constant 0 : i32
        %dma_start3A_147 = tpu.memref_slice %arg6[%multiple_of3A_78, %dma_start3A_146] : memref<80000x128xf32, #tpu.memory_space<hbm>> -> memref<128x128xf32, #tpu.memory_space<hbm>>
        tpu.enqueue_dma source(%arg11 : memref<128x128xf32, #tpu.memory_space<vmem>>) target(%dma_start3A_147 : memref<128x128xf32, #tpu.memory_space<hbm>>) target_semaphore(%run_scoped3A_143 : memref<!tpu.dma_semaphore, #tpu.memory_space<semaphore_mem>>)
        %dma_wait3A_148 = arith.constant 0 : i32
        %dma_wait3A_149 = tpu.memref_slice %arg6[%multiple_of3A_78, %dma_wait3A_148] : memref<80000x128xf32, #tpu.memory_space<hbm>> -> memref<128x128xf32, #tpu.memory_space<hbm>>
        %dma_wait3A_150 = arith.constant 0 : i32
        %dma_wait3A_151 = tpu.memref_slice %arg6[%multiple_of3A_78, %dma_wait3A_150] : memref<80000x128xf32, #tpu.memory_space<hbm>> -> memref<128x128xf32, #tpu.memory_space<hbm>>
        tpu.wait_dma2 semaphore(%run_scoped3A_143 : memref<!tpu.dma_semaphore, #tpu.memory_space<semaphore_mem>>) src(%arg11 : memref<128x128xf32, #tpu.memory_space<vmem>>) dst(%dma_wait3A_151 : memref<128x128xf32, #tpu.memory_space<hbm>>)
        tpu.yield
      }) : () -> ()
      %mul3A_93 = arith.constant 2 : i32
      %mul3A_94 = arith.muli %mul3A_93, %scan3A_44 : i32
      %add3A_95 = arith.constant 2 : i32
      %add3A_96 = arith.addi %mul3A_94, %add3A_95 : i32
      %mul3A_97 = arith.constant 32 : i32
      %mul3A_98 = arith.muli %add3A_96, %mul3A_97 : i32
      %add3A_99 = arith.addi %add3A, %mul3A_98 : i32
      %mul3A_100 = arith.constant 128 : i32
      %mul3A_101 = arith.muli %add3A_99, %mul3A_100 : i32
      %multiple_of3A_102 = tpu.assume_multiple %mul3A_101, 8 : i32
      %run_scoped3A_103 = arith.constant 0 : i32
      "tpu.region"() ({
        %run_scoped3A_143 = tpu.sem_alloc : memref<!tpu.dma_semaphore, #tpu.memory_space<semaphore_mem>>
        %dma_start3A_144 = arith.constant 0 : i32
        %dma_start3A_145 = tpu.memref_slice %arg7[%run_scoped3A_103, %dma_start3A_144] : memref<2x128xi32, #tpu.memory_space<vmem>> -> memref<1x128xi32, #tpu.memory_space<vmem>>
        %dma_start3A_146 = tpu.memref_squeeze %dma_start3A_145 : memref<1x128xi32, #tpu.memory_space<vmem>> -> memref<128xi32, #tpu.memory_space<vmem>>
        %dma_start3A_147 = tpu.memref_slice %arg3[%multiple_of3A_102] : memref<80000xi32, #tpu.memory_space<hbm>> -> memref<128xi32, #tpu.memory_space<hbm>>
        %dma_start3A_148 = arith.constant 0 : i32
        %dma_start3A_149 = tpu.memref_slice %arg7[%run_scoped3A_103, %dma_start3A_148] : memref<2x128xi32, #tpu.memory_space<vmem>> -> memref<1x128xi32, #tpu.memory_space<vmem>>
        %dma_start3A_150 = tpu.memref_squeeze %dma_start3A_149 : memref<1x128xi32, #tpu.memory_space<vmem>> -> memref<128xi32, #tpu.memory_space<vmem>>
        %dma_start3A_151 = tpu.memref_slice %arg3[%multiple_of3A_102] : memref<80000xi32, #tpu.memory_space<hbm>> -> memref<128xi32, #tpu.memory_space<hbm>>
        tpu.enqueue_dma source(%dma_start3A_151 : memref<128xi32, #tpu.memory_space<hbm>>) target(%dma_start3A_150 : memref<128xi32, #tpu.memory_space<vmem>>) target_semaphore(%run_scoped3A_143 : memref<!tpu.dma_semaphore, #tpu.memory_space<semaphore_mem>>)
        %dma_wait3A_152 = arith.constant 0 : i32
        %dma_wait3A_153 = tpu.memref_slice %arg7[%run_scoped3A_103, %dma_wait3A_152] : memref<2x128xi32, #tpu.memory_space<vmem>> -> memref<1x128xi32, #tpu.memory_space<vmem>>
        %dma_wait3A_154 = tpu.memref_squeeze %dma_wait3A_153 : memref<1x128xi32, #tpu.memory_space<vmem>> -> memref<128xi32, #tpu.memory_space<vmem>>
        %dma_wait3A_155 = tpu.memref_slice %arg3[%multiple_of3A_102] : memref<80000xi32, #tpu.memory_space<hbm>> -> memref<128xi32, #tpu.memory_space<hbm>>
        %dma_wait3A_156 = arith.constant 0 : i32
        %dma_wait3A_157 = tpu.memref_slice %arg7[%run_scoped3A_103, %dma_wait3A_156] : memref<2x128xi32, #tpu.memory_space<vmem>> -> memref<1x128xi32, #tpu.memory_space<vmem>>
        %dma_wait3A_158 = tpu.memref_squeeze %dma_wait3A_157 : memref<1x128xi32, #tpu.memory_space<vmem>> -> memref<128xi32, #tpu.memory_space<vmem>>
        %dma_wait3A_159 = tpu.memref_slice %arg3[%multiple_of3A_102] : memref<80000xi32, #tpu.memory_space<hbm>> -> memref<128xi32, #tpu.memory_space<hbm>>
        tpu.wait_dma2 semaphore(%run_scoped3A_143 : memref<!tpu.dma_semaphore, #tpu.memory_space<semaphore_mem>>) src(%dma_wait3A_159 : memref<128xi32, #tpu.memory_space<hbm>>) dst(%dma_wait3A_158 : memref<128xi32, #tpu.memory_space<vmem>>)
        tpu.yield
      }) : () -> ()
      %run_scoped3A_104 = arith.constant 1 : i32
      "tpu.region"() ({
        %run_scoped3A_143 = tpu.sem_alloc : memref<!tpu.dma_semaphore, #tpu.memory_space<semaphore_mem>>
        %dma_start3A_144 = arith.constant 0 : i32
        %dma_start3A_145 = tpu.memref_slice %arg7[%run_scoped3A_104, %dma_start3A_144] : memref<2x128xi32, #tpu.memory_space<vmem>> -> memref<1x128xi32, #tpu.memory_space<vmem>>
        %dma_start3A_146 = tpu.memref_squeeze %dma_start3A_145 : memref<1x128xi32, #tpu.memory_space<vmem>> -> memref<128xi32, #tpu.memory_space<vmem>>
        %dma_start3A_147 = tpu.memref_slice %arg4[%multiple_of3A_102] : memref<80000xi32, #tpu.memory_space<hbm>> -> memref<128xi32, #tpu.memory_space<hbm>>
        %dma_start3A_148 = arith.constant 0 : i32
        %dma_start3A_149 = tpu.memref_slice %arg7[%run_scoped3A_104, %dma_start3A_148] : memref<2x128xi32, #tpu.memory_space<vmem>> -> memref<1x128xi32, #tpu.memory_space<vmem>>
        %dma_start3A_150 = tpu.memref_squeeze %dma_start3A_149 : memref<1x128xi32, #tpu.memory_space<vmem>> -> memref<128xi32, #tpu.memory_space<vmem>>
        %dma_start3A_151 = tpu.memref_slice %arg4[%multiple_of3A_102] : memref<80000xi32, #tpu.memory_space<hbm>> -> memref<128xi32, #tpu.memory_space<hbm>>
        tpu.enqueue_dma source(%dma_start3A_151 : memref<128xi32, #tpu.memory_space<hbm>>) target(%dma_start3A_150 : memref<128xi32, #tpu.memory_space<vmem>>) target_semaphore(%run_scoped3A_143 : memref<!tpu.dma_semaphore, #tpu.memory_space<semaphore_mem>>)
        %dma_wait3A_152 = arith.constant 0 : i32
        %dma_wait3A_153 = tpu.memref_slice %arg7[%run_scoped3A_104, %dma_wait3A_152] : memref<2x128xi32, #tpu.memory_space<vmem>> -> memref<1x128xi32, #tpu.memory_space<vmem>>
        %dma_wait3A_154 = tpu.memref_squeeze %dma_wait3A_153 : memref<1x128xi32, #tpu.memory_space<vmem>> -> memref<128xi32, #tpu.memory_space<vmem>>
        %dma_wait3A_155 = tpu.memref_slice %arg4[%multiple_of3A_102] : memref<80000xi32, #tpu.memory_space<hbm>> -> memref<128xi32, #tpu.memory_space<hbm>>
        %dma_wait3A_156 = arith.constant 0 : i32
        %dma_wait3A_157 = tpu.memref_slice %arg7[%run_scoped3A_104, %dma_wait3A_156] : memref<2x128xi32, #tpu.memory_space<vmem>> -> memref<1x128xi32, #tpu.memory_space<vmem>>
        %dma_wait3A_158 = tpu.memref_squeeze %dma_wait3A_157 : memref<1x128xi32, #tpu.memory_space<vmem>> -> memref<128xi32, #tpu.memory_space<vmem>>
        %dma_wait3A_159 = tpu.memref_slice %arg4[%multiple_of3A_102] : memref<80000xi32, #tpu.memory_space<hbm>> -> memref<128xi32, #tpu.memory_space<hbm>>
        tpu.wait_dma2 semaphore(%run_scoped3A_143 : memref<!tpu.dma_semaphore, #tpu.memory_space<semaphore_mem>>) src(%dma_wait3A_159 : memref<128xi32, #tpu.memory_space<hbm>>) dst(%dma_wait3A_158 : memref<128xi32, #tpu.memory_space<vmem>>)
        tpu.yield
      }) : () -> ()
      %dma_start3A_105 = arith.constant 0 : i32
      %dma_start3A_106 = arith.constant 0 : i32
      %dma_start3A_107 = tpu.memref_slice %arg7[%dma_start3A_105, %dma_start3A_106] : memref<2x128xi32, #tpu.memory_space<vmem>> -> memref<1x128xi32, #tpu.memory_space<vmem>>
      %dma_start3A_108 = tpu.memref_squeeze %dma_start3A_107 : memref<1x128xi32, #tpu.memory_space<vmem>> -> memref<128xi32, #tpu.memory_space<vmem>>
      %dma_start3A_109 = arith.constant 0 : i32
      %dma_start3A_110 = arith.constant 0 : i32
      %dma_start3A_111 = tpu.memref_slice %arg2[%dma_start3A_109, %dma_start3A_110] : memref<10000x128xf32, #tpu.memory_space<hbm>> -> memref<10000x128xf32, #tpu.memory_space<hbm>>
      tpu.enqueue_indirect_dma source(%dma_start3A_111 : memref<10000x128xf32, #tpu.memory_space<hbm>>) target(%arg9 : memref<128x128xf32, #tpu.memory_space<vmem>>) offsets(%dma_start3A_108 : memref<128xi32, #tpu.memory_space<vmem>>) semaphore(%arg13 : memref<!tpu.dma_semaphore, #tpu.memory_space<semaphore_mem>>)
      %dma_start3A_112 = arith.constant 1 : i32
      %dma_start3A_113 = arith.constant 0 : i32
      %dma_start3A_114 = tpu.memref_slice %arg7[%dma_start3A_112, %dma_start3A_113] : memref<2x128xi32, #tpu.memory_space<vmem>> -> memref<1x128xi32, #tpu.memory_space<vmem>>
      %dma_start3A_115 = tpu.memref_squeeze %dma_start3A_114 : memref<1x128xi32, #tpu.memory_space<vmem>> -> memref<128xi32, #tpu.memory_space<vmem>>
      %dma_start3A_116 = arith.constant 0 : i32
      %dma_start3A_117 = arith.constant 0 : i32
      %dma_start3A_118 = tpu.memref_slice %arg2[%dma_start3A_116, %dma_start3A_117] : memref<10000x128xf32, #tpu.memory_space<hbm>> -> memref<10000x128xf32, #tpu.memory_space<hbm>>
      tpu.enqueue_indirect_dma source(%dma_start3A_118 : memref<10000x128xf32, #tpu.memory_space<hbm>>) target(%arg11 : memref<128x128xf32, #tpu.memory_space<vmem>>) offsets(%dma_start3A_115 : memref<128xi32, #tpu.memory_space<vmem>>) semaphore(%arg15 : memref<!tpu.dma_semaphore, #tpu.memory_space<semaphore_mem>>)
      %mul3A_119 = arith.constant 2 : i32
      %mul3A_120 = arith.muli %mul3A_119, %scan3A_44 : i32
      %add3A_121 = arith.constant 1 : i32
      %add3A_122 = arith.addi %mul3A_120, %add3A_121 : i32
      %mul3A_123 = arith.constant 32 : i32
      %mul3A_124 = arith.muli %add3A_122, %mul3A_123 : i32
      %add3A_125 = arith.addi %add3A, %mul3A_124 : i32
      %mul3A_126 = arith.constant 128 : i32
      %mul3A_127 = arith.muli %add3A_125, %mul3A_126 : i32
      %multiple_of3A_128 = tpu.assume_multiple %mul3A_127, 8 : i32
      %dma_wait3A_129 = arith.constant 0 : i32
      %dma_wait3A_130 = arith.constant 0 : i32
      %dma_wait3A_131 = tpu.memref_slice %arg8[%dma_wait3A_129, %dma_wait3A_130] : memref<2x128xi32, #tpu.memory_space<vmem>> -> memref<1x128xi32, #tpu.memory_space<vmem>>
      %dma_wait3A_132 = tpu.memref_squeeze %dma_wait3A_131 : memref<1x128xi32, #tpu.memory_space<vmem>> -> memref<128xi32, #tpu.memory_space<vmem>>
      %dma_wait3A_133 = arith.constant 0 : i32
      %dma_wait3A_134 = arith.constant 0 : i32
      %dma_wait3A_135 = tpu.memref_slice %arg2[%dma_wait3A_133, %dma_wait3A_134] : memref<10000x128xf32, #tpu.memory_space<hbm>> -> memref<10000x128xf32, #tpu.memory_space<hbm>>
      tpu.wait_indirect_dma semaphore(%arg14 : memref<!tpu.dma_semaphore, #tpu.memory_space<semaphore_mem>>) src(%dma_wait3A_135 : memref<10000x128xf32, #tpu.memory_space<hbm>>) dst(%arg10 : memref<128x128xf32, #tpu.memory_space<vmem>>)
      "tpu.region"() ({
        %run_scoped3A_143 = tpu.sem_alloc : memref<!tpu.dma_semaphore, #tpu.memory_space<semaphore_mem>>
        %dma_start3A_144 = arith.constant 0 : i32
        %dma_start3A_145 = tpu.memref_slice %arg5[%multiple_of3A_128, %dma_start3A_144] : memref<80000x128xf32, #tpu.memory_space<hbm>> -> memref<128x128xf32, #tpu.memory_space<hbm>>
        %dma_start3A_146 = arith.constant 0 : i32
        %dma_start3A_147 = tpu.memref_slice %arg5[%multiple_of3A_128, %dma_start3A_146] : memref<80000x128xf32, #tpu.memory_space<hbm>> -> memref<128x128xf32, #tpu.memory_space<hbm>>
        tpu.enqueue_dma source(%arg10 : memref<128x128xf32, #tpu.memory_space<vmem>>) target(%dma_start3A_147 : memref<128x128xf32, #tpu.memory_space<hbm>>) target_semaphore(%run_scoped3A_143 : memref<!tpu.dma_semaphore, #tpu.memory_space<semaphore_mem>>)
        %dma_wait3A_148 = arith.constant 0 : i32
        %dma_wait3A_149 = tpu.memref_slice %arg5[%multiple_of3A_128, %dma_wait3A_148] : memref<80000x128xf32, #tpu.memory_space<hbm>> -> memref<128x128xf32, #tpu.memory_space<hbm>>
        %dma_wait3A_150 = arith.constant 0 : i32
        %dma_wait3A_151 = tpu.memref_slice %arg5[%multiple_of3A_128, %dma_wait3A_150] : memref<80000x128xf32, #tpu.memory_space<hbm>> -> memref<128x128xf32, #tpu.memory_space<hbm>>
        tpu.wait_dma2 semaphore(%run_scoped3A_143 : memref<!tpu.dma_semaphore, #tpu.memory_space<semaphore_mem>>) src(%arg10 : memref<128x128xf32, #tpu.memory_space<vmem>>) dst(%dma_wait3A_151 : memref<128x128xf32, #tpu.memory_space<hbm>>)
        tpu.yield
      }) : () -> ()
      %dma_wait3A_136 = arith.constant 1 : i32
      %dma_wait3A_137 = arith.constant 0 : i32
      %dma_wait3A_138 = tpu.memref_slice %arg8[%dma_wait3A_136, %dma_wait3A_137] : memref<2x128xi32, #tpu.memory_space<vmem>> -> memref<1x128xi32, #tpu.memory_space<vmem>>
      %dma_wait3A_139 = tpu.memref_squeeze %dma_wait3A_138 : memref<1x128xi32, #tpu.memory_space<vmem>> -> memref<128xi32, #tpu.memory_space<vmem>>
      %dma_wait3A_140 = arith.constant 0 : i32
      %dma_wait3A_141 = arith.constant 0 : i32
      %dma_wait3A_142 = tpu.memref_slice %arg2[%dma_wait3A_140, %dma_wait3A_141] : memref<10000x128xf32, #tpu.memory_space<hbm>> -> memref<10000x128xf32, #tpu.memory_space<hbm>>
      tpu.wait_indirect_dma semaphore(%arg16 : memref<!tpu.dma_semaphore, #tpu.memory_space<semaphore_mem>>) src(%dma_wait3A_142 : memref<10000x128xf32, #tpu.memory_space<hbm>>) dst(%arg12 : memref<128x128xf32, #tpu.memory_space<vmem>>)
      "tpu.region"() ({
        %run_scoped3A_143 = tpu.sem_alloc : memref<!tpu.dma_semaphore, #tpu.memory_space<semaphore_mem>>
        %dma_start3A_144 = arith.constant 0 : i32
        %dma_start3A_145 = tpu.memref_slice %arg6[%multiple_of3A_128, %dma_start3A_144] : memref<80000x128xf32, #tpu.memory_space<hbm>> -> memref<128x128xf32, #tpu.memory_space<hbm>>
        %dma_start3A_146 = arith.constant 0 : i32
        %dma_start3A_147 = tpu.memref_slice %arg6[%multiple_of3A_128, %dma_start3A_146] : memref<80000x128xf32, #tpu.memory_space<hbm>> -> memref<128x128xf32, #tpu.memory_space<hbm>>
        tpu.enqueue_dma source(%arg12 : memref<128x128xf32, #tpu.memory_space<vmem>>) target(%dma_start3A_147 : memref<128x128xf32, #tpu.memory_space<hbm>>) target_semaphore(%run_scoped3A_143 : memref<!tpu.dma_semaphore, #tpu.memory_space<semaphore_mem>>)
        %dma_wait3A_148 = arith.constant 0 : i32
        %dma_wait3A_149 = tpu.memref_slice %arg6[%multiple_of3A_128, %dma_wait3A_148] : memref<80000x128xf32, #tpu.memory_space<hbm>> -> memref<128x128xf32, #tpu.memory_space<hbm>>
        %dma_wait3A_150 = arith.constant 0 : i32
        %dma_wait3A_151 = tpu.memref_slice %arg6[%multiple_of3A_128, %dma_wait3A_150] : memref<80000x128xf32, #tpu.memory_space<hbm>> -> memref<128x128xf32, #tpu.memory_space<hbm>>
        tpu.wait_dma2 semaphore(%run_scoped3A_143 : memref<!tpu.dma_semaphore, #tpu.memory_space<semaphore_mem>>) src(%arg12 : memref<128x128xf32, #tpu.memory_space<vmem>>) dst(%dma_wait3A_151 : memref<128x128xf32, #tpu.memory_space<hbm>>)
        tpu.yield
      }) : () -> ()
    }
    %scan3A_23 = arith.constant 9 : i32
    %add3A_24 = arith.constant 576 : i32
    %add3A_25 = arith.addi %add3A, %add3A_24 : i32
    %mul3A_26 = arith.constant 128 : i32
    %mul3A_27 = arith.muli %add3A_25, %mul3A_26 : i32
    %multiple_of3A_28 = tpu.assume_multiple %mul3A_27, 8 : i32
    %dma_wait3A = arith.constant 0 : i32
    %dma_wait3A_29 = arith.constant 0 : i32
    %dma_wait3A_30 = tpu.memref_slice %arg7[%dma_wait3A, %dma_wait3A_29] : memref<2x128xi32, #tpu.memory_space<vmem>> -> memref<1x128xi32, #tpu.memory_space<vmem>>
    %dma_wait3A_31 = tpu.memref_squeeze %dma_wait3A_30 : memref<1x128xi32, #tpu.memory_space<vmem>> -> memref<128xi32, #tpu.memory_space<vmem>>
    %dma_wait3A_32 = arith.constant 0 : i32
    %dma_wait3A_33 = arith.constant 0 : i32
    %dma_wait3A_34 = tpu.memref_slice %arg2[%dma_wait3A_32, %dma_wait3A_33] : memref<10000x128xf32, #tpu.memory_space<hbm>> -> memref<10000x128xf32, #tpu.memory_space<hbm>>
    tpu.wait_indirect_dma semaphore(%arg13 : memref<!tpu.dma_semaphore, #tpu.memory_space<semaphore_mem>>) src(%dma_wait3A_34 : memref<10000x128xf32, #tpu.memory_space<hbm>>) dst(%arg9 : memref<128x128xf32, #tpu.memory_space<vmem>>)
    "tpu.region"() ({
      %run_scoped3A_44 = tpu.sem_alloc : memref<!tpu.dma_semaphore, #tpu.memory_space<semaphore_mem>>
      %dma_start3A_45 = arith.constant 0 : i32
      %dma_start3A_46 = tpu.memref_slice %arg5[%multiple_of3A_28, %dma_start3A_45] : memref<80000x128xf32, #tpu.memory_space<hbm>> -> memref<128x128xf32, #tpu.memory_space<hbm>>
      %dma_start3A_47 = arith.constant 0 : i32
      %dma_start3A_48 = tpu.memref_slice %arg5[%multiple_of3A_28, %dma_start3A_47] : memref<80000x128xf32, #tpu.memory_space<hbm>> -> memref<128x128xf32, #tpu.memory_space<hbm>>
      tpu.enqueue_dma source(%arg9 : memref<128x128xf32, #tpu.memory_space<vmem>>) target(%dma_start3A_48 : memref<128x128xf32, #tpu.memory_space<hbm>>) target_semaphore(%run_scoped3A_44 : memref<!tpu.dma_semaphore, #tpu.memory_space<semaphore_mem>>)
      %dma_wait3A_49 = arith.constant 0 : i32
      %dma_wait3A_50 = tpu.memref_slice %arg5[%multiple_of3A_28, %dma_wait3A_49] : memref<80000x128xf32, #tpu.memory_space<hbm>> -> memref<128x128xf32, #tpu.memory_space<hbm>>
      %dma_wait3A_51 = arith.constant 0 : i32
      %dma_wait3A_52 = tpu.memref_slice %arg5[%multiple_of3A_28, %dma_wait3A_51] : memref<80000x128xf32, #tpu.memory_space<hbm>> -> memref<128x128xf32, #tpu.memory_space<hbm>>
      tpu.wait_dma2 semaphore(%run_scoped3A_44 : memref<!tpu.dma_semaphore, #tpu.memory_space<semaphore_mem>>) src(%arg9 : memref<128x128xf32, #tpu.memory_space<vmem>>) dst(%dma_wait3A_52 : memref<128x128xf32, #tpu.memory_space<hbm>>)
      tpu.yield
    }) : () -> ()
    %dma_wait3A_35 = arith.constant 1 : i32
    %dma_wait3A_36 = arith.constant 0 : i32
    %dma_wait3A_37 = tpu.memref_slice %arg7[%dma_wait3A_35, %dma_wait3A_36] : memref<2x128xi32, #tpu.memory_space<vmem>> -> memref<1x128xi32, #tpu.memory_space<vmem>>
    %dma_wait3A_38 = tpu.memref_squeeze %dma_wait3A_37 : memref<1x128xi32, #tpu.memory_space<vmem>> -> memref<128xi32, #tpu.memory_space<vmem>>
    %dma_wait3A_39 = arith.constant 0 : i32
    %dma_wait3A_40 = arith.constant 0 : i32
    %dma_wait3A_41 = tpu.memref_slice %arg2[%dma_wait3A_39, %dma_wait3A_40] : memref<10000x128xf32, #tpu.memory_space<hbm>> -> memref<10000x128xf32, #tpu.memory_space<hbm>>
    tpu.wait_indirect_dma semaphore(%arg15 : memref<!tpu.dma_semaphore, #tpu.memory_space<semaphore_mem>>) src(%dma_wait3A_41 : memref<10000x128xf32, #tpu.memory_space<hbm>>) dst(%arg11 : memref<128x128xf32, #tpu.memory_space<vmem>>)
    "tpu.region"() ({
      %run_scoped3A_44 = tpu.sem_alloc : memref<!tpu.dma_semaphore, #tpu.memory_space<semaphore_mem>>
      %dma_start3A_45 = arith.constant 0 : i32
      %dma_start3A_46 = tpu.memref_slice %arg6[%multiple_of3A_28, %dma_start3A_45] : memref<80000x128xf32, #tpu.memory_space<hbm>> -> memref<128x128xf32, #tpu.memory_space<hbm>>
      %dma_start3A_47 = arith.constant 0 : i32
      %dma_start3A_48 = tpu.memref_slice %arg6[%multiple_of3A_28, %dma_start3A_47] : memref<80000x128xf32, #tpu.memory_space<hbm>> -> memref<128x128xf32, #tpu.memory_space<hbm>>
      tpu.enqueue_dma source(%arg11 : memref<128x128xf32, #tpu.memory_space<vmem>>) target(%dma_start3A_48 : memref<128x128xf32, #tpu.memory_space<hbm>>) target_semaphore(%run_scoped3A_44 : memref<!tpu.dma_semaphore, #tpu.memory_space<semaphore_mem>>)
      %dma_wait3A_49 = arith.constant 0 : i32
      %dma_wait3A_50 = tpu.memref_slice %arg6[%multiple_of3A_28, %dma_wait3A_49] : memref<80000x128xf32, #tpu.memory_space<hbm>> -> memref<128x128xf32, #tpu.memory_space<hbm>>
      %dma_wait3A_51 = arith.constant 0 : i32
      %dma_wait3A_52 = tpu.memref_slice %arg6[%multiple_of3A_28, %dma_wait3A_51] : memref<80000x128xf32, #tpu.memory_space<hbm>> -> memref<128x128xf32, #tpu.memory_space<hbm>>
      tpu.wait_dma2 semaphore(%run_scoped3A_44 : memref<!tpu.dma_semaphore, #tpu.memory_space<semaphore_mem>>) src(%arg11 : memref<128x128xf32, #tpu.memory_space<vmem>>) dst(%dma_wait3A_52 : memref<128x128xf32, #tpu.memory_space<hbm>>)
      tpu.yield
    }) : () -> ()
    %lt3A = arith.constant 17 : i32
    %lt3A_42 = arith.cmpi slt, %add3A, %lt3A : i32
    %convert_element_type3A = arith.extui %lt3A_42 : i1 to i32
    %cond3A = arith.constant 0 : i32
    %cond3A_43 = arith.cmpi ne, %convert_element_type3A, %cond3A : i32
    scf.if %cond3A_43 {
      %add3A_44 = arith.constant 608 : i32
      %add3A_45 = arith.addi %add3A, %add3A_44 : i32
      %mul3A_46 = arith.constant 128 : i32
      %mul3A_47 = arith.muli %add3A_45, %mul3A_46 : i32
      %multiple_of3A_48 = tpu.assume_multiple %mul3A_47, 8 : i32
      %run_scoped3A_49 = arith.constant 0 : i32
      "tpu.region"() ({
        %run_scoped3A_84 = tpu.sem_alloc : memref<!tpu.dma_semaphore, #tpu.memory_space<semaphore_mem>>
        %dma_start3A_85 = arith.constant 0 : i32
        %dma_start3A_86 = tpu.memref_slice %arg8[%run_scoped3A_49, %dma_start3A_85] : memref<2x128xi32, #tpu.memory_space<vmem>> -> memref<1x128xi32, #tpu.memory_space<vmem>>
        %dma_start3A_87 = tpu.memref_squeeze %dma_start3A_86 : memref<1x128xi32, #tpu.memory_space<vmem>> -> memref<128xi32, #tpu.memory_space<vmem>>
        %dma_start3A_88 = tpu.memref_slice %arg3[%multiple_of3A_48] : memref<80000xi32, #tpu.memory_space<hbm>> -> memref<128xi32, #tpu.memory_space<hbm>>
        %dma_start3A_89 = arith.constant 0 : i32
        %dma_start3A_90 = tpu.memref_slice %arg8[%run_scoped3A_49, %dma_start3A_89] : memref<2x128xi32, #tpu.memory_space<vmem>> -> memref<1x128xi32, #tpu.memory_space<vmem>>
        %dma_start3A_91 = tpu.memref_squeeze %dma_start3A_90 : memref<1x128xi32, #tpu.memory_space<vmem>> -> memref<128xi32, #tpu.memory_space<vmem>>
        %dma_start3A_92 = tpu.memref_slice %arg3[%multiple_of3A_48] : memref<80000xi32, #tpu.memory_space<hbm>> -> memref<128xi32, #tpu.memory_space<hbm>>
        tpu.enqueue_dma source(%dma_start3A_92 : memref<128xi32, #tpu.memory_space<hbm>>) target(%dma_start3A_91 : memref<128xi32, #tpu.memory_space<vmem>>) target_semaphore(%run_scoped3A_84 : memref<!tpu.dma_semaphore, #tpu.memory_space<semaphore_mem>>)
        %dma_wait3A_93 = arith.constant 0 : i32
        %dma_wait3A_94 = tpu.memref_slice %arg8[%run_scoped3A_49, %dma_wait3A_93] : memref<2x128xi32, #tpu.memory_space<vmem>> -> memref<1x128xi32, #tpu.memory_space<vmem>>
        %dma_wait3A_95 = tpu.memref_squeeze %dma_wait3A_94 : memref<1x128xi32, #tpu.memory_space<vmem>> -> memref<128xi32, #tpu.memory_space<vmem>>
        %dma_wait3A_96 = tpu.memref_slice %arg3[%multiple_of3A_48] : memref<80000xi32, #tpu.memory_space<hbm>> -> memref<128xi32, #tpu.memory_space<hbm>>
        %dma_wait3A_97 = arith.constant 0 : i32
        %dma_wait3A_98 = tpu.memref_slice %arg8[%run_scoped3A_49, %dma_wait3A_97] : memref<2x128xi32, #tpu.memory_space<vmem>> -> memref<1x128xi32, #tpu.memory_space<vmem>>
        %dma_wait3A_99 = tpu.memref_squeeze %dma_wait3A_98 : memref<1x128xi32, #tpu.memory_space<vmem>> -> memref<128xi32, #tpu.memory_space<vmem>>
        %dma_wait3A_100 = tpu.memref_slice %arg3[%multiple_of3A_48] : memref<80000xi32, #tpu.memory_space<hbm>> -> memref<128xi32, #tpu.memory_space<hbm>>
        tpu.wait_dma2 semaphore(%run_scoped3A_84 : memref<!tpu.dma_semaphore, #tpu.memory_space<semaphore_mem>>) src(%dma_wait3A_100 : memref<128xi32, #tpu.memory_space<hbm>>) dst(%dma_wait3A_99 : memref<128xi32, #tpu.memory_space<vmem>>)
        tpu.yield
      }) : () -> ()
      %run_scoped3A_50 = arith.constant 1 : i32
      "tpu.region"() ({
        %run_scoped3A_84 = tpu.sem_alloc : memref<!tpu.dma_semaphore, #tpu.memory_space<semaphore_mem>>
        %dma_start3A_85 = arith.constant 0 : i32
        %dma_start3A_86 = tpu.memref_slice %arg8[%run_scoped3A_50, %dma_start3A_85] : memref<2x128xi32, #tpu.memory_space<vmem>> -> memref<1x128xi32, #tpu.memory_space<vmem>>
        %dma_start3A_87 = tpu.memref_squeeze %dma_start3A_86 : memref<1x128xi32, #tpu.memory_space<vmem>> -> memref<128xi32, #tpu.memory_space<vmem>>
        %dma_start3A_88 = tpu.memref_slice %arg4[%multiple_of3A_48] : memref<80000xi32, #tpu.memory_space<hbm>> -> memref<128xi32, #tpu.memory_space<hbm>>
        %dma_start3A_89 = arith.constant 0 : i32
        %dma_start3A_90 = tpu.memref_slice %arg8[%run_scoped3A_50, %dma_start3A_89] : memref<2x128xi32, #tpu.memory_space<vmem>> -> memref<1x128xi32, #tpu.memory_space<vmem>>
        %dma_start3A_91 = tpu.memref_squeeze %dma_start3A_90 : memref<1x128xi32, #tpu.memory_space<vmem>> -> memref<128xi32, #tpu.memory_space<vmem>>
        %dma_start3A_92 = tpu.memref_slice %arg4[%multiple_of3A_48] : memref<80000xi32, #tpu.memory_space<hbm>> -> memref<128xi32, #tpu.memory_space<hbm>>
        tpu.enqueue_dma source(%dma_start3A_92 : memref<128xi32, #tpu.memory_space<hbm>>) target(%dma_start3A_91 : memref<128xi32, #tpu.memory_space<vmem>>) target_semaphore(%run_scoped3A_84 : memref<!tpu.dma_semaphore, #tpu.memory_space<semaphore_mem>>)
        %dma_wait3A_93 = arith.constant 0 : i32
        %dma_wait3A_94 = tpu.memref_slice %arg8[%run_scoped3A_50, %dma_wait3A_93] : memref<2x128xi32, #tpu.memory_space<vmem>> -> memref<1x128xi32, #tpu.memory_space<vmem>>
        %dma_wait3A_95 = tpu.memref_squeeze %dma_wait3A_94 : memref<1x128xi32, #tpu.memory_space<vmem>> -> memref<128xi32, #tpu.memory_space<vmem>>
        %dma_wait3A_96 = tpu.memref_slice %arg4[%multiple_of3A_48] : memref<80000xi32, #tpu.memory_space<hbm>> -> memref<128xi32, #tpu.memory_space<hbm>>
        %dma_wait3A_97 = arith.constant 0 : i32
        %dma_wait3A_98 = tpu.memref_slice %arg8[%run_scoped3A_50, %dma_wait3A_97] : memref<2x128xi32, #tpu.memory_space<vmem>> -> memref<1x128xi32, #tpu.memory_space<vmem>>
        %dma_wait3A_99 = tpu.memref_squeeze %dma_wait3A_98 : memref<1x128xi32, #tpu.memory_space<vmem>> -> memref<128xi32, #tpu.memory_space<vmem>>
        %dma_wait3A_100 = tpu.memref_slice %arg4[%multiple_of3A_48] : memref<80000xi32, #tpu.memory_space<hbm>> -> memref<128xi32, #tpu.memory_space<hbm>>
        tpu.wait_dma2 semaphore(%run_scoped3A_84 : memref<!tpu.dma_semaphore, #tpu.memory_space<semaphore_mem>>) src(%dma_wait3A_100 : memref<128xi32, #tpu.memory_space<hbm>>) dst(%dma_wait3A_99 : memref<128xi32, #tpu.memory_space<vmem>>)
        tpu.yield
      }) : () -> ()
      %dma_start3A_51 = arith.constant 0 : i32
      %dma_start3A_52 = arith.constant 0 : i32
      %dma_start3A_53 = tpu.memref_slice %arg8[%dma_start3A_51, %dma_start3A_52] : memref<2x128xi32, #tpu.memory_space<vmem>> -> memref<1x128xi32, #tpu.memory_space<vmem>>
      %dma_start3A_54 = tpu.memref_squeeze %dma_start3A_53 : memref<1x128xi32, #tpu.memory_space<vmem>> -> memref<128xi32, #tpu.memory_space<vmem>>
      %dma_start3A_55 = arith.constant 0 : i32
      %dma_start3A_56 = arith.constant 0 : i32
      %dma_start3A_57 = tpu.memref_slice %arg2[%dma_start3A_55, %dma_start3A_56] : memref<10000x128xf32, #tpu.memory_space<hbm>> -> memref<10000x128xf32, #tpu.memory_space<hbm>>
      tpu.enqueue_indirect_dma source(%dma_start3A_57 : memref<10000x128xf32, #tpu.memory_space<hbm>>) target(%arg10 : memref<128x128xf32, #tpu.memory_space<vmem>>) offsets(%dma_start3A_54 : memref<128xi32, #tpu.memory_space<vmem>>) semaphore(%arg14 : memref<!tpu.dma_semaphore, #tpu.memory_space<semaphore_mem>>)
      %dma_start3A_58 = arith.constant 1 : i32
      %dma_start3A_59 = arith.constant 0 : i32
      %dma_start3A_60 = tpu.memref_slice %arg8[%dma_start3A_58, %dma_start3A_59] : memref<2x128xi32, #tpu.memory_space<vmem>> -> memref<1x128xi32, #tpu.memory_space<vmem>>
      %dma_start3A_61 = tpu.memref_squeeze %dma_start3A_60 : memref<1x128xi32, #tpu.memory_space<vmem>> -> memref<128xi32, #tpu.memory_space<vmem>>
      %dma_start3A_62 = arith.constant 0 : i32
      %dma_start3A_63 = arith.constant 0 : i32
      %dma_start3A_64 = tpu.memref_slice %arg2[%dma_start3A_62, %dma_start3A_63] : memref<10000x128xf32, #tpu.memory_space<hbm>> -> memref<10000x128xf32, #tpu.memory_space<hbm>>
      tpu.enqueue_indirect_dma source(%dma_start3A_64 : memref<10000x128xf32, #tpu.memory_space<hbm>>) target(%arg12 : memref<128x128xf32, #tpu.memory_space<vmem>>) offsets(%dma_start3A_61 : memref<128xi32, #tpu.memory_space<vmem>>) semaphore(%arg16 : memref<!tpu.dma_semaphore, #tpu.memory_space<semaphore_mem>>)
      %add3A_65 = arith.constant 608 : i32
      %add3A_66 = arith.addi %add3A, %add3A_65 : i32
      %mul3A_67 = arith.constant 128 : i32
      %mul3A_68 = arith.muli %add3A_66, %mul3A_67 : i32
      %multiple_of3A_69 = tpu.assume_multiple %mul3A_68, 8 : i32
      %dma_wait3A_70 = arith.constant 0 : i32
      %dma_wait3A_71 = arith.constant 0 : i32
      %dma_wait3A_72 = tpu.memref_slice %arg8[%dma_wait3A_70, %dma_wait3A_71] : memref<2x128xi32, #tpu.memory_space<vmem>> -> memref<1x128xi32, #tpu.memory_space<vmem>>
      %dma_wait3A_73 = tpu.memref_squeeze %dma_wait3A_72 : memref<1x128xi32, #tpu.memory_space<vmem>> -> memref<128xi32, #tpu.memory_space<vmem>>
      %dma_wait3A_74 = arith.constant 0 : i32
      %dma_wait3A_75 = arith.constant 0 : i32
      %dma_wait3A_76 = tpu.memref_slice %arg2[%dma_wait3A_74, %dma_wait3A_75] : memref<10000x128xf32, #tpu.memory_space<hbm>> -> memref<10000x128xf32, #tpu.memory_space<hbm>>
      tpu.wait_indirect_dma semaphore(%arg14 : memref<!tpu.dma_semaphore, #tpu.memory_space<semaphore_mem>>) src(%dma_wait3A_76 : memref<10000x128xf32, #tpu.memory_space<hbm>>) dst(%arg10 : memref<128x128xf32, #tpu.memory_space<vmem>>)
      "tpu.region"() ({
        %run_scoped3A_84 = tpu.sem_alloc : memref<!tpu.dma_semaphore, #tpu.memory_space<semaphore_mem>>
        %dma_start3A_85 = arith.constant 0 : i32
        %dma_start3A_86 = tpu.memref_slice %arg5[%multiple_of3A_69, %dma_start3A_85] : memref<80000x128xf32, #tpu.memory_space<hbm>> -> memref<128x128xf32, #tpu.memory_space<hbm>>
        %dma_start3A_87 = arith.constant 0 : i32
        %dma_start3A_88 = tpu.memref_slice %arg5[%multiple_of3A_69, %dma_start3A_87] : memref<80000x128xf32, #tpu.memory_space<hbm>> -> memref<128x128xf32, #tpu.memory_space<hbm>>
        tpu.enqueue_dma source(%arg10 : memref<128x128xf32, #tpu.memory_space<vmem>>) target(%dma_start3A_88 : memref<128x128xf32, #tpu.memory_space<hbm>>) target_semaphore(%run_scoped3A_84 : memref<!tpu.dma_semaphore, #tpu.memory_space<semaphore_mem>>)
        %dma_wait3A_89 = arith.constant 0 : i32
        %dma_wait3A_90 = tpu.memref_slice %arg5[%multiple_of3A_69, %dma_wait3A_89] : memref<80000x128xf32, #tpu.memory_space<hbm>> -> memref<128x128xf32, #tpu.memory_space<hbm>>
        %dma_wait3A_91 = arith.constant 0 : i32
        %dma_wait3A_92 = tpu.memref_slice %arg5[%multiple_of3A_69, %dma_wait3A_91] : memref<80000x128xf32, #tpu.memory_space<hbm>> -> memref<128x128xf32, #tpu.memory_space<hbm>>
        tpu.wait_dma2 semaphore(%run_scoped3A_84 : memref<!tpu.dma_semaphore, #tpu.memory_space<semaphore_mem>>) src(%arg10 : memref<128x128xf32, #tpu.memory_space<vmem>>) dst(%dma_wait3A_92 : memref<128x128xf32, #tpu.memory_space<hbm>>)
        tpu.yield
      }) : () -> ()
      %dma_wait3A_77 = arith.constant 1 : i32
      %dma_wait3A_78 = arith.constant 0 : i32
      %dma_wait3A_79 = tpu.memref_slice %arg8[%dma_wait3A_77, %dma_wait3A_78] : memref<2x128xi32, #tpu.memory_space<vmem>> -> memref<1x128xi32, #tpu.memory_space<vmem>>
      %dma_wait3A_80 = tpu.memref_squeeze %dma_wait3A_79 : memref<1x128xi32, #tpu.memory_space<vmem>> -> memref<128xi32, #tpu.memory_space<vmem>>
      %dma_wait3A_81 = arith.constant 0 : i32
      %dma_wait3A_82 = arith.constant 0 : i32
      %dma_wait3A_83 = tpu.memref_slice %arg2[%dma_wait3A_81, %dma_wait3A_82] : memref<10000x128xf32, #tpu.memory_space<hbm>> -> memref<10000x128xf32, #tpu.memory_space<hbm>>
      tpu.wait_indirect_dma semaphore(%arg16 : memref<!tpu.dma_semaphore, #tpu.memory_space<semaphore_mem>>) src(%dma_wait3A_83 : memref<10000x128xf32, #tpu.memory_space<hbm>>) dst(%arg12 : memref<128x128xf32, #tpu.memory_space<vmem>>)
      "tpu.region"() ({
        %run_scoped3A_84 = tpu.sem_alloc : memref<!tpu.dma_semaphore, #tpu.memory_space<semaphore_mem>>
        %dma_start3A_85 = arith.constant 0 : i32
        %dma_start3A_86 = tpu.memref_slice %arg6[%multiple_of3A_69, %dma_start3A_85] : memref<80000x128xf32, #tpu.memory_space<hbm>> -> memref<128x128xf32, #tpu.memory_space<hbm>>
        %dma_start3A_87 = arith.constant 0 : i32
        %dma_start3A_88 = tpu.memref_slice %arg6[%multiple_of3A_69, %dma_start3A_87] : memref<80000x128xf32, #tpu.memory_space<hbm>> -> memref<128x128xf32, #tpu.memory_space<hbm>>
        tpu.enqueue_dma source(%arg12 : memref<128x128xf32, #tpu.memory_space<vmem>>) target(%dma_start3A_88 : memref<128x128xf32, #tpu.memory_space<hbm>>) target_semaphore(%run_scoped3A_84 : memref<!tpu.dma_semaphore, #tpu.memory_space<semaphore_mem>>)
        %dma_wait3A_89 = arith.constant 0 : i32
        %dma_wait3A_90 = tpu.memref_slice %arg6[%multiple_of3A_69, %dma_wait3A_89] : memref<80000x128xf32, #tpu.memory_space<hbm>> -> memref<128x128xf32, #tpu.memory_space<hbm>>
        %dma_wait3A_91 = arith.constant 0 : i32
        %dma_wait3A_92 = tpu.memref_slice %arg6[%multiple_of3A_69, %dma_wait3A_91] : memref<80000x128xf32, #tpu.memory_space<hbm>> -> memref<128x128xf32, #tpu.memory_space<hbm>>
        tpu.wait_dma2 semaphore(%run_scoped3A_84 : memref<!tpu.dma_semaphore, #tpu.memory_space<semaphore_mem>>) src(%arg12 : memref<128x128xf32, #tpu.memory_space<vmem>>) dst(%dma_wait3A_92 : memref<128x128xf32, #tpu.memory_space<hbm>>)
        tpu.yield
      }) : () -> ()
    } else {
    }
    return
  }
}

#map = affine_map<(d0, d1) -> (0, 0)>
#map1 = affine_map<(d0, d1) -> (0)>
module attributes {stable_mosaic.version = 14 : i64} {
  func.func @_scatter_body(%arg0: i32, %arg1: i32, %arg2: memref<80000x128xf32, #tpu.memory_space<hbm>>, %arg3: memref<10000x128xf32, #tpu.memory_space<hbm>>, %arg4: memref<10000x128xf32, #tpu.memory_space<hbm>>, %arg5: memref<80000xi32, #tpu.memory_space<hbm>>, %arg6: memref<10000x128xf32, #tpu.memory_space<hbm>>, %arg7: memref<10000x128xf32, #tpu.memory_space<hbm>>, %arg8: memref<40xi32, #tpu.memory_space<vmem>>, %arg9: memref<40xi32, #tpu.memory_space<vmem>>, %arg10: memref<40x128xf32, #tpu.memory_space<vmem>>, %arg11: memref<40x128xf32, #tpu.memory_space<vmem>>, %arg12: memref<10000x128xf32, #tpu.memory_space<vmem_shared>>, %arg13: memref<!tpu.dma_semaphore, #tpu.memory_space<semaphore_mem>>, %arg14: memref<!tpu.dma_semaphore, #tpu.memory_space<semaphore_mem>>, %arg15: memref<!tpu.dma_semaphore, #tpu.memory_space<semaphore_mem>>, %arg16: memref<!tpu.dma_semaphore, #tpu.memory_space<semaphore_mem>>) attributes {dimension_semantics = [#tpu.dimension_semantics<core_parallel>, #tpu.dimension_semantics<subcore_parallel>], iteration_bounds = array<i64: 2, 16>, scalar_prefetch = 0 : i64, scratch_operands = 9 : i64, tpu.core_type = #tpu.core_type<sc_vector_subcore>, window_params = [{transform_indices = #map}, {transform_indices = #map}, {transform_indices = #map}, {transform_indices = #map1}, {transform_indices = #map}, {transform_indices = #map}]} {
    %mul3A = arith.constant 16 : i32
    %mul3A_0 = arith.muli %arg0, %mul3A : i32
    %add3A = arith.addi %mul3A_0, %arg1 : i32
    %mul3A_1 = arith.constant 640 : i32
    %mul3A_2 = arith.muli %arg1, %mul3A_1 : i32
    %eq3A = arith.constant 0 : i32
    %eq3A_3 = arith.cmpi eq, %arg0, %eq3A : i32
    %lt3A = arith.constant 15 : i32
    %lt3A_4 = arith.cmpi slt, %arg1, %lt3A : i32
    %and3A = arith.andi %eq3A_3, %lt3A_4 : i1
    %convert_element_type3A = arith.extui %and3A : i1 to i32
    %cond3A = arith.constant 0 : i32
    %cond3A_5 = arith.cmpi ne, %convert_element_type3A, %cond3A : i32
    scf.if %cond3A_5 {
      "tpu.region"() ({
        %run_scoped3A = tpu.sem_alloc : memref<!tpu.dma_semaphore, #tpu.memory_space<semaphore_mem>>
        %dma_start3A_111 = arith.constant 0 : i32
        %dma_start3A_112 = tpu.memref_slice %arg12[%mul3A_2, %dma_start3A_111] : memref<10000x128xf32, #tpu.memory_space<vmem_shared>> -> memref<640x128xf32, #tpu.memory_space<vmem_shared>>
        %dma_start3A_113 = arith.constant 0 : i32
        %dma_start3A_114 = tpu.memref_slice %arg3[%mul3A_2, %dma_start3A_113] : memref<10000x128xf32, #tpu.memory_space<hbm>> -> memref<640x128xf32, #tpu.memory_space<hbm>>
        tpu.enqueue_dma source(%dma_start3A_114 : memref<640x128xf32, #tpu.memory_space<hbm>>) target(%dma_start3A_112 : memref<640x128xf32, #tpu.memory_space<vmem_shared>>) target_semaphore(%run_scoped3A : memref<!tpu.dma_semaphore, #tpu.memory_space<semaphore_mem>>)
        %dma_wait3A_115 = arith.constant 0 : i32
        %dma_wait3A_116 = tpu.memref_slice %arg12[%mul3A_2, %dma_wait3A_115] : memref<10000x128xf32, #tpu.memory_space<vmem_shared>> -> memref<640x128xf32, #tpu.memory_space<vmem_shared>>
        %dma_wait3A_117 = arith.constant 0 : i32
        %dma_wait3A_118 = tpu.memref_slice %arg3[%mul3A_2, %dma_wait3A_117] : memref<10000x128xf32, #tpu.memory_space<hbm>> -> memref<640x128xf32, #tpu.memory_space<hbm>>
        tpu.wait_dma2 semaphore(%run_scoped3A : memref<!tpu.dma_semaphore, #tpu.memory_space<semaphore_mem>>) src(%dma_wait3A_118 : memref<640x128xf32, #tpu.memory_space<hbm>>) dst(%dma_wait3A_116 : memref<640x128xf32, #tpu.memory_space<vmem_shared>>)
        tpu.yield
      }) : () -> ()
    } else {
    }
    %eq3A_6 = arith.constant 0 : i32
    %eq3A_7 = arith.cmpi eq, %arg0, %eq3A_6 : i32
    %eq3A_8 = arith.constant 15 : i32
    %eq3A_9 = arith.cmpi eq, %arg1, %eq3A_8 : i32
    %and3A_10 = arith.andi %eq3A_7, %eq3A_9 : i1
    %convert_element_type3A_11 = arith.extui %and3A_10 : i1 to i32
    %cond3A_12 = arith.constant 0 : i32
    %cond3A_13 = arith.cmpi ne, %convert_element_type3A_11, %cond3A_12 : i32
    scf.if %cond3A_13 {
      "tpu.region"() ({
        %run_scoped3A = tpu.sem_alloc : memref<!tpu.dma_semaphore, #tpu.memory_space<semaphore_mem>>
        %dma_start3A_111 = arith.constant 0 : i32
        %dma_start3A_112 = tpu.memref_slice %arg12[%mul3A_2, %dma_start3A_111] : memref<10000x128xf32, #tpu.memory_space<vmem_shared>> -> memref<400x128xf32, #tpu.memory_space<vmem_shared>>
        %dma_start3A_113 = arith.constant 0 : i32
        %dma_start3A_114 = tpu.memref_slice %arg3[%mul3A_2, %dma_start3A_113] : memref<10000x128xf32, #tpu.memory_space<hbm>> -> memref<400x128xf32, #tpu.memory_space<hbm>>
        tpu.enqueue_dma source(%dma_start3A_114 : memref<400x128xf32, #tpu.memory_space<hbm>>) target(%dma_start3A_112 : memref<400x128xf32, #tpu.memory_space<vmem_shared>>) target_semaphore(%run_scoped3A : memref<!tpu.dma_semaphore, #tpu.memory_space<semaphore_mem>>)
        %dma_wait3A_115 = arith.constant 0 : i32
        %dma_wait3A_116 = tpu.memref_slice %arg12[%mul3A_2, %dma_wait3A_115] : memref<10000x128xf32, #tpu.memory_space<vmem_shared>> -> memref<400x128xf32, #tpu.memory_space<vmem_shared>>
        %dma_wait3A_117 = arith.constant 0 : i32
        %dma_wait3A_118 = tpu.memref_slice %arg3[%mul3A_2, %dma_wait3A_117] : memref<10000x128xf32, #tpu.memory_space<hbm>> -> memref<400x128xf32, #tpu.memory_space<hbm>>
        tpu.wait_dma2 semaphore(%run_scoped3A : memref<!tpu.dma_semaphore, #tpu.memory_space<semaphore_mem>>) src(%dma_wait3A_118 : memref<400x128xf32, #tpu.memory_space<hbm>>) dst(%dma_wait3A_116 : memref<400x128xf32, #tpu.memory_space<vmem_shared>>)
        tpu.yield
      }) : () -> ()
    } else {
    }
    %ne3A = arith.constant 0 : i32
    %ne3A_14 = arith.cmpi ne, %arg0, %ne3A : i32
    %lt3A_15 = arith.constant 15 : i32
    %lt3A_16 = arith.cmpi slt, %arg1, %lt3A_15 : i32
    %and3A_17 = arith.andi %ne3A_14, %lt3A_16 : i1
    %convert_element_type3A_18 = arith.extui %and3A_17 : i1 to i32
    %cond3A_19 = arith.constant 0 : i32
    %cond3A_20 = arith.cmpi ne, %convert_element_type3A_18, %cond3A_19 : i32
    scf.if %cond3A_20 {
      "tpu.region"() ({
        %run_scoped3A = tpu.sem_alloc : memref<!tpu.dma_semaphore, #tpu.memory_space<semaphore_mem>>
        %dma_start3A_111 = arith.constant 0 : i32
        %dma_start3A_112 = tpu.memref_slice %arg12[%mul3A_2, %dma_start3A_111] : memref<10000x128xf32, #tpu.memory_space<vmem_shared>> -> memref<640x128xf32, #tpu.memory_space<vmem_shared>>
        %dma_start3A_113 = arith.constant 0 : i32
        %dma_start3A_114 = tpu.memref_slice %arg4[%mul3A_2, %dma_start3A_113] : memref<10000x128xf32, #tpu.memory_space<hbm>> -> memref<640x128xf32, #tpu.memory_space<hbm>>
        tpu.enqueue_dma source(%dma_start3A_114 : memref<640x128xf32, #tpu.memory_space<hbm>>) target(%dma_start3A_112 : memref<640x128xf32, #tpu.memory_space<vmem_shared>>) target_semaphore(%run_scoped3A : memref<!tpu.dma_semaphore, #tpu.memory_space<semaphore_mem>>)
        %dma_wait3A_115 = arith.constant 0 : i32
        %dma_wait3A_116 = tpu.memref_slice %arg12[%mul3A_2, %dma_wait3A_115] : memref<10000x128xf32, #tpu.memory_space<vmem_shared>> -> memref<640x128xf32, #tpu.memory_space<vmem_shared>>
        %dma_wait3A_117 = arith.constant 0 : i32
        %dma_wait3A_118 = tpu.memref_slice %arg4[%mul3A_2, %dma_wait3A_117] : memref<10000x128xf32, #tpu.memory_space<hbm>> -> memref<640x128xf32, #tpu.memory_space<hbm>>
        tpu.wait_dma2 semaphore(%run_scoped3A : memref<!tpu.dma_semaphore, #tpu.memory_space<semaphore_mem>>) src(%dma_wait3A_118 : memref<640x128xf32, #tpu.memory_space<hbm>>) dst(%dma_wait3A_116 : memref<640x128xf32, #tpu.memory_space<vmem_shared>>)
        tpu.yield
      }) : () -> ()
    } else {
    }
    %ne3A_21 = arith.constant 0 : i32
    %ne3A_22 = arith.cmpi ne, %arg0, %ne3A_21 : i32
    %eq3A_23 = arith.constant 15 : i32
    %eq3A_24 = arith.cmpi eq, %arg1, %eq3A_23 : i32
    %and3A_25 = arith.andi %ne3A_22, %eq3A_24 : i1
    %convert_element_type3A_26 = arith.extui %and3A_25 : i1 to i32
    %cond3A_27 = arith.constant 0 : i32
    %cond3A_28 = arith.cmpi ne, %convert_element_type3A_26, %cond3A_27 : i32
    scf.if %cond3A_28 {
      "tpu.region"() ({
        %run_scoped3A = tpu.sem_alloc : memref<!tpu.dma_semaphore, #tpu.memory_space<semaphore_mem>>
        %dma_start3A_111 = arith.constant 0 : i32
        %dma_start3A_112 = tpu.memref_slice %arg12[%mul3A_2, %dma_start3A_111] : memref<10000x128xf32, #tpu.memory_space<vmem_shared>> -> memref<400x128xf32, #tpu.memory_space<vmem_shared>>
        %dma_start3A_113 = arith.constant 0 : i32
        %dma_start3A_114 = tpu.memref_slice %arg4[%mul3A_2, %dma_start3A_113] : memref<10000x128xf32, #tpu.memory_space<hbm>> -> memref<400x128xf32, #tpu.memory_space<hbm>>
        tpu.enqueue_dma source(%dma_start3A_114 : memref<400x128xf32, #tpu.memory_space<hbm>>) target(%dma_start3A_112 : memref<400x128xf32, #tpu.memory_space<vmem_shared>>) target_semaphore(%run_scoped3A : memref<!tpu.dma_semaphore, #tpu.memory_space<semaphore_mem>>)
        %dma_wait3A_115 = arith.constant 0 : i32
        %dma_wait3A_116 = tpu.memref_slice %arg12[%mul3A_2, %dma_wait3A_115] : memref<10000x128xf32, #tpu.memory_space<vmem_shared>> -> memref<400x128xf32, #tpu.memory_space<vmem_shared>>
        %dma_wait3A_117 = arith.constant 0 : i32
        %dma_wait3A_118 = tpu.memref_slice %arg4[%mul3A_2, %dma_wait3A_117] : memref<10000x128xf32, #tpu.memory_space<hbm>> -> memref<400x128xf32, #tpu.memory_space<hbm>>
        tpu.wait_dma2 semaphore(%run_scoped3A : memref<!tpu.dma_semaphore, #tpu.memory_space<semaphore_mem>>) src(%dma_wait3A_118 : memref<400x128xf32, #tpu.memory_space<hbm>>) dst(%dma_wait3A_116 : memref<400x128xf32, #tpu.memory_space<vmem_shared>>)
        tpu.yield
      }) : () -> ()
    } else {
    }
    %barrier3A = arith.constant 0 : index
    tpu.barrier barrier_id(%barrier3A)
    %add3A_29 = arith.constant 0 : i32
    %add3A_30 = arith.addi %add3A, %add3A_29 : i32
    %mul3A_31 = arith.constant 40 : i32
    %mul3A_32 = arith.muli %add3A_30, %mul3A_31 : i32
    %multiple_of3A = tpu.assume_multiple %mul3A_32, 8 : i32
    %dma_start3A = tpu.memref_slice %arg5[%multiple_of3A] : memref<80000xi32, #tpu.memory_space<hbm>> -> memref<40xi32, #tpu.memory_space<hbm>>
    %dma_start3A_33 = tpu.memref_slice %arg5[%multiple_of3A] : memref<80000xi32, #tpu.memory_space<hbm>> -> memref<40xi32, #tpu.memory_space<hbm>>
    tpu.enqueue_dma source(%dma_start3A_33 : memref<40xi32, #tpu.memory_space<hbm>>) target(%arg8 : memref<40xi32, #tpu.memory_space<vmem>>) target_semaphore(%arg13 : memref<!tpu.dma_semaphore, #tpu.memory_space<semaphore_mem>>)
    %dma_start3A_34 = arith.constant 0 : i32
    %dma_start3A_35 = tpu.memref_slice %arg2[%multiple_of3A, %dma_start3A_34] : memref<80000x128xf32, #tpu.memory_space<hbm>> -> memref<40x128xf32, #tpu.memory_space<hbm>>
    %dma_start3A_36 = arith.constant 0 : i32
    %dma_start3A_37 = tpu.memref_slice %arg2[%multiple_of3A, %dma_start3A_36] : memref<80000x128xf32, #tpu.memory_space<hbm>> -> memref<40x128xf32, #tpu.memory_space<hbm>>
    tpu.enqueue_dma source(%dma_start3A_37 : memref<40x128xf32, #tpu.memory_space<hbm>>) target(%arg10 : memref<40x128xf32, #tpu.memory_space<vmem>>) target_semaphore(%arg15 : memref<!tpu.dma_semaphore, #tpu.memory_space<semaphore_mem>>)
    %scan3A = arith.constant 0 : i32
    %scan3A_38 = arith.constant 0 : i32
    %scan3A_39 = arith.constant 30 : i32
    %scan3A_40 = arith.addi %scan3A_38, %scan3A_39 : i32
    %scan3A_41 = arith.constant 1 : i32
    scf.for %scan3A_111 = %scan3A_38 to %scan3A_40 step %scan3A_41  : i32 {
      %mul3A_112 = arith.constant 2 : i32
      %mul3A_113 = arith.muli %mul3A_112, %scan3A_111 : i32
      %add3A_114 = arith.constant 1 : i32
      %add3A_115 = arith.addi %mul3A_113, %add3A_114 : i32
      %mul3A_116 = arith.constant 32 : i32
      %mul3A_117 = arith.muli %add3A_115, %mul3A_116 : i32
      %add3A_118 = arith.addi %add3A, %mul3A_117 : i32
      %mul3A_119 = arith.constant 40 : i32
      %mul3A_120 = arith.muli %add3A_118, %mul3A_119 : i32
      %multiple_of3A_121 = tpu.assume_multiple %mul3A_120, 8 : i32
      %dma_start3A_122 = tpu.memref_slice %arg5[%multiple_of3A_121] : memref<80000xi32, #tpu.memory_space<hbm>> -> memref<40xi32, #tpu.memory_space<hbm>>
      %dma_start3A_123 = tpu.memref_slice %arg5[%multiple_of3A_121] : memref<80000xi32, #tpu.memory_space<hbm>> -> memref<40xi32, #tpu.memory_space<hbm>>
      tpu.enqueue_dma source(%dma_start3A_123 : memref<40xi32, #tpu.memory_space<hbm>>) target(%arg9 : memref<40xi32, #tpu.memory_space<vmem>>) target_semaphore(%arg14 : memref<!tpu.dma_semaphore, #tpu.memory_space<semaphore_mem>>)
      %dma_start3A_124 = arith.constant 0 : i32
      %dma_start3A_125 = tpu.memref_slice %arg2[%multiple_of3A_121, %dma_start3A_124] : memref<80000x128xf32, #tpu.memory_space<hbm>> -> memref<40x128xf32, #tpu.memory_space<hbm>>
      %dma_start3A_126 = arith.constant 0 : i32
      %dma_start3A_127 = tpu.memref_slice %arg2[%multiple_of3A_121, %dma_start3A_126] : memref<80000x128xf32, #tpu.memory_space<hbm>> -> memref<40x128xf32, #tpu.memory_space<hbm>>
      tpu.enqueue_dma source(%dma_start3A_127 : memref<40x128xf32, #tpu.memory_space<hbm>>) target(%arg11 : memref<40x128xf32, #tpu.memory_space<vmem>>) target_semaphore(%arg16 : memref<!tpu.dma_semaphore, #tpu.memory_space<semaphore_mem>>)
      %mul3A_128 = arith.constant 2 : i32
      %mul3A_129 = arith.muli %mul3A_128, %scan3A_111 : i32
      %dma_wait3A_130 = arith.constant 0 : i32
      %dma_wait3A_131 = tpu.memref_slice %arg5[%dma_wait3A_130] : memref<80000xi32, #tpu.memory_space<hbm>> -> memref<40xi32, #tpu.memory_space<hbm>>
      %dma_wait3A_132 = arith.constant 0 : i32
      %dma_wait3A_133 = tpu.memref_slice %arg5[%dma_wait3A_132] : memref<80000xi32, #tpu.memory_space<hbm>> -> memref<40xi32, #tpu.memory_space<hbm>>
      tpu.wait_dma2 semaphore(%arg13 : memref<!tpu.dma_semaphore, #tpu.memory_space<semaphore_mem>>) src(%dma_wait3A_133 : memref<40xi32, #tpu.memory_space<hbm>>) dst(%arg8 : memref<40xi32, #tpu.memory_space<vmem>>)
      %dma_wait3A_134 = arith.constant 0 : i32
      %dma_wait3A_135 = arith.constant 0 : i32
      %dma_wait3A_136 = tpu.memref_slice %arg2[%dma_wait3A_134, %dma_wait3A_135] : memref<80000x128xf32, #tpu.memory_space<hbm>> -> memref<40x128xf32, #tpu.memory_space<hbm>>
      %dma_wait3A_137 = arith.constant 0 : i32
      %dma_wait3A_138 = arith.constant 0 : i32
      %dma_wait3A_139 = tpu.memref_slice %arg2[%dma_wait3A_137, %dma_wait3A_138] : memref<80000x128xf32, #tpu.memory_space<hbm>> -> memref<40x128xf32, #tpu.memory_space<hbm>>
      tpu.wait_dma2 semaphore(%arg15 : memref<!tpu.dma_semaphore, #tpu.memory_space<semaphore_mem>>) src(%dma_wait3A_139 : memref<40x128xf32, #tpu.memory_space<hbm>>) dst(%arg10 : memref<40x128xf32, #tpu.memory_space<vmem>>)
      "tpu.region"() ({
        %run_scoped3A = tpu.sem_alloc : memref<!tpu.dma_semaphore, #tpu.memory_space<semaphore_mem>>
        %dma_start3A_170 = arith.constant 0 : i32
        %dma_start3A_171 = arith.constant 0 : i32
        %dma_start3A_172 = tpu.memref_slice %arg12[%dma_start3A_170, %dma_start3A_171] : memref<10000x128xf32, #tpu.memory_space<vmem_shared>> -> memref<10000x128xf32, #tpu.memory_space<vmem_shared>>
        tpu.enqueue_indirect_dma source(%arg10 : memref<40x128xf32, #tpu.memory_space<vmem>>) target(%dma_start3A_172 : memref<10000x128xf32, #tpu.memory_space<vmem_shared>>) offsets(%arg8 : memref<40xi32, #tpu.memory_space<vmem>>) semaphore(%run_scoped3A : memref<!tpu.dma_semaphore, #tpu.memory_space<semaphore_mem>>) {add = true}
        %dma_wait3A_173 = arith.constant 0 : i32
        %dma_wait3A_174 = arith.constant 0 : i32
        %dma_wait3A_175 = tpu.memref_slice %arg12[%dma_wait3A_173, %dma_wait3A_174] : memref<10000x128xf32, #tpu.memory_space<vmem_shared>> -> memref<10000x128xf32, #tpu.memory_space<vmem_shared>>
        tpu.wait_indirect_dma semaphore(%run_scoped3A : memref<!tpu.dma_semaphore, #tpu.memory_space<semaphore_mem>>) src(%arg10 : memref<40x128xf32, #tpu.memory_space<vmem>>) dst(%dma_wait3A_175 : memref<10000x128xf32, #tpu.memory_space<vmem_shared>>)
        tpu.yield
      }) : () -> ()
      %mul3A_140 = arith.constant 2 : i32
      %mul3A_141 = arith.muli %mul3A_140, %scan3A_111 : i32
      %add3A_142 = arith.constant 2 : i32
      %add3A_143 = arith.addi %mul3A_141, %add3A_142 : i32
      %mul3A_144 = arith.constant 32 : i32
      %mul3A_145 = arith.muli %add3A_143, %mul3A_144 : i32
      %add3A_146 = arith.addi %add3A, %mul3A_145 : i32
      %mul3A_147 = arith.constant 40 : i32
      %mul3A_148 = arith.muli %add3A_146, %mul3A_147 : i32
      %multiple_of3A_149 = tpu.assume_multiple %mul3A_148, 8 : i32
      %dma_start3A_150 = tpu.memref_slice %arg5[%multiple_of3A_149] : memref<80000xi32, #tpu.memory_space<hbm>> -> memref<40xi32, #tpu.memory_space<hbm>>
      %dma_start3A_151 = tpu.memref_slice %arg5[%multiple_of3A_149] : memref<80000xi32, #tpu.memory_space<hbm>> -> memref<40xi32, #tpu.memory_space<hbm>>
      tpu.enqueue_dma source(%dma_start3A_151 : memref<40xi32, #tpu.memory_space<hbm>>) target(%arg8 : memref<40xi32, #tpu.memory_space<vmem>>) target_semaphore(%arg13 : memref<!tpu.dma_semaphore, #tpu.memory_space<semaphore_mem>>)
      %dma_start3A_152 = arith.constant 0 : i32
      %dma_start3A_153 = tpu.memref_slice %arg2[%multiple_of3A_149, %dma_start3A_152] : memref<80000x128xf32, #tpu.memory_space<hbm>> -> memref<40x128xf32, #tpu.memory_space<hbm>>
      %dma_start3A_154 = arith.constant 0 : i32
      %dma_start3A_155 = tpu.memref_slice %arg2[%multiple_of3A_149, %dma_start3A_154] : memref<80000x128xf32, #tpu.memory_space<hbm>> -> memref<40x128xf32, #tpu.memory_space<hbm>>
      tpu.enqueue_dma source(%dma_start3A_155 : memref<40x128xf32, #tpu.memory_space<hbm>>) target(%arg10 : memref<40x128xf32, #tpu.memory_space<vmem>>) target_semaphore(%arg15 : memref<!tpu.dma_semaphore, #tpu.memory_space<semaphore_mem>>)
      %mul3A_156 = arith.constant 2 : i32
      %mul3A_157 = arith.muli %mul3A_156, %scan3A_111 : i32
      %add3A_158 = arith.constant 1 : i32
      %add3A_159 = arith.addi %mul3A_157, %add3A_158 : i32
      %dma_wait3A_160 = arith.constant 0 : i32
      %dma_wait3A_161 = tpu.memref_slice %arg5[%dma_wait3A_160] : memref<80000xi32, #tpu.memory_space<hbm>> -> memref<40xi32, #tpu.memory_space<hbm>>
      %dma_wait3A_162 = arith.constant 0 : i32
      %dma_wait3A_163 = tpu.memref_slice %arg5[%dma_wait3A_162] : memref<80000xi32, #tpu.memory_space<hbm>> -> memref<40xi32, #tpu.memory_space<hbm>>
      tpu.wait_dma2 semaphore(%arg14 : memref<!tpu.dma_semaphore, #tpu.memory_space<semaphore_mem>>) src(%dma_wait3A_163 : memref<40xi32, #tpu.memory_space<hbm>>) dst(%arg9 : memref<40xi32, #tpu.memory_space<vmem>>)
      %dma_wait3A_164 = arith.constant 0 : i32
      %dma_wait3A_165 = arith.constant 0 : i32
      %dma_wait3A_166 = tpu.memref_slice %arg2[%dma_wait3A_164, %dma_wait3A_165] : memref<80000x128xf32, #tpu.memory_space<hbm>> -> memref<40x128xf32, #tpu.memory_space<hbm>>
      %dma_wait3A_167 = arith.constant 0 : i32
      %dma_wait3A_168 = arith.constant 0 : i32
      %dma_wait3A_169 = tpu.memref_slice %arg2[%dma_wait3A_167, %dma_wait3A_168] : memref<80000x128xf32, #tpu.memory_space<hbm>> -> memref<40x128xf32, #tpu.memory_space<hbm>>
      tpu.wait_dma2 semaphore(%arg16 : memref<!tpu.dma_semaphore, #tpu.memory_space<semaphore_mem>>) src(%dma_wait3A_169 : memref<40x128xf32, #tpu.memory_space<hbm>>) dst(%arg11 : memref<40x128xf32, #tpu.memory_space<vmem>>)
      "tpu.region"() ({
        %run_scoped3A = tpu.sem_alloc : memref<!tpu.dma_semaphore, #tpu.memory_space<semaphore_mem>>
        %dma_start3A_170 = arith.constant 0 : i32
        %dma_start3A_171 = arith.constant 0 : i32
        %dma_start3A_172 = tpu.memref_slice %arg12[%dma_start3A_170, %dma_start3A_171] : memref<10000x128xf32, #tpu.memory_space<vmem_shared>> -> memref<10000x128xf32, #tpu.memory_space<vmem_shared>>
        tpu.enqueue_indirect_dma source(%arg11 : memref<40x128xf32, #tpu.memory_space<vmem>>) target(%dma_start3A_172 : memref<10000x128xf32, #tpu.memory_space<vmem_shared>>) offsets(%arg9 : memref<40xi32, #tpu.memory_space<vmem>>) semaphore(%run_scoped3A : memref<!tpu.dma_semaphore, #tpu.memory_space<semaphore_mem>>) {add = true}
        %dma_wait3A_173 = arith.constant 0 : i32
        %dma_wait3A_174 = arith.constant 0 : i32
        %dma_wait3A_175 = tpu.memref_slice %arg12[%dma_wait3A_173, %dma_wait3A_174] : memref<10000x128xf32, #tpu.memory_space<vmem_shared>> -> memref<10000x128xf32, #tpu.memory_space<vmem_shared>>
        tpu.wait_indirect_dma semaphore(%run_scoped3A : memref<!tpu.dma_semaphore, #tpu.memory_space<semaphore_mem>>) src(%arg11 : memref<40x128xf32, #tpu.memory_space<vmem>>) dst(%dma_wait3A_175 : memref<10000x128xf32, #tpu.memory_space<vmem_shared>>)
        tpu.yield
      }) : () -> ()
    }
    %scan3A_42 = arith.constant 30 : i32
    %add3A_43 = arith.constant 1952 : i32
    %add3A_44 = arith.addi %add3A, %add3A_43 : i32
    %mul3A_45 = arith.constant 40 : i32
    %mul3A_46 = arith.muli %add3A_44, %mul3A_45 : i32
    %multiple_of3A_47 = tpu.assume_multiple %mul3A_46, 8 : i32
    %dma_start3A_48 = tpu.memref_slice %arg5[%multiple_of3A_47] : memref<80000xi32, #tpu.memory_space<hbm>> -> memref<40xi32, #tpu.memory_space<hbm>>
    %dma_start3A_49 = tpu.memref_slice %arg5[%multiple_of3A_47] : memref<80000xi32, #tpu.memory_space<hbm>> -> memref<40xi32, #tpu.memory_space<hbm>>
    tpu.enqueue_dma source(%dma_start3A_49 : memref<40xi32, #tpu.memory_space<hbm>>) target(%arg9 : memref<40xi32, #tpu.memory_space<vmem>>) target_semaphore(%arg14 : memref<!tpu.dma_semaphore, #tpu.memory_space<semaphore_mem>>)
    %dma_start3A_50 = arith.constant 0 : i32
    %dma_start3A_51 = tpu.memref_slice %arg2[%multiple_of3A_47, %dma_start3A_50] : memref<80000x128xf32, #tpu.memory_space<hbm>> -> memref<40x128xf32, #tpu.memory_space<hbm>>
    %dma_start3A_52 = arith.constant 0 : i32
    %dma_start3A_53 = tpu.memref_slice %arg2[%multiple_of3A_47, %dma_start3A_52] : memref<80000x128xf32, #tpu.memory_space<hbm>> -> memref<40x128xf32, #tpu.memory_space<hbm>>
    tpu.enqueue_dma source(%dma_start3A_53 : memref<40x128xf32, #tpu.memory_space<hbm>>) target(%arg11 : memref<40x128xf32, #tpu.memory_space<vmem>>) target_semaphore(%arg16 : memref<!tpu.dma_semaphore, #tpu.memory_space<semaphore_mem>>)
    %dma_wait3A = arith.constant 0 : i32
    %dma_wait3A_54 = tpu.memref_slice %arg5[%dma_wait3A] : memref<80000xi32, #tpu.memory_space<hbm>> -> memref<40xi32, #tpu.memory_space<hbm>>
    %dma_wait3A_55 = arith.constant 0 : i32
    %dma_wait3A_56 = tpu.memref_slice %arg5[%dma_wait3A_55] : memref<80000xi32, #tpu.memory_space<hbm>> -> memref<40xi32, #tpu.memory_space<hbm>>
    tpu.wait_dma2 semaphore(%arg13 : memref<!tpu.dma_semaphore, #tpu.memory_space<semaphore_mem>>) src(%dma_wait3A_56 : memref<40xi32, #tpu.memory_space<hbm>>) dst(%arg8 : memref<40xi32, #tpu.memory_space<vmem>>)
    %dma_wait3A_57 = arith.constant 0 : i32
    %dma_wait3A_58 = arith.constant 0 : i32
    %dma_wait3A_59 = tpu.memref_slice %arg2[%dma_wait3A_57, %dma_wait3A_58] : memref<80000x128xf32, #tpu.memory_space<hbm>> -> memref<40x128xf32, #tpu.memory_space<hbm>>
    %dma_wait3A_60 = arith.constant 0 : i32
    %dma_wait3A_61 = arith.constant 0 : i32
    %dma_wait3A_62 = tpu.memref_slice %arg2[%dma_wait3A_60, %dma_wait3A_61] : memref<80000x128xf32, #tpu.memory_space<hbm>> -> memref<40x128xf32, #tpu.memory_space<hbm>>
    tpu.wait_dma2 semaphore(%arg15 : memref<!tpu.dma_semaphore, #tpu.memory_space<semaphore_mem>>) src(%dma_wait3A_62 : memref<40x128xf32, #tpu.memory_space<hbm>>) dst(%arg10 : memref<40x128xf32, #tpu.memory_space<vmem>>)
    "tpu.region"() ({
      %run_scoped3A = tpu.sem_alloc : memref<!tpu.dma_semaphore, #tpu.memory_space<semaphore_mem>>
      %dma_start3A_111 = arith.constant 0 : i32
      %dma_start3A_112 = arith.constant 0 : i32
      %dma_start3A_113 = tpu.memref_slice %arg12[%dma_start3A_111, %dma_start3A_112] : memref<10000x128xf32, #tpu.memory_space<vmem_shared>> -> memref<10000x128xf32, #tpu.memory_space<vmem_shared>>
      tpu.enqueue_indirect_dma source(%arg10 : memref<40x128xf32, #tpu.memory_space<vmem>>) target(%dma_start3A_113 : memref<10000x128xf32, #tpu.memory_space<vmem_shared>>) offsets(%arg8 : memref<40xi32, #tpu.memory_space<vmem>>) semaphore(%run_scoped3A : memref<!tpu.dma_semaphore, #tpu.memory_space<semaphore_mem>>) {add = true}
      %dma_wait3A_114 = arith.constant 0 : i32
      %dma_wait3A_115 = arith.constant 0 : i32
      %dma_wait3A_116 = tpu.memref_slice %arg12[%dma_wait3A_114, %dma_wait3A_115] : memref<10000x128xf32, #tpu.memory_space<vmem_shared>> -> memref<10000x128xf32, #tpu.memory_space<vmem_shared>>
      tpu.wait_indirect_dma semaphore(%run_scoped3A : memref<!tpu.dma_semaphore, #tpu.memory_space<semaphore_mem>>) src(%arg10 : memref<40x128xf32, #tpu.memory_space<vmem>>) dst(%dma_wait3A_116 : memref<10000x128xf32, #tpu.memory_space<vmem_shared>>)
      tpu.yield
    }) : () -> ()
    %dma_wait3A_63 = arith.constant 0 : i32
    %dma_wait3A_64 = tpu.memref_slice %arg5[%dma_wait3A_63] : memref<80000xi32, #tpu.memory_space<hbm>> -> memref<40xi32, #tpu.memory_space<hbm>>
    %dma_wait3A_65 = arith.constant 0 : i32
    %dma_wait3A_66 = tpu.memref_slice %arg5[%dma_wait3A_65] : memref<80000xi32, #tpu.memory_space<hbm>> -> memref<40xi32, #tpu.memory_space<hbm>>
    tpu.wait_dma2 semaphore(%arg14 : memref<!tpu.dma_semaphore, #tpu.memory_space<semaphore_mem>>) src(%dma_wait3A_66 : memref<40xi32, #tpu.memory_space<hbm>>) dst(%arg9 : memref<40xi32, #tpu.memory_space<vmem>>)
    %dma_wait3A_67 = arith.constant 0 : i32
    %dma_wait3A_68 = arith.constant 0 : i32
    %dma_wait3A_69 = tpu.memref_slice %arg2[%dma_wait3A_67, %dma_wait3A_68] : memref<80000x128xf32, #tpu.memory_space<hbm>> -> memref<40x128xf32, #tpu.memory_space<hbm>>
    %dma_wait3A_70 = arith.constant 0 : i32
    %dma_wait3A_71 = arith.constant 0 : i32
    %dma_wait3A_72 = tpu.memref_slice %arg2[%dma_wait3A_70, %dma_wait3A_71] : memref<80000x128xf32, #tpu.memory_space<hbm>> -> memref<40x128xf32, #tpu.memory_space<hbm>>
    tpu.wait_dma2 semaphore(%arg16 : memref<!tpu.dma_semaphore, #tpu.memory_space<semaphore_mem>>) src(%dma_wait3A_72 : memref<40x128xf32, #tpu.memory_space<hbm>>) dst(%arg11 : memref<40x128xf32, #tpu.memory_space<vmem>>)
    "tpu.region"() ({
      %run_scoped3A = tpu.sem_alloc : memref<!tpu.dma_semaphore, #tpu.memory_space<semaphore_mem>>
      %dma_start3A_111 = arith.constant 0 : i32
      %dma_start3A_112 = arith.constant 0 : i32
      %dma_start3A_113 = tpu.memref_slice %arg12[%dma_start3A_111, %dma_start3A_112] : memref<10000x128xf32, #tpu.memory_space<vmem_shared>> -> memref<10000x128xf32, #tpu.memory_space<vmem_shared>>
      tpu.enqueue_indirect_dma source(%arg11 : memref<40x128xf32, #tpu.memory_space<vmem>>) target(%dma_start3A_113 : memref<10000x128xf32, #tpu.memory_space<vmem_shared>>) offsets(%arg9 : memref<40xi32, #tpu.memory_space<vmem>>) semaphore(%run_scoped3A : memref<!tpu.dma_semaphore, #tpu.memory_space<semaphore_mem>>) {add = true}
      %dma_wait3A_114 = arith.constant 0 : i32
      %dma_wait3A_115 = arith.constant 0 : i32
      %dma_wait3A_116 = tpu.memref_slice %arg12[%dma_wait3A_114, %dma_wait3A_115] : memref<10000x128xf32, #tpu.memory_space<vmem_shared>> -> memref<10000x128xf32, #tpu.memory_space<vmem_shared>>
      tpu.wait_indirect_dma semaphore(%run_scoped3A : memref<!tpu.dma_semaphore, #tpu.memory_space<semaphore_mem>>) src(%arg11 : memref<40x128xf32, #tpu.memory_space<vmem>>) dst(%dma_wait3A_116 : memref<10000x128xf32, #tpu.memory_space<vmem_shared>>)
      tpu.yield
    }) : () -> ()
    %lt3A_73 = arith.constant 16 : i32
    %lt3A_74 = arith.cmpi slt, %add3A, %lt3A_73 : i32
    %convert_element_type3A_75 = arith.extui %lt3A_74 : i1 to i32
    %cond3A_76 = arith.constant 0 : i32
    %cond3A_77 = arith.cmpi ne, %convert_element_type3A_75, %cond3A_76 : i32
    scf.if %cond3A_77 {
      %add3A_111 = arith.constant 1984 : i32
      %add3A_112 = arith.addi %add3A, %add3A_111 : i32
      %mul3A_113 = arith.constant 40 : i32
      %mul3A_114 = arith.muli %add3A_112, %mul3A_113 : i32
      %multiple_of3A_115 = tpu.assume_multiple %mul3A_114, 8 : i32
      %dma_start3A_116 = tpu.memref_slice %arg5[%multiple_of3A_115] : memref<80000xi32, #tpu.memory_space<hbm>> -> memref<40xi32, #tpu.memory_space<hbm>>
      %dma_start3A_117 = tpu.memref_slice %arg5[%multiple_of3A_115] : memref<80000xi32, #tpu.memory_space<hbm>> -> memref<40xi32, #tpu.memory_space<hbm>>
      tpu.enqueue_dma source(%dma_start3A_117 : memref<40xi32, #tpu.memory_space<hbm>>) target(%arg8 : memref<40xi32, #tpu.memory_space<vmem>>) target_semaphore(%arg13 : memref<!tpu.dma_semaphore, #tpu.memory_space<semaphore_mem>>)
      %dma_start3A_118 = arith.constant 0 : i32
      %dma_start3A_119 = tpu.memref_slice %arg2[%multiple_of3A_115, %dma_start3A_118] : memref<80000x128xf32, #tpu.memory_space<hbm>> -> memref<40x128xf32, #tpu.memory_space<hbm>>
      %dma_start3A_120 = arith.constant 0 : i32
      %dma_start3A_121 = tpu.memref_slice %arg2[%multiple_of3A_115, %dma_start3A_120] : memref<80000x128xf32, #tpu.memory_space<hbm>> -> memref<40x128xf32, #tpu.memory_space<hbm>>
      tpu.enqueue_dma source(%dma_start3A_121 : memref<40x128xf32, #tpu.memory_space<hbm>>) target(%arg10 : memref<40x128xf32, #tpu.memory_space<vmem>>) target_semaphore(%arg15 : memref<!tpu.dma_semaphore, #tpu.memory_space<semaphore_mem>>)
      %dma_wait3A_122 = arith.constant 0 : i32
      %dma_wait3A_123 = tpu.memref_slice %arg5[%dma_wait3A_122] : memref<80000xi32, #tpu.memory_space<hbm>> -> memref<40xi32, #tpu.memory_space<hbm>>
      %dma_wait3A_124 = arith.constant 0 : i32
      %dma_wait3A_125 = tpu.memref_slice %arg5[%dma_wait3A_124] : memref<80000xi32, #tpu.memory_space<hbm>> -> memref<40xi32, #tpu.memory_space<hbm>>
      tpu.wait_dma2 semaphore(%arg13 : memref<!tpu.dma_semaphore, #tpu.memory_space<semaphore_mem>>) src(%dma_wait3A_125 : memref<40xi32, #tpu.memory_space<hbm>>) dst(%arg8 : memref<40xi32, #tpu.memory_space<vmem>>)
      %dma_wait3A_126 = arith.constant 0 : i32
      %dma_wait3A_127 = arith.constant 0 : i32
      %dma_wait3A_128 = tpu.memref_slice %arg2[%dma_wait3A_126, %dma_wait3A_127] : memref<80000x128xf32, #tpu.memory_space<hbm>> -> memref<40x128xf32, #tpu.memory_space<hbm>>
      %dma_wait3A_129 = arith.constant 0 : i32
      %dma_wait3A_130 = arith.constant 0 : i32
      %dma_wait3A_131 = tpu.memref_slice %arg2[%dma_wait3A_129, %dma_wait3A_130] : memref<80000x128xf32, #tpu.memory_space<hbm>> -> memref<40x128xf32, #tpu.memory_space<hbm>>
      tpu.wait_dma2 semaphore(%arg15 : memref<!tpu.dma_semaphore, #tpu.memory_space<semaphore_mem>>) src(%dma_wait3A_131 : memref<40x128xf32, #tpu.memory_space<hbm>>) dst(%arg10 : memref<40x128xf32, #tpu.memory_space<vmem>>)
      "tpu.region"() ({
        %run_scoped3A = tpu.sem_alloc : memref<!tpu.dma_semaphore, #tpu.memory_space<semaphore_mem>>
        %dma_start3A_132 = arith.constant 0 : i32
        %dma_start3A_133 = arith.constant 0 : i32
        %dma_start3A_134 = tpu.memref_slice %arg12[%dma_start3A_132, %dma_start3A_133] : memref<10000x128xf32, #tpu.memory_space<vmem_shared>> -> memref<10000x128xf32, #tpu.memory_space<vmem_shared>>
        tpu.enqueue_indirect_dma source(%arg10 : memref<40x128xf32, #tpu.memory_space<vmem>>) target(%dma_start3A_134 : memref<10000x128xf32, #tpu.memory_space<vmem_shared>>) offsets(%arg8 : memref<40xi32, #tpu.memory_space<vmem>>) semaphore(%run_scoped3A : memref<!tpu.dma_semaphore, #tpu.memory_space<semaphore_mem>>) {add = true}
        %dma_wait3A_135 = arith.constant 0 : i32
        %dma_wait3A_136 = arith.constant 0 : i32
        %dma_wait3A_137 = tpu.memref_slice %arg12[%dma_wait3A_135, %dma_wait3A_136] : memref<10000x128xf32, #tpu.memory_space<vmem_shared>> -> memref<10000x128xf32, #tpu.memory_space<vmem_shared>>
        tpu.wait_indirect_dma semaphore(%run_scoped3A : memref<!tpu.dma_semaphore, #tpu.memory_space<semaphore_mem>>) src(%arg10 : memref<40x128xf32, #tpu.memory_space<vmem>>) dst(%dma_wait3A_137 : memref<10000x128xf32, #tpu.memory_space<vmem_shared>>)
        tpu.yield
      }) : () -> ()
    } else {
    }
    %barrier3A_78 = arith.constant 0 : index
    tpu.barrier barrier_id(%barrier3A_78)
    %eq3A_79 = arith.constant 0 : i32
    %eq3A_80 = arith.cmpi eq, %arg0, %eq3A_79 : i32
    %lt3A_81 = arith.constant 15 : i32
    %lt3A_82 = arith.cmpi slt, %arg1, %lt3A_81 : i32
    %and3A_83 = arith.andi %eq3A_80, %lt3A_82 : i1
    %convert_element_type3A_84 = arith.extui %and3A_83 : i1 to i32
    %cond3A_85 = arith.constant 0 : i32
    %cond3A_86 = arith.cmpi ne, %convert_element_type3A_84, %cond3A_85 : i32
    scf.if %cond3A_86 {
      "tpu.region"() ({
        %run_scoped3A = tpu.sem_alloc : memref<!tpu.dma_semaphore, #tpu.memory_space<semaphore_mem>>
        %dma_start3A_111 = arith.constant 0 : i32
        %dma_start3A_112 = tpu.memref_slice %arg6[%mul3A_2, %dma_start3A_111] : memref<10000x128xf32, #tpu.memory_space<hbm>> -> memref<640x128xf32, #tpu.memory_space<hbm>>
        %dma_start3A_113 = arith.constant 0 : i32
        %dma_start3A_114 = tpu.memref_slice %arg12[%mul3A_2, %dma_start3A_113] : memref<10000x128xf32, #tpu.memory_space<vmem_shared>> -> memref<640x128xf32, #tpu.memory_space<vmem_shared>>
        tpu.enqueue_dma source(%dma_start3A_114 : memref<640x128xf32, #tpu.memory_space<vmem_shared>>) target(%dma_start3A_112 : memref<640x128xf32, #tpu.memory_space<hbm>>) target_semaphore(%run_scoped3A : memref<!tpu.dma_semaphore, #tpu.memory_space<semaphore_mem>>)
        %dma_wait3A_115 = arith.constant 0 : i32
        %dma_wait3A_116 = tpu.memref_slice %arg6[%mul3A_2, %dma_wait3A_115] : memref<10000x128xf32, #tpu.memory_space<hbm>> -> memref<640x128xf32, #tpu.memory_space<hbm>>
        %dma_wait3A_117 = arith.constant 0 : i32
        %dma_wait3A_118 = tpu.memref_slice %arg12[%mul3A_2, %dma_wait3A_117] : memref<10000x128xf32, #tpu.memory_space<vmem_shared>> -> memref<640x128xf32, #tpu.memory_space<vmem_shared>>
        tpu.wait_dma2 semaphore(%run_scoped3A : memref<!tpu.dma_semaphore, #tpu.memory_space<semaphore_mem>>) src(%dma_wait3A_118 : memref<640x128xf32, #tpu.memory_space<vmem_shared>>) dst(%dma_wait3A_116 : memref<640x128xf32, #tpu.memory_space<hbm>>)
        tpu.yield
      }) : () -> ()
    } else {
    }
    %eq3A_87 = arith.constant 0 : i32
    %eq3A_88 = arith.cmpi eq, %arg0, %eq3A_87 : i32
    %eq3A_89 = arith.constant 15 : i32
    %eq3A_90 = arith.cmpi eq, %arg1, %eq3A_89 : i32
    %and3A_91 = arith.andi %eq3A_88, %eq3A_90 : i1
    %convert_element_type3A_92 = arith.extui %and3A_91 : i1 to i32
    %cond3A_93 = arith.constant 0 : i32
    %cond3A_94 = arith.cmpi ne, %convert_element_type3A_92, %cond3A_93 : i32
    scf.if %cond3A_94 {
      "tpu.region"() ({
        %run_scoped3A = tpu.sem_alloc : memref<!tpu.dma_semaphore, #tpu.memory_space<semaphore_mem>>
        %dma_start3A_111 = arith.constant 0 : i32
        %dma_start3A_112 = tpu.memref_slice %arg6[%mul3A_2, %dma_start3A_111] : memref<10000x128xf32, #tpu.memory_space<hbm>> -> memref<400x128xf32, #tpu.memory_space<hbm>>
        %dma_start3A_113 = arith.constant 0 : i32
        %dma_start3A_114 = tpu.memref_slice %arg12[%mul3A_2, %dma_start3A_113] : memref<10000x128xf32, #tpu.memory_space<vmem_shared>> -> memref<400x128xf32, #tpu.memory_space<vmem_shared>>
        tpu.enqueue_dma source(%dma_start3A_114 : memref<400x128xf32, #tpu.memory_space<vmem_shared>>) target(%dma_start3A_112 : memref<400x128xf32, #tpu.memory_space<hbm>>) target_semaphore(%run_scoped3A : memref<!tpu.dma_semaphore, #tpu.memory_space<semaphore_mem>>)
        %dma_wait3A_115 = arith.constant 0 : i32
        %dma_wait3A_116 = tpu.memref_slice %arg6[%mul3A_2, %dma_wait3A_115] : memref<10000x128xf32, #tpu.memory_space<hbm>> -> memref<400x128xf32, #tpu.memory_space<hbm>>
        %dma_wait3A_117 = arith.constant 0 : i32
        %dma_wait3A_118 = tpu.memref_slice %arg12[%mul3A_2, %dma_wait3A_117] : memref<10000x128xf32, #tpu.memory_space<vmem_shared>> -> memref<400x128xf32, #tpu.memory_space<vmem_shared>>
        tpu.wait_dma2 semaphore(%run_scoped3A : memref<!tpu.dma_semaphore, #tpu.memory_space<semaphore_mem>>) src(%dma_wait3A_118 : memref<400x128xf32, #tpu.memory_space<vmem_shared>>) dst(%dma_wait3A_116 : memref<400x128xf32, #tpu.memory_space<hbm>>)
        tpu.yield
      }) : () -> ()
    } else {
    }
    %ne3A_95 = arith.constant 0 : i32
    %ne3A_96 = arith.cmpi ne, %arg0, %ne3A_95 : i32
    %lt3A_97 = arith.constant 15 : i32
    %lt3A_98 = arith.cmpi slt, %arg1, %lt3A_97 : i32
    %and3A_99 = arith.andi %ne3A_96, %lt3A_98 : i1
    %convert_element_type3A_100 = arith.extui %and3A_99 : i1 to i32
    %cond3A_101 = arith.constant 0 : i32
    %cond3A_102 = arith.cmpi ne, %convert_element_type3A_100, %cond3A_101 : i32
    scf.if %cond3A_102 {
      "tpu.region"() ({
        %run_scoped3A = tpu.sem_alloc : memref<!tpu.dma_semaphore, #tpu.memory_space<semaphore_mem>>
        %dma_start3A_111 = arith.constant 0 : i32
        %dma_start3A_112 = tpu.memref_slice %arg7[%mul3A_2, %dma_start3A_111] : memref<10000x128xf32, #tpu.memory_space<hbm>> -> memref<640x128xf32, #tpu.memory_space<hbm>>
        %dma_start3A_113 = arith.constant 0 : i32
        %dma_start3A_114 = tpu.memref_slice %arg12[%mul3A_2, %dma_start3A_113] : memref<10000x128xf32, #tpu.memory_space<vmem_shared>> -> memref<640x128xf32, #tpu.memory_space<vmem_shared>>
        tpu.enqueue_dma source(%dma_start3A_114 : memref<640x128xf32, #tpu.memory_space<vmem_shared>>) target(%dma_start3A_112 : memref<640x128xf32, #tpu.memory_space<hbm>>) target_semaphore(%run_scoped3A : memref<!tpu.dma_semaphore, #tpu.memory_space<semaphore_mem>>)
        %dma_wait3A_115 = arith.constant 0 : i32
        %dma_wait3A_116 = tpu.memref_slice %arg7[%mul3A_2, %dma_wait3A_115] : memref<10000x128xf32, #tpu.memory_space<hbm>> -> memref<640x128xf32, #tpu.memory_space<hbm>>
        %dma_wait3A_117 = arith.constant 0 : i32
        %dma_wait3A_118 = tpu.memref_slice %arg12[%mul3A_2, %dma_wait3A_117] : memref<10000x128xf32, #tpu.memory_space<vmem_shared>> -> memref<640x128xf32, #tpu.memory_space<vmem_shared>>
        tpu.wait_dma2 semaphore(%run_scoped3A : memref<!tpu.dma_semaphore, #tpu.memory_space<semaphore_mem>>) src(%dma_wait3A_118 : memref<640x128xf32, #tpu.memory_space<vmem_shared>>) dst(%dma_wait3A_116 : memref<640x128xf32, #tpu.memory_space<hbm>>)
        tpu.yield
      }) : () -> ()
    } else {
    }
    %ne3A_103 = arith.constant 0 : i32
    %ne3A_104 = arith.cmpi ne, %arg0, %ne3A_103 : i32
    %eq3A_105 = arith.constant 15 : i32
    %eq3A_106 = arith.cmpi eq, %arg1, %eq3A_105 : i32
    %and3A_107 = arith.andi %ne3A_104, %eq3A_106 : i1
    %convert_element_type3A_108 = arith.extui %and3A_107 : i1 to i32
    %cond3A_109 = arith.constant 0 : i32
    %cond3A_110 = arith.cmpi ne, %convert_element_type3A_108, %cond3A_109 : i32
    scf.if %cond3A_110 {
      "tpu.region"() ({
        %run_scoped3A = tpu.sem_alloc : memref<!tpu.dma_semaphore, #tpu.memory_space<semaphore_mem>>
        %dma_start3A_111 = arith.constant 0 : i32
        %dma_start3A_112 = tpu.memref_slice %arg7[%mul3A_2, %dma_start3A_111] : memref<10000x128xf32, #tpu.memory_space<hbm>> -> memref<400x128xf32, #tpu.memory_space<hbm>>
        %dma_start3A_113 = arith.constant 0 : i32
        %dma_start3A_114 = tpu.memref_slice %arg12[%mul3A_2, %dma_start3A_113] : memref<10000x128xf32, #tpu.memory_space<vmem_shared>> -> memref<400x128xf32, #tpu.memory_space<vmem_shared>>
        tpu.enqueue_dma source(%dma_start3A_114 : memref<400x128xf32, #tpu.memory_space<vmem_shared>>) target(%dma_start3A_112 : memref<400x128xf32, #tpu.memory_space<hbm>>) target_semaphore(%run_scoped3A : memref<!tpu.dma_semaphore, #tpu.memory_space<semaphore_mem>>)
        %dma_wait3A_115 = arith.constant 0 : i32
        %dma_wait3A_116 = tpu.memref_slice %arg7[%mul3A_2, %dma_wait3A_115] : memref<10000x128xf32, #tpu.memory_space<hbm>> -> memref<400x128xf32, #tpu.memory_space<hbm>>
        %dma_wait3A_117 = arith.constant 0 : i32
        %dma_wait3A_118 = tpu.memref_slice %arg12[%mul3A_2, %dma_wait3A_117] : memref<10000x128xf32, #tpu.memory_space<vmem_shared>> -> memref<400x128xf32, #tpu.memory_space<vmem_shared>>
        tpu.wait_dma2 semaphore(%run_scoped3A : memref<!tpu.dma_semaphore, #tpu.memory_space<semaphore_mem>>) src(%dma_wait3A_118 : memref<400x128xf32, #tpu.memory_space<vmem_shared>>) dst(%dma_wait3A_116 : memref<400x128xf32, #tpu.memory_space<hbm>>)
        tpu.yield
      }) : () -> ()
    } else {
    }
    return
  }
}

#map = affine_map<(d0, d1) -> (0, 0)>
#map1 = affine_map<(d0, d1) -> (0)>
module attributes {stable_mosaic.version = 14 : i64} {
  func.func @_gather_body(%arg0: i32, %arg1: i32, %arg2: memref<10000x128xf32, #tpu.memory_space<hbm>>, %arg3: memref<80000xi32, #tpu.memory_space<hbm>>, %arg4: memref<80000xi32, #tpu.memory_space<hbm>>, %arg5: memref<80000x128xf32, #tpu.memory_space<hbm>>, %arg6: memref<80000x128xf32, #tpu.memory_space<hbm>>, %arg7: memref<2x128xi32, #tpu.memory_space<vmem>>, %arg8: memref<2x128xi32, #tpu.memory_space<vmem>>, %arg9: memref<128x128xf32, #tpu.memory_space<vmem>>, %arg10: memref<128x128xf32, #tpu.memory_space<vmem>>, %arg11: memref<128x128xf32, #tpu.memory_space<vmem>>, %arg12: memref<128x128xf32, #tpu.memory_space<vmem>>, %arg13: memref<!tpu.dma_semaphore, #tpu.memory_space<semaphore_mem>>, %arg14: memref<!tpu.dma_semaphore, #tpu.memory_space<semaphore_mem>>, %arg15: memref<!tpu.dma_semaphore, #tpu.memory_space<semaphore_mem>>, %arg16: memref<!tpu.dma_semaphore, #tpu.memory_space<semaphore_mem>>) attributes {dimension_semantics = [#tpu.dimension_semantics<core_parallel>, #tpu.dimension_semantics<subcore_parallel>], iteration_bounds = array<i64: 2, 16>, scalar_prefetch = 0 : i64, scratch_operands = 10 : i64, tpu.core_type = #tpu.core_type<sc_vector_subcore>, window_params = [{transform_indices = #map}, {transform_indices = #map1}, {transform_indices = #map1}, {transform_indices = #map}, {transform_indices = #map}]} {
    %mul3A = arith.constant 16 : i32
    %mul3A_0 = arith.muli %arg0, %mul3A : i32
    %add3A = arith.addi %mul3A_0, %arg1 : i32
    %add3A_1 = arith.constant 0 : i32
    %add3A_2 = arith.addi %add3A, %add3A_1 : i32
    %mul3A_3 = arith.constant 128 : i32
    %mul3A_4 = arith.muli %add3A_2, %mul3A_3 : i32
    %multiple_of3A = tpu.assume_multiple %mul3A_4, 8 : i32
    %run_scoped3A = arith.constant 0 : i32
    "tpu.region"() ({
      %run_scoped3A_44 = tpu.sem_alloc : memref<!tpu.dma_semaphore, #tpu.memory_space<semaphore_mem>>
      %dma_start3A_45 = arith.constant 0 : i32
      %dma_start3A_46 = tpu.memref_slice %arg7[%run_scoped3A, %dma_start3A_45] : memref<2x128xi32, #tpu.memory_space<vmem>> -> memref<1x128xi32, #tpu.memory_space<vmem>>
      %dma_start3A_47 = tpu.memref_squeeze %dma_start3A_46 : memref<1x128xi32, #tpu.memory_space<vmem>> -> memref<128xi32, #tpu.memory_space<vmem>>
      %dma_start3A_48 = tpu.memref_slice %arg3[%multiple_of3A] : memref<80000xi32, #tpu.memory_space<hbm>> -> memref<128xi32, #tpu.memory_space<hbm>>
      %dma_start3A_49 = arith.constant 0 : i32
      %dma_start3A_50 = tpu.memref_slice %arg7[%run_scoped3A, %dma_start3A_49] : memref<2x128xi32, #tpu.memory_space<vmem>> -> memref<1x128xi32, #tpu.memory_space<vmem>>
      %dma_start3A_51 = tpu.memref_squeeze %dma_start3A_50 : memref<1x128xi32, #tpu.memory_space<vmem>> -> memref<128xi32, #tpu.memory_space<vmem>>
      %dma_start3A_52 = tpu.memref_slice %arg3[%multiple_of3A] : memref<80000xi32, #tpu.memory_space<hbm>> -> memref<128xi32, #tpu.memory_space<hbm>>
      tpu.enqueue_dma source(%dma_start3A_52 : memref<128xi32, #tpu.memory_space<hbm>>) target(%dma_start3A_51 : memref<128xi32, #tpu.memory_space<vmem>>) target_semaphore(%run_scoped3A_44 : memref<!tpu.dma_semaphore, #tpu.memory_space<semaphore_mem>>)
      %dma_wait3A_53 = arith.constant 0 : i32
      %dma_wait3A_54 = tpu.memref_slice %arg7[%run_scoped3A, %dma_wait3A_53] : memref<2x128xi32, #tpu.memory_space<vmem>> -> memref<1x128xi32, #tpu.memory_space<vmem>>
      %dma_wait3A_55 = tpu.memref_squeeze %dma_wait3A_54 : memref<1x128xi32, #tpu.memory_space<vmem>> -> memref<128xi32, #tpu.memory_space<vmem>>
      %dma_wait3A_56 = tpu.memref_slice %arg3[%multiple_of3A] : memref<80000xi32, #tpu.memory_space<hbm>> -> memref<128xi32, #tpu.memory_space<hbm>>
      %dma_wait3A_57 = arith.constant 0 : i32
      %dma_wait3A_58 = tpu.memref_slice %arg7[%run_scoped3A, %dma_wait3A_57] : memref<2x128xi32, #tpu.memory_space<vmem>> -> memref<1x128xi32, #tpu.memory_space<vmem>>
      %dma_wait3A_59 = tpu.memref_squeeze %dma_wait3A_58 : memref<1x128xi32, #tpu.memory_space<vmem>> -> memref<128xi32, #tpu.memory_space<vmem>>
      %dma_wait3A_60 = tpu.memref_slice %arg3[%multiple_of3A] : memref<80000xi32, #tpu.memory_space<hbm>> -> memref<128xi32, #tpu.memory_space<hbm>>
      tpu.wait_dma2 semaphore(%run_scoped3A_44 : memref<!tpu.dma_semaphore, #tpu.memory_space<semaphore_mem>>) src(%dma_wait3A_60 : memref<128xi32, #tpu.memory_space<hbm>>) dst(%dma_wait3A_59 : memref<128xi32, #tpu.memory_space<vmem>>)
      tpu.yield
    }) : () -> ()
    %run_scoped3A_5 = arith.constant 1 : i32
    "tpu.region"() ({
      %run_scoped3A_44 = tpu.sem_alloc : memref<!tpu.dma_semaphore, #tpu.memory_space<semaphore_mem>>
      %dma_start3A_45 = arith.constant 0 : i32
      %dma_start3A_46 = tpu.memref_slice %arg7[%run_scoped3A_5, %dma_start3A_45] : memref<2x128xi32, #tpu.memory_space<vmem>> -> memref<1x128xi32, #tpu.memory_space<vmem>>
      %dma_start3A_47 = tpu.memref_squeeze %dma_start3A_46 : memref<1x128xi32, #tpu.memory_space<vmem>> -> memref<128xi32, #tpu.memory_space<vmem>>
      %dma_start3A_48 = tpu.memref_slice %arg4[%multiple_of3A] : memref<80000xi32, #tpu.memory_space<hbm>> -> memref<128xi32, #tpu.memory_space<hbm>>
      %dma_start3A_49 = arith.constant 0 : i32
      %dma_start3A_50 = tpu.memref_slice %arg7[%run_scoped3A_5, %dma_start3A_49] : memref<2x128xi32, #tpu.memory_space<vmem>> -> memref<1x128xi32, #tpu.memory_space<vmem>>
      %dma_start3A_51 = tpu.memref_squeeze %dma_start3A_50 : memref<1x128xi32, #tpu.memory_space<vmem>> -> memref<128xi32, #tpu.memory_space<vmem>>
      %dma_start3A_52 = tpu.memref_slice %arg4[%multiple_of3A] : memref<80000xi32, #tpu.memory_space<hbm>> -> memref<128xi32, #tpu.memory_space<hbm>>
      tpu.enqueue_dma source(%dma_start3A_52 : memref<128xi32, #tpu.memory_space<hbm>>) target(%dma_start3A_51 : memref<128xi32, #tpu.memory_space<vmem>>) target_semaphore(%run_scoped3A_44 : memref<!tpu.dma_semaphore, #tpu.memory_space<semaphore_mem>>)
      %dma_wait3A_53 = arith.constant 0 : i32
      %dma_wait3A_54 = tpu.memref_slice %arg7[%run_scoped3A_5, %dma_wait3A_53] : memref<2x128xi32, #tpu.memory_space<vmem>> -> memref<1x128xi32, #tpu.memory_space<vmem>>
      %dma_wait3A_55 = tpu.memref_squeeze %dma_wait3A_54 : memref<1x128xi32, #tpu.memory_space<vmem>> -> memref<128xi32, #tpu.memory_space<vmem>>
      %dma_wait3A_56 = tpu.memref_slice %arg4[%multiple_of3A] : memref<80000xi32, #tpu.memory_space<hbm>> -> memref<128xi32, #tpu.memory_space<hbm>>
      %dma_wait3A_57 = arith.constant 0 : i32
      %dma_wait3A_58 = tpu.memref_slice %arg7[%run_scoped3A_5, %dma_wait3A_57] : memref<2x128xi32, #tpu.memory_space<vmem>> -> memref<1x128xi32, #tpu.memory_space<vmem>>
      %dma_wait3A_59 = tpu.memref_squeeze %dma_wait3A_58 : memref<1x128xi32, #tpu.memory_space<vmem>> -> memref<128xi32, #tpu.memory_space<vmem>>
      %dma_wait3A_60 = tpu.memref_slice %arg4[%multiple_of3A] : memref<80000xi32, #tpu.memory_space<hbm>> -> memref<128xi32, #tpu.memory_space<hbm>>
      tpu.wait_dma2 semaphore(%run_scoped3A_44 : memref<!tpu.dma_semaphore, #tpu.memory_space<semaphore_mem>>) src(%dma_wait3A_60 : memref<128xi32, #tpu.memory_space<hbm>>) dst(%dma_wait3A_59 : memref<128xi32, #tpu.memory_space<vmem>>)
      tpu.yield
    }) : () -> ()
    %dma_start3A = arith.constant 0 : i32
    %dma_start3A_6 = arith.constant 0 : i32
    %dma_start3A_7 = tpu.memref_slice %arg7[%dma_start3A, %dma_start3A_6] : memref<2x128xi32, #tpu.memory_space<vmem>> -> memref<1x128xi32, #tpu.memory_space<vmem>>
    %dma_start3A_8 = tpu.memref_squeeze %dma_start3A_7 : memref<1x128xi32, #tpu.memory_space<vmem>> -> memref<128xi32, #tpu.memory_space<vmem>>
    %dma_start3A_9 = arith.constant 0 : i32
    %dma_start3A_10 = arith.constant 0 : i32
    %dma_start3A_11 = tpu.memref_slice %arg2[%dma_start3A_9, %dma_start3A_10] : memref<10000x128xf32, #tpu.memory_space<hbm>> -> memref<10000x128xf32, #tpu.memory_space<hbm>>
    tpu.enqueue_indirect_dma source(%dma_start3A_11 : memref<10000x128xf32, #tpu.memory_space<hbm>>) target(%arg9 : memref<128x128xf32, #tpu.memory_space<vmem>>) offsets(%dma_start3A_8 : memref<128xi32, #tpu.memory_space<vmem>>) semaphore(%arg13 : memref<!tpu.dma_semaphore, #tpu.memory_space<semaphore_mem>>)
    %dma_start3A_12 = arith.constant 1 : i32
    %dma_start3A_13 = arith.constant 0 : i32
    %dma_start3A_14 = tpu.memref_slice %arg7[%dma_start3A_12, %dma_start3A_13] : memref<2x128xi32, #tpu.memory_space<vmem>> -> memref<1x128xi32, #tpu.memory_space<vmem>>
    %dma_start3A_15 = tpu.memref_squeeze %dma_start3A_14 : memref<1x128xi32, #tpu.memory_space<vmem>> -> memref<128xi32, #tpu.memory_space<vmem>>
    %dma_start3A_16 = arith.constant 0 : i32
    %dma_start3A_17 = arith.constant 0 : i32
    %dma_start3A_18 = tpu.memref_slice %arg2[%dma_start3A_16, %dma_start3A_17] : memref<10000x128xf32, #tpu.memory_space<hbm>> -> memref<10000x128xf32, #tpu.memory_space<hbm>>
    tpu.enqueue_indirect_dma source(%dma_start3A_18 : memref<10000x128xf32, #tpu.memory_space<hbm>>) target(%arg11 : memref<128x128xf32, #tpu.memory_space<vmem>>) offsets(%dma_start3A_15 : memref<128xi32, #tpu.memory_space<vmem>>) semaphore(%arg15 : memref<!tpu.dma_semaphore, #tpu.memory_space<semaphore_mem>>)
    %scan3A = arith.constant 0 : i32
    %scan3A_19 = arith.constant 0 : i32
    %scan3A_20 = arith.constant 9 : i32
    %scan3A_21 = arith.addi %scan3A_19, %scan3A_20 : i32
    %scan3A_22 = arith.constant 1 : i32
    scf.for %scan3A_44 = %scan3A_19 to %scan3A_21 step %scan3A_22  : i32 {
      %mul3A_45 = arith.constant 2 : i32
      %mul3A_46 = arith.muli %mul3A_45, %scan3A_44 : i32
      %add3A_47 = arith.constant 1 : i32
      %add3A_48 = arith.addi %mul3A_46, %add3A_47 : i32
      %mul3A_49 = arith.constant 32 : i32
      %mul3A_50 = arith.muli %add3A_48, %mul3A_49 : i32
      %add3A_51 = arith.addi %add3A, %mul3A_50 : i32
      %mul3A_52 = arith.constant 128 : i32
      %mul3A_53 = arith.muli %add3A_51, %mul3A_52 : i32
      %multiple_of3A_54 = tpu.assume_multiple %mul3A_53, 8 : i32
      %run_scoped3A_55 = arith.constant 0 : i32
      "tpu.region"() ({
        %run_scoped3A_143 = tpu.sem_alloc : memref<!tpu.dma_semaphore, #tpu.memory_space<semaphore_mem>>
        %dma_start3A_144 = arith.constant 0 : i32
        %dma_start3A_145 = tpu.memref_slice %arg8[%run_scoped3A_55, %dma_start3A_144] : memref<2x128xi32, #tpu.memory_space<vmem>> -> memref<1x128xi32, #tpu.memory_space<vmem>>
        %dma_start3A_146 = tpu.memref_squeeze %dma_start3A_145 : memref<1x128xi32, #tpu.memory_space<vmem>> -> memref<128xi32, #tpu.memory_space<vmem>>
        %dma_start3A_147 = tpu.memref_slice %arg3[%multiple_of3A_54] : memref<80000xi32, #tpu.memory_space<hbm>> -> memref<128xi32, #tpu.memory_space<hbm>>
        %dma_start3A_148 = arith.constant 0 : i32
        %dma_start3A_149 = tpu.memref_slice %arg8[%run_scoped3A_55, %dma_start3A_148] : memref<2x128xi32, #tpu.memory_space<vmem>> -> memref<1x128xi32, #tpu.memory_space<vmem>>
        %dma_start3A_150 = tpu.memref_squeeze %dma_start3A_149 : memref<1x128xi32, #tpu.memory_space<vmem>> -> memref<128xi32, #tpu.memory_space<vmem>>
        %dma_start3A_151 = tpu.memref_slice %arg3[%multiple_of3A_54] : memref<80000xi32, #tpu.memory_space<hbm>> -> memref<128xi32, #tpu.memory_space<hbm>>
        tpu.enqueue_dma source(%dma_start3A_151 : memref<128xi32, #tpu.memory_space<hbm>>) target(%dma_start3A_150 : memref<128xi32, #tpu.memory_space<vmem>>) target_semaphore(%run_scoped3A_143 : memref<!tpu.dma_semaphore, #tpu.memory_space<semaphore_mem>>)
        %dma_wait3A_152 = arith.constant 0 : i32
        %dma_wait3A_153 = tpu.memref_slice %arg8[%run_scoped3A_55, %dma_wait3A_152] : memref<2x128xi32, #tpu.memory_space<vmem>> -> memref<1x128xi32, #tpu.memory_space<vmem>>
        %dma_wait3A_154 = tpu.memref_squeeze %dma_wait3A_153 : memref<1x128xi32, #tpu.memory_space<vmem>> -> memref<128xi32, #tpu.memory_space<vmem>>
        %dma_wait3A_155 = tpu.memref_slice %arg3[%multiple_of3A_54] : memref<80000xi32, #tpu.memory_space<hbm>> -> memref<128xi32, #tpu.memory_space<hbm>>
        %dma_wait3A_156 = arith.constant 0 : i32
        %dma_wait3A_157 = tpu.memref_slice %arg8[%run_scoped3A_55, %dma_wait3A_156] : memref<2x128xi32, #tpu.memory_space<vmem>> -> memref<1x128xi32, #tpu.memory_space<vmem>>
        %dma_wait3A_158 = tpu.memref_squeeze %dma_wait3A_157 : memref<1x128xi32, #tpu.memory_space<vmem>> -> memref<128xi32, #tpu.memory_space<vmem>>
        %dma_wait3A_159 = tpu.memref_slice %arg3[%multiple_of3A_54] : memref<80000xi32, #tpu.memory_space<hbm>> -> memref<128xi32, #tpu.memory_space<hbm>>
        tpu.wait_dma2 semaphore(%run_scoped3A_143 : memref<!tpu.dma_semaphore, #tpu.memory_space<semaphore_mem>>) src(%dma_wait3A_159 : memref<128xi32, #tpu.memory_space<hbm>>) dst(%dma_wait3A_158 : memref<128xi32, #tpu.memory_space<vmem>>)
        tpu.yield
      }) : () -> ()
      %run_scoped3A_56 = arith.constant 1 : i32
      "tpu.region"() ({
        %run_scoped3A_143 = tpu.sem_alloc : memref<!tpu.dma_semaphore, #tpu.memory_space<semaphore_mem>>
        %dma_start3A_144 = arith.constant 0 : i32
        %dma_start3A_145 = tpu.memref_slice %arg8[%run_scoped3A_56, %dma_start3A_144] : memref<2x128xi32, #tpu.memory_space<vmem>> -> memref<1x128xi32, #tpu.memory_space<vmem>>
        %dma_start3A_146 = tpu.memref_squeeze %dma_start3A_145 : memref<1x128xi32, #tpu.memory_space<vmem>> -> memref<128xi32, #tpu.memory_space<vmem>>
        %dma_start3A_147 = tpu.memref_slice %arg4[%multiple_of3A_54] : memref<80000xi32, #tpu.memory_space<hbm>> -> memref<128xi32, #tpu.memory_space<hbm>>
        %dma_start3A_148 = arith.constant 0 : i32
        %dma_start3A_149 = tpu.memref_slice %arg8[%run_scoped3A_56, %dma_start3A_148] : memref<2x128xi32, #tpu.memory_space<vmem>> -> memref<1x128xi32, #tpu.memory_space<vmem>>
        %dma_start3A_150 = tpu.memref_squeeze %dma_start3A_149 : memref<1x128xi32, #tpu.memory_space<vmem>> -> memref<128xi32, #tpu.memory_space<vmem>>
        %dma_start3A_151 = tpu.memref_slice %arg4[%multiple_of3A_54] : memref<80000xi32, #tpu.memory_space<hbm>> -> memref<128xi32, #tpu.memory_space<hbm>>
        tpu.enqueue_dma source(%dma_start3A_151 : memref<128xi32, #tpu.memory_space<hbm>>) target(%dma_start3A_150 : memref<128xi32, #tpu.memory_space<vmem>>) target_semaphore(%run_scoped3A_143 : memref<!tpu.dma_semaphore, #tpu.memory_space<semaphore_mem>>)
        %dma_wait3A_152 = arith.constant 0 : i32
        %dma_wait3A_153 = tpu.memref_slice %arg8[%run_scoped3A_56, %dma_wait3A_152] : memref<2x128xi32, #tpu.memory_space<vmem>> -> memref<1x128xi32, #tpu.memory_space<vmem>>
        %dma_wait3A_154 = tpu.memref_squeeze %dma_wait3A_153 : memref<1x128xi32, #tpu.memory_space<vmem>> -> memref<128xi32, #tpu.memory_space<vmem>>
        %dma_wait3A_155 = tpu.memref_slice %arg4[%multiple_of3A_54] : memref<80000xi32, #tpu.memory_space<hbm>> -> memref<128xi32, #tpu.memory_space<hbm>>
        %dma_wait3A_156 = arith.constant 0 : i32
        %dma_wait3A_157 = tpu.memref_slice %arg8[%run_scoped3A_56, %dma_wait3A_156] : memref<2x128xi32, #tpu.memory_space<vmem>> -> memref<1x128xi32, #tpu.memory_space<vmem>>
        %dma_wait3A_158 = tpu.memref_squeeze %dma_wait3A_157 : memref<1x128xi32, #tpu.memory_space<vmem>> -> memref<128xi32, #tpu.memory_space<vmem>>
        %dma_wait3A_159 = tpu.memref_slice %arg4[%multiple_of3A_54] : memref<80000xi32, #tpu.memory_space<hbm>> -> memref<128xi32, #tpu.memory_space<hbm>>
        tpu.wait_dma2 semaphore(%run_scoped3A_143 : memref<!tpu.dma_semaphore, #tpu.memory_space<semaphore_mem>>) src(%dma_wait3A_159 : memref<128xi32, #tpu.memory_space<hbm>>) dst(%dma_wait3A_158 : memref<128xi32, #tpu.memory_space<vmem>>)
        tpu.yield
      }) : () -> ()
      %dma_start3A_57 = arith.constant 0 : i32
      %dma_start3A_58 = arith.constant 0 : i32
      %dma_start3A_59 = tpu.memref_slice %arg8[%dma_start3A_57, %dma_start3A_58] : memref<2x128xi32, #tpu.memory_space<vmem>> -> memref<1x128xi32, #tpu.memory_space<vmem>>
      %dma_start3A_60 = tpu.memref_squeeze %dma_start3A_59 : memref<1x128xi32, #tpu.memory_space<vmem>> -> memref<128xi32, #tpu.memory_space<vmem>>
      %dma_start3A_61 = arith.constant 0 : i32
      %dma_start3A_62 = arith.constant 0 : i32
      %dma_start3A_63 = tpu.memref_slice %arg2[%dma_start3A_61, %dma_start3A_62] : memref<10000x128xf32, #tpu.memory_space<hbm>> -> memref<10000x128xf32, #tpu.memory_space<hbm>>
      tpu.enqueue_indirect_dma source(%dma_start3A_63 : memref<10000x128xf32, #tpu.memory_space<hbm>>) target(%arg10 : memref<128x128xf32, #tpu.memory_space<vmem>>) offsets(%dma_start3A_60 : memref<128xi32, #tpu.memory_space<vmem>>) semaphore(%arg14 : memref<!tpu.dma_semaphore, #tpu.memory_space<semaphore_mem>>)
      %dma_start3A_64 = arith.constant 1 : i32
      %dma_start3A_65 = arith.constant 0 : i32
      %dma_start3A_66 = tpu.memref_slice %arg8[%dma_start3A_64, %dma_start3A_65] : memref<2x128xi32, #tpu.memory_space<vmem>> -> memref<1x128xi32, #tpu.memory_space<vmem>>
      %dma_start3A_67 = tpu.memref_squeeze %dma_start3A_66 : memref<1x128xi32, #tpu.memory_space<vmem>> -> memref<128xi32, #tpu.memory_space<vmem>>
      %dma_start3A_68 = arith.constant 0 : i32
      %dma_start3A_69 = arith.constant 0 : i32
      %dma_start3A_70 = tpu.memref_slice %arg2[%dma_start3A_68, %dma_start3A_69] : memref<10000x128xf32, #tpu.memory_space<hbm>> -> memref<10000x128xf32, #tpu.memory_space<hbm>>
      tpu.enqueue_indirect_dma source(%dma_start3A_70 : memref<10000x128xf32, #tpu.memory_space<hbm>>) target(%arg12 : memref<128x128xf32, #tpu.memory_space<vmem>>) offsets(%dma_start3A_67 : memref<128xi32, #tpu.memory_space<vmem>>) semaphore(%arg16 : memref<!tpu.dma_semaphore, #tpu.memory_space<semaphore_mem>>)
      %mul3A_71 = arith.constant 2 : i32
      %mul3A_72 = arith.muli %mul3A_71, %scan3A_44 : i32
      %mul3A_73 = arith.constant 32 : i32
      %mul3A_74 = arith.muli %mul3A_72, %mul3A_73 : i32
      %add3A_75 = arith.addi %add3A, %mul3A_74 : i32
      %mul3A_76 = arith.constant 128 : i32
      %mul3A_77 = arith.muli %add3A_75, %mul3A_76 : i32
      %multiple_of3A_78 = tpu.assume_multiple %mul3A_77, 8 : i32
      %dma_wait3A_79 = arith.constant 0 : i32
      %dma_wait3A_80 = arith.constant 0 : i32
      %dma_wait3A_81 = tpu.memref_slice %arg7[%dma_wait3A_79, %dma_wait3A_80] : memref<2x128xi32, #tpu.memory_space<vmem>> -> memref<1x128xi32, #tpu.memory_space<vmem>>
      %dma_wait3A_82 = tpu.memref_squeeze %dma_wait3A_81 : memref<1x128xi32, #tpu.memory_space<vmem>> -> memref<128xi32, #tpu.memory_space<vmem>>
      %dma_wait3A_83 = arith.constant 0 : i32
      %dma_wait3A_84 = arith.constant 0 : i32
      %dma_wait3A_85 = tpu.memref_slice %arg2[%dma_wait3A_83, %dma_wait3A_84] : memref<10000x128xf32, #tpu.memory_space<hbm>> -> memref<10000x128xf32, #tpu.memory_space<hbm>>
      tpu.wait_indirect_dma semaphore(%arg13 : memref<!tpu.dma_semaphore, #tpu.memory_space<semaphore_mem>>) src(%dma_wait3A_85 : memref<10000x128xf32, #tpu.memory_space<hbm>>) dst(%arg9 : memref<128x128xf32, #tpu.memory_space<vmem>>)
      "tpu.region"() ({
        %run_scoped3A_143 = tpu.sem_alloc : memref<!tpu.dma_semaphore, #tpu.memory_space<semaphore_mem>>
        %dma_start3A_144 = arith.constant 0 : i32
        %dma_start3A_145 = tpu.memref_slice %arg5[%multiple_of3A_78, %dma_start3A_144] : memref<80000x128xf32, #tpu.memory_space<hbm>> -> memref<128x128xf32, #tpu.memory_space<hbm>>
        %dma_start3A_146 = arith.constant 0 : i32
        %dma_start3A_147 = tpu.memref_slice %arg5[%multiple_of3A_78, %dma_start3A_146] : memref<80000x128xf32, #tpu.memory_space<hbm>> -> memref<128x128xf32, #tpu.memory_space<hbm>>
        tpu.enqueue_dma source(%arg9 : memref<128x128xf32, #tpu.memory_space<vmem>>) target(%dma_start3A_147 : memref<128x128xf32, #tpu.memory_space<hbm>>) target_semaphore(%run_scoped3A_143 : memref<!tpu.dma_semaphore, #tpu.memory_space<semaphore_mem>>)
        %dma_wait3A_148 = arith.constant 0 : i32
        %dma_wait3A_149 = tpu.memref_slice %arg5[%multiple_of3A_78, %dma_wait3A_148] : memref<80000x128xf32, #tpu.memory_space<hbm>> -> memref<128x128xf32, #tpu.memory_space<hbm>>
        %dma_wait3A_150 = arith.constant 0 : i32
        %dma_wait3A_151 = tpu.memref_slice %arg5[%multiple_of3A_78, %dma_wait3A_150] : memref<80000x128xf32, #tpu.memory_space<hbm>> -> memref<128x128xf32, #tpu.memory_space<hbm>>
        tpu.wait_dma2 semaphore(%run_scoped3A_143 : memref<!tpu.dma_semaphore, #tpu.memory_space<semaphore_mem>>) src(%arg9 : memref<128x128xf32, #tpu.memory_space<vmem>>) dst(%dma_wait3A_151 : memref<128x128xf32, #tpu.memory_space<hbm>>)
        tpu.yield
      }) : () -> ()
      %dma_wait3A_86 = arith.constant 1 : i32
      %dma_wait3A_87 = arith.constant 0 : i32
      %dma_wait3A_88 = tpu.memref_slice %arg7[%dma_wait3A_86, %dma_wait3A_87] : memref<2x128xi32, #tpu.memory_space<vmem>> -> memref<1x128xi32, #tpu.memory_space<vmem>>
      %dma_wait3A_89 = tpu.memref_squeeze %dma_wait3A_88 : memref<1x128xi32, #tpu.memory_space<vmem>> -> memref<128xi32, #tpu.memory_space<vmem>>
      %dma_wait3A_90 = arith.constant 0 : i32
      %dma_wait3A_91 = arith.constant 0 : i32
      %dma_wait3A_92 = tpu.memref_slice %arg2[%dma_wait3A_90, %dma_wait3A_91] : memref<10000x128xf32, #tpu.memory_space<hbm>> -> memref<10000x128xf32, #tpu.memory_space<hbm>>
      tpu.wait_indirect_dma semaphore(%arg15 : memref<!tpu.dma_semaphore, #tpu.memory_space<semaphore_mem>>) src(%dma_wait3A_92 : memref<10000x128xf32, #tpu.memory_space<hbm>>) dst(%arg11 : memref<128x128xf32, #tpu.memory_space<vmem>>)
      "tpu.region"() ({
        %run_scoped3A_143 = tpu.sem_alloc : memref<!tpu.dma_semaphore, #tpu.memory_space<semaphore_mem>>
        %dma_start3A_144 = arith.constant 0 : i32
        %dma_start3A_145 = tpu.memref_slice %arg6[%multiple_of3A_78, %dma_start3A_144] : memref<80000x128xf32, #tpu.memory_space<hbm>> -> memref<128x128xf32, #tpu.memory_space<hbm>>
        %dma_start3A_146 = arith.constant 0 : i32
        %dma_start3A_147 = tpu.memref_slice %arg6[%multiple_of3A_78, %dma_start3A_146] : memref<80000x128xf32, #tpu.memory_space<hbm>> -> memref<128x128xf32, #tpu.memory_space<hbm>>
        tpu.enqueue_dma source(%arg11 : memref<128x128xf32, #tpu.memory_space<vmem>>) target(%dma_start3A_147 : memref<128x128xf32, #tpu.memory_space<hbm>>) target_semaphore(%run_scoped3A_143 : memref<!tpu.dma_semaphore, #tpu.memory_space<semaphore_mem>>)
        %dma_wait3A_148 = arith.constant 0 : i32
        %dma_wait3A_149 = tpu.memref_slice %arg6[%multiple_of3A_78, %dma_wait3A_148] : memref<80000x128xf32, #tpu.memory_space<hbm>> -> memref<128x128xf32, #tpu.memory_space<hbm>>
        %dma_wait3A_150 = arith.constant 0 : i32
        %dma_wait3A_151 = tpu.memref_slice %arg6[%multiple_of3A_78, %dma_wait3A_150] : memref<80000x128xf32, #tpu.memory_space<hbm>> -> memref<128x128xf32, #tpu.memory_space<hbm>>
        tpu.wait_dma2 semaphore(%run_scoped3A_143 : memref<!tpu.dma_semaphore, #tpu.memory_space<semaphore_mem>>) src(%arg11 : memref<128x128xf32, #tpu.memory_space<vmem>>) dst(%dma_wait3A_151 : memref<128x128xf32, #tpu.memory_space<hbm>>)
        tpu.yield
      }) : () -> ()
      %mul3A_93 = arith.constant 2 : i32
      %mul3A_94 = arith.muli %mul3A_93, %scan3A_44 : i32
      %add3A_95 = arith.constant 2 : i32
      %add3A_96 = arith.addi %mul3A_94, %add3A_95 : i32
      %mul3A_97 = arith.constant 32 : i32
      %mul3A_98 = arith.muli %add3A_96, %mul3A_97 : i32
      %add3A_99 = arith.addi %add3A, %mul3A_98 : i32
      %mul3A_100 = arith.constant 128 : i32
      %mul3A_101 = arith.muli %add3A_99, %mul3A_100 : i32
      %multiple_of3A_102 = tpu.assume_multiple %mul3A_101, 8 : i32
      %run_scoped3A_103 = arith.constant 0 : i32
      "tpu.region"() ({
        %run_scoped3A_143 = tpu.sem_alloc : memref<!tpu.dma_semaphore, #tpu.memory_space<semaphore_mem>>
        %dma_start3A_144 = arith.constant 0 : i32
        %dma_start3A_145 = tpu.memref_slice %arg7[%run_scoped3A_103, %dma_start3A_144] : memref<2x128xi32, #tpu.memory_space<vmem>> -> memref<1x128xi32, #tpu.memory_space<vmem>>
        %dma_start3A_146 = tpu.memref_squeeze %dma_start3A_145 : memref<1x128xi32, #tpu.memory_space<vmem>> -> memref<128xi32, #tpu.memory_space<vmem>>
        %dma_start3A_147 = tpu.memref_slice %arg3[%multiple_of3A_102] : memref<80000xi32, #tpu.memory_space<hbm>> -> memref<128xi32, #tpu.memory_space<hbm>>
        %dma_start3A_148 = arith.constant 0 : i32
        %dma_start3A_149 = tpu.memref_slice %arg7[%run_scoped3A_103, %dma_start3A_148] : memref<2x128xi32, #tpu.memory_space<vmem>> -> memref<1x128xi32, #tpu.memory_space<vmem>>
        %dma_start3A_150 = tpu.memref_squeeze %dma_start3A_149 : memref<1x128xi32, #tpu.memory_space<vmem>> -> memref<128xi32, #tpu.memory_space<vmem>>
        %dma_start3A_151 = tpu.memref_slice %arg3[%multiple_of3A_102] : memref<80000xi32, #tpu.memory_space<hbm>> -> memref<128xi32, #tpu.memory_space<hbm>>
        tpu.enqueue_dma source(%dma_start3A_151 : memref<128xi32, #tpu.memory_space<hbm>>) target(%dma_start3A_150 : memref<128xi32, #tpu.memory_space<vmem>>) target_semaphore(%run_scoped3A_143 : memref<!tpu.dma_semaphore, #tpu.memory_space<semaphore_mem>>)
        %dma_wait3A_152 = arith.constant 0 : i32
        %dma_wait3A_153 = tpu.memref_slice %arg7[%run_scoped3A_103, %dma_wait3A_152] : memref<2x128xi32, #tpu.memory_space<vmem>> -> memref<1x128xi32, #tpu.memory_space<vmem>>
        %dma_wait3A_154 = tpu.memref_squeeze %dma_wait3A_153 : memref<1x128xi32, #tpu.memory_space<vmem>> -> memref<128xi32, #tpu.memory_space<vmem>>
        %dma_wait3A_155 = tpu.memref_slice %arg3[%multiple_of3A_102] : memref<80000xi32, #tpu.memory_space<hbm>> -> memref<128xi32, #tpu.memory_space<hbm>>
        %dma_wait3A_156 = arith.constant 0 : i32
        %dma_wait3A_157 = tpu.memref_slice %arg7[%run_scoped3A_103, %dma_wait3A_156] : memref<2x128xi32, #tpu.memory_space<vmem>> -> memref<1x128xi32, #tpu.memory_space<vmem>>
        %dma_wait3A_158 = tpu.memref_squeeze %dma_wait3A_157 : memref<1x128xi32, #tpu.memory_space<vmem>> -> memref<128xi32, #tpu.memory_space<vmem>>
        %dma_wait3A_159 = tpu.memref_slice %arg3[%multiple_of3A_102] : memref<80000xi32, #tpu.memory_space<hbm>> -> memref<128xi32, #tpu.memory_space<hbm>>
        tpu.wait_dma2 semaphore(%run_scoped3A_143 : memref<!tpu.dma_semaphore, #tpu.memory_space<semaphore_mem>>) src(%dma_wait3A_159 : memref<128xi32, #tpu.memory_space<hbm>>) dst(%dma_wait3A_158 : memref<128xi32, #tpu.memory_space<vmem>>)
        tpu.yield
      }) : () -> ()
      %run_scoped3A_104 = arith.constant 1 : i32
      "tpu.region"() ({
        %run_scoped3A_143 = tpu.sem_alloc : memref<!tpu.dma_semaphore, #tpu.memory_space<semaphore_mem>>
        %dma_start3A_144 = arith.constant 0 : i32
        %dma_start3A_145 = tpu.memref_slice %arg7[%run_scoped3A_104, %dma_start3A_144] : memref<2x128xi32, #tpu.memory_space<vmem>> -> memref<1x128xi32, #tpu.memory_space<vmem>>
        %dma_start3A_146 = tpu.memref_squeeze %dma_start3A_145 : memref<1x128xi32, #tpu.memory_space<vmem>> -> memref<128xi32, #tpu.memory_space<vmem>>
        %dma_start3A_147 = tpu.memref_slice %arg4[%multiple_of3A_102] : memref<80000xi32, #tpu.memory_space<hbm>> -> memref<128xi32, #tpu.memory_space<hbm>>
        %dma_start3A_148 = arith.constant 0 : i32
        %dma_start3A_149 = tpu.memref_slice %arg7[%run_scoped3A_104, %dma_start3A_148] : memref<2x128xi32, #tpu.memory_space<vmem>> -> memref<1x128xi32, #tpu.memory_space<vmem>>
        %dma_start3A_150 = tpu.memref_squeeze %dma_start3A_149 : memref<1x128xi32, #tpu.memory_space<vmem>> -> memref<128xi32, #tpu.memory_space<vmem>>
        %dma_start3A_151 = tpu.memref_slice %arg4[%multiple_of3A_102] : memref<80000xi32, #tpu.memory_space<hbm>> -> memref<128xi32, #tpu.memory_space<hbm>>
        tpu.enqueue_dma source(%dma_start3A_151 : memref<128xi32, #tpu.memory_space<hbm>>) target(%dma_start3A_150 : memref<128xi32, #tpu.memory_space<vmem>>) target_semaphore(%run_scoped3A_143 : memref<!tpu.dma_semaphore, #tpu.memory_space<semaphore_mem>>)
        %dma_wait3A_152 = arith.constant 0 : i32
        %dma_wait3A_153 = tpu.memref_slice %arg7[%run_scoped3A_104, %dma_wait3A_152] : memref<2x128xi32, #tpu.memory_space<vmem>> -> memref<1x128xi32, #tpu.memory_space<vmem>>
        %dma_wait3A_154 = tpu.memref_squeeze %dma_wait3A_153 : memref<1x128xi32, #tpu.memory_space<vmem>> -> memref<128xi32, #tpu.memory_space<vmem>>
        %dma_wait3A_155 = tpu.memref_slice %arg4[%multiple_of3A_102] : memref<80000xi32, #tpu.memory_space<hbm>> -> memref<128xi32, #tpu.memory_space<hbm>>
        %dma_wait3A_156 = arith.constant 0 : i32
        %dma_wait3A_157 = tpu.memref_slice %arg7[%run_scoped3A_104, %dma_wait3A_156] : memref<2x128xi32, #tpu.memory_space<vmem>> -> memref<1x128xi32, #tpu.memory_space<vmem>>
        %dma_wait3A_158 = tpu.memref_squeeze %dma_wait3A_157 : memref<1x128xi32, #tpu.memory_space<vmem>> -> memref<128xi32, #tpu.memory_space<vmem>>
        %dma_wait3A_159 = tpu.memref_slice %arg4[%multiple_of3A_102] : memref<80000xi32, #tpu.memory_space<hbm>> -> memref<128xi32, #tpu.memory_space<hbm>>
        tpu.wait_dma2 semaphore(%run_scoped3A_143 : memref<!tpu.dma_semaphore, #tpu.memory_space<semaphore_mem>>) src(%dma_wait3A_159 : memref<128xi32, #tpu.memory_space<hbm>>) dst(%dma_wait3A_158 : memref<128xi32, #tpu.memory_space<vmem>>)
        tpu.yield
      }) : () -> ()
      %dma_start3A_105 = arith.constant 0 : i32
      %dma_start3A_106 = arith.constant 0 : i32
      %dma_start3A_107 = tpu.memref_slice %arg7[%dma_start3A_105, %dma_start3A_106] : memref<2x128xi32, #tpu.memory_space<vmem>> -> memref<1x128xi32, #tpu.memory_space<vmem>>
      %dma_start3A_108 = tpu.memref_squeeze %dma_start3A_107 : memref<1x128xi32, #tpu.memory_space<vmem>> -> memref<128xi32, #tpu.memory_space<vmem>>
      %dma_start3A_109 = arith.constant 0 : i32
      %dma_start3A_110 = arith.constant 0 : i32
      %dma_start3A_111 = tpu.memref_slice %arg2[%dma_start3A_109, %dma_start3A_110] : memref<10000x128xf32, #tpu.memory_space<hbm>> -> memref<10000x128xf32, #tpu.memory_space<hbm>>
      tpu.enqueue_indirect_dma source(%dma_start3A_111 : memref<10000x128xf32, #tpu.memory_space<hbm>>) target(%arg9 : memref<128x128xf32, #tpu.memory_space<vmem>>) offsets(%dma_start3A_108 : memref<128xi32, #tpu.memory_space<vmem>>) semaphore(%arg13 : memref<!tpu.dma_semaphore, #tpu.memory_space<semaphore_mem>>)
      %dma_start3A_112 = arith.constant 1 : i32
      %dma_start3A_113 = arith.constant 0 : i32
      %dma_start3A_114 = tpu.memref_slice %arg7[%dma_start3A_112, %dma_start3A_113] : memref<2x128xi32, #tpu.memory_space<vmem>> -> memref<1x128xi32, #tpu.memory_space<vmem>>
      %dma_start3A_115 = tpu.memref_squeeze %dma_start3A_114 : memref<1x128xi32, #tpu.memory_space<vmem>> -> memref<128xi32, #tpu.memory_space<vmem>>
      %dma_start3A_116 = arith.constant 0 : i32
      %dma_start3A_117 = arith.constant 0 : i32
      %dma_start3A_118 = tpu.memref_slice %arg2[%dma_start3A_116, %dma_start3A_117] : memref<10000x128xf32, #tpu.memory_space<hbm>> -> memref<10000x128xf32, #tpu.memory_space<hbm>>
      tpu.enqueue_indirect_dma source(%dma_start3A_118 : memref<10000x128xf32, #tpu.memory_space<hbm>>) target(%arg11 : memref<128x128xf32, #tpu.memory_space<vmem>>) offsets(%dma_start3A_115 : memref<128xi32, #tpu.memory_space<vmem>>) semaphore(%arg15 : memref<!tpu.dma_semaphore, #tpu.memory_space<semaphore_mem>>)
      %mul3A_119 = arith.constant 2 : i32
      %mul3A_120 = arith.muli %mul3A_119, %scan3A_44 : i32
      %add3A_121 = arith.constant 1 : i32
      %add3A_122 = arith.addi %mul3A_120, %add3A_121 : i32
      %mul3A_123 = arith.constant 32 : i32
      %mul3A_124 = arith.muli %add3A_122, %mul3A_123 : i32
      %add3A_125 = arith.addi %add3A, %mul3A_124 : i32
      %mul3A_126 = arith.constant 128 : i32
      %mul3A_127 = arith.muli %add3A_125, %mul3A_126 : i32
      %multiple_of3A_128 = tpu.assume_multiple %mul3A_127, 8 : i32
      %dma_wait3A_129 = arith.constant 0 : i32
      %dma_wait3A_130 = arith.constant 0 : i32
      %dma_wait3A_131 = tpu.memref_slice %arg8[%dma_wait3A_129, %dma_wait3A_130] : memref<2x128xi32, #tpu.memory_space<vmem>> -> memref<1x128xi32, #tpu.memory_space<vmem>>
      %dma_wait3A_132 = tpu.memref_squeeze %dma_wait3A_131 : memref<1x128xi32, #tpu.memory_space<vmem>> -> memref<128xi32, #tpu.memory_space<vmem>>
      %dma_wait3A_133 = arith.constant 0 : i32
      %dma_wait3A_134 = arith.constant 0 : i32
      %dma_wait3A_135 = tpu.memref_slice %arg2[%dma_wait3A_133, %dma_wait3A_134] : memref<10000x128xf32, #tpu.memory_space<hbm>> -> memref<10000x128xf32, #tpu.memory_space<hbm>>
      tpu.wait_indirect_dma semaphore(%arg14 : memref<!tpu.dma_semaphore, #tpu.memory_space<semaphore_mem>>) src(%dma_wait3A_135 : memref<10000x128xf32, #tpu.memory_space<hbm>>) dst(%arg10 : memref<128x128xf32, #tpu.memory_space<vmem>>)
      "tpu.region"() ({
        %run_scoped3A_143 = tpu.sem_alloc : memref<!tpu.dma_semaphore, #tpu.memory_space<semaphore_mem>>
        %dma_start3A_144 = arith.constant 0 : i32
        %dma_start3A_145 = tpu.memref_slice %arg5[%multiple_of3A_128, %dma_start3A_144] : memref<80000x128xf32, #tpu.memory_space<hbm>> -> memref<128x128xf32, #tpu.memory_space<hbm>>
        %dma_start3A_146 = arith.constant 0 : i32
        %dma_start3A_147 = tpu.memref_slice %arg5[%multiple_of3A_128, %dma_start3A_146] : memref<80000x128xf32, #tpu.memory_space<hbm>> -> memref<128x128xf32, #tpu.memory_space<hbm>>
        tpu.enqueue_dma source(%arg10 : memref<128x128xf32, #tpu.memory_space<vmem>>) target(%dma_start3A_147 : memref<128x128xf32, #tpu.memory_space<hbm>>) target_semaphore(%run_scoped3A_143 : memref<!tpu.dma_semaphore, #tpu.memory_space<semaphore_mem>>)
        %dma_wait3A_148 = arith.constant 0 : i32
        %dma_wait3A_149 = tpu.memref_slice %arg5[%multiple_of3A_128, %dma_wait3A_148] : memref<80000x128xf32, #tpu.memory_space<hbm>> -> memref<128x128xf32, #tpu.memory_space<hbm>>
        %dma_wait3A_150 = arith.constant 0 : i32
        %dma_wait3A_151 = tpu.memref_slice %arg5[%multiple_of3A_128, %dma_wait3A_150] : memref<80000x128xf32, #tpu.memory_space<hbm>> -> memref<128x128xf32, #tpu.memory_space<hbm>>
        tpu.wait_dma2 semaphore(%run_scoped3A_143 : memref<!tpu.dma_semaphore, #tpu.memory_space<semaphore_mem>>) src(%arg10 : memref<128x128xf32, #tpu.memory_space<vmem>>) dst(%dma_wait3A_151 : memref<128x128xf32, #tpu.memory_space<hbm>>)
        tpu.yield
      }) : () -> ()
      %dma_wait3A_136 = arith.constant 1 : i32
      %dma_wait3A_137 = arith.constant 0 : i32
      %dma_wait3A_138 = tpu.memref_slice %arg8[%dma_wait3A_136, %dma_wait3A_137] : memref<2x128xi32, #tpu.memory_space<vmem>> -> memref<1x128xi32, #tpu.memory_space<vmem>>
      %dma_wait3A_139 = tpu.memref_squeeze %dma_wait3A_138 : memref<1x128xi32, #tpu.memory_space<vmem>> -> memref<128xi32, #tpu.memory_space<vmem>>
      %dma_wait3A_140 = arith.constant 0 : i32
      %dma_wait3A_141 = arith.constant 0 : i32
      %dma_wait3A_142 = tpu.memref_slice %arg2[%dma_wait3A_140, %dma_wait3A_141] : memref<10000x128xf32, #tpu.memory_space<hbm>> -> memref<10000x128xf32, #tpu.memory_space<hbm>>
      tpu.wait_indirect_dma semaphore(%arg16 : memref<!tpu.dma_semaphore, #tpu.memory_space<semaphore_mem>>) src(%dma_wait3A_142 : memref<10000x128xf32, #tpu.memory_space<hbm>>) dst(%arg12 : memref<128x128xf32, #tpu.memory_space<vmem>>)
      "tpu.region"() ({
        %run_scoped3A_143 = tpu.sem_alloc : memref<!tpu.dma_semaphore, #tpu.memory_space<semaphore_mem>>
        %dma_start3A_144 = arith.constant 0 : i32
        %dma_start3A_145 = tpu.memref_slice %arg6[%multiple_of3A_128, %dma_start3A_144] : memref<80000x128xf32, #tpu.memory_space<hbm>> -> memref<128x128xf32, #tpu.memory_space<hbm>>
        %dma_start3A_146 = arith.constant 0 : i32
        %dma_start3A_147 = tpu.memref_slice %arg6[%multiple_of3A_128, %dma_start3A_146] : memref<80000x128xf32, #tpu.memory_space<hbm>> -> memref<128x128xf32, #tpu.memory_space<hbm>>
        tpu.enqueue_dma source(%arg12 : memref<128x128xf32, #tpu.memory_space<vmem>>) target(%dma_start3A_147 : memref<128x128xf32, #tpu.memory_space<hbm>>) target_semaphore(%run_scoped3A_143 : memref<!tpu.dma_semaphore, #tpu.memory_space<semaphore_mem>>)
        %dma_wait3A_148 = arith.constant 0 : i32
        %dma_wait3A_149 = tpu.memref_slice %arg6[%multiple_of3A_128, %dma_wait3A_148] : memref<80000x128xf32, #tpu.memory_space<hbm>> -> memref<128x128xf32, #tpu.memory_space<hbm>>
        %dma_wait3A_150 = arith.constant 0 : i32
        %dma_wait3A_151 = tpu.memref_slice %arg6[%multiple_of3A_128, %dma_wait3A_150] : memref<80000x128xf32, #tpu.memory_space<hbm>> -> memref<128x128xf32, #tpu.memory_space<hbm>>
        tpu.wait_dma2 semaphore(%run_scoped3A_143 : memref<!tpu.dma_semaphore, #tpu.memory_space<semaphore_mem>>) src(%arg12 : memref<128x128xf32, #tpu.memory_space<vmem>>) dst(%dma_wait3A_151 : memref<128x128xf32, #tpu.memory_space<hbm>>)
        tpu.yield
      }) : () -> ()
    }
    %scan3A_23 = arith.constant 9 : i32
    %add3A_24 = arith.constant 576 : i32
    %add3A_25 = arith.addi %add3A, %add3A_24 : i32
    %mul3A_26 = arith.constant 128 : i32
    %mul3A_27 = arith.muli %add3A_25, %mul3A_26 : i32
    %multiple_of3A_28 = tpu.assume_multiple %mul3A_27, 8 : i32
    %dma_wait3A = arith.constant 0 : i32
    %dma_wait3A_29 = arith.constant 0 : i32
    %dma_wait3A_30 = tpu.memref_slice %arg7[%dma_wait3A, %dma_wait3A_29] : memref<2x128xi32, #tpu.memory_space<vmem>> -> memref<1x128xi32, #tpu.memory_space<vmem>>
    %dma_wait3A_31 = tpu.memref_squeeze %dma_wait3A_30 : memref<1x128xi32, #tpu.memory_space<vmem>> -> memref<128xi32, #tpu.memory_space<vmem>>
    %dma_wait3A_32 = arith.constant 0 : i32
    %dma_wait3A_33 = arith.constant 0 : i32
    %dma_wait3A_34 = tpu.memref_slice %arg2[%dma_wait3A_32, %dma_wait3A_33] : memref<10000x128xf32, #tpu.memory_space<hbm>> -> memref<10000x128xf32, #tpu.memory_space<hbm>>
    tpu.wait_indirect_dma semaphore(%arg13 : memref<!tpu.dma_semaphore, #tpu.memory_space<semaphore_mem>>) src(%dma_wait3A_34 : memref<10000x128xf32, #tpu.memory_space<hbm>>) dst(%arg9 : memref<128x128xf32, #tpu.memory_space<vmem>>)
    "tpu.region"() ({
      %run_scoped3A_44 = tpu.sem_alloc : memref<!tpu.dma_semaphore, #tpu.memory_space<semaphore_mem>>
      %dma_start3A_45 = arith.constant 0 : i32
      %dma_start3A_46 = tpu.memref_slice %arg5[%multiple_of3A_28, %dma_start3A_45] : memref<80000x128xf32, #tpu.memory_space<hbm>> -> memref<128x128xf32, #tpu.memory_space<hbm>>
      %dma_start3A_47 = arith.constant 0 : i32
      %dma_start3A_48 = tpu.memref_slice %arg5[%multiple_of3A_28, %dma_start3A_47] : memref<80000x128xf32, #tpu.memory_space<hbm>> -> memref<128x128xf32, #tpu.memory_space<hbm>>
      tpu.enqueue_dma source(%arg9 : memref<128x128xf32, #tpu.memory_space<vmem>>) target(%dma_start3A_48 : memref<128x128xf32, #tpu.memory_space<hbm>>) target_semaphore(%run_scoped3A_44 : memref<!tpu.dma_semaphore, #tpu.memory_space<semaphore_mem>>)
      %dma_wait3A_49 = arith.constant 0 : i32
      %dma_wait3A_50 = tpu.memref_slice %arg5[%multiple_of3A_28, %dma_wait3A_49] : memref<80000x128xf32, #tpu.memory_space<hbm>> -> memref<128x128xf32, #tpu.memory_space<hbm>>
      %dma_wait3A_51 = arith.constant 0 : i32
      %dma_wait3A_52 = tpu.memref_slice %arg5[%multiple_of3A_28, %dma_wait3A_51] : memref<80000x128xf32, #tpu.memory_space<hbm>> -> memref<128x128xf32, #tpu.memory_space<hbm>>
      tpu.wait_dma2 semaphore(%run_scoped3A_44 : memref<!tpu.dma_semaphore, #tpu.memory_space<semaphore_mem>>) src(%arg9 : memref<128x128xf32, #tpu.memory_space<vmem>>) dst(%dma_wait3A_52 : memref<128x128xf32, #tpu.memory_space<hbm>>)
      tpu.yield
    }) : () -> ()
    %dma_wait3A_35 = arith.constant 1 : i32
    %dma_wait3A_36 = arith.constant 0 : i32
    %dma_wait3A_37 = tpu.memref_slice %arg7[%dma_wait3A_35, %dma_wait3A_36] : memref<2x128xi32, #tpu.memory_space<vmem>> -> memref<1x128xi32, #tpu.memory_space<vmem>>
    %dma_wait3A_38 = tpu.memref_squeeze %dma_wait3A_37 : memref<1x128xi32, #tpu.memory_space<vmem>> -> memref<128xi32, #tpu.memory_space<vmem>>
    %dma_wait3A_39 = arith.constant 0 : i32
    %dma_wait3A_40 = arith.constant 0 : i32
    %dma_wait3A_41 = tpu.memref_slice %arg2[%dma_wait3A_39, %dma_wait3A_40] : memref<10000x128xf32, #tpu.memory_space<hbm>> -> memref<10000x128xf32, #tpu.memory_space<hbm>>
    tpu.wait_indirect_dma semaphore(%arg15 : memref<!tpu.dma_semaphore, #tpu.memory_space<semaphore_mem>>) src(%dma_wait3A_41 : memref<10000x128xf32, #tpu.memory_space<hbm>>) dst(%arg11 : memref<128x128xf32, #tpu.memory_space<vmem>>)
    "tpu.region"() ({
      %run_scoped3A_44 = tpu.sem_alloc : memref<!tpu.dma_semaphore, #tpu.memory_space<semaphore_mem>>
      %dma_start3A_45 = arith.constant 0 : i32
      %dma_start3A_46 = tpu.memref_slice %arg6[%multiple_of3A_28, %dma_start3A_45] : memref<80000x128xf32, #tpu.memory_space<hbm>> -> memref<128x128xf32, #tpu.memory_space<hbm>>
      %dma_start3A_47 = arith.constant 0 : i32
      %dma_start3A_48 = tpu.memref_slice %arg6[%multiple_of3A_28, %dma_start3A_47] : memref<80000x128xf32, #tpu.memory_space<hbm>> -> memref<128x128xf32, #tpu.memory_space<hbm>>
      tpu.enqueue_dma source(%arg11 : memref<128x128xf32, #tpu.memory_space<vmem>>) target(%dma_start3A_48 : memref<128x128xf32, #tpu.memory_space<hbm>>) target_semaphore(%run_scoped3A_44 : memref<!tpu.dma_semaphore, #tpu.memory_space<semaphore_mem>>)
      %dma_wait3A_49 = arith.constant 0 : i32
      %dma_wait3A_50 = tpu.memref_slice %arg6[%multiple_of3A_28, %dma_wait3A_49] : memref<80000x128xf32, #tpu.memory_space<hbm>> -> memref<128x128xf32, #tpu.memory_space<hbm>>
      %dma_wait3A_51 = arith.constant 0 : i32
      %dma_wait3A_52 = tpu.memref_slice %arg6[%multiple_of3A_28, %dma_wait3A_51] : memref<80000x128xf32, #tpu.memory_space<hbm>> -> memref<128x128xf32, #tpu.memory_space<hbm>>
      tpu.wait_dma2 semaphore(%run_scoped3A_44 : memref<!tpu.dma_semaphore, #tpu.memory_space<semaphore_mem>>) src(%arg11 : memref<128x128xf32, #tpu.memory_space<vmem>>) dst(%dma_wait3A_52 : memref<128x128xf32, #tpu.memory_space<hbm>>)
      tpu.yield
    }) : () -> ()
    %lt3A = arith.constant 17 : i32
    %lt3A_42 = arith.cmpi slt, %add3A, %lt3A : i32
    %convert_element_type3A = arith.extui %lt3A_42 : i1 to i32
    %cond3A = arith.constant 0 : i32
    %cond3A_43 = arith.cmpi ne, %convert_element_type3A, %cond3A : i32
    scf.if %cond3A_43 {
      %add3A_44 = arith.constant 608 : i32
      %add3A_45 = arith.addi %add3A, %add3A_44 : i32
      %mul3A_46 = arith.constant 128 : i32
      %mul3A_47 = arith.muli %add3A_45, %mul3A_46 : i32
      %multiple_of3A_48 = tpu.assume_multiple %mul3A_47, 8 : i32
      %run_scoped3A_49 = arith.constant 0 : i32
      "tpu.region"() ({
        %run_scoped3A_84 = tpu.sem_alloc : memref<!tpu.dma_semaphore, #tpu.memory_space<semaphore_mem>>
        %dma_start3A_85 = arith.constant 0 : i32
        %dma_start3A_86 = tpu.memref_slice %arg8[%run_scoped3A_49, %dma_start3A_85] : memref<2x128xi32, #tpu.memory_space<vmem>> -> memref<1x128xi32, #tpu.memory_space<vmem>>
        %dma_start3A_87 = tpu.memref_squeeze %dma_start3A_86 : memref<1x128xi32, #tpu.memory_space<vmem>> -> memref<128xi32, #tpu.memory_space<vmem>>
        %dma_start3A_88 = tpu.memref_slice %arg3[%multiple_of3A_48] : memref<80000xi32, #tpu.memory_space<hbm>> -> memref<128xi32, #tpu.memory_space<hbm>>
        %dma_start3A_89 = arith.constant 0 : i32
        %dma_start3A_90 = tpu.memref_slice %arg8[%run_scoped3A_49, %dma_start3A_89] : memref<2x128xi32, #tpu.memory_space<vmem>> -> memref<1x128xi32, #tpu.memory_space<vmem>>
        %dma_start3A_91 = tpu.memref_squeeze %dma_start3A_90 : memref<1x128xi32, #tpu.memory_space<vmem>> -> memref<128xi32, #tpu.memory_space<vmem>>
        %dma_start3A_92 = tpu.memref_slice %arg3[%multiple_of3A_48] : memref<80000xi32, #tpu.memory_space<hbm>> -> memref<128xi32, #tpu.memory_space<hbm>>
        tpu.enqueue_dma source(%dma_start3A_92 : memref<128xi32, #tpu.memory_space<hbm>>) target(%dma_start3A_91 : memref<128xi32, #tpu.memory_space<vmem>>) target_semaphore(%run_scoped3A_84 : memref<!tpu.dma_semaphore, #tpu.memory_space<semaphore_mem>>)
        %dma_wait3A_93 = arith.constant 0 : i32
        %dma_wait3A_94 = tpu.memref_slice %arg8[%run_scoped3A_49, %dma_wait3A_93] : memref<2x128xi32, #tpu.memory_space<vmem>> -> memref<1x128xi32, #tpu.memory_space<vmem>>
        %dma_wait3A_95 = tpu.memref_squeeze %dma_wait3A_94 : memref<1x128xi32, #tpu.memory_space<vmem>> -> memref<128xi32, #tpu.memory_space<vmem>>
        %dma_wait3A_96 = tpu.memref_slice %arg3[%multiple_of3A_48] : memref<80000xi32, #tpu.memory_space<hbm>> -> memref<128xi32, #tpu.memory_space<hbm>>
        %dma_wait3A_97 = arith.constant 0 : i32
        %dma_wait3A_98 = tpu.memref_slice %arg8[%run_scoped3A_49, %dma_wait3A_97] : memref<2x128xi32, #tpu.memory_space<vmem>> -> memref<1x128xi32, #tpu.memory_space<vmem>>
        %dma_wait3A_99 = tpu.memref_squeeze %dma_wait3A_98 : memref<1x128xi32, #tpu.memory_space<vmem>> -> memref<128xi32, #tpu.memory_space<vmem>>
        %dma_wait3A_100 = tpu.memref_slice %arg3[%multiple_of3A_48] : memref<80000xi32, #tpu.memory_space<hbm>> -> memref<128xi32, #tpu.memory_space<hbm>>
        tpu.wait_dma2 semaphore(%run_scoped3A_84 : memref<!tpu.dma_semaphore, #tpu.memory_space<semaphore_mem>>) src(%dma_wait3A_100 : memref<128xi32, #tpu.memory_space<hbm>>) dst(%dma_wait3A_99 : memref<128xi32, #tpu.memory_space<vmem>>)
        tpu.yield
      }) : () -> ()
      %run_scoped3A_50 = arith.constant 1 : i32
      "tpu.region"() ({
        %run_scoped3A_84 = tpu.sem_alloc : memref<!tpu.dma_semaphore, #tpu.memory_space<semaphore_mem>>
        %dma_start3A_85 = arith.constant 0 : i32
        %dma_start3A_86 = tpu.memref_slice %arg8[%run_scoped3A_50, %dma_start3A_85] : memref<2x128xi32, #tpu.memory_space<vmem>> -> memref<1x128xi32, #tpu.memory_space<vmem>>
        %dma_start3A_87 = tpu.memref_squeeze %dma_start3A_86 : memref<1x128xi32, #tpu.memory_space<vmem>> -> memref<128xi32, #tpu.memory_space<vmem>>
        %dma_start3A_88 = tpu.memref_slice %arg4[%multiple_of3A_48] : memref<80000xi32, #tpu.memory_space<hbm>> -> memref<128xi32, #tpu.memory_space<hbm>>
        %dma_start3A_89 = arith.constant 0 : i32
        %dma_start3A_90 = tpu.memref_slice %arg8[%run_scoped3A_50, %dma_start3A_89] : memref<2x128xi32, #tpu.memory_space<vmem>> -> memref<1x128xi32, #tpu.memory_space<vmem>>
        %dma_start3A_91 = tpu.memref_squeeze %dma_start3A_90 : memref<1x128xi32, #tpu.memory_space<vmem>> -> memref<128xi32, #tpu.memory_space<vmem>>
        %dma_start3A_92 = tpu.memref_slice %arg4[%multiple_of3A_48] : memref<80000xi32, #tpu.memory_space<hbm>> -> memref<128xi32, #tpu.memory_space<hbm>>
        tpu.enqueue_dma source(%dma_start3A_92 : memref<128xi32, #tpu.memory_space<hbm>>) target(%dma_start3A_91 : memref<128xi32, #tpu.memory_space<vmem>>) target_semaphore(%run_scoped3A_84 : memref<!tpu.dma_semaphore, #tpu.memory_space<semaphore_mem>>)
        %dma_wait3A_93 = arith.constant 0 : i32
        %dma_wait3A_94 = tpu.memref_slice %arg8[%run_scoped3A_50, %dma_wait3A_93] : memref<2x128xi32, #tpu.memory_space<vmem>> -> memref<1x128xi32, #tpu.memory_space<vmem>>
        %dma_wait3A_95 = tpu.memref_squeeze %dma_wait3A_94 : memref<1x128xi32, #tpu.memory_space<vmem>> -> memref<128xi32, #tpu.memory_space<vmem>>
        %dma_wait3A_96 = tpu.memref_slice %arg4[%multiple_of3A_48] : memref<80000xi32, #tpu.memory_space<hbm>> -> memref<128xi32, #tpu.memory_space<hbm>>
        %dma_wait3A_97 = arith.constant 0 : i32
        %dma_wait3A_98 = tpu.memref_slice %arg8[%run_scoped3A_50, %dma_wait3A_97] : memref<2x128xi32, #tpu.memory_space<vmem>> -> memref<1x128xi32, #tpu.memory_space<vmem>>
        %dma_wait3A_99 = tpu.memref_squeeze %dma_wait3A_98 : memref<1x128xi32, #tpu.memory_space<vmem>> -> memref<128xi32, #tpu.memory_space<vmem>>
        %dma_wait3A_100 = tpu.memref_slice %arg4[%multiple_of3A_48] : memref<80000xi32, #tpu.memory_space<hbm>> -> memref<128xi32, #tpu.memory_space<hbm>>
        tpu.wait_dma2 semaphore(%run_scoped3A_84 : memref<!tpu.dma_semaphore, #tpu.memory_space<semaphore_mem>>) src(%dma_wait3A_100 : memref<128xi32, #tpu.memory_space<hbm>>) dst(%dma_wait3A_99 : memref<128xi32, #tpu.memory_space<vmem>>)
        tpu.yield
      }) : () -> ()
      %dma_start3A_51 = arith.constant 0 : i32
      %dma_start3A_52 = arith.constant 0 : i32
      %dma_start3A_53 = tpu.memref_slice %arg8[%dma_start3A_51, %dma_start3A_52] : memref<2x128xi32, #tpu.memory_space<vmem>> -> memref<1x128xi32, #tpu.memory_space<vmem>>
      %dma_start3A_54 = tpu.memref_squeeze %dma_start3A_53 : memref<1x128xi32, #tpu.memory_space<vmem>> -> memref<128xi32, #tpu.memory_space<vmem>>
      %dma_start3A_55 = arith.constant 0 : i32
      %dma_start3A_56 = arith.constant 0 : i32
      %dma_start3A_57 = tpu.memref_slice %arg2[%dma_start3A_55, %dma_start3A_56] : memref<10000x128xf32, #tpu.memory_space<hbm>> -> memref<10000x128xf32, #tpu.memory_space<hbm>>
      tpu.enqueue_indirect_dma source(%dma_start3A_57 : memref<10000x128xf32, #tpu.memory_space<hbm>>) target(%arg10 : memref<128x128xf32, #tpu.memory_space<vmem>>) offsets(%dma_start3A_54 : memref<128xi32, #tpu.memory_space<vmem>>) semaphore(%arg14 : memref<!tpu.dma_semaphore, #tpu.memory_space<semaphore_mem>>)
      %dma_start3A_58 = arith.constant 1 : i32
      %dma_start3A_59 = arith.constant 0 : i32
      %dma_start3A_60 = tpu.memref_slice %arg8[%dma_start3A_58, %dma_start3A_59] : memref<2x128xi32, #tpu.memory_space<vmem>> -> memref<1x128xi32, #tpu.memory_space<vmem>>
      %dma_start3A_61 = tpu.memref_squeeze %dma_start3A_60 : memref<1x128xi32, #tpu.memory_space<vmem>> -> memref<128xi32, #tpu.memory_space<vmem>>
      %dma_start3A_62 = arith.constant 0 : i32
      %dma_start3A_63 = arith.constant 0 : i32
      %dma_start3A_64 = tpu.memref_slice %arg2[%dma_start3A_62, %dma_start3A_63] : memref<10000x128xf32, #tpu.memory_space<hbm>> -> memref<10000x128xf32, #tpu.memory_space<hbm>>
      tpu.enqueue_indirect_dma source(%dma_start3A_64 : memref<10000x128xf32, #tpu.memory_space<hbm>>) target(%arg12 : memref<128x128xf32, #tpu.memory_space<vmem>>) offsets(%dma_start3A_61 : memref<128xi32, #tpu.memory_space<vmem>>) semaphore(%arg16 : memref<!tpu.dma_semaphore, #tpu.memory_space<semaphore_mem>>)
      %add3A_65 = arith.constant 608 : i32
      %add3A_66 = arith.addi %add3A, %add3A_65 : i32
      %mul3A_67 = arith.constant 128 : i32
      %mul3A_68 = arith.muli %add3A_66, %mul3A_67 : i32
      %multiple_of3A_69 = tpu.assume_multiple %mul3A_68, 8 : i32
      %dma_wait3A_70 = arith.constant 0 : i32
      %dma_wait3A_71 = arith.constant 0 : i32
      %dma_wait3A_72 = tpu.memref_slice %arg8[%dma_wait3A_70, %dma_wait3A_71] : memref<2x128xi32, #tpu.memory_space<vmem>> -> memref<1x128xi32, #tpu.memory_space<vmem>>
      %dma_wait3A_73 = tpu.memref_squeeze %dma_wait3A_72 : memref<1x128xi32, #tpu.memory_space<vmem>> -> memref<128xi32, #tpu.memory_space<vmem>>
      %dma_wait3A_74 = arith.constant 0 : i32
      %dma_wait3A_75 = arith.constant 0 : i32
      %dma_wait3A_76 = tpu.memref_slice %arg2[%dma_wait3A_74, %dma_wait3A_75] : memref<10000x128xf32, #tpu.memory_space<hbm>> -> memref<10000x128xf32, #tpu.memory_space<hbm>>
      tpu.wait_indirect_dma semaphore(%arg14 : memref<!tpu.dma_semaphore, #tpu.memory_space<semaphore_mem>>) src(%dma_wait3A_76 : memref<10000x128xf32, #tpu.memory_space<hbm>>) dst(%arg10 : memref<128x128xf32, #tpu.memory_space<vmem>>)
      "tpu.region"() ({
        %run_scoped3A_84 = tpu.sem_alloc : memref<!tpu.dma_semaphore, #tpu.memory_space<semaphore_mem>>
        %dma_start3A_85 = arith.constant 0 : i32
        %dma_start3A_86 = tpu.memref_slice %arg5[%multiple_of3A_69, %dma_start3A_85] : memref<80000x128xf32, #tpu.memory_space<hbm>> -> memref<128x128xf32, #tpu.memory_space<hbm>>
        %dma_start3A_87 = arith.constant 0 : i32
        %dma_start3A_88 = tpu.memref_slice %arg5[%multiple_of3A_69, %dma_start3A_87] : memref<80000x128xf32, #tpu.memory_space<hbm>> -> memref<128x128xf32, #tpu.memory_space<hbm>>
        tpu.enqueue_dma source(%arg10 : memref<128x128xf32, #tpu.memory_space<vmem>>) target(%dma_start3A_88 : memref<128x128xf32, #tpu.memory_space<hbm>>) target_semaphore(%run_scoped3A_84 : memref<!tpu.dma_semaphore, #tpu.memory_space<semaphore_mem>>)
        %dma_wait3A_89 = arith.constant 0 : i32
        %dma_wait3A_90 = tpu.memref_slice %arg5[%multiple_of3A_69, %dma_wait3A_89] : memref<80000x128xf32, #tpu.memory_space<hbm>> -> memref<128x128xf32, #tpu.memory_space<hbm>>
        %dma_wait3A_91 = arith.constant 0 : i32
        %dma_wait3A_92 = tpu.memref_slice %arg5[%multiple_of3A_69, %dma_wait3A_91] : memref<80000x128xf32, #tpu.memory_space<hbm>> -> memref<128x128xf32, #tpu.memory_space<hbm>>
        tpu.wait_dma2 semaphore(%run_scoped3A_84 : memref<!tpu.dma_semaphore, #tpu.memory_space<semaphore_mem>>) src(%arg10 : memref<128x128xf32, #tpu.memory_space<vmem>>) dst(%dma_wait3A_92 : memref<128x128xf32, #tpu.memory_space<hbm>>)
        tpu.yield
      }) : () -> ()
      %dma_wait3A_77 = arith.constant 1 : i32
      %dma_wait3A_78 = arith.constant 0 : i32
      %dma_wait3A_79 = tpu.memref_slice %arg8[%dma_wait3A_77, %dma_wait3A_78] : memref<2x128xi32, #tpu.memory_space<vmem>> -> memref<1x128xi32, #tpu.memory_space<vmem>>
      %dma_wait3A_80 = tpu.memref_squeeze %dma_wait3A_79 : memref<1x128xi32, #tpu.memory_space<vmem>> -> memref<128xi32, #tpu.memory_space<vmem>>
      %dma_wait3A_81 = arith.constant 0 : i32
      %dma_wait3A_82 = arith.constant 0 : i32
      %dma_wait3A_83 = tpu.memref_slice %arg2[%dma_wait3A_81, %dma_wait3A_82] : memref<10000x128xf32, #tpu.memory_space<hbm>> -> memref<10000x128xf32, #tpu.memory_space<hbm>>
      tpu.wait_indirect_dma semaphore(%arg16 : memref<!tpu.dma_semaphore, #tpu.memory_space<semaphore_mem>>) src(%dma_wait3A_83 : memref<10000x128xf32, #tpu.memory_space<hbm>>) dst(%arg12 : memref<128x128xf32, #tpu.memory_space<vmem>>)
      "tpu.region"() ({
        %run_scoped3A_84 = tpu.sem_alloc : memref<!tpu.dma_semaphore, #tpu.memory_space<semaphore_mem>>
        %dma_start3A_85 = arith.constant 0 : i32
        %dma_start3A_86 = tpu.memref_slice %arg6[%multiple_of3A_69, %dma_start3A_85] : memref<80000x128xf32, #tpu.memory_space<hbm>> -> memref<128x128xf32, #tpu.memory_space<hbm>>
        %dma_start3A_87 = arith.constant 0 : i32
        %dma_start3A_88 = tpu.memref_slice %arg6[%multiple_of3A_69, %dma_start3A_87] : memref<80000x128xf32, #tpu.memory_space<hbm>> -> memref<128x128xf32, #tpu.memory_space<hbm>>
        tpu.enqueue_dma source(%arg12 : memref<128x128xf32, #tpu.memory_space<vmem>>) target(%dma_start3A_88 : memref<128x128xf32, #tpu.memory_space<hbm>>) target_semaphore(%run_scoped3A_84 : memref<!tpu.dma_semaphore, #tpu.memory_space<semaphore_mem>>)
        %dma_wait3A_89 = arith.constant 0 : i32
        %dma_wait3A_90 = tpu.memref_slice %arg6[%multiple_of3A_69, %dma_wait3A_89] : memref<80000x128xf32, #tpu.memory_space<hbm>> -> memref<128x128xf32, #tpu.memory_space<hbm>>
        %dma_wait3A_91 = arith.constant 0 : i32
        %dma_wait3A_92 = tpu.memref_slice %arg6[%multiple_of3A_69, %dma_wait3A_91] : memref<80000x128xf32, #tpu.memory_space<hbm>> -> memref<128x128xf32, #tpu.memory_space<hbm>>
        tpu.wait_dma2 semaphore(%run_scoped3A_84 : memref<!tpu.dma_semaphore, #tpu.memory_space<semaphore_mem>>) src(%arg12 : memref<128x128xf32, #tpu.memory_space<vmem>>) dst(%dma_wait3A_92 : memref<128x128xf32, #tpu.memory_space<hbm>>)
        tpu.yield
      }) : () -> ()
    } else {
    }
    return
  }
}

#map = affine_map<(d0, d1) -> (0, 0)>
#map1 = affine_map<(d0, d1) -> (0)>
module attributes {stable_mosaic.version = 14 : i64} {
  func.func @_gather_body(%arg0: i32, %arg1: i32, %arg2: memref<10000x128xf32, #tpu.memory_space<hbm>>, %arg3: memref<80000xi32, #tpu.memory_space<hbm>>, %arg4: memref<80000xi32, #tpu.memory_space<hbm>>, %arg5: memref<80000x128xf32, #tpu.memory_space<hbm>>, %arg6: memref<80000x128xf32, #tpu.memory_space<hbm>>, %arg7: memref<2x128xi32, #tpu.memory_space<vmem>>, %arg8: memref<2x128xi32, #tpu.memory_space<vmem>>, %arg9: memref<128x128xf32, #tpu.memory_space<vmem>>, %arg10: memref<128x128xf32, #tpu.memory_space<vmem>>, %arg11: memref<128x128xf32, #tpu.memory_space<vmem>>, %arg12: memref<128x128xf32, #tpu.memory_space<vmem>>, %arg13: memref<!tpu.dma_semaphore, #tpu.memory_space<semaphore_mem>>, %arg14: memref<!tpu.dma_semaphore, #tpu.memory_space<semaphore_mem>>, %arg15: memref<!tpu.dma_semaphore, #tpu.memory_space<semaphore_mem>>, %arg16: memref<!tpu.dma_semaphore, #tpu.memory_space<semaphore_mem>>) attributes {dimension_semantics = [#tpu.dimension_semantics<core_parallel>, #tpu.dimension_semantics<subcore_parallel>], iteration_bounds = array<i64: 2, 16>, scalar_prefetch = 0 : i64, scratch_operands = 10 : i64, tpu.core_type = #tpu.core_type<sc_vector_subcore>, window_params = [{transform_indices = #map}, {transform_indices = #map1}, {transform_indices = #map1}, {transform_indices = #map}, {transform_indices = #map}]} {
    %mul3A = arith.constant 16 : i32
    %mul3A_0 = arith.muli %arg0, %mul3A : i32
    %add3A = arith.addi %mul3A_0, %arg1 : i32
    %add3A_1 = arith.constant 0 : i32
    %add3A_2 = arith.addi %add3A, %add3A_1 : i32
    %mul3A_3 = arith.constant 128 : i32
    %mul3A_4 = arith.muli %add3A_2, %mul3A_3 : i32
    %multiple_of3A = tpu.assume_multiple %mul3A_4, 8 : i32
    %run_scoped3A = arith.constant 0 : i32
    "tpu.region"() ({
      %run_scoped3A_44 = tpu.sem_alloc : memref<!tpu.dma_semaphore, #tpu.memory_space<semaphore_mem>>
      %dma_start3A_45 = arith.constant 0 : i32
      %dma_start3A_46 = tpu.memref_slice %arg7[%run_scoped3A, %dma_start3A_45] : memref<2x128xi32, #tpu.memory_space<vmem>> -> memref<1x128xi32, #tpu.memory_space<vmem>>
      %dma_start3A_47 = tpu.memref_squeeze %dma_start3A_46 : memref<1x128xi32, #tpu.memory_space<vmem>> -> memref<128xi32, #tpu.memory_space<vmem>>
      %dma_start3A_48 = tpu.memref_slice %arg3[%multiple_of3A] : memref<80000xi32, #tpu.memory_space<hbm>> -> memref<128xi32, #tpu.memory_space<hbm>>
      %dma_start3A_49 = arith.constant 0 : i32
      %dma_start3A_50 = tpu.memref_slice %arg7[%run_scoped3A, %dma_start3A_49] : memref<2x128xi32, #tpu.memory_space<vmem>> -> memref<1x128xi32, #tpu.memory_space<vmem>>
      %dma_start3A_51 = tpu.memref_squeeze %dma_start3A_50 : memref<1x128xi32, #tpu.memory_space<vmem>> -> memref<128xi32, #tpu.memory_space<vmem>>
      %dma_start3A_52 = tpu.memref_slice %arg3[%multiple_of3A] : memref<80000xi32, #tpu.memory_space<hbm>> -> memref<128xi32, #tpu.memory_space<hbm>>
      tpu.enqueue_dma source(%dma_start3A_52 : memref<128xi32, #tpu.memory_space<hbm>>) target(%dma_start3A_51 : memref<128xi32, #tpu.memory_space<vmem>>) target_semaphore(%run_scoped3A_44 : memref<!tpu.dma_semaphore, #tpu.memory_space<semaphore_mem>>)
      %dma_wait3A_53 = arith.constant 0 : i32
      %dma_wait3A_54 = tpu.memref_slice %arg7[%run_scoped3A, %dma_wait3A_53] : memref<2x128xi32, #tpu.memory_space<vmem>> -> memref<1x128xi32, #tpu.memory_space<vmem>>
      %dma_wait3A_55 = tpu.memref_squeeze %dma_wait3A_54 : memref<1x128xi32, #tpu.memory_space<vmem>> -> memref<128xi32, #tpu.memory_space<vmem>>
      %dma_wait3A_56 = tpu.memref_slice %arg3[%multiple_of3A] : memref<80000xi32, #tpu.memory_space<hbm>> -> memref<128xi32, #tpu.memory_space<hbm>>
      %dma_wait3A_57 = arith.constant 0 : i32
      %dma_wait3A_58 = tpu.memref_slice %arg7[%run_scoped3A, %dma_wait3A_57] : memref<2x128xi32, #tpu.memory_space<vmem>> -> memref<1x128xi32, #tpu.memory_space<vmem>>
      %dma_wait3A_59 = tpu.memref_squeeze %dma_wait3A_58 : memref<1x128xi32, #tpu.memory_space<vmem>> -> memref<128xi32, #tpu.memory_space<vmem>>
      %dma_wait3A_60 = tpu.memref_slice %arg3[%multiple_of3A] : memref<80000xi32, #tpu.memory_space<hbm>> -> memref<128xi32, #tpu.memory_space<hbm>>
      tpu.wait_dma2 semaphore(%run_scoped3A_44 : memref<!tpu.dma_semaphore, #tpu.memory_space<semaphore_mem>>) src(%dma_wait3A_60 : memref<128xi32, #tpu.memory_space<hbm>>) dst(%dma_wait3A_59 : memref<128xi32, #tpu.memory_space<vmem>>)
      tpu.yield
    }) : () -> ()
    %run_scoped3A_5 = arith.constant 1 : i32
    "tpu.region"() ({
      %run_scoped3A_44 = tpu.sem_alloc : memref<!tpu.dma_semaphore, #tpu.memory_space<semaphore_mem>>
      %dma_start3A_45 = arith.constant 0 : i32
      %dma_start3A_46 = tpu.memref_slice %arg7[%run_scoped3A_5, %dma_start3A_45] : memref<2x128xi32, #tpu.memory_space<vmem>> -> memref<1x128xi32, #tpu.memory_space<vmem>>
      %dma_start3A_47 = tpu.memref_squeeze %dma_start3A_46 : memref<1x128xi32, #tpu.memory_space<vmem>> -> memref<128xi32, #tpu.memory_space<vmem>>
      %dma_start3A_48 = tpu.memref_slice %arg4[%multiple_of3A] : memref<80000xi32, #tpu.memory_space<hbm>> -> memref<128xi32, #tpu.memory_space<hbm>>
      %dma_start3A_49 = arith.constant 0 : i32
      %dma_start3A_50 = tpu.memref_slice %arg7[%run_scoped3A_5, %dma_start3A_49] : memref<2x128xi32, #tpu.memory_space<vmem>> -> memref<1x128xi32, #tpu.memory_space<vmem>>
      %dma_start3A_51 = tpu.memref_squeeze %dma_start3A_50 : memref<1x128xi32, #tpu.memory_space<vmem>> -> memref<128xi32, #tpu.memory_space<vmem>>
      %dma_start3A_52 = tpu.memref_slice %arg4[%multiple_of3A] : memref<80000xi32, #tpu.memory_space<hbm>> -> memref<128xi32, #tpu.memory_space<hbm>>
      tpu.enqueue_dma source(%dma_start3A_52 : memref<128xi32, #tpu.memory_space<hbm>>) target(%dma_start3A_51 : memref<128xi32, #tpu.memory_space<vmem>>) target_semaphore(%run_scoped3A_44 : memref<!tpu.dma_semaphore, #tpu.memory_space<semaphore_mem>>)
      %dma_wait3A_53 = arith.constant 0 : i32
      %dma_wait3A_54 = tpu.memref_slice %arg7[%run_scoped3A_5, %dma_wait3A_53] : memref<2x128xi32, #tpu.memory_space<vmem>> -> memref<1x128xi32, #tpu.memory_space<vmem>>
      %dma_wait3A_55 = tpu.memref_squeeze %dma_wait3A_54 : memref<1x128xi32, #tpu.memory_space<vmem>> -> memref<128xi32, #tpu.memory_space<vmem>>
      %dma_wait3A_56 = tpu.memref_slice %arg4[%multiple_of3A] : memref<80000xi32, #tpu.memory_space<hbm>> -> memref<128xi32, #tpu.memory_space<hbm>>
      %dma_wait3A_57 = arith.constant 0 : i32
      %dma_wait3A_58 = tpu.memref_slice %arg7[%run_scoped3A_5, %dma_wait3A_57] : memref<2x128xi32, #tpu.memory_space<vmem>> -> memref<1x128xi32, #tpu.memory_space<vmem>>
      %dma_wait3A_59 = tpu.memref_squeeze %dma_wait3A_58 : memref<1x128xi32, #tpu.memory_space<vmem>> -> memref<128xi32, #tpu.memory_space<vmem>>
      %dma_wait3A_60 = tpu.memref_slice %arg4[%multiple_of3A] : memref<80000xi32, #tpu.memory_space<hbm>> -> memref<128xi32, #tpu.memory_space<hbm>>
      tpu.wait_dma2 semaphore(%run_scoped3A_44 : memref<!tpu.dma_semaphore, #tpu.memory_space<semaphore_mem>>) src(%dma_wait3A_60 : memref<128xi32, #tpu.memory_space<hbm>>) dst(%dma_wait3A_59 : memref<128xi32, #tpu.memory_space<vmem>>)
      tpu.yield
    }) : () -> ()
    %dma_start3A = arith.constant 0 : i32
    %dma_start3A_6 = arith.constant 0 : i32
    %dma_start3A_7 = tpu.memref_slice %arg7[%dma_start3A, %dma_start3A_6] : memref<2x128xi32, #tpu.memory_space<vmem>> -> memref<1x128xi32, #tpu.memory_space<vmem>>
    %dma_start3A_8 = tpu.memref_squeeze %dma_start3A_7 : memref<1x128xi32, #tpu.memory_space<vmem>> -> memref<128xi32, #tpu.memory_space<vmem>>
    %dma_start3A_9 = arith.constant 0 : i32
    %dma_start3A_10 = arith.constant 0 : i32
    %dma_start3A_11 = tpu.memref_slice %arg2[%dma_start3A_9, %dma_start3A_10] : memref<10000x128xf32, #tpu.memory_space<hbm>> -> memref<10000x128xf32, #tpu.memory_space<hbm>>
    tpu.enqueue_indirect_dma source(%dma_start3A_11 : memref<10000x128xf32, #tpu.memory_space<hbm>>) target(%arg9 : memref<128x128xf32, #tpu.memory_space<vmem>>) offsets(%dma_start3A_8 : memref<128xi32, #tpu.memory_space<vmem>>) semaphore(%arg13 : memref<!tpu.dma_semaphore, #tpu.memory_space<semaphore_mem>>)
    %dma_start3A_12 = arith.constant 1 : i32
    %dma_start3A_13 = arith.constant 0 : i32
    %dma_start3A_14 = tpu.memref_slice %arg7[%dma_start3A_12, %dma_start3A_13] : memref<2x128xi32, #tpu.memory_space<vmem>> -> memref<1x128xi32, #tpu.memory_space<vmem>>
    %dma_start3A_15 = tpu.memref_squeeze %dma_start3A_14 : memref<1x128xi32, #tpu.memory_space<vmem>> -> memref<128xi32, #tpu.memory_space<vmem>>
    %dma_start3A_16 = arith.constant 0 : i32
    %dma_start3A_17 = arith.constant 0 : i32
    %dma_start3A_18 = tpu.memref_slice %arg2[%dma_start3A_16, %dma_start3A_17] : memref<10000x128xf32, #tpu.memory_space<hbm>> -> memref<10000x128xf32, #tpu.memory_space<hbm>>
    tpu.enqueue_indirect_dma source(%dma_start3A_18 : memref<10000x128xf32, #tpu.memory_space<hbm>>) target(%arg11 : memref<128x128xf32, #tpu.memory_space<vmem>>) offsets(%dma_start3A_15 : memref<128xi32, #tpu.memory_space<vmem>>) semaphore(%arg15 : memref<!tpu.dma_semaphore, #tpu.memory_space<semaphore_mem>>)
    %scan3A = arith.constant 0 : i32
    %scan3A_19 = arith.constant 0 : i32
    %scan3A_20 = arith.constant 9 : i32
    %scan3A_21 = arith.addi %scan3A_19, %scan3A_20 : i32
    %scan3A_22 = arith.constant 1 : i32
    scf.for %scan3A_44 = %scan3A_19 to %scan3A_21 step %scan3A_22  : i32 {
      %mul3A_45 = arith.constant 2 : i32
      %mul3A_46 = arith.muli %mul3A_45, %scan3A_44 : i32
      %add3A_47 = arith.constant 1 : i32
      %add3A_48 = arith.addi %mul3A_46, %add3A_47 : i32
      %mul3A_49 = arith.constant 32 : i32
      %mul3A_50 = arith.muli %add3A_48, %mul3A_49 : i32
      %add3A_51 = arith.addi %add3A, %mul3A_50 : i32
      %mul3A_52 = arith.constant 128 : i32
      %mul3A_53 = arith.muli %add3A_51, %mul3A_52 : i32
      %multiple_of3A_54 = tpu.assume_multiple %mul3A_53, 8 : i32
      %run_scoped3A_55 = arith.constant 0 : i32
      "tpu.region"() ({
        %run_scoped3A_143 = tpu.sem_alloc : memref<!tpu.dma_semaphore, #tpu.memory_space<semaphore_mem>>
        %dma_start3A_144 = arith.constant 0 : i32
        %dma_start3A_145 = tpu.memref_slice %arg8[%run_scoped3A_55, %dma_start3A_144] : memref<2x128xi32, #tpu.memory_space<vmem>> -> memref<1x128xi32, #tpu.memory_space<vmem>>
        %dma_start3A_146 = tpu.memref_squeeze %dma_start3A_145 : memref<1x128xi32, #tpu.memory_space<vmem>> -> memref<128xi32, #tpu.memory_space<vmem>>
        %dma_start3A_147 = tpu.memref_slice %arg3[%multiple_of3A_54] : memref<80000xi32, #tpu.memory_space<hbm>> -> memref<128xi32, #tpu.memory_space<hbm>>
        %dma_start3A_148 = arith.constant 0 : i32
        %dma_start3A_149 = tpu.memref_slice %arg8[%run_scoped3A_55, %dma_start3A_148] : memref<2x128xi32, #tpu.memory_space<vmem>> -> memref<1x128xi32, #tpu.memory_space<vmem>>
        %dma_start3A_150 = tpu.memref_squeeze %dma_start3A_149 : memref<1x128xi32, #tpu.memory_space<vmem>> -> memref<128xi32, #tpu.memory_space<vmem>>
        %dma_start3A_151 = tpu.memref_slice %arg3[%multiple_of3A_54] : memref<80000xi32, #tpu.memory_space<hbm>> -> memref<128xi32, #tpu.memory_space<hbm>>
        tpu.enqueue_dma source(%dma_start3A_151 : memref<128xi32, #tpu.memory_space<hbm>>) target(%dma_start3A_150 : memref<128xi32, #tpu.memory_space<vmem>>) target_semaphore(%run_scoped3A_143 : memref<!tpu.dma_semaphore, #tpu.memory_space<semaphore_mem>>)
        %dma_wait3A_152 = arith.constant 0 : i32
        %dma_wait3A_153 = tpu.memref_slice %arg8[%run_scoped3A_55, %dma_wait3A_152] : memref<2x128xi32, #tpu.memory_space<vmem>> -> memref<1x128xi32, #tpu.memory_space<vmem>>
        %dma_wait3A_154 = tpu.memref_squeeze %dma_wait3A_153 : memref<1x128xi32, #tpu.memory_space<vmem>> -> memref<128xi32, #tpu.memory_space<vmem>>
        %dma_wait3A_155 = tpu.memref_slice %arg3[%multiple_of3A_54] : memref<80000xi32, #tpu.memory_space<hbm>> -> memref<128xi32, #tpu.memory_space<hbm>>
        %dma_wait3A_156 = arith.constant 0 : i32
        %dma_wait3A_157 = tpu.memref_slice %arg8[%run_scoped3A_55, %dma_wait3A_156] : memref<2x128xi32, #tpu.memory_space<vmem>> -> memref<1x128xi32, #tpu.memory_space<vmem>>
        %dma_wait3A_158 = tpu.memref_squeeze %dma_wait3A_157 : memref<1x128xi32, #tpu.memory_space<vmem>> -> memref<128xi32, #tpu.memory_space<vmem>>
        %dma_wait3A_159 = tpu.memref_slice %arg3[%multiple_of3A_54] : memref<80000xi32, #tpu.memory_space<hbm>> -> memref<128xi32, #tpu.memory_space<hbm>>
        tpu.wait_dma2 semaphore(%run_scoped3A_143 : memref<!tpu.dma_semaphore, #tpu.memory_space<semaphore_mem>>) src(%dma_wait3A_159 : memref<128xi32, #tpu.memory_space<hbm>>) dst(%dma_wait3A_158 : memref<128xi32, #tpu.memory_space<vmem>>)
        tpu.yield
      }) : () -> ()
      %run_scoped3A_56 = arith.constant 1 : i32
      "tpu.region"() ({
        %run_scoped3A_143 = tpu.sem_alloc : memref<!tpu.dma_semaphore, #tpu.memory_space<semaphore_mem>>
        %dma_start3A_144 = arith.constant 0 : i32
        %dma_start3A_145 = tpu.memref_slice %arg8[%run_scoped3A_56, %dma_start3A_144] : memref<2x128xi32, #tpu.memory_space<vmem>> -> memref<1x128xi32, #tpu.memory_space<vmem>>
        %dma_start3A_146 = tpu.memref_squeeze %dma_start3A_145 : memref<1x128xi32, #tpu.memory_space<vmem>> -> memref<128xi32, #tpu.memory_space<vmem>>
        %dma_start3A_147 = tpu.memref_slice %arg4[%multiple_of3A_54] : memref<80000xi32, #tpu.memory_space<hbm>> -> memref<128xi32, #tpu.memory_space<hbm>>
        %dma_start3A_148 = arith.constant 0 : i32
        %dma_start3A_149 = tpu.memref_slice %arg8[%run_scoped3A_56, %dma_start3A_148] : memref<2x128xi32, #tpu.memory_space<vmem>> -> memref<1x128xi32, #tpu.memory_space<vmem>>
        %dma_start3A_150 = tpu.memref_squeeze %dma_start3A_149 : memref<1x128xi32, #tpu.memory_space<vmem>> -> memref<128xi32, #tpu.memory_space<vmem>>
        %dma_start3A_151 = tpu.memref_slice %arg4[%multiple_of3A_54] : memref<80000xi32, #tpu.memory_space<hbm>> -> memref<128xi32, #tpu.memory_space<hbm>>
        tpu.enqueue_dma source(%dma_start3A_151 : memref<128xi32, #tpu.memory_space<hbm>>) target(%dma_start3A_150 : memref<128xi32, #tpu.memory_space<vmem>>) target_semaphore(%run_scoped3A_143 : memref<!tpu.dma_semaphore, #tpu.memory_space<semaphore_mem>>)
        %dma_wait3A_152 = arith.constant 0 : i32
        %dma_wait3A_153 = tpu.memref_slice %arg8[%run_scoped3A_56, %dma_wait3A_152] : memref<2x128xi32, #tpu.memory_space<vmem>> -> memref<1x128xi32, #tpu.memory_space<vmem>>
        %dma_wait3A_154 = tpu.memref_squeeze %dma_wait3A_153 : memref<1x128xi32, #tpu.memory_space<vmem>> -> memref<128xi32, #tpu.memory_space<vmem>>
        %dma_wait3A_155 = tpu.memref_slice %arg4[%multiple_of3A_54] : memref<80000xi32, #tpu.memory_space<hbm>> -> memref<128xi32, #tpu.memory_space<hbm>>
        %dma_wait3A_156 = arith.constant 0 : i32
        %dma_wait3A_157 = tpu.memref_slice %arg8[%run_scoped3A_56, %dma_wait3A_156] : memref<2x128xi32, #tpu.memory_space<vmem>> -> memref<1x128xi32, #tpu.memory_space<vmem>>
        %dma_wait3A_158 = tpu.memref_squeeze %dma_wait3A_157 : memref<1x128xi32, #tpu.memory_space<vmem>> -> memref<128xi32, #tpu.memory_space<vmem>>
        %dma_wait3A_159 = tpu.memref_slice %arg4[%multiple_of3A_54] : memref<80000xi32, #tpu.memory_space<hbm>> -> memref<128xi32, #tpu.memory_space<hbm>>
        tpu.wait_dma2 semaphore(%run_scoped3A_143 : memref<!tpu.dma_semaphore, #tpu.memory_space<semaphore_mem>>) src(%dma_wait3A_159 : memref<128xi32, #tpu.memory_space<hbm>>) dst(%dma_wait3A_158 : memref<128xi32, #tpu.memory_space<vmem>>)
        tpu.yield
      }) : () -> ()
      %dma_start3A_57 = arith.constant 0 : i32
      %dma_start3A_58 = arith.constant 0 : i32
      %dma_start3A_59 = tpu.memref_slice %arg8[%dma_start3A_57, %dma_start3A_58] : memref<2x128xi32, #tpu.memory_space<vmem>> -> memref<1x128xi32, #tpu.memory_space<vmem>>
      %dma_start3A_60 = tpu.memref_squeeze %dma_start3A_59 : memref<1x128xi32, #tpu.memory_space<vmem>> -> memref<128xi32, #tpu.memory_space<vmem>>
      %dma_start3A_61 = arith.constant 0 : i32
      %dma_start3A_62 = arith.constant 0 : i32
      %dma_start3A_63 = tpu.memref_slice %arg2[%dma_start3A_61, %dma_start3A_62] : memref<10000x128xf32, #tpu.memory_space<hbm>> -> memref<10000x128xf32, #tpu.memory_space<hbm>>
      tpu.enqueue_indirect_dma source(%dma_start3A_63 : memref<10000x128xf32, #tpu.memory_space<hbm>>) target(%arg10 : memref<128x128xf32, #tpu.memory_space<vmem>>) offsets(%dma_start3A_60 : memref<128xi32, #tpu.memory_space<vmem>>) semaphore(%arg14 : memref<!tpu.dma_semaphore, #tpu.memory_space<semaphore_mem>>)
      %dma_start3A_64 = arith.constant 1 : i32
      %dma_start3A_65 = arith.constant 0 : i32
      %dma_start3A_66 = tpu.memref_slice %arg8[%dma_start3A_64, %dma_start3A_65] : memref<2x128xi32, #tpu.memory_space<vmem>> -> memref<1x128xi32, #tpu.memory_space<vmem>>
      %dma_start3A_67 = tpu.memref_squeeze %dma_start3A_66 : memref<1x128xi32, #tpu.memory_space<vmem>> -> memref<128xi32, #tpu.memory_space<vmem>>
      %dma_start3A_68 = arith.constant 0 : i32
      %dma_start3A_69 = arith.constant 0 : i32
      %dma_start3A_70 = tpu.memref_slice %arg2[%dma_start3A_68, %dma_start3A_69] : memref<10000x128xf32, #tpu.memory_space<hbm>> -> memref<10000x128xf32, #tpu.memory_space<hbm>>
      tpu.enqueue_indirect_dma source(%dma_start3A_70 : memref<10000x128xf32, #tpu.memory_space<hbm>>) target(%arg12 : memref<128x128xf32, #tpu.memory_space<vmem>>) offsets(%dma_start3A_67 : memref<128xi32, #tpu.memory_space<vmem>>) semaphore(%arg16 : memref<!tpu.dma_semaphore, #tpu.memory_space<semaphore_mem>>)
      %mul3A_71 = arith.constant 2 : i32
      %mul3A_72 = arith.muli %mul3A_71, %scan3A_44 : i32
      %mul3A_73 = arith.constant 32 : i32
      %mul3A_74 = arith.muli %mul3A_72, %mul3A_73 : i32
      %add3A_75 = arith.addi %add3A, %mul3A_74 : i32
      %mul3A_76 = arith.constant 128 : i32
      %mul3A_77 = arith.muli %add3A_75, %mul3A_76 : i32
      %multiple_of3A_78 = tpu.assume_multiple %mul3A_77, 8 : i32
      %dma_wait3A_79 = arith.constant 0 : i32
      %dma_wait3A_80 = arith.constant 0 : i32
      %dma_wait3A_81 = tpu.memref_slice %arg7[%dma_wait3A_79, %dma_wait3A_80] : memref<2x128xi32, #tpu.memory_space<vmem>> -> memref<1x128xi32, #tpu.memory_space<vmem>>
      %dma_wait3A_82 = tpu.memref_squeeze %dma_wait3A_81 : memref<1x128xi32, #tpu.memory_space<vmem>> -> memref<128xi32, #tpu.memory_space<vmem>>
      %dma_wait3A_83 = arith.constant 0 : i32
      %dma_wait3A_84 = arith.constant 0 : i32
      %dma_wait3A_85 = tpu.memref_slice %arg2[%dma_wait3A_83, %dma_wait3A_84] : memref<10000x128xf32, #tpu.memory_space<hbm>> -> memref<10000x128xf32, #tpu.memory_space<hbm>>
      tpu.wait_indirect_dma semaphore(%arg13 : memref<!tpu.dma_semaphore, #tpu.memory_space<semaphore_mem>>) src(%dma_wait3A_85 : memref<10000x128xf32, #tpu.memory_space<hbm>>) dst(%arg9 : memref<128x128xf32, #tpu.memory_space<vmem>>)
      "tpu.region"() ({
        %run_scoped3A_143 = tpu.sem_alloc : memref<!tpu.dma_semaphore, #tpu.memory_space<semaphore_mem>>
        %dma_start3A_144 = arith.constant 0 : i32
        %dma_start3A_145 = tpu.memref_slice %arg5[%multiple_of3A_78, %dma_start3A_144] : memref<80000x128xf32, #tpu.memory_space<hbm>> -> memref<128x128xf32, #tpu.memory_space<hbm>>
        %dma_start3A_146 = arith.constant 0 : i32
        %dma_start3A_147 = tpu.memref_slice %arg5[%multiple_of3A_78, %dma_start3A_146] : memref<80000x128xf32, #tpu.memory_space<hbm>> -> memref<128x128xf32, #tpu.memory_space<hbm>>
        tpu.enqueue_dma source(%arg9 : memref<128x128xf32, #tpu.memory_space<vmem>>) target(%dma_start3A_147 : memref<128x128xf32, #tpu.memory_space<hbm>>) target_semaphore(%run_scoped3A_143 : memref<!tpu.dma_semaphore, #tpu.memory_space<semaphore_mem>>)
        %dma_wait3A_148 = arith.constant 0 : i32
        %dma_wait3A_149 = tpu.memref_slice %arg5[%multiple_of3A_78, %dma_wait3A_148] : memref<80000x128xf32, #tpu.memory_space<hbm>> -> memref<128x128xf32, #tpu.memory_space<hbm>>
        %dma_wait3A_150 = arith.constant 0 : i32
        %dma_wait3A_151 = tpu.memref_slice %arg5[%multiple_of3A_78, %dma_wait3A_150] : memref<80000x128xf32, #tpu.memory_space<hbm>> -> memref<128x128xf32, #tpu.memory_space<hbm>>
        tpu.wait_dma2 semaphore(%run_scoped3A_143 : memref<!tpu.dma_semaphore, #tpu.memory_space<semaphore_mem>>) src(%arg9 : memref<128x128xf32, #tpu.memory_space<vmem>>) dst(%dma_wait3A_151 : memref<128x128xf32, #tpu.memory_space<hbm>>)
        tpu.yield
      }) : () -> ()
      %dma_wait3A_86 = arith.constant 1 : i32
      %dma_wait3A_87 = arith.constant 0 : i32
      %dma_wait3A_88 = tpu.memref_slice %arg7[%dma_wait3A_86, %dma_wait3A_87] : memref<2x128xi32, #tpu.memory_space<vmem>> -> memref<1x128xi32, #tpu.memory_space<vmem>>
      %dma_wait3A_89 = tpu.memref_squeeze %dma_wait3A_88 : memref<1x128xi32, #tpu.memory_space<vmem>> -> memref<128xi32, #tpu.memory_space<vmem>>
      %dma_wait3A_90 = arith.constant 0 : i32
      %dma_wait3A_91 = arith.constant 0 : i32
      %dma_wait3A_92 = tpu.memref_slice %arg2[%dma_wait3A_90, %dma_wait3A_91] : memref<10000x128xf32, #tpu.memory_space<hbm>> -> memref<10000x128xf32, #tpu.memory_space<hbm>>
      tpu.wait_indirect_dma semaphore(%arg15 : memref<!tpu.dma_semaphore, #tpu.memory_space<semaphore_mem>>) src(%dma_wait3A_92 : memref<10000x128xf32, #tpu.memory_space<hbm>>) dst(%arg11 : memref<128x128xf32, #tpu.memory_space<vmem>>)
      "tpu.region"() ({
        %run_scoped3A_143 = tpu.sem_alloc : memref<!tpu.dma_semaphore, #tpu.memory_space<semaphore_mem>>
        %dma_start3A_144 = arith.constant 0 : i32
        %dma_start3A_145 = tpu.memref_slice %arg6[%multiple_of3A_78, %dma_start3A_144] : memref<80000x128xf32, #tpu.memory_space<hbm>> -> memref<128x128xf32, #tpu.memory_space<hbm>>
        %dma_start3A_146 = arith.constant 0 : i32
        %dma_start3A_147 = tpu.memref_slice %arg6[%multiple_of3A_78, %dma_start3A_146] : memref<80000x128xf32, #tpu.memory_space<hbm>> -> memref<128x128xf32, #tpu.memory_space<hbm>>
        tpu.enqueue_dma source(%arg11 : memref<128x128xf32, #tpu.memory_space<vmem>>) target(%dma_start3A_147 : memref<128x128xf32, #tpu.memory_space<hbm>>) target_semaphore(%run_scoped3A_143 : memref<!tpu.dma_semaphore, #tpu.memory_space<semaphore_mem>>)
        %dma_wait3A_148 = arith.constant 0 : i32
        %dma_wait3A_149 = tpu.memref_slice %arg6[%multiple_of3A_78, %dma_wait3A_148] : memref<80000x128xf32, #tpu.memory_space<hbm>> -> memref<128x128xf32, #tpu.memory_space<hbm>>
        %dma_wait3A_150 = arith.constant 0 : i32
        %dma_wait3A_151 = tpu.memref_slice %arg6[%multiple_of3A_78, %dma_wait3A_150] : memref<80000x128xf32, #tpu.memory_space<hbm>> -> memref<128x128xf32, #tpu.memory_space<hbm>>
        tpu.wait_dma2 semaphore(%run_scoped3A_143 : memref<!tpu.dma_semaphore, #tpu.memory_space<semaphore_mem>>) src(%arg11 : memref<128x128xf32, #tpu.memory_space<vmem>>) dst(%dma_wait3A_151 : memref<128x128xf32, #tpu.memory_space<hbm>>)
        tpu.yield
      }) : () -> ()
      %mul3A_93 = arith.constant 2 : i32
      %mul3A_94 = arith.muli %mul3A_93, %scan3A_44 : i32
      %add3A_95 = arith.constant 2 : i32
      %add3A_96 = arith.addi %mul3A_94, %add3A_95 : i32
      %mul3A_97 = arith.constant 32 : i32
      %mul3A_98 = arith.muli %add3A_96, %mul3A_97 : i32
      %add3A_99 = arith.addi %add3A, %mul3A_98 : i32
      %mul3A_100 = arith.constant 128 : i32
      %mul3A_101 = arith.muli %add3A_99, %mul3A_100 : i32
      %multiple_of3A_102 = tpu.assume_multiple %mul3A_101, 8 : i32
      %run_scoped3A_103 = arith.constant 0 : i32
      "tpu.region"() ({
        %run_scoped3A_143 = tpu.sem_alloc : memref<!tpu.dma_semaphore, #tpu.memory_space<semaphore_mem>>
        %dma_start3A_144 = arith.constant 0 : i32
        %dma_start3A_145 = tpu.memref_slice %arg7[%run_scoped3A_103, %dma_start3A_144] : memref<2x128xi32, #tpu.memory_space<vmem>> -> memref<1x128xi32, #tpu.memory_space<vmem>>
        %dma_start3A_146 = tpu.memref_squeeze %dma_start3A_145 : memref<1x128xi32, #tpu.memory_space<vmem>> -> memref<128xi32, #tpu.memory_space<vmem>>
        %dma_start3A_147 = tpu.memref_slice %arg3[%multiple_of3A_102] : memref<80000xi32, #tpu.memory_space<hbm>> -> memref<128xi32, #tpu.memory_space<hbm>>
        %dma_start3A_148 = arith.constant 0 : i32
        %dma_start3A_149 = tpu.memref_slice %arg7[%run_scoped3A_103, %dma_start3A_148] : memref<2x128xi32, #tpu.memory_space<vmem>> -> memref<1x128xi32, #tpu.memory_space<vmem>>
        %dma_start3A_150 = tpu.memref_squeeze %dma_start3A_149 : memref<1x128xi32, #tpu.memory_space<vmem>> -> memref<128xi32, #tpu.memory_space<vmem>>
        %dma_start3A_151 = tpu.memref_slice %arg3[%multiple_of3A_102] : memref<80000xi32, #tpu.memory_space<hbm>> -> memref<128xi32, #tpu.memory_space<hbm>>
        tpu.enqueue_dma source(%dma_start3A_151 : memref<128xi32, #tpu.memory_space<hbm>>) target(%dma_start3A_150 : memref<128xi32, #tpu.memory_space<vmem>>) target_semaphore(%run_scoped3A_143 : memref<!tpu.dma_semaphore, #tpu.memory_space<semaphore_mem>>)
        %dma_wait3A_152 = arith.constant 0 : i32
        %dma_wait3A_153 = tpu.memref_slice %arg7[%run_scoped3A_103, %dma_wait3A_152] : memref<2x128xi32, #tpu.memory_space<vmem>> -> memref<1x128xi32, #tpu.memory_space<vmem>>
        %dma_wait3A_154 = tpu.memref_squeeze %dma_wait3A_153 : memref<1x128xi32, #tpu.memory_space<vmem>> -> memref<128xi32, #tpu.memory_space<vmem>>
        %dma_wait3A_155 = tpu.memref_slice %arg3[%multiple_of3A_102] : memref<80000xi32, #tpu.memory_space<hbm>> -> memref<128xi32, #tpu.memory_space<hbm>>
        %dma_wait3A_156 = arith.constant 0 : i32
        %dma_wait3A_157 = tpu.memref_slice %arg7[%run_scoped3A_103, %dma_wait3A_156] : memref<2x128xi32, #tpu.memory_space<vmem>> -> memref<1x128xi32, #tpu.memory_space<vmem>>
        %dma_wait3A_158 = tpu.memref_squeeze %dma_wait3A_157 : memref<1x128xi32, #tpu.memory_space<vmem>> -> memref<128xi32, #tpu.memory_space<vmem>>
        %dma_wait3A_159 = tpu.memref_slice %arg3[%multiple_of3A_102] : memref<80000xi32, #tpu.memory_space<hbm>> -> memref<128xi32, #tpu.memory_space<hbm>>
        tpu.wait_dma2 semaphore(%run_scoped3A_143 : memref<!tpu.dma_semaphore, #tpu.memory_space<semaphore_mem>>) src(%dma_wait3A_159 : memref<128xi32, #tpu.memory_space<hbm>>) dst(%dma_wait3A_158 : memref<128xi32, #tpu.memory_space<vmem>>)
        tpu.yield
      }) : () -> ()
      %run_scoped3A_104 = arith.constant 1 : i32
      "tpu.region"() ({
        %run_scoped3A_143 = tpu.sem_alloc : memref<!tpu.dma_semaphore, #tpu.memory_space<semaphore_mem>>
        %dma_start3A_144 = arith.constant 0 : i32
        %dma_start3A_145 = tpu.memref_slice %arg7[%run_scoped3A_104, %dma_start3A_144] : memref<2x128xi32, #tpu.memory_space<vmem>> -> memref<1x128xi32, #tpu.memory_space<vmem>>
        %dma_start3A_146 = tpu.memref_squeeze %dma_start3A_145 : memref<1x128xi32, #tpu.memory_space<vmem>> -> memref<128xi32, #tpu.memory_space<vmem>>
        %dma_start3A_147 = tpu.memref_slice %arg4[%multiple_of3A_102] : memref<80000xi32, #tpu.memory_space<hbm>> -> memref<128xi32, #tpu.memory_space<hbm>>
        %dma_start3A_148 = arith.constant 0 : i32
        %dma_start3A_149 = tpu.memref_slice %arg7[%run_scoped3A_104, %dma_start3A_148] : memref<2x128xi32, #tpu.memory_space<vmem>> -> memref<1x128xi32, #tpu.memory_space<vmem>>
        %dma_start3A_150 = tpu.memref_squeeze %dma_start3A_149 : memref<1x128xi32, #tpu.memory_space<vmem>> -> memref<128xi32, #tpu.memory_space<vmem>>
        %dma_start3A_151 = tpu.memref_slice %arg4[%multiple_of3A_102] : memref<80000xi32, #tpu.memory_space<hbm>> -> memref<128xi32, #tpu.memory_space<hbm>>
        tpu.enqueue_dma source(%dma_start3A_151 : memref<128xi32, #tpu.memory_space<hbm>>) target(%dma_start3A_150 : memref<128xi32, #tpu.memory_space<vmem>>) target_semaphore(%run_scoped3A_143 : memref<!tpu.dma_semaphore, #tpu.memory_space<semaphore_mem>>)
        %dma_wait3A_152 = arith.constant 0 : i32
        %dma_wait3A_153 = tpu.memref_slice %arg7[%run_scoped3A_104, %dma_wait3A_152] : memref<2x128xi32, #tpu.memory_space<vmem>> -> memref<1x128xi32, #tpu.memory_space<vmem>>
        %dma_wait3A_154 = tpu.memref_squeeze %dma_wait3A_153 : memref<1x128xi32, #tpu.memory_space<vmem>> -> memref<128xi32, #tpu.memory_space<vmem>>
        %dma_wait3A_155 = tpu.memref_slice %arg4[%multiple_of3A_102] : memref<80000xi32, #tpu.memory_space<hbm>> -> memref<128xi32, #tpu.memory_space<hbm>>
        %dma_wait3A_156 = arith.constant 0 : i32
        %dma_wait3A_157 = tpu.memref_slice %arg7[%run_scoped3A_104, %dma_wait3A_156] : memref<2x128xi32, #tpu.memory_space<vmem>> -> memref<1x128xi32, #tpu.memory_space<vmem>>
        %dma_wait3A_158 = tpu.memref_squeeze %dma_wait3A_157 : memref<1x128xi32, #tpu.memory_space<vmem>> -> memref<128xi32, #tpu.memory_space<vmem>>
        %dma_wait3A_159 = tpu.memref_slice %arg4[%multiple_of3A_102] : memref<80000xi32, #tpu.memory_space<hbm>> -> memref<128xi32, #tpu.memory_space<hbm>>
        tpu.wait_dma2 semaphore(%run_scoped3A_143 : memref<!tpu.dma_semaphore, #tpu.memory_space<semaphore_mem>>) src(%dma_wait3A_159 : memref<128xi32, #tpu.memory_space<hbm>>) dst(%dma_wait3A_158 : memref<128xi32, #tpu.memory_space<vmem>>)
        tpu.yield
      }) : () -> ()
      %dma_start3A_105 = arith.constant 0 : i32
      %dma_start3A_106 = arith.constant 0 : i32
      %dma_start3A_107 = tpu.memref_slice %arg7[%dma_start3A_105, %dma_start3A_106] : memref<2x128xi32, #tpu.memory_space<vmem>> -> memref<1x128xi32, #tpu.memory_space<vmem>>
      %dma_start3A_108 = tpu.memref_squeeze %dma_start3A_107 : memref<1x128xi32, #tpu.memory_space<vmem>> -> memref<128xi32, #tpu.memory_space<vmem>>
      %dma_start3A_109 = arith.constant 0 : i32
      %dma_start3A_110 = arith.constant 0 : i32
      %dma_start3A_111 = tpu.memref_slice %arg2[%dma_start3A_109, %dma_start3A_110] : memref<10000x128xf32, #tpu.memory_space<hbm>> -> memref<10000x128xf32, #tpu.memory_space<hbm>>
      tpu.enqueue_indirect_dma source(%dma_start3A_111 : memref<10000x128xf32, #tpu.memory_space<hbm>>) target(%arg9 : memref<128x128xf32, #tpu.memory_space<vmem>>) offsets(%dma_start3A_108 : memref<128xi32, #tpu.memory_space<vmem>>) semaphore(%arg13 : memref<!tpu.dma_semaphore, #tpu.memory_space<semaphore_mem>>)
      %dma_start3A_112 = arith.constant 1 : i32
      %dma_start3A_113 = arith.constant 0 : i32
      %dma_start3A_114 = tpu.memref_slice %arg7[%dma_start3A_112, %dma_start3A_113] : memref<2x128xi32, #tpu.memory_space<vmem>> -> memref<1x128xi32, #tpu.memory_space<vmem>>
      %dma_start3A_115 = tpu.memref_squeeze %dma_start3A_114 : memref<1x128xi32, #tpu.memory_space<vmem>> -> memref<128xi32, #tpu.memory_space<vmem>>
      %dma_start3A_116 = arith.constant 0 : i32
      %dma_start3A_117 = arith.constant 0 : i32
      %dma_start3A_118 = tpu.memref_slice %arg2[%dma_start3A_116, %dma_start3A_117] : memref<10000x128xf32, #tpu.memory_space<hbm>> -> memref<10000x128xf32, #tpu.memory_space<hbm>>
      tpu.enqueue_indirect_dma source(%dma_start3A_118 : memref<10000x128xf32, #tpu.memory_space<hbm>>) target(%arg11 : memref<128x128xf32, #tpu.memory_space<vmem>>) offsets(%dma_start3A_115 : memref<128xi32, #tpu.memory_space<vmem>>) semaphore(%arg15 : memref<!tpu.dma_semaphore, #tpu.memory_space<semaphore_mem>>)
      %mul3A_119 = arith.constant 2 : i32
      %mul3A_120 = arith.muli %mul3A_119, %scan3A_44 : i32
      %add3A_121 = arith.constant 1 : i32
      %add3A_122 = arith.addi %mul3A_120, %add3A_121 : i32
      %mul3A_123 = arith.constant 32 : i32
      %mul3A_124 = arith.muli %add3A_122, %mul3A_123 : i32
      %add3A_125 = arith.addi %add3A, %mul3A_124 : i32
      %mul3A_126 = arith.constant 128 : i32
      %mul3A_127 = arith.muli %add3A_125, %mul3A_126 : i32
      %multiple_of3A_128 = tpu.assume_multiple %mul3A_127, 8 : i32
      %dma_wait3A_129 = arith.constant 0 : i32
      %dma_wait3A_130 = arith.constant 0 : i32
      %dma_wait3A_131 = tpu.memref_slice %arg8[%dma_wait3A_129, %dma_wait3A_130] : memref<2x128xi32, #tpu.memory_space<vmem>> -> memref<1x128xi32, #tpu.memory_space<vmem>>
      %dma_wait3A_132 = tpu.memref_squeeze %dma_wait3A_131 : memref<1x128xi32, #tpu.memory_space<vmem>> -> memref<128xi32, #tpu.memory_space<vmem>>
      %dma_wait3A_133 = arith.constant 0 : i32
      %dma_wait3A_134 = arith.constant 0 : i32
      %dma_wait3A_135 = tpu.memref_slice %arg2[%dma_wait3A_133, %dma_wait3A_134] : memref<10000x128xf32, #tpu.memory_space<hbm>> -> memref<10000x128xf32, #tpu.memory_space<hbm>>
      tpu.wait_indirect_dma semaphore(%arg14 : memref<!tpu.dma_semaphore, #tpu.memory_space<semaphore_mem>>) src(%dma_wait3A_135 : memref<10000x128xf32, #tpu.memory_space<hbm>>) dst(%arg10 : memref<128x128xf32, #tpu.memory_space<vmem>>)
      "tpu.region"() ({
        %run_scoped3A_143 = tpu.sem_alloc : memref<!tpu.dma_semaphore, #tpu.memory_space<semaphore_mem>>
        %dma_start3A_144 = arith.constant 0 : i32
        %dma_start3A_145 = tpu.memref_slice %arg5[%multiple_of3A_128, %dma_start3A_144] : memref<80000x128xf32, #tpu.memory_space<hbm>> -> memref<128x128xf32, #tpu.memory_space<hbm>>
        %dma_start3A_146 = arith.constant 0 : i32
        %dma_start3A_147 = tpu.memref_slice %arg5[%multiple_of3A_128, %dma_start3A_146] : memref<80000x128xf32, #tpu.memory_space<hbm>> -> memref<128x128xf32, #tpu.memory_space<hbm>>
        tpu.enqueue_dma source(%arg10 : memref<128x128xf32, #tpu.memory_space<vmem>>) target(%dma_start3A_147 : memref<128x128xf32, #tpu.memory_space<hbm>>) target_semaphore(%run_scoped3A_143 : memref<!tpu.dma_semaphore, #tpu.memory_space<semaphore_mem>>)
        %dma_wait3A_148 = arith.constant 0 : i32
        %dma_wait3A_149 = tpu.memref_slice %arg5[%multiple_of3A_128, %dma_wait3A_148] : memref<80000x128xf32, #tpu.memory_space<hbm>> -> memref<128x128xf32, #tpu.memory_space<hbm>>
        %dma_wait3A_150 = arith.constant 0 : i32
        %dma_wait3A_151 = tpu.memref_slice %arg5[%multiple_of3A_128, %dma_wait3A_150] : memref<80000x128xf32, #tpu.memory_space<hbm>> -> memref<128x128xf32, #tpu.memory_space<hbm>>
        tpu.wait_dma2 semaphore(%run_scoped3A_143 : memref<!tpu.dma_semaphore, #tpu.memory_space<semaphore_mem>>) src(%arg10 : memref<128x128xf32, #tpu.memory_space<vmem>>) dst(%dma_wait3A_151 : memref<128x128xf32, #tpu.memory_space<hbm>>)
        tpu.yield
      }) : () -> ()
      %dma_wait3A_136 = arith.constant 1 : i32
      %dma_wait3A_137 = arith.constant 0 : i32
      %dma_wait3A_138 = tpu.memref_slice %arg8[%dma_wait3A_136, %dma_wait3A_137] : memref<2x128xi32, #tpu.memory_space<vmem>> -> memref<1x128xi32, #tpu.memory_space<vmem>>
      %dma_wait3A_139 = tpu.memref_squeeze %dma_wait3A_138 : memref<1x128xi32, #tpu.memory_space<vmem>> -> memref<128xi32, #tpu.memory_space<vmem>>
      %dma_wait3A_140 = arith.constant 0 : i32
      %dma_wait3A_141 = arith.constant 0 : i32
      %dma_wait3A_142 = tpu.memref_slice %arg2[%dma_wait3A_140, %dma_wait3A_141] : memref<10000x128xf32, #tpu.memory_space<hbm>> -> memref<10000x128xf32, #tpu.memory_space<hbm>>
      tpu.wait_indirect_dma semaphore(%arg16 : memref<!tpu.dma_semaphore, #tpu.memory_space<semaphore_mem>>) src(%dma_wait3A_142 : memref<10000x128xf32, #tpu.memory_space<hbm>>) dst(%arg12 : memref<128x128xf32, #tpu.memory_space<vmem>>)
      "tpu.region"() ({
        %run_scoped3A_143 = tpu.sem_alloc : memref<!tpu.dma_semaphore, #tpu.memory_space<semaphore_mem>>
        %dma_start3A_144 = arith.constant 0 : i32
        %dma_start3A_145 = tpu.memref_slice %arg6[%multiple_of3A_128, %dma_start3A_144] : memref<80000x128xf32, #tpu.memory_space<hbm>> -> memref<128x128xf32, #tpu.memory_space<hbm>>
        %dma_start3A_146 = arith.constant 0 : i32
        %dma_start3A_147 = tpu.memref_slice %arg6[%multiple_of3A_128, %dma_start3A_146] : memref<80000x128xf32, #tpu.memory_space<hbm>> -> memref<128x128xf32, #tpu.memory_space<hbm>>
        tpu.enqueue_dma source(%arg12 : memref<128x128xf32, #tpu.memory_space<vmem>>) target(%dma_start3A_147 : memref<128x128xf32, #tpu.memory_space<hbm>>) target_semaphore(%run_scoped3A_143 : memref<!tpu.dma_semaphore, #tpu.memory_space<semaphore_mem>>)
        %dma_wait3A_148 = arith.constant 0 : i32
        %dma_wait3A_149 = tpu.memref_slice %arg6[%multiple_of3A_128, %dma_wait3A_148] : memref<80000x128xf32, #tpu.memory_space<hbm>> -> memref<128x128xf32, #tpu.memory_space<hbm>>
        %dma_wait3A_150 = arith.constant 0 : i32
        %dma_wait3A_151 = tpu.memref_slice %arg6[%multiple_of3A_128, %dma_wait3A_150] : memref<80000x128xf32, #tpu.memory_space<hbm>> -> memref<128x128xf32, #tpu.memory_space<hbm>>
        tpu.wait_dma2 semaphore(%run_scoped3A_143 : memref<!tpu.dma_semaphore, #tpu.memory_space<semaphore_mem>>) src(%arg12 : memref<128x128xf32, #tpu.memory_space<vmem>>) dst(%dma_wait3A_151 : memref<128x128xf32, #tpu.memory_space<hbm>>)
        tpu.yield
      }) : () -> ()
    }
    %scan3A_23 = arith.constant 9 : i32
    %add3A_24 = arith.constant 576 : i32
    %add3A_25 = arith.addi %add3A, %add3A_24 : i32
    %mul3A_26 = arith.constant 128 : i32
    %mul3A_27 = arith.muli %add3A_25, %mul3A_26 : i32
    %multiple_of3A_28 = tpu.assume_multiple %mul3A_27, 8 : i32
    %dma_wait3A = arith.constant 0 : i32
    %dma_wait3A_29 = arith.constant 0 : i32
    %dma_wait3A_30 = tpu.memref_slice %arg7[%dma_wait3A, %dma_wait3A_29] : memref<2x128xi32, #tpu.memory_space<vmem>> -> memref<1x128xi32, #tpu.memory_space<vmem>>
    %dma_wait3A_31 = tpu.memref_squeeze %dma_wait3A_30 : memref<1x128xi32, #tpu.memory_space<vmem>> -> memref<128xi32, #tpu.memory_space<vmem>>
    %dma_wait3A_32 = arith.constant 0 : i32
    %dma_wait3A_33 = arith.constant 0 : i32
    %dma_wait3A_34 = tpu.memref_slice %arg2[%dma_wait3A_32, %dma_wait3A_33] : memref<10000x128xf32, #tpu.memory_space<hbm>> -> memref<10000x128xf32, #tpu.memory_space<hbm>>
    tpu.wait_indirect_dma semaphore(%arg13 : memref<!tpu.dma_semaphore, #tpu.memory_space<semaphore_mem>>) src(%dma_wait3A_34 : memref<10000x128xf32, #tpu.memory_space<hbm>>) dst(%arg9 : memref<128x128xf32, #tpu.memory_space<vmem>>)
    "tpu.region"() ({
      %run_scoped3A_44 = tpu.sem_alloc : memref<!tpu.dma_semaphore, #tpu.memory_space<semaphore_mem>>
      %dma_start3A_45 = arith.constant 0 : i32
      %dma_start3A_46 = tpu.memref_slice %arg5[%multiple_of3A_28, %dma_start3A_45] : memref<80000x128xf32, #tpu.memory_space<hbm>> -> memref<128x128xf32, #tpu.memory_space<hbm>>
      %dma_start3A_47 = arith.constant 0 : i32
      %dma_start3A_48 = tpu.memref_slice %arg5[%multiple_of3A_28, %dma_start3A_47] : memref<80000x128xf32, #tpu.memory_space<hbm>> -> memref<128x128xf32, #tpu.memory_space<hbm>>
      tpu.enqueue_dma source(%arg9 : memref<128x128xf32, #tpu.memory_space<vmem>>) target(%dma_start3A_48 : memref<128x128xf32, #tpu.memory_space<hbm>>) target_semaphore(%run_scoped3A_44 : memref<!tpu.dma_semaphore, #tpu.memory_space<semaphore_mem>>)
      %dma_wait3A_49 = arith.constant 0 : i32
      %dma_wait3A_50 = tpu.memref_slice %arg5[%multiple_of3A_28, %dma_wait3A_49] : memref<80000x128xf32, #tpu.memory_space<hbm>> -> memref<128x128xf32, #tpu.memory_space<hbm>>
      %dma_wait3A_51 = arith.constant 0 : i32
      %dma_wait3A_52 = tpu.memref_slice %arg5[%multiple_of3A_28, %dma_wait3A_51] : memref<80000x128xf32, #tpu.memory_space<hbm>> -> memref<128x128xf32, #tpu.memory_space<hbm>>
      tpu.wait_dma2 semaphore(%run_scoped3A_44 : memref<!tpu.dma_semaphore, #tpu.memory_space<semaphore_mem>>) src(%arg9 : memref<128x128xf32, #tpu.memory_space<vmem>>) dst(%dma_wait3A_52 : memref<128x128xf32, #tpu.memory_space<hbm>>)
      tpu.yield
    }) : () -> ()
    %dma_wait3A_35 = arith.constant 1 : i32
    %dma_wait3A_36 = arith.constant 0 : i32
    %dma_wait3A_37 = tpu.memref_slice %arg7[%dma_wait3A_35, %dma_wait3A_36] : memref<2x128xi32, #tpu.memory_space<vmem>> -> memref<1x128xi32, #tpu.memory_space<vmem>>
    %dma_wait3A_38 = tpu.memref_squeeze %dma_wait3A_37 : memref<1x128xi32, #tpu.memory_space<vmem>> -> memref<128xi32, #tpu.memory_space<vmem>>
    %dma_wait3A_39 = arith.constant 0 : i32
    %dma_wait3A_40 = arith.constant 0 : i32
    %dma_wait3A_41 = tpu.memref_slice %arg2[%dma_wait3A_39, %dma_wait3A_40] : memref<10000x128xf32, #tpu.memory_space<hbm>> -> memref<10000x128xf32, #tpu.memory_space<hbm>>
    tpu.wait_indirect_dma semaphore(%arg15 : memref<!tpu.dma_semaphore, #tpu.memory_space<semaphore_mem>>) src(%dma_wait3A_41 : memref<10000x128xf32, #tpu.memory_space<hbm>>) dst(%arg11 : memref<128x128xf32, #tpu.memory_space<vmem>>)
    "tpu.region"() ({
      %run_scoped3A_44 = tpu.sem_alloc : memref<!tpu.dma_semaphore, #tpu.memory_space<semaphore_mem>>
      %dma_start3A_45 = arith.constant 0 : i32
      %dma_start3A_46 = tpu.memref_slice %arg6[%multiple_of3A_28, %dma_start3A_45] : memref<80000x128xf32, #tpu.memory_space<hbm>> -> memref<128x128xf32, #tpu.memory_space<hbm>>
      %dma_start3A_47 = arith.constant 0 : i32
      %dma_start3A_48 = tpu.memref_slice %arg6[%multiple_of3A_28, %dma_start3A_47] : memref<80000x128xf32, #tpu.memory_space<hbm>> -> memref<128x128xf32, #tpu.memory_space<hbm>>
      tpu.enqueue_dma source(%arg11 : memref<128x128xf32, #tpu.memory_space<vmem>>) target(%dma_start3A_48 : memref<128x128xf32, #tpu.memory_space<hbm>>) target_semaphore(%run_scoped3A_44 : memref<!tpu.dma_semaphore, #tpu.memory_space<semaphore_mem>>)
      %dma_wait3A_49 = arith.constant 0 : i32
      %dma_wait3A_50 = tpu.memref_slice %arg6[%multiple_of3A_28, %dma_wait3A_49] : memref<80000x128xf32, #tpu.memory_space<hbm>> -> memref<128x128xf32, #tpu.memory_space<hbm>>
      %dma_wait3A_51 = arith.constant 0 : i32
      %dma_wait3A_52 = tpu.memref_slice %arg6[%multiple_of3A_28, %dma_wait3A_51] : memref<80000x128xf32, #tpu.memory_space<hbm>> -> memref<128x128xf32, #tpu.memory_space<hbm>>
      tpu.wait_dma2 semaphore(%run_scoped3A_44 : memref<!tpu.dma_semaphore, #tpu.memory_space<semaphore_mem>>) src(%arg11 : memref<128x128xf32, #tpu.memory_space<vmem>>) dst(%dma_wait3A_52 : memref<128x128xf32, #tpu.memory_space<hbm>>)
      tpu.yield
    }) : () -> ()
    %lt3A = arith.constant 17 : i32
    %lt3A_42 = arith.cmpi slt, %add3A, %lt3A : i32
    %convert_element_type3A = arith.extui %lt3A_42 : i1 to i32
    %cond3A = arith.constant 0 : i32
    %cond3A_43 = arith.cmpi ne, %convert_element_type3A, %cond3A : i32
    scf.if %cond3A_43 {
      %add3A_44 = arith.constant 608 : i32
      %add3A_45 = arith.addi %add3A, %add3A_44 : i32
      %mul3A_46 = arith.constant 128 : i32
      %mul3A_47 = arith.muli %add3A_45, %mul3A_46 : i32
      %multiple_of3A_48 = tpu.assume_multiple %mul3A_47, 8 : i32
      %run_scoped3A_49 = arith.constant 0 : i32
      "tpu.region"() ({
        %run_scoped3A_84 = tpu.sem_alloc : memref<!tpu.dma_semaphore, #tpu.memory_space<semaphore_mem>>
        %dma_start3A_85 = arith.constant 0 : i32
        %dma_start3A_86 = tpu.memref_slice %arg8[%run_scoped3A_49, %dma_start3A_85] : memref<2x128xi32, #tpu.memory_space<vmem>> -> memref<1x128xi32, #tpu.memory_space<vmem>>
        %dma_start3A_87 = tpu.memref_squeeze %dma_start3A_86 : memref<1x128xi32, #tpu.memory_space<vmem>> -> memref<128xi32, #tpu.memory_space<vmem>>
        %dma_start3A_88 = tpu.memref_slice %arg3[%multiple_of3A_48] : memref<80000xi32, #tpu.memory_space<hbm>> -> memref<128xi32, #tpu.memory_space<hbm>>
        %dma_start3A_89 = arith.constant 0 : i32
        %dma_start3A_90 = tpu.memref_slice %arg8[%run_scoped3A_49, %dma_start3A_89] : memref<2x128xi32, #tpu.memory_space<vmem>> -> memref<1x128xi32, #tpu.memory_space<vmem>>
        %dma_start3A_91 = tpu.memref_squeeze %dma_start3A_90 : memref<1x128xi32, #tpu.memory_space<vmem>> -> memref<128xi32, #tpu.memory_space<vmem>>
        %dma_start3A_92 = tpu.memref_slice %arg3[%multiple_of3A_48] : memref<80000xi32, #tpu.memory_space<hbm>> -> memref<128xi32, #tpu.memory_space<hbm>>
        tpu.enqueue_dma source(%dma_start3A_92 : memref<128xi32, #tpu.memory_space<hbm>>) target(%dma_start3A_91 : memref<128xi32, #tpu.memory_space<vmem>>) target_semaphore(%run_scoped3A_84 : memref<!tpu.dma_semaphore, #tpu.memory_space<semaphore_mem>>)
        %dma_wait3A_93 = arith.constant 0 : i32
        %dma_wait3A_94 = tpu.memref_slice %arg8[%run_scoped3A_49, %dma_wait3A_93] : memref<2x128xi32, #tpu.memory_space<vmem>> -> memref<1x128xi32, #tpu.memory_space<vmem>>
        %dma_wait3A_95 = tpu.memref_squeeze %dma_wait3A_94 : memref<1x128xi32, #tpu.memory_space<vmem>> -> memref<128xi32, #tpu.memory_space<vmem>>
        %dma_wait3A_96 = tpu.memref_slice %arg3[%multiple_of3A_48] : memref<80000xi32, #tpu.memory_space<hbm>> -> memref<128xi32, #tpu.memory_space<hbm>>
        %dma_wait3A_97 = arith.constant 0 : i32
        %dma_wait3A_98 = tpu.memref_slice %arg8[%run_scoped3A_49, %dma_wait3A_97] : memref<2x128xi32, #tpu.memory_space<vmem>> -> memref<1x128xi32, #tpu.memory_space<vmem>>
        %dma_wait3A_99 = tpu.memref_squeeze %dma_wait3A_98 : memref<1x128xi32, #tpu.memory_space<vmem>> -> memref<128xi32, #tpu.memory_space<vmem>>
        %dma_wait3A_100 = tpu.memref_slice %arg3[%multiple_of3A_48] : memref<80000xi32, #tpu.memory_space<hbm>> -> memref<128xi32, #tpu.memory_space<hbm>>
        tpu.wait_dma2 semaphore(%run_scoped3A_84 : memref<!tpu.dma_semaphore, #tpu.memory_space<semaphore_mem>>) src(%dma_wait3A_100 : memref<128xi32, #tpu.memory_space<hbm>>) dst(%dma_wait3A_99 : memref<128xi32, #tpu.memory_space<vmem>>)
        tpu.yield
      }) : () -> ()
      %run_scoped3A_50 = arith.constant 1 : i32
      "tpu.region"() ({
        %run_scoped3A_84 = tpu.sem_alloc : memref<!tpu.dma_semaphore, #tpu.memory_space<semaphore_mem>>
        %dma_start3A_85 = arith.constant 0 : i32
        %dma_start3A_86 = tpu.memref_slice %arg8[%run_scoped3A_50, %dma_start3A_85] : memref<2x128xi32, #tpu.memory_space<vmem>> -> memref<1x128xi32, #tpu.memory_space<vmem>>
        %dma_start3A_87 = tpu.memref_squeeze %dma_start3A_86 : memref<1x128xi32, #tpu.memory_space<vmem>> -> memref<128xi32, #tpu.memory_space<vmem>>
        %dma_start3A_88 = tpu.memref_slice %arg4[%multiple_of3A_48] : memref<80000xi32, #tpu.memory_space<hbm>> -> memref<128xi32, #tpu.memory_space<hbm>>
        %dma_start3A_89 = arith.constant 0 : i32
        %dma_start3A_90 = tpu.memref_slice %arg8[%run_scoped3A_50, %dma_start3A_89] : memref<2x128xi32, #tpu.memory_space<vmem>> -> memref<1x128xi32, #tpu.memory_space<vmem>>
        %dma_start3A_91 = tpu.memref_squeeze %dma_start3A_90 : memref<1x128xi32, #tpu.memory_space<vmem>> -> memref<128xi32, #tpu.memory_space<vmem>>
        %dma_start3A_92 = tpu.memref_slice %arg4[%multiple_of3A_48] : memref<80000xi32, #tpu.memory_space<hbm>> -> memref<128xi32, #tpu.memory_space<hbm>>
        tpu.enqueue_dma source(%dma_start3A_92 : memref<128xi32, #tpu.memory_space<hbm>>) target(%dma_start3A_91 : memref<128xi32, #tpu.memory_space<vmem>>) target_semaphore(%run_scoped3A_84 : memref<!tpu.dma_semaphore, #tpu.memory_space<semaphore_mem>>)
        %dma_wait3A_93 = arith.constant 0 : i32
        %dma_wait3A_94 = tpu.memref_slice %arg8[%run_scoped3A_50, %dma_wait3A_93] : memref<2x128xi32, #tpu.memory_space<vmem>> -> memref<1x128xi32, #tpu.memory_space<vmem>>
        %dma_wait3A_95 = tpu.memref_squeeze %dma_wait3A_94 : memref<1x128xi32, #tpu.memory_space<vmem>> -> memref<128xi32, #tpu.memory_space<vmem>>
        %dma_wait3A_96 = tpu.memref_slice %arg4[%multiple_of3A_48] : memref<80000xi32, #tpu.memory_space<hbm>> -> memref<128xi32, #tpu.memory_space<hbm>>
        %dma_wait3A_97 = arith.constant 0 : i32
        %dma_wait3A_98 = tpu.memref_slice %arg8[%run_scoped3A_50, %dma_wait3A_97] : memref<2x128xi32, #tpu.memory_space<vmem>> -> memref<1x128xi32, #tpu.memory_space<vmem>>
        %dma_wait3A_99 = tpu.memref_squeeze %dma_wait3A_98 : memref<1x128xi32, #tpu.memory_space<vmem>> -> memref<128xi32, #tpu.memory_space<vmem>>
        %dma_wait3A_100 = tpu.memref_slice %arg4[%multiple_of3A_48] : memref<80000xi32, #tpu.memory_space<hbm>> -> memref<128xi32, #tpu.memory_space<hbm>>
        tpu.wait_dma2 semaphore(%run_scoped3A_84 : memref<!tpu.dma_semaphore, #tpu.memory_space<semaphore_mem>>) src(%dma_wait3A_100 : memref<128xi32, #tpu.memory_space<hbm>>) dst(%dma_wait3A_99 : memref<128xi32, #tpu.memory_space<vmem>>)
        tpu.yield
      }) : () -> ()
      %dma_start3A_51 = arith.constant 0 : i32
      %dma_start3A_52 = arith.constant 0 : i32
      %dma_start3A_53 = tpu.memref_slice %arg8[%dma_start3A_51, %dma_start3A_52] : memref<2x128xi32, #tpu.memory_space<vmem>> -> memref<1x128xi32, #tpu.memory_space<vmem>>
      %dma_start3A_54 = tpu.memref_squeeze %dma_start3A_53 : memref<1x128xi32, #tpu.memory_space<vmem>> -> memref<128xi32, #tpu.memory_space<vmem>>
      %dma_start3A_55 = arith.constant 0 : i32
      %dma_start3A_56 = arith.constant 0 : i32
      %dma_start3A_57 = tpu.memref_slice %arg2[%dma_start3A_55, %dma_start3A_56] : memref<10000x128xf32, #tpu.memory_space<hbm>> -> memref<10000x128xf32, #tpu.memory_space<hbm>>
      tpu.enqueue_indirect_dma source(%dma_start3A_57 : memref<10000x128xf32, #tpu.memory_space<hbm>>) target(%arg10 : memref<128x128xf32, #tpu.memory_space<vmem>>) offsets(%dma_start3A_54 : memref<128xi32, #tpu.memory_space<vmem>>) semaphore(%arg14 : memref<!tpu.dma_semaphore, #tpu.memory_space<semaphore_mem>>)
      %dma_start3A_58 = arith.constant 1 : i32
      %dma_start3A_59 = arith.constant 0 : i32
      %dma_start3A_60 = tpu.memref_slice %arg8[%dma_start3A_58, %dma_start3A_59] : memref<2x128xi32, #tpu.memory_space<vmem>> -> memref<1x128xi32, #tpu.memory_space<vmem>>
      %dma_start3A_61 = tpu.memref_squeeze %dma_start3A_60 : memref<1x128xi32, #tpu.memory_space<vmem>> -> memref<128xi32, #tpu.memory_space<vmem>>
      %dma_start3A_62 = arith.constant 0 : i32
      %dma_start3A_63 = arith.constant 0 : i32
      %dma_start3A_64 = tpu.memref_slice %arg2[%dma_start3A_62, %dma_start3A_63] : memref<10000x128xf32, #tpu.memory_space<hbm>> -> memref<10000x128xf32, #tpu.memory_space<hbm>>
      tpu.enqueue_indirect_dma source(%dma_start3A_64 : memref<10000x128xf32, #tpu.memory_space<hbm>>) target(%arg12 : memref<128x128xf32, #tpu.memory_space<vmem>>) offsets(%dma_start3A_61 : memref<128xi32, #tpu.memory_space<vmem>>) semaphore(%arg16 : memref<!tpu.dma_semaphore, #tpu.memory_space<semaphore_mem>>)
      %add3A_65 = arith.constant 608 : i32
      %add3A_66 = arith.addi %add3A, %add3A_65 : i32
      %mul3A_67 = arith.constant 128 : i32
      %mul3A_68 = arith.muli %add3A_66, %mul3A_67 : i32
      %multiple_of3A_69 = tpu.assume_multiple %mul3A_68, 8 : i32
      %dma_wait3A_70 = arith.constant 0 : i32
      %dma_wait3A_71 = arith.constant 0 : i32
      %dma_wait3A_72 = tpu.memref_slice %arg8[%dma_wait3A_70, %dma_wait3A_71] : memref<2x128xi32, #tpu.memory_space<vmem>> -> memref<1x128xi32, #tpu.memory_space<vmem>>
      %dma_wait3A_73 = tpu.memref_squeeze %dma_wait3A_72 : memref<1x128xi32, #tpu.memory_space<vmem>> -> memref<128xi32, #tpu.memory_space<vmem>>
      %dma_wait3A_74 = arith.constant 0 : i32
      %dma_wait3A_75 = arith.constant 0 : i32
      %dma_wait3A_76 = tpu.memref_slice %arg2[%dma_wait3A_74, %dma_wait3A_75] : memref<10000x128xf32, #tpu.memory_space<hbm>> -> memref<10000x128xf32, #tpu.memory_space<hbm>>
      tpu.wait_indirect_dma semaphore(%arg14 : memref<!tpu.dma_semaphore, #tpu.memory_space<semaphore_mem>>) src(%dma_wait3A_76 : memref<10000x128xf32, #tpu.memory_space<hbm>>) dst(%arg10 : memref<128x128xf32, #tpu.memory_space<vmem>>)
      "tpu.region"() ({
        %run_scoped3A_84 = tpu.sem_alloc : memref<!tpu.dma_semaphore, #tpu.memory_space<semaphore_mem>>
        %dma_start3A_85 = arith.constant 0 : i32
        %dma_start3A_86 = tpu.memref_slice %arg5[%multiple_of3A_69, %dma_start3A_85] : memref<80000x128xf32, #tpu.memory_space<hbm>> -> memref<128x128xf32, #tpu.memory_space<hbm>>
        %dma_start3A_87 = arith.constant 0 : i32
        %dma_start3A_88 = tpu.memref_slice %arg5[%multiple_of3A_69, %dma_start3A_87] : memref<80000x128xf32, #tpu.memory_space<hbm>> -> memref<128x128xf32, #tpu.memory_space<hbm>>
        tpu.enqueue_dma source(%arg10 : memref<128x128xf32, #tpu.memory_space<vmem>>) target(%dma_start3A_88 : memref<128x128xf32, #tpu.memory_space<hbm>>) target_semaphore(%run_scoped3A_84 : memref<!tpu.dma_semaphore, #tpu.memory_space<semaphore_mem>>)
        %dma_wait3A_89 = arith.constant 0 : i32
        %dma_wait3A_90 = tpu.memref_slice %arg5[%multiple_of3A_69, %dma_wait3A_89] : memref<80000x128xf32, #tpu.memory_space<hbm>> -> memref<128x128xf32, #tpu.memory_space<hbm>>
        %dma_wait3A_91 = arith.constant 0 : i32
        %dma_wait3A_92 = tpu.memref_slice %arg5[%multiple_of3A_69, %dma_wait3A_91] : memref<80000x128xf32, #tpu.memory_space<hbm>> -> memref<128x128xf32, #tpu.memory_space<hbm>>
        tpu.wait_dma2 semaphore(%run_scoped3A_84 : memref<!tpu.dma_semaphore, #tpu.memory_space<semaphore_mem>>) src(%arg10 : memref<128x128xf32, #tpu.memory_space<vmem>>) dst(%dma_wait3A_92 : memref<128x128xf32, #tpu.memory_space<hbm>>)
        tpu.yield
      }) : () -> ()
      %dma_wait3A_77 = arith.constant 1 : i32
      %dma_wait3A_78 = arith.constant 0 : i32
      %dma_wait3A_79 = tpu.memref_slice %arg8[%dma_wait3A_77, %dma_wait3A_78] : memref<2x128xi32, #tpu.memory_space<vmem>> -> memref<1x128xi32, #tpu.memory_space<vmem>>
      %dma_wait3A_80 = tpu.memref_squeeze %dma_wait3A_79 : memref<1x128xi32, #tpu.memory_space<vmem>> -> memref<128xi32, #tpu.memory_space<vmem>>
      %dma_wait3A_81 = arith.constant 0 : i32
      %dma_wait3A_82 = arith.constant 0 : i32
      %dma_wait3A_83 = tpu.memref_slice %arg2[%dma_wait3A_81, %dma_wait3A_82] : memref<10000x128xf32, #tpu.memory_space<hbm>> -> memref<10000x128xf32, #tpu.memory_space<hbm>>
      tpu.wait_indirect_dma semaphore(%arg16 : memref<!tpu.dma_semaphore, #tpu.memory_space<semaphore_mem>>) src(%dma_wait3A_83 : memref<10000x128xf32, #tpu.memory_space<hbm>>) dst(%arg12 : memref<128x128xf32, #tpu.memory_space<vmem>>)
      "tpu.region"() ({
        %run_scoped3A_84 = tpu.sem_alloc : memref<!tpu.dma_semaphore, #tpu.memory_space<semaphore_mem>>
        %dma_start3A_85 = arith.constant 0 : i32
        %dma_start3A_86 = tpu.memref_slice %arg6[%multiple_of3A_69, %dma_start3A_85] : memref<80000x128xf32, #tpu.memory_space<hbm>> -> memref<128x128xf32, #tpu.memory_space<hbm>>
        %dma_start3A_87 = arith.constant 0 : i32
        %dma_start3A_88 = tpu.memref_slice %arg6[%multiple_of3A_69, %dma_start3A_87] : memref<80000x128xf32, #tpu.memory_space<hbm>> -> memref<128x128xf32, #tpu.memory_space<hbm>>
        tpu.enqueue_dma source(%arg12 : memref<128x128xf32, #tpu.memory_space<vmem>>) target(%dma_start3A_88 : memref<128x128xf32, #tpu.memory_space<hbm>>) target_semaphore(%run_scoped3A_84 : memref<!tpu.dma_semaphore, #tpu.memory_space<semaphore_mem>>)
        %dma_wait3A_89 = arith.constant 0 : i32
        %dma_wait3A_90 = tpu.memref_slice %arg6[%multiple_of3A_69, %dma_wait3A_89] : memref<80000x128xf32, #tpu.memory_space<hbm>> -> memref<128x128xf32, #tpu.memory_space<hbm>>
        %dma_wait3A_91 = arith.constant 0 : i32
        %dma_wait3A_92 = tpu.memref_slice %arg6[%multiple_of3A_69, %dma_wait3A_91] : memref<80000x128xf32, #tpu.memory_space<hbm>> -> memref<128x128xf32, #tpu.memory_space<hbm>>
        tpu.wait_dma2 semaphore(%run_scoped3A_84 : memref<!tpu.dma_semaphore, #tpu.memory_space<semaphore_mem>>) src(%arg12 : memref<128x128xf32, #tpu.memory_space<vmem>>) dst(%dma_wait3A_92 : memref<128x128xf32, #tpu.memory_space<hbm>>)
        tpu.yield
      }) : () -> ()
    } else {
    }
    return
  }
}

module attributes {stable_mosaic.version = 14 : i64} {
  func.func @_p1_body(%arg0: i32, %arg1: memref<1600x16xf32, #tpu.memory_space<vmem>>, %arg2: memref<1600x128xf32, #tpu.memory_space<vmem>>, %arg3: memref<1600x128xf32, #tpu.memory_space<vmem>>, %arg4: memref<16x768xbf16, #tpu.memory_space<vmem>>, %arg5: memref<1x768xf32, #tpu.memory_space<vmem>>, %arg6: memref<1024x1024xbf16, #tpu.memory_space<vmem>>, %arg7: memref<1x1024xf32, #tpu.memory_space<vmem>>, %arg8: memref<768x256xbf16, #tpu.memory_space<vmem>>, %arg9: memref<1600x128xf32, #tpu.memory_space<vmem>>, %arg10: memref<1600x128xbf16, #tpu.memory_space<vmem>>, %arg11: memref<1600x128xbf16, #tpu.memory_space<vmem>>) attributes {dimension_semantics = [#tpu.dimension_semantics<arbitrary>], iteration_bounds = array<i64: 50>, scalar_prefetch = 0 : i64, scratch_operands = 0 : i64, tpu.core_type = #tpu.core_type<tc>, window_params = [{transform_indices = @transform_0, window_bounds = array<i64: 1600, 16>}, {transform_indices = @transform_1, window_bounds = array<i64: 1600, 128>}, {transform_indices = @transform_2, window_bounds = array<i64: 1600, 128>}, {pipeline_mode = #tpu.pipeline_mode<synchronous>, transform_indices = @transform_3, window_bounds = array<i64: 16, 768>}, {pipeline_mode = #tpu.pipeline_mode<synchronous>, transform_indices = @transform_4, window_bounds = array<i64: 1, 768>}, {pipeline_mode = #tpu.pipeline_mode<synchronous>, transform_indices = @transform_5, window_bounds = array<i64: 1024, 1024>}, {pipeline_mode = #tpu.pipeline_mode<synchronous>, transform_indices = @transform_6, window_bounds = array<i64: 1, 1024>}, {pipeline_mode = #tpu.pipeline_mode<synchronous>, transform_indices = @transform_7, window_bounds = array<i64: 768, 256>}, {transform_indices = @transform_8, window_bounds = array<i64: 1600, 128>}, {transform_indices = @transform_9, window_bounds = array<i64: 1600, 128>}, {transform_indices = @transform_10, window_bounds = array<i64: 1600, 128>}]} {
    %get3A = arith.constant 0 : index
    %get3A_0 = arith.constant 0 : index
    %get3A_1 = vector.load %arg1[%get3A, %get3A_0] : memref<1600x16xf32, #tpu.memory_space<vmem>>, vector<1600x16xf32>
    %convert_element_type3A = arith.truncf %get3A_1 : vector<1600x16xf32> to vector<1600x16xbf16>
    %get3A_2 = arith.constant 0 : index
    %get3A_3 = arith.constant 0 : index
    %get3A_4 = vector.load %arg4[%get3A_2, %get3A_3] : memref<16x768xbf16, #tpu.memory_space<vmem>>, vector<16x768xbf16>
    %dot_general3A = arith.constant dense<0.000000e+00> : vector<1600x768xf32>
    %dot_general3A_5 = tpu.matmul %convert_element_type3A, %get3A_4, %dot_general3A {dimension_numbers = #tpu.dot_dimension_numbers<[1], [0], [0], [1], [0, 0, 1, 1], [], []>, transpose_lhs_hint = false} : vector<1600x16xbf16>, vector<16x768xbf16>, vector<1600x768xf32> -> vector<1600x768xf32>
    %get3A_6 = arith.constant 0 : index
    %get3A_7 = arith.constant 0 : index
    %get3A_8 = vector.load %arg5[%get3A_6, %get3A_7] : memref<1x768xf32, #tpu.memory_space<vmem>>, vector<1x768xf32>
    %add3A = vector.broadcast %get3A_8 : vector<1x768xf32> to vector<1600x768xf32>
    %add3A_9 = arith.addf %dot_general3A_5, %add3A : vector<1600x768xf32>
    %tanh3A = math.tanh %add3A_9 : vector<1600x768xf32>
    %get3A_10 = arith.constant 0 : index
    %get3A_11 = arith.constant 0 : index
    %get3A_12 = vector.load %arg2[%get3A_10, %get3A_11] : memref<1600x128xf32, #tpu.memory_space<vmem>>, vector<1600x128xf32>
    %convert_element_type3A_13 = arith.truncf %get3A_12 : vector<1600x128xf32> to vector<1600x128xbf16>
    %get3A_14 = arith.constant 0 : index
    %get3A_15 = arith.constant 0 : index
    %get3A_16 = vector.load %arg3[%get3A_14, %get3A_15] : memref<1600x128xf32, #tpu.memory_space<vmem>>, vector<1600x128xf32>
    %convert_element_type3A_17 = arith.truncf %get3A_16 : vector<1600x128xf32> to vector<1600x128xbf16>
    %convert_element_type3A_18 = arith.truncf %tanh3A : vector<1600x768xf32> to vector<1600x768xbf16>
    %concatenate3A = tpu.concatenate %convert_element_type3A_13, %convert_element_type3A_17, %convert_element_type3A_18 in 1 : vector<1600x128xbf16>, vector<1600x128xbf16>, vector<1600x768xbf16> -> vector<1600x1024xbf16>
    %get3A_19 = arith.constant 0 : index
    %get3A_20 = arith.constant 0 : index
    %get3A_21 = vector.load %arg6[%get3A_19, %get3A_20] : memref<1024x1024xbf16, #tpu.memory_space<vmem>>, vector<1024x1024xbf16>
    %dot_general3A_22 = arith.constant dense<0.000000e+00> : vector<1600x1024xf32>
    %dot_general3A_23 = tpu.matmul %concatenate3A, %get3A_21, %dot_general3A_22 {dimension_numbers = #tpu.dot_dimension_numbers<[1], [0], [0], [1], [0, 0, 1, 1], [], []>, transpose_lhs_hint = false} : vector<1600x1024xbf16>, vector<1024x1024xbf16>, vector<1600x1024xf32> -> vector<1600x1024xf32>
    %get3A_24 = arith.constant 0 : index
    %get3A_25 = arith.constant 0 : index
    %get3A_26 = vector.load %arg7[%get3A_24, %get3A_25] : memref<1x1024xf32, #tpu.memory_space<vmem>>, vector<1x1024xf32>
    %add3A_27 = vector.broadcast %get3A_26 : vector<1x1024xf32> to vector<1600x1024xf32>
    %add3A_28 = arith.addf %dot_general3A_23, %add3A_27 : vector<1600x1024xf32>
    %slice3A = vector.extract_strided_slice %add3A_28 {offsets = [0, 0], sizes = [1600, 128], strides = [1, 1]} : vector<1600x1024xf32> to vector<1600x128xf32>
    %max3A = arith.constant 0.000000e+00 : f32
    %max3A_29 = vector.broadcast %max3A : f32 to vector<1600x128xf32>
    %max3A_30 = arith.maximumf %slice3A, %max3A_29 : vector<1600x128xf32>
    %slice3A_31 = vector.extract_strided_slice %add3A_28 {offsets = [0, 128], sizes = [1600, 128], strides = [1, 1]} : vector<1600x1024xf32> to vector<1600x128xf32>
    %mul3A = arith.constant 5.000000e-01 : f32
    %mul3A_32 = vector.broadcast %mul3A : f32 to vector<1600x128xf32>
    %mul3A_33 = arith.mulf %mul3A_32, %slice3A_31 : vector<1600x128xf32>
    %tanh3A_34 = math.tanh %mul3A_33 : vector<1600x128xf32>
    %mul3A_35 = arith.constant 5.000000e-01 : f32
    %mul3A_36 = vector.broadcast %mul3A_35 : f32 to vector<1600x128xf32>
    %mul3A_37 = arith.mulf %mul3A_36, %tanh3A_34 : vector<1600x128xf32>
    %add3A_38 = arith.constant 5.000000e-01 : f32
    %add3A_39 = vector.broadcast %add3A_38 : f32 to vector<1600x128xf32>
    %add3A_40 = arith.addf %add3A_39, %mul3A_37 : vector<1600x128xf32>
    %mul3A_41 = arith.mulf %max3A_30, %add3A_40 : vector<1600x128xf32>
    %swap3A = arith.constant 0 : index
    %swap3A_42 = arith.constant 0 : index
    %swap3A_43 = vector.load %arg9[%swap3A, %swap3A_42] : memref<1600x128xf32, #tpu.memory_space<vmem>>, vector<1600x128xf32>
    tpu.vector_store %arg9[%swap3A, %swap3A_42], %mul3A_41 {strides = array<i32>} : memref<1600x128xf32, #tpu.memory_space<vmem>>, vector<1600x128xf32>,
    %slice3A_44 = vector.extract_strided_slice %add3A_28 {offsets = [0, 256], sizes = [1600, 768], strides = [1, 1]} : vector<1600x1024xf32> to vector<1600x768xf32>
    %mul3A_45 = arith.constant 5.000000e-01 : f32
    %mul3A_46 = vector.broadcast %mul3A_45 : f32 to vector<1600x768xf32>
    %mul3A_47 = arith.mulf %mul3A_46, %slice3A_44 : vector<1600x768xf32>
    %tanh3A_48 = math.tanh %mul3A_47 : vector<1600x768xf32>
    %mul3A_49 = arith.constant 5.000000e-01 : f32
    %mul3A_50 = vector.broadcast %mul3A_49 : f32 to vector<1600x768xf32>
    %mul3A_51 = arith.mulf %mul3A_50, %tanh3A_48 : vector<1600x768xf32>
    %add3A_52 = arith.constant 5.000000e-01 : f32
    %add3A_53 = vector.broadcast %add3A_52 : f32 to vector<1600x768xf32>
    %add3A_54 = arith.addf %add3A_53, %mul3A_51 : vector<1600x768xf32>
    %add3A_55 = arith.constant 1.000000e+00 : f32
    %add3A_56 = vector.broadcast %add3A_55 : f32 to vector<1600x768xf32>
    %add3A_57 = arith.addf %add3A_56, %add3A_54 : vector<1600x768xf32>
    %mul3A_58 = arith.mulf %tanh3A, %add3A_57 : vector<1600x768xf32>
    %convert_element_type3A_59 = arith.truncf %mul3A_58 : vector<1600x768xf32> to vector<1600x768xbf16>
    %get3A_60 = arith.constant 0 : index
    %get3A_61 = arith.constant 0 : index
    %get3A_62 = vector.load %arg8[%get3A_60, %get3A_61] : memref<768x256xbf16, #tpu.memory_space<vmem>>, vector<768x256xbf16>
    %dot_general3A_63 = arith.constant dense<0.000000e+00> : vector<1600x256xf32>
    %dot_general3A_64 = tpu.matmul %convert_element_type3A_59, %get3A_62, %dot_general3A_63 {dimension_numbers = #tpu.dot_dimension_numbers<[1], [0], [0], [1], [0, 0, 1, 1], [], []>, transpose_lhs_hint = false} : vector<1600x768xbf16>, vector<768x256xbf16>, vector<1600x256xf32> -> vector<1600x256xf32>
    %slice3A_65 = vector.extract_strided_slice %dot_general3A_64 {offsets = [0, 0], sizes = [1600, 128], strides = [1, 1]} : vector<1600x256xf32> to vector<1600x128xf32>
    %convert_element_type3A_66 = arith.truncf %slice3A_65 : vector<1600x128xf32> to vector<1600x128xbf16>
    %swap3A_67 = arith.constant 0 : index
    %swap3A_68 = arith.constant 0 : index
    %swap3A_69 = vector.load %arg10[%swap3A_67, %swap3A_68] : memref<1600x128xbf16, #tpu.memory_space<vmem>>, vector<1600x128xbf16>
    tpu.vector_store %arg10[%swap3A_67, %swap3A_68], %convert_element_type3A_66 {strides = array<i32>} : memref<1600x128xbf16, #tpu.memory_space<vmem>>, vector<1600x128xbf16>,
    %slice3A_70 = vector.extract_strided_slice %dot_general3A_64 {offsets = [0, 128], sizes = [1600, 128], strides = [1, 1]} : vector<1600x256xf32> to vector<1600x128xf32>
    %convert_element_type3A_71 = arith.truncf %slice3A_70 : vector<1600x128xf32> to vector<1600x128xbf16>
    %swap3A_72 = arith.constant 0 : index
    %swap3A_73 = arith.constant 0 : index
    %swap3A_74 = vector.load %arg11[%swap3A_72, %swap3A_73] : memref<1600x128xbf16, #tpu.memory_space<vmem>>, vector<1600x128xbf16>
    tpu.vector_store %arg11[%swap3A_72, %swap3A_73], %convert_element_type3A_71 {strides = array<i32>} : memref<1600x128xbf16, #tpu.memory_space<vmem>>, vector<1600x128xbf16>,
    return
  }
  func.func @transform_0(%arg0: i32) -> (i32, i32) {
    %c0_i32 = arith.constant 0 : i32
    %c0_i32_0 = arith.constant 0 : i32
    return %arg0, %c0_i32 : i32, i32
  }
  func.func @transform_1(%arg0: i32) -> (i32, i32) {
    %c0_i32 = arith.constant 0 : i32
    %c0_i32_0 = arith.constant 0 : i32
    return %arg0, %c0_i32 : i32, i32
  }
  func.func @transform_2(%arg0: i32) -> (i32, i32) {
    %c0_i32 = arith.constant 0 : i32
    %c0_i32_0 = arith.constant 0 : i32
    return %arg0, %c0_i32 : i32, i32
  }
  func.func @transform_3(%arg0: i32) -> (i32, i32) {
    %c0_i32 = arith.constant 0 : i32
    %c0_i32_0 = arith.constant 0 : i32
    %c0_i32_1 = arith.constant 0 : i32
    return %c0_i32, %c0_i32_0 : i32, i32
  }
  func.func @transform_4(%arg0: i32) -> (i32, i32) {
    %c0_i32 = arith.constant 0 : i32
    %c0_i32_0 = arith.constant 0 : i32
    %c0_i32_1 = arith.constant 0 : i32
    return %c0_i32, %c0_i32_0 : i32, i32
  }
  func.func @transform_5(%arg0: i32) -> (i32, i32) {
    %c0_i32 = arith.constant 0 : i32
    %c0_i32_0 = arith.constant 0 : i32
    %c0_i32_1 = arith.constant 0 : i32
    return %c0_i32, %c0_i32_0 : i32, i32
  }
  func.func @transform_6(%arg0: i32) -> (i32, i32) {
    %c0_i32 = arith.constant 0 : i32
    %c0_i32_0 = arith.constant 0 : i32
    %c0_i32_1 = arith.constant 0 : i32
    return %c0_i32, %c0_i32_0 : i32, i32
  }
  func.func @transform_7(%arg0: i32) -> (i32, i32) {
    %c0_i32 = arith.constant 0 : i32
    %c0_i32_0 = arith.constant 0 : i32
    %c0_i32_1 = arith.constant 0 : i32
    return %c0_i32, %c0_i32_0 : i32, i32
  }
  func.func @transform_8(%arg0: i32) -> (i32, i32) {
    %c0_i32 = arith.constant 0 : i32
    %c0_i32_0 = arith.constant 0 : i32
    return %arg0, %c0_i32 : i32, i32
  }
  func.func @transform_9(%arg0: i32) -> (i32, i32) {
    %c0_i32 = arith.constant 0 : i32
    %c0_i32_0 = arith.constant 0 : i32
    return %arg0, %c0_i32 : i32, i32
  }
  func.func @transform_10(%arg0: i32) -> (i32, i32) {
    %c0_i32 = arith.constant 0 : i32
    %c0_i32_0 = arith.constant 0 : i32
    return %arg0, %c0_i32 : i32, i32
  }
}

module attributes {stable_mosaic.version = 14 : i64} {
  func.func @_add_body(%arg0: i32, %arg1: memref<2000x128xf32, #tpu.memory_space<vmem>>, %arg2: memref<2000x128xf32, #tpu.memory_space<vmem>>, %arg3: memref<2000x128xf32, #tpu.memory_space<vmem>>, %arg4: memref<2000x128xf32, #tpu.memory_space<vmem>>, %arg5: memref<1x128xf32, #tpu.memory_space<vmem>>) attributes {dimension_semantics = [#tpu.dimension_semantics<arbitrary>], iteration_bounds = array<i64: 5>, scalar_prefetch = 0 : i64, scratch_operands = 0 : i64, tpu.core_type = #tpu.core_type<tc>, window_params = [{transform_indices = @transform_0, window_bounds = array<i64: 2000, 128>}, {transform_indices = @transform_1, window_bounds = array<i64: 2000, 128>}, {transform_indices = @transform_2, window_bounds = array<i64: 2000, 128>}, {transform_indices = @transform_3, window_bounds = array<i64: 2000, 128>}, {pipeline_mode = #tpu.pipeline_mode<synchronous>, transform_indices = @transform_4, window_bounds = array<i64: 1, 128>}]} {
    %get3A = arith.constant 0 : index
    %get3A_0 = arith.constant 0 : index
    %get3A_1 = vector.load %arg1[%get3A, %get3A_0] : memref<2000x128xf32, #tpu.memory_space<vmem>>, vector<2000x128xf32>
    %get3A_2 = arith.constant 0 : index
    %get3A_3 = arith.constant 0 : index
    %get3A_4 = vector.load %arg2[%get3A_2, %get3A_3] : memref<2000x128xf32, #tpu.memory_space<vmem>>, vector<2000x128xf32>
    %add3A = arith.addf %get3A_1, %get3A_4 : vector<2000x128xf32>
    %get3A_5 = arith.constant 0 : index
    %get3A_6 = arith.constant 0 : index
    %get3A_7 = vector.load %arg3[%get3A_5, %get3A_6] : memref<2000x128xf32, #tpu.memory_space<vmem>>, vector<2000x128xf32>
    %sub3A = arith.subf %add3A, %get3A_7 : vector<2000x128xf32>
    %swap3A = arith.constant 0 : index
    %swap3A_8 = arith.constant 0 : index
    %swap3A_9 = vector.load %arg4[%swap3A, %swap3A_8] : memref<2000x128xf32, #tpu.memory_space<vmem>>, vector<2000x128xf32>
    tpu.vector_store %arg4[%swap3A, %swap3A_8], %sub3A {strides = array<i32>} : memref<2000x128xf32, #tpu.memory_space<vmem>>, vector<2000x128xf32>,
    %eq3A = arith.constant 0 : i32
    %eq3A_10 = arith.cmpi eq, %arg0, %eq3A : i32
    %convert_element_type3A = arith.extui %eq3A_10 : i1 to i32
    %cond3A = arith.constant 0 : i32
    %cond3A_11 = arith.cmpi ne, %convert_element_type3A, %cond3A : i32
    scf.if %cond3A_11 {
      %broadcast_in_dim3A_20 = arith.constant 0.000000e+00 : f32
      %broadcast_in_dim3A_21 = vector.broadcast %broadcast_in_dim3A_20 : f32 to vector<1x128xf32>
      %swap3A_22 = arith.constant 0 : index
      %swap3A_23 = arith.constant 0 : index
      %swap3A_24 = vector.load %arg5[%swap3A_22, %swap3A_23] : memref<1x128xf32, #tpu.memory_space<vmem>>, vector<1x128xf32>
      tpu.vector_store %arg5[%swap3A_22, %swap3A_23], %broadcast_in_dim3A_21 {strides = array<i32>} : memref<1x128xf32, #tpu.memory_space<vmem>>, vector<1x128xf32>,
    } else {
    }
    %get3A_12 = arith.constant 0 : index
    %get3A_13 = arith.constant 0 : index
    %get3A_14 = vector.load %arg5[%get3A_12, %get3A_13] : memref<1x128xf32, #tpu.memory_space<vmem>>, vector<1x128xf32>
    %reduce_sum3A = arith.constant dense<0.000000e+00> : vector<128xf32>
    %reduce_sum3A_15 = vector.multi_reduction <add>, %sub3A, %reduce_sum3A [0] : vector<2000x128xf32> to vector<128xf32>
    %broadcast_in_dim3A = vector.shape_cast %reduce_sum3A_15 : vector<128xf32> to vector<1x128xf32>
    %add3A_16 = arith.addf %get3A_14, %broadcast_in_dim3A : vector<1x128xf32>
    %swap3A_17 = arith.constant 0 : index
    %swap3A_18 = arith.constant 0 : index
    %swap3A_19 = vector.load %arg5[%swap3A_17, %swap3A_18] : memref<1x128xf32, #tpu.memory_space<vmem>>, vector<1x128xf32>
    tpu.vector_store %arg5[%swap3A_17, %swap3A_18], %add3A_16 {strides = array<i32>} : memref<1x128xf32, #tpu.memory_space<vmem>>, vector<1x128xf32>,
    return
  }
  func.func @transform_0(%arg0: i32) -> (i32, i32) {
    %c0_i32 = arith.constant 0 : i32
    %c0_i32_0 = arith.constant 0 : i32
    return %arg0, %c0_i32 : i32, i32
  }
  func.func @transform_1(%arg0: i32) -> (i32, i32) {
    %c0_i32 = arith.constant 0 : i32
    %c0_i32_0 = arith.constant 0 : i32
    return %arg0, %c0_i32 : i32, i32
  }
  func.func @transform_2(%arg0: i32) -> (i32, i32) {
    %c0_i32 = arith.constant 0 : i32
    %c0_i32_0 = arith.constant 0 : i32
    return %arg0, %c0_i32 : i32, i32
  }
  func.func @transform_3(%arg0: i32) -> (i32, i32) {
    %c0_i32 = arith.constant 0 : i32
    %c0_i32_0 = arith.constant 0 : i32
    return %arg0, %c0_i32 : i32, i32
  }
  func.func @transform_4(%arg0: i32) -> (i32, i32) {
    %c0_i32 = arith.constant 0 : i32
    %c0_i32_0 = arith.constant 0 : i32
    %c0_i32_1 = arith.constant 0 : i32
    return %c0_i32, %c0_i32_0 : i32, i32
  }
}

module attributes {stable_mosaic.version = 14 : i64} {
  func.func @_p2_body(%arg0: i32, %arg1: memref<1000x128xf32, #tpu.memory_space<vmem>>, %arg2: memref<1000x128xf32, #tpu.memory_space<vmem>>, %arg3: memref<1000x128xbf16, #tpu.memory_space<vmem>>, %arg4: memref<1000x128xbf16, #tpu.memory_space<vmem>>, %arg5: memref<256x128xbf16, #tpu.memory_space<vmem>>, %arg6: memref<1x128xf32, #tpu.memory_space<vmem>>, %arg7: memref<256x128xbf16, #tpu.memory_space<vmem>>, %arg8: memref<1x128xf32, #tpu.memory_space<vmem>>, %arg9: memref<1x128xf32, #tpu.memory_space<vmem>>) attributes {dimension_semantics = [#tpu.dimension_semantics<arbitrary>], iteration_bounds = array<i64: 80>, scalar_prefetch = 0 : i64, scratch_operands = 0 : i64, tpu.core_type = #tpu.core_type<tc>, window_params = [{transform_indices = @transform_0, window_bounds = array<i64: 1000, 128>}, {transform_indices = @transform_1, window_bounds = array<i64: 1000, 128>}, {transform_indices = @transform_2, window_bounds = array<i64: 1000, 128>}, {transform_indices = @transform_3, window_bounds = array<i64: 1000, 128>}, {pipeline_mode = #tpu.pipeline_mode<synchronous>, transform_indices = @transform_4, window_bounds = array<i64: 256, 128>}, {pipeline_mode = #tpu.pipeline_mode<synchronous>, transform_indices = @transform_5, window_bounds = array<i64: 1, 128>}, {pipeline_mode = #tpu.pipeline_mode<synchronous>, transform_indices = @transform_6, window_bounds = array<i64: 256, 128>}, {pipeline_mode = #tpu.pipeline_mode<synchronous>, transform_indices = @transform_7, window_bounds = array<i64: 1, 128>}, {pipeline_mode = #tpu.pipeline_mode<synchronous>, transform_indices = @transform_8, window_bounds = array<i64: 1, 128>}]} {
    %eq3A = arith.constant 0 : i32
    %eq3A_0 = arith.cmpi eq, %arg0, %eq3A : i32
    %convert_element_type3A = arith.extui %eq3A_0 : i1 to i32
    %cond3A = arith.constant 0 : i32
    %cond3A_1 = arith.cmpi ne, %convert_element_type3A, %cond3A : i32
    scf.if %cond3A_1 {
      %broadcast_in_dim3A_55 = arith.constant 0.000000e+00 : f32
      %broadcast_in_dim3A_56 = vector.broadcast %broadcast_in_dim3A_55 : f32 to vector<1x128xf32>
      %swap3A_57 = arith.constant 0 : index
      %swap3A_58 = arith.constant 0 : index
      %swap3A_59 = vector.load %arg9[%swap3A_57, %swap3A_58] : memref<1x128xf32, #tpu.memory_space<vmem>>, vector<1x128xf32>
      tpu.vector_store %arg9[%swap3A_57, %swap3A_58], %broadcast_in_dim3A_56 {strides = array<i32>} : memref<1x128xf32, #tpu.memory_space<vmem>>, vector<1x128xf32>,
    } else {
    }
    %get3A = arith.constant 0 : index
    %get3A_2 = arith.constant 0 : index
    %get3A_3 = vector.load %arg1[%get3A, %get3A_2] : memref<1000x128xf32, #tpu.memory_space<vmem>>, vector<1000x128xf32>
    %convert_element_type3A_4 = arith.truncf %get3A_3 : vector<1000x128xf32> to vector<1000x128xbf16>
    %get3A_5 = arith.constant 0 : index
    %get3A_6 = arith.constant 0 : index
    %get3A_7 = vector.load %arg2[%get3A_5, %get3A_6] : memref<1000x128xf32, #tpu.memory_space<vmem>>, vector<1000x128xf32>
    %convert_element_type3A_8 = arith.truncf %get3A_7 : vector<1000x128xf32> to vector<1000x128xbf16>
    %concatenate3A = tpu.concatenate %convert_element_type3A_4, %convert_element_type3A_8 in 1 : vector<1000x128xbf16>, vector<1000x128xbf16> -> vector<1000x256xbf16>
    %get3A_9 = arith.constant 0 : index
    %get3A_10 = arith.constant 0 : index
    %get3A_11 = vector.load %arg5[%get3A_9, %get3A_10] : memref<256x128xbf16, #tpu.memory_space<vmem>>, vector<256x128xbf16>
    %dot_general3A = arith.constant dense<0.000000e+00> : vector<1000x128xf32>
    %dot_general3A_12 = tpu.matmul %concatenate3A, %get3A_11, %dot_general3A {dimension_numbers = #tpu.dot_dimension_numbers<[1], [0], [0], [1], [0, 0, 1, 1], [], []>, transpose_lhs_hint = false} : vector<1000x256xbf16>, vector<256x128xbf16>, vector<1000x128xf32> -> vector<1000x128xf32>
    %get3A_13 = arith.constant 0 : index
    %get3A_14 = arith.constant 0 : index
    %get3A_15 = vector.load %arg3[%get3A_13, %get3A_14] : memref<1000x128xbf16, #tpu.memory_space<vmem>>, vector<1000x128xbf16>
    %convert_element_type3A_16 = arith.extf %get3A_15 : vector<1000x128xbf16> to vector<1000x128xf32>
    %add3A = arith.addf %dot_general3A_12, %convert_element_type3A_16 : vector<1000x128xf32>
    %get3A_17 = arith.constant 0 : index
    %get3A_18 = arith.constant 0 : index
    %get3A_19 = vector.load %arg6[%get3A_17, %get3A_18] : memref<1x128xf32, #tpu.memory_space<vmem>>, vector<1x128xf32>
    %add3A_20 = vector.broadcast %get3A_19 : vector<1x128xf32> to vector<1000x128xf32>
    %add3A_21 = arith.addf %add3A, %add3A_20 : vector<1000x128xf32>
    %get3A_22 = arith.constant 0 : index
    %get3A_23 = arith.constant 0 : index
    %get3A_24 = vector.load %arg7[%get3A_22, %get3A_23] : memref<256x128xbf16, #tpu.memory_space<vmem>>, vector<256x128xbf16>
    %dot_general3A_25 = arith.constant dense<0.000000e+00> : vector<1000x128xf32>
    %dot_general3A_26 = tpu.matmul %concatenate3A, %get3A_24, %dot_general3A_25 {dimension_numbers = #tpu.dot_dimension_numbers<[1], [0], [0], [1], [0, 0, 1, 1], [], []>, transpose_lhs_hint = false} : vector<1000x256xbf16>, vector<256x128xbf16>, vector<1000x128xf32> -> vector<1000x128xf32>
    %get3A_27 = arith.constant 0 : index
    %get3A_28 = arith.constant 0 : index
    %get3A_29 = vector.load %arg4[%get3A_27, %get3A_28] : memref<1000x128xbf16, #tpu.memory_space<vmem>>, vector<1000x128xbf16>
    %convert_element_type3A_30 = arith.extf %get3A_29 : vector<1000x128xbf16> to vector<1000x128xf32>
    %add3A_31 = arith.addf %dot_general3A_26, %convert_element_type3A_30 : vector<1000x128xf32>
    %get3A_32 = arith.constant 0 : index
    %get3A_33 = arith.constant 0 : index
    %get3A_34 = vector.load %arg8[%get3A_32, %get3A_33] : memref<1x128xf32, #tpu.memory_space<vmem>>, vector<1x128xf32>
    %add3A_35 = vector.broadcast %get3A_34 : vector<1x128xf32> to vector<1000x128xf32>
    %add3A_36 = arith.addf %add3A_31, %add3A_35 : vector<1000x128xf32>
    %max3A = arith.constant 0.000000e+00 : f32
    %max3A_37 = vector.broadcast %max3A : f32 to vector<1000x128xf32>
    %max3A_38 = arith.maximumf %add3A_21, %max3A_37 : vector<1000x128xf32>
    %mul3A = arith.constant 5.000000e-01 : f32
    %mul3A_39 = vector.broadcast %mul3A : f32 to vector<1000x128xf32>
    %mul3A_40 = arith.mulf %mul3A_39, %add3A_36 : vector<1000x128xf32>
    %tanh3A = math.tanh %mul3A_40 : vector<1000x128xf32>
    %mul3A_41 = arith.constant 5.000000e-01 : f32
    %mul3A_42 = vector.broadcast %mul3A_41 : f32 to vector<1000x128xf32>
    %mul3A_43 = arith.mulf %mul3A_42, %tanh3A : vector<1000x128xf32>
    %add3A_44 = arith.constant 5.000000e-01 : f32
    %add3A_45 = vector.broadcast %add3A_44 : f32 to vector<1000x128xf32>
    %add3A_46 = arith.addf %add3A_45, %mul3A_43 : vector<1000x128xf32>
    %mul3A_47 = arith.mulf %max3A_38, %add3A_46 : vector<1000x128xf32>
    %get3A_48 = arith.constant 0 : index
    %get3A_49 = arith.constant 0 : index
    %get3A_50 = vector.load %arg9[%get3A_48, %get3A_49] : memref<1x128xf32, #tpu.memory_space<vmem>>, vector<1x128xf32>
    %reduce_sum3A = arith.constant dense<0.000000e+00> : vector<128xf32>
    %reduce_sum3A_51 = vector.multi_reduction <add>, %mul3A_47, %reduce_sum3A [0] : vector<1000x128xf32> to vector<128xf32>
    %broadcast_in_dim3A = vector.shape_cast %reduce_sum3A_51 : vector<128xf32> to vector<1x128xf32>
    %add3A_52 = arith.addf %get3A_50, %broadcast_in_dim3A : vector<1x128xf32>
    %swap3A = arith.constant 0 : index
    %swap3A_53 = arith.constant 0 : index
    %swap3A_54 = vector.load %arg9[%swap3A, %swap3A_53] : memref<1x128xf32, #tpu.memory_space<vmem>>, vector<1x128xf32>
    tpu.vector_store %arg9[%swap3A, %swap3A_53], %add3A_52 {strides = array<i32>} : memref<1x128xf32, #tpu.memory_space<vmem>>, vector<1x128xf32>,
    return
  }
  func.func @transform_0(%arg0: i32) -> (i32, i32) {
    %c0_i32 = arith.constant 0 : i32
    %c0_i32_0 = arith.constant 0 : i32
    return %arg0, %c0_i32 : i32, i32
  }
  func.func @transform_1(%arg0: i32) -> (i32, i32) {
    %c0_i32 = arith.constant 0 : i32
    %c0_i32_0 = arith.constant 0 : i32
    return %arg0, %c0_i32 : i32, i32
  }
  func.func @transform_2(%arg0: i32) -> (i32, i32) {
    %c0_i32 = arith.constant 0 : i32
    %c0_i32_0 = arith.constant 0 : i32
    return %arg0, %c0_i32 : i32, i32
  }
  func.func @transform_3(%arg0: i32) -> (i32, i32) {
    %c0_i32 = arith.constant 0 : i32
    %c0_i32_0 = arith.constant 0 : i32
    return %arg0, %c0_i32 : i32, i32
  }
  func.func @transform_4(%arg0: i32) -> (i32, i32) {
    %c0_i32 = arith.constant 0 : i32
    %c0_i32_0 = arith.constant 0 : i32
    %c0_i32_1 = arith.constant 0 : i32
    return %c0_i32, %c0_i32_0 : i32, i32
  }
  func.func @transform_5(%arg0: i32) -> (i32, i32) {
    %c0_i32 = arith.constant 0 : i32
    %c0_i32_0 = arith.constant 0 : i32
    %c0_i32_1 = arith.constant 0 : i32
    return %c0_i32, %c0_i32_0 : i32, i32
  }
  func.func @transform_6(%arg0: i32) -> (i32, i32) {
    %c0_i32 = arith.constant 0 : i32
    %c0_i32_0 = arith.constant 0 : i32
    %c0_i32_1 = arith.constant 0 : i32
    return %c0_i32, %c0_i32_0 : i32, i32
  }
  func.func @transform_7(%arg0: i32) -> (i32, i32) {
    %c0_i32 = arith.constant 0 : i32
    %c0_i32_0 = arith.constant 0 : i32
    %c0_i32_1 = arith.constant 0 : i32
    return %c0_i32, %c0_i32_0 : i32, i32
  }
  func.func @transform_8(%arg0: i32) -> (i32, i32) {
    %c0_i32 = arith.constant 0 : i32
    %c0_i32_0 = arith.constant 0 : i32
    %c0_i32_1 = arith.constant 0 : i32
    return %c0_i32, %c0_i32_0 : i32, i32
  }
}

module attributes {stable_mosaic.version = 14 : i64} {
  func.func @_finish_body(%arg0: memref<1x128xf32, #tpu.memory_space<vmem>>, %arg1: memref<1x128xf32, #tpu.memory_space<vmem>>, %arg2: memref<1x128xf32, #tpu.memory_space<vmem>>, %arg3: memref<128x32xf32, #tpu.memory_space<vmem>>, %arg4: memref<1x32xf32, #tpu.memory_space<vmem>>, %arg5: memref<1x32xf32, #tpu.memory_space<vmem>>) attributes {dimension_semantics = [], scalar_prefetch = 0 : i64, scratch_operands = 0 : i64, tpu.core_type = #tpu.core_type<tc>} {
    %get3A = arith.constant 0 : index
    %get3A_0 = arith.constant 0 : index
    %get3A_1 = vector.load %arg0[%get3A, %get3A_0] : memref<1x128xf32, #tpu.memory_space<vmem>>, vector<1x128xf32>
    %get3A_2 = arith.constant 0 : index
    %get3A_3 = arith.constant 0 : index
    %get3A_4 = vector.load %arg1[%get3A_2, %get3A_3] : memref<1x128xf32, #tpu.memory_space<vmem>>, vector<1x128xf32>
    %add3A = arith.addf %get3A_1, %get3A_4 : vector<1x128xf32>
    %get3A_5 = arith.constant 0 : index
    %get3A_6 = arith.constant 0 : index
    %get3A_7 = vector.load %arg2[%get3A_5, %get3A_6] : memref<1x128xf32, #tpu.memory_space<vmem>>, vector<1x128xf32>
    %add3A_8 = arith.addf %add3A, %get3A_7 : vector<1x128xf32>
    %get3A_9 = arith.constant 0 : index
    %get3A_10 = arith.constant 0 : index
    %get3A_11 = vector.load %arg3[%get3A_9, %get3A_10] : memref<128x32xf32, #tpu.memory_space<vmem>>, vector<128x32xf32>
    %dot_general3A = arith.constant dense<0.000000e+00> : vector<1x32xf32>
    %dot_general3A_12 = tpu.matmul %add3A_8, %get3A_11, %dot_general3A {dimension_numbers = #tpu.dot_dimension_numbers<[1], [0], [0], [1], [0, 0, 1, 1], [], []>, transpose_lhs_hint = false} : vector<1x128xf32>, vector<128x32xf32>, vector<1x32xf32> -> vector<1x32xf32>
    %get3A_13 = arith.constant 0 : index
    %get3A_14 = arith.constant 0 : index
    %get3A_15 = vector.load %arg4[%get3A_13, %get3A_14] : memref<1x32xf32, #tpu.memory_space<vmem>>, vector<1x32xf32>
    %add3A_16 = arith.addf %dot_general3A_12, %get3A_15 : vector<1x32xf32>
    %reduce_max3A = arith.constant dense<0xFF800000> : vector<1xf32>
    %reduce_max3A_17 = vector.multi_reduction <maximumf>, %add3A_16, %reduce_max3A [1] : vector<1x32xf32> to vector<1xf32>
    %broadcast_in_dim3A = vector.shape_cast %reduce_max3A_17 : vector<1xf32> to vector<1x1xf32>
    %sub3A = vector.broadcast %broadcast_in_dim3A : vector<1x1xf32> to vector<1x32xf32>
    %sub3A_18 = arith.subf %add3A_16, %sub3A : vector<1x32xf32>
    %exp3A = math.exp %sub3A_18 : vector<1x32xf32>
    %reduce_sum3A = arith.constant dense<0.000000e+00> : vector<1xf32>
    %reduce_sum3A_19 = vector.multi_reduction <add>, %exp3A, %reduce_sum3A [1] : vector<1x32xf32> to vector<1xf32>
    %broadcast_in_dim3A_20 = vector.shape_cast %reduce_sum3A_19 : vector<1xf32> to vector<1x1xf32>
    %div3A = vector.broadcast %broadcast_in_dim3A_20 : vector<1x1xf32> to vector<1x32xf32>
    %div3A_21 = arith.divf %exp3A, %div3A : vector<1x32xf32>
    %swap3A = arith.constant 0 : index
    %swap3A_22 = arith.constant 0 : index
    %swap3A_23 = vector.load %arg5[%swap3A, %swap3A_22] : memref<1x32xf32, #tpu.memory_space<vmem>>, vector<1x32xf32>
    tpu.vector_store %arg5[%swap3A, %swap3A_22], %div3A_21 {strides = array<i32>} : memref<1x32xf32, #tpu.memory_space<vmem>>, vector<1x32xf32>,
    return
  }
}

</mosaic_0001>

<sc_bundles>
// kernel: kernel.14.cloned.1.call-start
scs
__scs_entry_jumppad:
0x0: {  	(pc) =	sbr.rel $0x88, $3  }
0x1: {  	(tag) =	ssettag $0x0;
	lr =	simm.s32 $0x1  }
0x2: {  	[smem:$0x3F90] =	sst lr;
	_ =	strace $0xD0000000  }
0x3: {  	_ = 	snop  }
0x4: {  	_ = 	snop  }
0x5: {  	_ = 	snop  }
0x6: {  	_ = 	snop  }
0x7: {  	_ = 	snop  }
__scs_overlays_trampoline_lowered:
0x8: {  	[smem:$0x3F9F] =	sst s0  }
0x9: {  	[smem:$0x3FA0] =	sst s1  }
0xa: {  	[smem:$0x3FA1] =	sst s2  }
0xb: {  	[smem:$0x3FA2] =	sst s3  }
0xc: {  	[smem:$0x3FA3] =	sst s4  }
0xd: {  	[smem:$0x3FA4] =	sst s5  }
0xe: {  	[smem:$0x3FA5] =	sst s6  }
0xf: {  	[smem:$0x3FA6] =	sst s7  }
0x10: {  	[smem:$0x3FA7] =	sst s8  }
0x11: {  	[smem:$0x3FA8] =	sst s9;
	s0 =	simm.s32 @!p0 $0x0  }
0x12: {  	s1 =	sld [smem:$0x3F8E];
	s0 =	simm.s32 @p0 $0x1  }
0x13: {  	[smem:$0x3FA9] =	sst s0;
	s0 =	simm.s32 @!p1 $0x0  }
0x14: {  	s2 =	sld [smem:$0x3F8D];
	s0 =	simm.s32 @p1 $0x1  }
0x15: {  	[smem:$0x3FAA] =	sst s0;
	s0 =	simm.s32 @!p2 $0x0  }
0x16: {  	s3 =	sld [smem:$0x3FDB];
	s0 =	simm.s32 @p2 $0x1  }
0x17: {  	s4 =	simm.s32 $0x1BF5;
	[smem:$0x3FAC] =	sst s0  }
0x18: {  	s0 =	sld [smem:$0x3F8F];
	_ =	swait.ge [sflag:s4], $0x0  }
0x19: {  	s7 =	sld [smem:$0x3F90]  }
0x1a: {  	s8 =	sadd.s32 $0xFFFFE003, lr  }
0x1b: {  	s9 =	sadd.s32 $0xFFFFFEF7, lr;
	s5 =	simm.s32 $0xFFFFFFFF;
	p2 =	slt.u32 s8, $0xFFFFF086  }
0x1c: {  	p1 =	slt.u32 s9, $0xF7A;
	s5 =	simm.s32 @!p2 $0x0  }
0x1d: {  	s5 =	simm.s32 @p1 $0x1;
	p0 =	seq.s32 s7, s2  }
0x1e: {  	s7 =	smul.u32 @!p0 $0xF7A, s2;
	p2 =	seq.s32 @!p0 s5, $0x0  }
0x1f: {  	s9 =	smul.u32 $0xF7A, s1;
	s8 =	simm.s32 @!p0 $0x1BF5;
	p2 =	por !p2, p0  }
0x20: {  	[sflag:s8] =	ssyncset.s32 @!p0 $0xFFFFF086;
	s6 =	sadd.s32 @!p0 s3, s7;
	s7 =	simm.s32 @!p0 $0x108  }
0x21: {  	s3 =	sadd.s32 s3, s9;
	s6 =	sadd.s32 @!p0 $0x88, s6;
	s7 =	simm.s32 @p2 $0x1082  }
0x22: {  	[simem:s7], [sflag:s8] =	dma.local @!p0 [hbm:s6], $0xF7A  }
0x23: {  	s9 =	sor.u32 $0xD0000000, s2;
	s6 =	simm.s32 $0x108;
	_ =	swait.ge @!p0 [sflag:s8], $0x0  }
0x24: {  	s3 =	sadd.s32 $0x88, s3;
	s6 =	simm.s32 @!p1 $0x1082;
	[sflag:s4] =	ssyncset.s32 $0xFFFFF086  }
0x25: {  	[simem:s6], [sflag:s4] =	dma.local [hbm:s3], $0xF7A  }
0x26: {  	[smem:$0x3F90] =	sst s1;
	(tag) =	ssettag s2;
	_ =	strace s9  }
0x27: {  	s1 =	sld [smem:$0x3FA0]  }
0x28: {  	s2 =	sld [smem:$0x3FA1]  }
0x29: {  	s4 =	sld [smem:$0x3FA3]  }
0x2a: {  	p0 =	seq.s32 s5, $0x0;
	s5 =	sld [smem:$0x3FA4]  }
0x2b: {  	s6 =	sld [smem:$0x3FA5]  }
0x2c: {  	s7 =	sld [smem:$0x3FA6]  }
0x2d: {  	s3 =	simm.s32 $0x108;
	s8 =	sld [smem:$0x3FA7]  }
0x2e: {  	s3 =	simm.s32 @!p0 $0x1082;
	s9 =	sld [smem:$0x3FA8]  }
0x2f: {  	lr =	sadd.s32 s0, s3;
	s0 =	sld [smem:$0x3F9F]  }
0x30: {  	s3 =	sld [smem:$0x3FA2]  }
0x31: {  	[smem:$0x3FAB] =	sst s10  }
0x32: {  	s10 =	sld [smem:$0x3FA9];
	_ =	sdelay $0x3  }
0x33: {  	p0 =	seq.s32 s10, $0x1;
	s10 =	sld [smem:$0x3FAB];
	_ =	sdelay $0x3  }
0x34: {  	[smem:$0x3FAB] =	sst s10  }
0x35: {  	s10 =	sld [smem:$0x3FAA];
	_ =	sdelay $0x3  }
0x36: {  	p1 =	seq.s32 s10, $0x1;
	s10 =	sld [smem:$0x3FAB];
	_ =	sdelay $0x3  }
0x37: {  	[smem:$0x3FAB] =	sst s10  }
0x38: {  	s10 =	sld [smem:$0x3FAC]  }
0x39: {  	_ = 	snop;
	(pc) =	sbr.ind lr, $3  }
0x3a: {  	_ = 	snop  }
0x3b: {  	_ = 	snop  }
0x3c: {  	p2 =	seq.s32 s10, $0x1;
	s10 =	sld [smem:$0x3FAB]  }
0x3d: {  	_ =	shalt  }
0x3e: {  	_ =	shalt  }
0x3f: {  	_ =	shalt  }
0x40: {  	_ =	shalt  }
0x41: {  	_ =	shalt  }
0x42: {  	_ =	shalt  }
0x43: {  	_ =	shalt  }
0x44: {  	_ =	shalt  }
0x45: {  	_ =	shalt  }
0x46: {  	_ =	shalt  }
0x47: {  	_ =	shalt  }
0x48: {  	_ =	shalt  }
0x49: {  	_ =	shalt  }
0x4a: {  	_ =	shalt  }
0x4b: {  	_ =	shalt  }
0x4c: {  	_ =	shalt  }
0x4d: {  	_ =	shalt  }
0x4e: {  	_ =	shalt  }
0x4f: {  	_ =	shalt  }
0x50: {  	_ =	shalt  }
0x51: {  	_ =	shalt  }
0x52: {  	_ =	shalt  }
0x53: {  	_ =	shalt  }
0x54: {  	_ =	shalt  }
0x55: {  	_ =	shalt  }
0x56: {  	_ =	shalt  }
0x57: {  	_ =	shalt  }
0x58: {  	_ =	shalt  }
0x59: {  	_ =	shalt  }
0x5a: {  	_ =	shalt  }
0x5b: {  	_ =	shalt  }
0x5c: {  	_ =	shalt  }
0x5d: {  	_ =	shalt  }
0x5e: {  	_ =	shalt  }
0x5f: {  	_ =	shalt  }
0x60: {  	_ =	shalt  }
0x61: {  	_ =	shalt  }
0x62: {  	_ =	shalt  }
0x63: {  	_ =	shalt  }
0x64: {  	_ =	shalt  }
0x65: {  	_ =	shalt  }
0x66: {  	_ =	shalt  }
0x67: {  	_ =	shalt  }
0x68: {  	_ =	shalt  }
0x69: {  	_ =	shalt  }
0x6a: {  	_ =	shalt  }
0x6b: {  	_ =	shalt  }
0x6c: {  	_ =	shalt  }
0x6d: {  	_ =	shalt  }
0x6e: {  	_ =	shalt  }
0x6f: {  	_ =	shalt  }
0x70: {  	_ =	shalt  }
0x71: {  	_ =	shalt  }
0x72: {  	_ =	shalt  }
0x73: {  	_ =	shalt  }
0x74: {  	_ =	shalt  }
0x75: {  	_ =	shalt  }
0x76: {  	_ =	shalt  }
0x77: {  	_ =	shalt  }
0x78: {  	_ =	shalt  }
0x79: {  	_ =	shalt  }
0x7a: {  	_ =	shalt  }
0x7b: {  	_ =	shalt  }
0x7c: {  	_ =	shalt  }
0x7d: {  	_ =	shalt  }
0x7e: {  	_ =	shalt  }
0x7f: {  	_ =	shalt  }
0x80: {  	_ =	shalt  }
0x81: {  	_ =	shalt  }
0x82: {  	_ =	shalt  }
0x83: {  	_ =	shalt  }
0x84: {  	_ =	shalt  }
0x85: {  	_ =	shalt  }
0x86: {  	_ =	shalt  }
0x87: {  	_ =	shalt  }
.Lfunc_end0:
.L_simem_size_0:
called_computation_lowered:
.L_overlay_start_0:
0x88: {  	s2 =	sld [smem:$0x3FD9]  }
0x89: {  	s3 =	sld [smem:$0x3FFE];
	_ =	sdelay $0x1  }
0x8a: {  	s1 =	srdreg.scid  }
0x8b: {  	s0 =	sand.u32 $0x1, s1  }
0x8c: {  	s17 =	sshll.u32 s0, $0xA;
	s2 =	sadd.s32 s3, s2  }
0x8d: {  	s2 =	sadd.s32 s2, s17  }
0x8e: {  	[smem:$0x3FB7] =	sst s2  }
0x8f: {  	_ = 	snop  }
0x90: {  	s2 =	sld [smem:$0x3FC9];
	(tm) =	ssettm $0x1  }
0x91: {  	s18 =	sld [smem:$0x3FFB];
	_ =	sdelay $0x3  }
0x92: {  	_ =	strace s18  }
0x93: {  	s3 =	sld [smem:$0x3FFC];
	_ =	sdelay $0x3  }
0x94: {  	_ =	strace s3  }
0x95: {  	s3 =	sld [smem:$0x3FFD];
	_ =	sdelay $0x3  }
0x96: {  	_ =	strace s3  }
0x97: {  	_ =	strace $0x8FFFFFFF  }
0x98: {  	s19 =	sld [smem:$0x3FDB];
	_ =	sdelay $0x1  }
0x99: {  	s4 =	simm.s32 $_scs_section_size  }
0x9a: {  	s5 =	simm.s32 $_size__tile_overlayer_lowered;
	s6 =	simm.s32 $_tile_overlayer_lowered  }
0x9b: {  	s22 =	simm.s32 $0x1BFF;
	s21 =	sshll.u32 s6, $0x1;
	s3 =	sadd.s32 s4, s19  }
0x9c: {  	s7 =	simm.s32 $0x0;
	s20 =	sshll.u32 s5, $0x1;
	s5 =	sadd.s32 s21, s3  }
0x9d: {  	[timem:s7], [sflag:s22] =	dma.local [hbm:s5], s20  }
0x9e: {  	_ =	swait.ge [sflag:s22], s20  }
0x9f: {  	s4 =	ssub.s32 $0x0, s20;
	[sflag:s22] =	ssyncset.done $0x0  }
0xa0: {  	[sflag:s22] =	ssyncadd.s32 s4;
	_ =	sdelay $0x1  }
0xa1: {  	s23 =	simm.s32 $0x1B8B  }
0xa2: {  	_ =	swait.ge [sflag:s23], $0x1  }
0xa3: {  	[sflag:s23] =	ssyncset.done $0x0  }
0xa4: {  	s25 =	simm.s32 $0x1B8E;
	s24 =	sld [smem:$0x3FFE];
	[sflag:s23] =	ssyncadd.s32 $0xFFFFFFFF  }
0xa5: {  	s26 =	simm.s32 $execute0_lowered;
	[smem:$0x3FD2] =	sst s25  }
0xa6: {  	s5 =	sshll.u32 s26, $0x1;
	_ =	strace $0x80000046;
	[dreg:$0x1] =	wrdreg $0xFFFFFFFF  }
0xa7: {  	s28 =	simm.s32 $_size_execute0_lowered;
	s3 =	sadd.s32 s3, s5;
	[dreg:$0x0] =	wrdreg $0x0  }
0xa8: {  	s5 =	sshll.u32 s28, $0x1;
	[dreg:$0x2] =	wrdreg s3  }
0xa9: {  	[dreg:$0x3] =	wrdreg s5  }
0xaa: {  	[dreg:$0x4] =	wrdreg $0xC0  }
0xab: {  	_ =	task [dreg:s7], $0x5FFFF  }
0xac: {  	[dreg:$0x1] =	wrdreg $0xFFFFFFFF  }
0xad: {  	[dreg:$0x0] =	wrdreg $0x60  }
0xae: {  	[dreg:$0x2] =	wrdreg s2  }
0xaf: {  	[dreg:$0x3] =	wrdreg s24  }
0xb0: {  	[dreg:$0x4] =	wrdreg $0xA  }
0xb1: {  	_ =	task.clear_ibuf [dreg:s7], $0x5FFFF;
	_ =	strace $0x90000046  }
0xb2: {  	s29 =	simm.s32 $0xA;
	_ =	strace $0x80000048  }
0xb3: {  	_ =	swait.ge [sflag:s29], $0x1  }
0xb4: {  	[sflag:s29] =	ssyncadd.s32 $0xFFFFFFFF  }
0xb5: {  	_ =	strace $0x90000048  }
0xb6: {  	_ =	sfence  }
0xb7: {  	s30 =	sld [smem:$0x0];
	_ =	sdelay $0x2  }
0xb8: {  	s31 =	sshll.u32 s1, $0xD;
	s1 =	sshrl.u32 s1, $0x2  }
0xb9: {  	s3 =	sand.u32 $0x4000, s31;
	s1 =	sadd.s32 s1, s30  }
0xba: {  	s0 =	sor.u32 s3, s0;
	s1 =	sshll.u32 s1, $0x11  }
0xbb: {  	s0 =	sor.u32 s1, s0  }
0xbc: {  	s0 =	sadd.s32 $0x8F2B, s0  }
0xbd: {  	[sflag:s0] =	ssyncadd.remote.s32 $0x1  }
0xbe: {  	_ =	sfence.sel $0xFFFF  }
0xbf: {  	[dreg:$0x0] =	wrdreg $0xFFFFFFFF;
	(pc) =	sbr.abs _section_cstart, $3  }
0xc0: {  	[dreg:$0x1] =	wrdreg $0xFFFFFFFF  }
0xc1: {  	_ =	task.clear_ibuf [dreg:s7], $0x2FFFF;
	_ =	strace $0x9FFFFFFF  }
0xc2: {  	(tm) =	ssettm $0x7FFFFFFF  }
0xc3: {  	_ =	shalt  }
tec
execute0_lowered:
.L_overlay_start_1:
0x0: {  	(tag) =	ssettag $0x1  }
0x1: {  	s1 =	rddreg [dreg:$0x0]  }
0x2: {  	s0 =	rddreg [dreg:$0x1];
	s2 =	simm.s32 $0x0;
	s4 =	srdreg.scid  }
0x3: {  	s18 =	stileid.u32;
	s28 =	simm.s32 $0x2;
	s29 =	simm.s32 $0x4  }
0x4: {  	s30 =	simm.s32 $0x0;
	[smem:$0x7FF] =	sst s2;
	s3 =	sadd.s32 $0x9E00, s0  }
0x5: {  	s5 =	sadd.s32 $0x7600, s0;
	s11 =	sadd.s32 $0xC600, s0;
	s0 =	sadd.s32 $0x144E00, s0  }
0x6: {  	s4 =	sand.u32 $0x1, s4;
	s17 =	sshll.u32 s18, $0xB;
	_ =	strace $0x80000047  }
0x7: {  	s6 =	ssub.s32 $0x2, s4;
	s7 =	sshll.u32 s4, $0x4;
	s14 =	sshll.u32 s4, $0xF  }
0x8: {  	s4 =	sshll.u32 s4, $0x8;
	s8 =	sshrl.u32 s6, $0x1;
	s15 =	sor.u32 s18, s7  }
0x9: {  	s16 =	sadd.s32 s14, s11;
	s12 =	ssub.s32 s6, s8;
	s19 =	sshll.u32 s15, $0x4  }
0xa: {  	s7 =	sshll.u32 s15, $0x7;
	s21 =	sshll.u32 s15, $0xB;
	s31 =	sadd.s32 s17, s16  }
0xb: {  	s16 =	sadd.s32 s4, s3;
	p0 =	sgt.u32 s15, $0x10;
	s20 =	sadd.s32 s3, s19  }
0xc: {  	s10 =	sor.u32 $0x13000, s7;
	s6 =	sadd.s32 s5, s19;
	[dreg:$0x3] =	wrdreg s31  }
0xd: {  	s22 =	sor.u32 $0x120000, s21;
	s12 =	smax.u32 s12, $0x1;
	[dreg:$0x4] =	wrdreg s20  }
0xe: {  	s19 =	simm.s32 $0x200;
	s21 =	simm.s32 $0x100;
	[dreg:$0x5] =	wrdreg s6  }
0xf: {  	s9 =	sshrl.u32 s10, $0x3;
	s23 =	sadd.s32 s11, s22;
	s24 =	sadd.s32 s0, s22  }
0x10: {  	s13 =	sshll.u32 s10, $0x4;
	s20 =	simm.s32 $0x8200;
	[dreg:$0x6] =	wrdreg s23  }
0x11: {  	s22 =	simm.s32 $0x180;
	[dreg:$0x7] =	wrdreg s24;
	s25 =	sadd.s32 s3, s9  }
0x12: {  	s26 =	sadd.s32 s5, s9;
	s10 =	sadd.s32 s11, s13;
	s11 =	sadd.s32 s0, s13  }
0x13: {  	s0 =	sadd.s32 s14, s0;
	s14 =	sshll.u32 s18, $0x4;
	s18 =	simm.s32 $0x80  }
0x14: {  	s23 =	simm.s32 $0x4200;
	s24 =	simm.s32 $0xC200;
	[dreg:$0x8] =	wrdreg s25  }
0x15: {  	[dreg:$0x9] =	wrdreg s26;
	s13 =	sadd.s32 s17, s0;
	s0 =	sadd.s32 s4, s5  }
0x16: {  	s17 =	simm.s32 $0x5;
	s25 =	simm.s32 $0x1;
	s26 =	simm.s32 $0x3  }
.LBB2_1:
0x17: {  	s3 =	rddreg [dreg:$0x4]  }
0x18: {  	[tilespmem:s2], [sflag:$0x5] =	stream.linear.gather [hbm4b:s3+s2], $0x80, $0x38;
	[tilespmem:$0x10200] =	vst v63  }
0x19: {  	_ =	swait.ge [sflag:s17], $0x80  }
0x1a: {  	[sflag:s17] =	ssyncset.done $0x0  }
0x1b: {  	s8 =	rddreg [dreg:$0x5];
	[sflag:s17] =	ssyncadd.s32 $0xFFFFFF80  }
0x1c: {  	[tilespmem:s18], [sflag:$0x5] =	stream.linear.gather [hbm4b:s8+s2], $0x80, $0x38;
	[tilespmem:$0x10200] =	vst v63  }
0x1d: {  	_ =	swait.ge [sflag:s17], $0x80  }
0x1e: {  	[sflag:s17] =	ssyncset.done $0x0  }
0x1f: {  	[sflag:s17] =	ssyncadd.s32 $0xFFFFFF80  }
0x20: {  	[tilespmem:s19], [sflag:$0x1] =	stream.indirect.gather [hbm4b:s1+s18], $0x80, s2, s18, $0xb8;
	[tilespmem:$0x10200] =	vst v63  }
0x21: {  	s9 =	sadd.s32 s16, s14  }
0x22: {  	[tilespmem:s20], [sflag:$0x3] =	stream.indirect.gather [hbm4b:s1+s18], $0x80, s18, s18, $0xb8;
	[tilespmem:$0x10200] =	vst v63  }
0x23: {  	s4 =	sadd.s32 $0x200, s9  }
0x24: {  	[tilespmem:s21], [sflag:$0x5] =	stream.linear.gather [hbm4b:s4+s2], $0x80, $0x38;
	[tilespmem:$0x10200] =	vst v63  }
0x25: {  	_ =	swait.ge [sflag:s17], $0x80  }
0x26: {  	s6 =	sadd.s32 s0, s14;
	[sflag:s17] =	ssyncset.done $0x0  }
0x27: {  	s5 =	sadd.s32 $0x200, s6;
	[sflag:s17] =	ssyncadd.s32 $0xFFFFFF80  }
0x28: {  	[tilespmem:s22], [sflag:$0x5] =	stream.linear.gather [hbm4b:s5+s2], $0x80, $0x38;
	[tilespmem:$0x10200] =	vst v63  }
0x29: {  	_ =	swait.ge [sflag:s17], $0x80  }
0x2a: {  	[sflag:s17] =	ssyncset.done $0x0  }
0x2b: {  	[sflag:s17] =	ssyncadd.s32 $0xFFFFFF80  }
0x2c: {  	[tilespmem:s23], [sflag:$0x2] =	stream.indirect.gather [hbm4b:s1+s18], $0x80, s21, s18, $0xb8;
	[tilespmem:$0x10200] =	vst v63  }
0x2d: {  	_ = 	snop  }
0x2e: {  	[tilespmem:s24], [sflag:$0x4] =	stream.indirect.gather [hbm4b:s1+s18], $0x80, s22, s18, $0xb8;
	[tilespmem:$0x10200] =	vst v63  }
0x2f: {  	_ =	swait.ge [sflag:s25], $0x4000  }
0x30: {  	s7 =	rddreg [dreg:$0x3];
	[sflag:s25] =	ssyncset.done $0x0  }
0x31: {  	[sflag:s25] =	ssyncadd.s32 $0xFFFFC000;
	s5 =	sadd.s32 $0x0, s7  }
0x32: {  	[hbm4b:s5+s2] =	stream.linear.scatter [tilespmem:s19], [sflag:$0x5], $0x4000, $0x38;
	[tilespmem:$0x10200] =	vst v63  }
0x33: {  	_ =	swait.ge [sflag:s17], $0x4000  }
0x34: {  	[sflag:s17] =	ssyncset.done $0x0  }
0x35: {  	[sflag:s17] =	ssyncadd.s32 $0xFFFFC000  }
0x36: {  	_ =	swait.ge [sflag:s26], $0x4000  }
0x37: {  	[sflag:s26] =	ssyncset.done $0x0  }
0x38: {  	s15 =	sadd.s32 $0x0, s13;
	[sflag:s26] =	ssyncadd.s32 $0xFFFFC000  }
0x39: {  	[hbm4b:s15+s2] =	stream.linear.scatter [tilespmem:s20], [sflag:$0x5], $0x4000, $0x38;
	[tilespmem:$0x10200] =	vst v63  }
0x3a: {  	_ =	swait.ge [sflag:s17], $0x4000  }
0x3b: {  	[sflag:s17] =	ssyncset.done $0x0  }
0x3c: {  	s3 =	sadd.s32 $0x400, s9;
	[sflag:s17] =	ssyncadd.s32 $0xFFFFC000  }
0x3d: {  	[tilespmem:s2], [sflag:$0x5] =	stream.linear.gather [hbm4b:s3+s2], $0x80, $0x38;
	[tilespmem:$0x10200] =	vst v63  }
0x3e: {  	_ =	swait.ge [sflag:s17], $0x80  }
0x3f: {  	[sflag:s17] =	ssyncset.done $0x0  }
0x40: {  	s8 =	sadd.s32 $0x400, s6;
	[sflag:s17] =	ssyncadd.s32 $0xFFFFFF80  }
0x41: {  	[tilespmem:s18], [sflag:$0x5] =	stream.linear.gather [hbm4b:s8+s2], $0x80, $0x38;
	[tilespmem:$0x10200] =	vst v63  }
0x42: {  	_ =	swait.ge [sflag:s17], $0x80  }
0x43: {  	[sflag:s17] =	ssyncset.done $0x0  }
0x44: {  	[sflag:s17] =	ssyncadd.s32 $0xFFFFFF80  }
0x45: {  	[tilespmem:s19], [sflag:$0x1] =	stream.indirect.gather [hbm4b:s1+s18], $0x80, s2, s18, $0xb8;
	[tilespmem:$0x10200] =	vst v63  }
0x46: {  	_ = 	snop  }
0x47: {  	[tilespmem:s20], [sflag:$0x3] =	stream.indirect.gather [hbm4b:s1+s18], $0x80, s18, s18, $0xb8;
	[tilespmem:$0x10200] =	vst v63  }
0x48: {  	_ =	swait.ge [sflag:s28], $0x4000  }
0x49: {  	[sflag:s28] =	ssyncset.done $0x0  }
0x4a: {  	s9 =	sadd.s32 $0x10000, s5;
	[sflag:s28] =	ssyncadd.s32 $0xFFFFC000  }
0x4b: {  	[hbm4b:s9+s2] =	stream.linear.scatter [tilespmem:s23], [sflag:$0x5], $0x4000, $0x38;
	[tilespmem:$0x10200] =	vst v63  }
0x4c: {  	_ =	swait.ge [sflag:s17], $0x4000  }
0x4d: {  	[sflag:s17] =	ssyncset.done $0x0  }
0x4e: {  	[sflag:s17] =	ssyncadd.s32 $0xFFFFC000  }
0x4f: {  	_ =	swait.ge [sflag:s29], $0x4000  }
0x50: {  	[sflag:s29] =	ssyncset.done $0x0  }
0x51: {  	s31 =	simm.s32 $0x20000;
	s15 =	sadd.s32 $0x10000, s15;
	[sflag:s29] =	ssyncadd.s32 $0xFFFFC000  }
0x52: {  	[hbm4b:s15+s2] =	stream.linear.scatter [tilespmem:s24], [sflag:$0x5], $0x4000, $0x38;
	[tilespmem:$0x10200] =	vst v63  }
0x53: {  	s4 =	simm.s32 $0x40000;
	s3 =	sadd.s32 $0x400, s16;
	_ =	swait.ge [sflag:s17], $0x4000  }
0x54: {  	s5 =	sadd.s32 s3, s14;
	s15 =	smov.u32 s0;
	[sflag:s17] =	ssyncset.done $0x0  }
.LBB2_2:
0x55: {  	s6 =	sadd.s32 $0x200, s5;
	[sflag:s17] =	ssyncadd.s32 $0xFFFFC000  }
0x56: {  	[tilespmem:s21], [sflag:$0x5] =	stream.linear.gather [hbm4b:s6+s2], $0x80, $0x38;
	[tilespmem:$0x10200] =	vst v63  }
0x57: {  	s15 =	sadd.s32 $0x400, s15;
	_ =	swait.ge [sflag:s17], $0x80  }
0x58: {  	s6 =	sadd.s32 s15, s14;
	[sflag:s17] =	ssyncset.done $0x0  }
0x59: {  	s8 =	sadd.s32 $0x200, s6;
	[sflag:s17] =	ssyncadd.s32 $0xFFFFFF80  }
0x5a: {  	[tilespmem:s22], [sflag:$0x5] =	stream.linear.gather [hbm4b:s8+s2], $0x80, $0x38;
	[tilespmem:$0x10200] =	vst v63  }
0x5b: {  	_ =	swait.ge [sflag:s17], $0x80  }
0x5c: {  	[sflag:s17] =	ssyncset.done $0x0  }
0x5d: {  	[sflag:s17] =	ssyncadd.s32 $0xFFFFFF80  }
0x5e: {  	[tilespmem:s23], [sflag:$0x2] =	stream.indirect.gather [hbm4b:s1+s18], $0x80, s21, s18, $0xb8;
	[tilespmem:$0x10200] =	vst v63  }
0x5f: {  	_ = 	snop  }
0x60: {  	[tilespmem:s24], [sflag:$0x4] =	stream.indirect.gather [hbm4b:s1+s18], $0x80, s22, s18, $0xb8;
	[tilespmem:$0x10200] =	vst v63  }
0x61: {  	_ =	swait.ge [sflag:s25], $0x4000  }
0x62: {  	s9 =	rddreg [dreg:$0x3];
	[sflag:s25] =	ssyncset.done $0x0  }
0x63: {  	[sflag:s25] =	ssyncadd.s32 $0xFFFFC000;
	s8 =	sadd.s32 s31, s9  }
0x64: {  	[hbm4b:s8+s2] =	stream.linear.scatter [tilespmem:s19], [sflag:$0x5], $0x4000, $0x38;
	[tilespmem:$0x10200] =	vst v63  }
0x65: {  	_ =	swait.ge [sflag:s17], $0x4000  }
0x66: {  	[sflag:s17] =	ssyncset.done $0x0  }
0x67: {  	[sflag:s17] =	ssyncadd.s32 $0xFFFFC000  }
0x68: {  	_ =	swait.ge [sflag:s26], $0x4000  }
0x69: {  	[sflag:s26] =	ssyncset.done $0x0  }
0x6a: {  	s9 =	sadd.s32 s31, s13;
	[sflag:s26] =	ssyncadd.s32 $0xFFFFC000  }
0x6b: {  	[hbm4b:s9+s2] =	stream.linear.scatter [tilespmem:s20], [sflag:$0x5], $0x4000, $0x38;
	[tilespmem:$0x10200] =	vst v63  }
0x6c: {  	_ =	swait.ge [sflag:s17], $0x4000  }
0x6d: {  	s7 =	smov.u32 s4;
	[sflag:s17] =	ssyncset.done $0x0  }
0x6e: {  	s31 =	smov.u32 s7;
	s7 =	sadd.s32 $0x400, s5;
	[sflag:s17] =	ssyncadd.s32 $0xFFFFC000  }
0x6f: {  	[tilespmem:s2], [sflag:$0x5] =	stream.linear.gather [hbm4b:s7+s2], $0x80, $0x38;
	[tilespmem:$0x10200] =	vst v63  }
0x70: {  	_ =	swait.ge [sflag:s17], $0x80  }
0x71: {  	[sflag:s17] =	ssyncset.done $0x0  }
0x72: {  	s7 =	sadd.s32 $0x400, s6;
	[sflag:s17] =	ssyncadd.s32 $0xFFFFFF80  }
0x73: {  	[tilespmem:s18], [sflag:$0x5] =	stream.linear.gather [hbm4b:s7+s2], $0x80, $0x38;
	[tilespmem:$0x10200] =	vst v63  }
0x74: {  	_ =	swait.ge [sflag:s17], $0x80  }
0x75: {  	[sflag:s17] =	ssyncset.done $0x0  }
0x76: {  	[sflag:s17] =	ssyncadd.s32 $0xFFFFFF80  }
0x77: {  	[tilespmem:s19], [sflag:$0x1] =	stream.indirect.gather [hbm4b:s1+s18], $0x80, s2, s18, $0xb8;
	[tilespmem:$0x10200] =	vst v63  }
0x78: {  	_ = 	snop  }
0x79: {  	[tilespmem:s20], [sflag:$0x3] =	stream.indirect.gather [hbm4b:s1+s18], $0x80, s18, s18, $0xb8;
	[tilespmem:$0x10200] =	vst v63  }
0x7a: {  	_ =	swait.ge [sflag:s28], $0x4000  }
0x7b: {  	[sflag:s28] =	ssyncset.done $0x0  }
0x7c: {  	s8 =	sadd.s32 $0x10000, s8;
	[sflag:s28] =	ssyncadd.s32 $0xFFFFC000  }
0x7d: {  	[hbm4b:s8+s2] =	stream.linear.scatter [tilespmem:s23], [sflag:$0x5], $0x4000, $0x38;
	[tilespmem:$0x10200] =	vst v63  }
0x7e: {  	_ =	swait.ge [sflag:s17], $0x4000  }
0x7f: {  	[sflag:s17] =	ssyncset.done $0x0  }
0x80: {  	[sflag:s17] =	ssyncadd.s32 $0xFFFFC000  }
0x81: {  	p1 =	sne.s32 s4, $0x100000;
	_ =	swait.ge [sflag:s29], $0x4000  }
.Ltmp0:
0x82: {  	[sflag:s29] =	ssyncset.done $0x0;
	(pc) =	sbr.rel @p1 .LBB2_2-.Ltmp0, $4  }
0x83: {  	s9 =	sadd.s32 $0x10000, s9;
	[sflag:s29] =	ssyncadd.s32 $0xFFFFC000  }
0x84: {  	[hbm4b:s9+s2] =	stream.linear.scatter [tilespmem:s24], [sflag:$0x5], $0x4000, $0x38;
	[tilespmem:$0x10200] =	vst v63  }
0x85: {  	s3 =	sadd.s32 $0x400, s3;
	_ =	swait.ge [sflag:s17], $0x4000  }
0x86: {  	s4 =	sadd.s32 $0x20000, s4;
	s5 =	sadd.s32 s3, s14;
	[sflag:s17] =	ssyncset.done $0x0  }
0x87: {  	s3 =	sadd.s32 $0x200, s5;
	[sflag:s17] =	ssyncadd.s32 $0xFFFFC000  }
0x88: {  	[tilespmem:s21], [sflag:$0x5] =	stream.linear.gather [hbm4b:s3+s2], $0x80, $0x38;
	[tilespmem:$0x10200] =	vst v63  }
0x89: {  	s4 =	sadd.s32 $0x400, s15;
	_ =	swait.ge [sflag:s17], $0x80  }
0x8a: {  	s3 =	sadd.s32 s4, s14;
	[sflag:s17] =	ssyncset.done $0x0  }
0x8b: {  	s4 =	sadd.s32 $0x200, s3;
	[sflag:s17] =	ssyncadd.s32 $0xFFFFFF80  }
0x8c: {  	[tilespmem:s22], [sflag:$0x5] =	stream.linear.gather [hbm4b:s4+s2], $0x80, $0x38;
	[tilespmem:$0x10200] =	vst v63  }
0x8d: {  	_ =	swait.ge [sflag:s17], $0x80  }
0x8e: {  	[sflag:s17] =	ssyncset.done $0x0  }
0x8f: {  	[sflag:s17] =	ssyncadd.s32 $0xFFFFFF80  }
0x90: {  	[tilespmem:s23], [sflag:$0x2] =	stream.indirect.gather [hbm4b:s1+s18], $0x80, s21, s18, $0xb8;
	[tilespmem:$0x10200] =	vst v63  }
0x91: {  	_ = 	snop  }
0x92: {  	[tilespmem:s24], [sflag:$0x4] =	stream.indirect.gather [hbm4b:s1+s18], $0x80, s22, s18, $0xb8;
	[tilespmem:$0x10200] =	vst v63  }
0x93: {  	_ =	swait.ge [sflag:s25], $0x4000  }
0x94: {  	s6 =	rddreg [dreg:$0x3];
	[sflag:s25] =	ssyncset.done $0x0  }
0x95: {  	[sflag:s25] =	ssyncadd.s32 $0xFFFFC000;
	s4 =	sadd.s32 s31, s6  }
0x96: {  	[hbm4b:s4+s2] =	stream.linear.scatter [tilespmem:s19], [sflag:$0x5], $0x4000, $0x38;
	[tilespmem:$0x10200] =	vst v63  }
0x97: {  	_ =	swait.ge [sflag:s17], $0x4000  }
0x98: {  	[sflag:s17] =	ssyncset.done $0x0  }
0x99: {  	[sflag:s17] =	ssyncadd.s32 $0xFFFFC000  }
0x9a: {  	_ =	swait.ge [sflag:s26], $0x4000  }
0x9b: {  	[sflag:s26] =	ssyncset.done $0x0  }
0x9c: {  	s6 =	sadd.s32 s31, s13;
	[sflag:s26] =	ssyncadd.s32 $0xFFFFC000  }
0x9d: {  	[hbm4b:s6+s2] =	stream.linear.scatter [tilespmem:s20], [sflag:$0x5], $0x4000, $0x38;
	[tilespmem:$0x10200] =	vst v63  }
0x9e: {  	_ =	swait.ge [sflag:s17], $0x4000  }
0x9f: {  	[sflag:s17] =	ssyncset.done $0x0  }
0xa0: {  	s7 =	sadd.s32 $0x400, s5;
	[sflag:s17] =	ssyncadd.s32 $0xFFFFC000  }
0xa1: {  	[tilespmem:s2], [sflag:$0x5] =	stream.linear.gather [hbm4b:s7+s2], $0x80, $0x38;
	[tilespmem:$0x10200] =	vst v63  }
0xa2: {  	_ =	swait.ge [sflag:s17], $0x80  }
0xa3: {  	[sflag:s17] =	ssyncset.done $0x0  }
0xa4: {  	s3 =	sadd.s32 $0x400, s3;
	[sflag:s17] =	ssyncadd.s32 $0xFFFFFF80  }
0xa5: {  	[tilespmem:s18], [sflag:$0x5] =	stream.linear.gather [hbm4b:s3+s2], $0x80, $0x38;
	[tilespmem:$0x10200] =	vst v63  }
0xa6: {  	_ =	swait.ge [sflag:s17], $0x80  }
0xa7: {  	[sflag:s17] =	ssyncset.done $0x0  }
0xa8: {  	[sflag:s17] =	ssyncadd.s32 $0xFFFFFF80  }
0xa9: {  	[tilespmem:s19], [sflag:$0x1] =	stream.indirect.gather [hbm4b:s1+s18], $0x80, s2, s18, $0xb8;
	[tilespmem:$0x10200] =	vst v63  }
0xaa: {  	_ = 	snop  }
0xab: {  	[tilespmem:s20], [sflag:$0x3] =	stream.indirect.gather [hbm4b:s1+s18], $0x80, s18, s18, $0xb8;
	[tilespmem:$0x10200] =	vst v63  }
0xac: {  	_ =	swait.ge [sflag:s28], $0x4000  }
0xad: {  	[sflag:s28] =	ssyncset.done $0x0  }
0xae: {  	s8 =	sadd.s32 $0x10000, s4;
	[sflag:s28] =	ssyncadd.s32 $0xFFFFC000  }
0xaf: {  	[hbm4b:s8+s2] =	stream.linear.scatter [tilespmem:s23], [sflag:$0x5], $0x4000, $0x38;
	[tilespmem:$0x10200] =	vst v63  }
0xb0: {  	_ =	swait.ge [sflag:s17], $0x4000  }
0xb1: {  	[sflag:s17] =	ssyncset.done $0x0  }
0xb2: {  	[sflag:s17] =	ssyncadd.s32 $0xFFFFC000  }
0xb3: {  	_ =	swait.ge [sflag:s29], $0x4000  }
0xb4: {  	[sflag:s29] =	ssyncset.done $0x0  }
0xb5: {  	s9 =	sadd.s32 $0x10000, s6;
	[sflag:s29] =	ssyncadd.s32 $0xFFFFC000  }
0xb6: {  	[hbm4b:s9+s2] =	stream.linear.scatter [tilespmem:s24], [sflag:$0x5], $0x4000, $0x38;
	[tilespmem:$0x10200] =	vst v63  }
0xb7: {  	_ =	swait.ge [sflag:s17], $0x4000  }
0xb8: {  	[sflag:s17] =	ssyncset.done $0x0  }
0xb9: {  	[sflag:s17] =	ssyncadd.s32 $0xFFFFC000  }
0xba: {  	_ =	swait.ge [sflag:s25], $0x4000  }
0xbb: {  	[sflag:s25] =	ssyncset.done $0x0  }
0xbc: {  	s15 =	rddreg [dreg:$0x6];
	[sflag:s25] =	ssyncadd.s32 $0xFFFFC000  }
0xbd: {  	[hbm4b:s15+s2] =	stream.linear.scatter [tilespmem:s19], [sflag:$0x5], $0x4000, $0x38;
	[tilespmem:$0x10200] =	vst v63  }
0xbe: {  	_ =	swait.ge [sflag:s17], $0x4000  }
0xbf: {  	[sflag:s17] =	ssyncset.done $0x0  }
0xc0: {  	[sflag:s17] =	ssyncadd.s32 $0xFFFFC000  }
0xc1: {  	_ =	swait.ge [sflag:s26], $0x4000  }
0xc2: {  	[sflag:s26] =	ssyncset.done $0x0  }
0xc3: {  	s31 =	rddreg [dreg:$0x7];
	[sflag:s26] =	ssyncadd.s32 $0xFFFFC000  }
0xc4: {  	[hbm4b:s31+s2] =	stream.linear.scatter [tilespmem:s20], [sflag:$0x5], $0x4000, $0x38;
	[tilespmem:$0x10200] =	vst v63  }
0xc5: {  	_ =	swait.ge [sflag:s17], $0x4000  }
0xc6: {  	s4 =	simm.s32 @!p0 $0x100;
	[sflag:s17] =	ssyncset.done $0x0  }
0xc7: {  	s3 =	simm.s32 @!p0 $0x0;
	s5 =	rddreg [dreg:$0x8];
	[sflag:s17] =	ssyncadd.s32 $0xFFFFC000  }
0xc8: {  	[tilespmem:s4], [sflag:$0x5] =	stream.linear.gather @!p0 [hbm4b:s5+s3], $0x80, $0x38;
	[tilespmem:$0x10200] =	vst v63  }
0xc9: {  	s5 =	simm.s32 @!p0 $0x5  }
0xca: {  	_ =	swait.ge @!p0 [sflag:s5], $0x80  }
0xcb: {  	[sflag:s5] =	ssyncset.done @!p0 $0x0  }
0xcc: {  	s6 =	simm.s32 @!p0 $0x180;
	s7 =	rddreg [dreg:$0x9];
	[sflag:s5] =	ssyncadd.s32 @!p0 $0xFFFFFF80  }
0xcd: {  	[tilespmem:s6], [sflag:$0x5] =	stream.linear.gather @!p0 [hbm4b:s7+s3], $0x80, $0x38;
	[tilespmem:$0x10200] =	vst v63  }
0xce: {  	_ =	swait.ge @!p0 [sflag:s5], $0x80  }
0xcf: {  	[sflag:s5] =	ssyncset.done @!p0 $0x0  }
0xd0: {  	s8 =	simm.s32 @!p0 $0x4200;
	s7 =	simm.s32 @!p0 $0x80;
	[sflag:s5] =	ssyncadd.s32 @!p0 $0xFFFFFF80  }
0xd1: {  	[tilespmem:s8], [sflag:$0x2] =	stream.indirect.gather @!p0 [hbm4b:s1+s7], $0x80, s4, s7, $0xb8;
	[tilespmem:$0x10200] =	vst v63  }
0xd2: {  	s4 =	simm.s32 @!p0 $0xC200  }
0xd3: {  	[tilespmem:s4], [sflag:$0x4] =	stream.indirect.gather @!p0 [hbm4b:s1+s7], $0x80, s6, s7, $0xb8;
	[tilespmem:$0x10200] =	vst v63  }
0xd4: {  	s6 =	simm.s32 @!p0 $0x2  }
0xd5: {  	_ =	swait.ge @!p0 [sflag:s6], $0x4000  }
0xd6: {  	[sflag:s6] =	ssyncset.done @!p0 $0x0  }
0xd7: {  	[sflag:s6] =	ssyncadd.s32 @!p0 $0xFFFFC000  }
0xd8: {  	[hbm4b:s10+s3] =	stream.linear.scatter @!p0 [tilespmem:s8], [sflag:$0x5], $0x4000, $0x38;
	[tilespmem:$0x10200] =	vst v63  }
0xd9: {  	_ =	swait.ge @!p0 [sflag:s5], $0x4000  }
0xda: {  	[sflag:s5] =	ssyncset.done @!p0 $0x0  }
0xdb: {  	s6 =	simm.s32 @!p0 $0x4;
	[sflag:s5] =	ssyncadd.s32 @!p0 $0xFFFFC000  }
0xdc: {  	s30 =	sadd.s32 $0x1, s30;
	_ =	swait.ge @!p0 [sflag:s6], $0x4000  }
0xdd: {  	p1 =	sne.s32 s30, s12;
	[sflag:s6] =	ssyncset.done @!p0 $0x0  }
.Ltmp1:
0xde: {  	[sflag:s6] =	ssyncadd.s32 @!p0 $0xFFFFC000;
	(pc) =	sbr.rel @p1 .LBB2_1-.Ltmp1, $4  }
0xdf: {  	[hbm4b:s11+s3] =	stream.linear.scatter @!p0 [tilespmem:s4], [sflag:$0x5], $0x4000, $0x38;
	[tilespmem:$0x10200] =	vst v63  }
0xe0: {  	_ =	swait.ge @!p0 [sflag:s5], $0x4000  }
0xe1: {  	[sflag:s5] =	ssyncset.done @!p0 $0x0  }
0xe2: {  	[sflag:s5] =	ssyncadd.s32 @!p0 $0xFFFFC000  }
0xe3: {  	_ =	sfence.sel $0x180000  }
0xe4: {  	[bflag:$0x0] =	sbarrier.arrive $0xFFFF  }
0xe5: {  	_ =	strace $0x90000047  }
0xe6: {  	s0 =	stileid.u32;
	[bflag:$0x2] =	sbarrier.arrive $0xFFFF  }
0xe7: {  	p0 =	sne.s32 s0, $0x0;
	s0 =	rddreg [dreg:$0x2]  }
0xe8: {  	s0 =	sadd.s32 @!p0 $0x100000, s0  }
0xe9: {  	[sflag:s0] =	ssyncadd.tile.s32 @!p0 $0x1;
	_ =	shalt  }
.Lfunc_end2:
_tile_overlayer_lowered:
.L_overlay_start_2:
0xea: {  	(tag) =	ssettag $0x2  }
0xeb: {  	s0 =	rddreg [dreg:$0x0];
	s2 =	stileid.u32  }
0xec: {  	s1 =	rddreg [dreg:$0x1];
	p0 =	sne.s32 s2, $0x0  }
0xed: {  	s3 =	rddreg [dreg:$0x2];
	[bflag:$0x3] =	sbarrier.arrive $0xFFFF;
	s2 =	simm.s32 @!p0 $0x1C05  }
0xee: {  	[timem:s3], [sflag:s2] =	dma.local @!p0 [hbm:s0], s1  }
0xef: {  	s0 =	simm.s32 @!p0 $0x5  }
0xf0: {  	_ =	swait.ge @!p0 [sflag:s0], s1  }
0xf1: {  	s1 =	ssub.s32 @!p0 $0x0, s1;
	[sflag:s0] =	ssyncset.done @!p0 $0x0  }
0xf2: {  	[sflag:s0] =	ssyncadd.s32 @!p0 s1  }
0xf3: {  	[bflag:$0x3] =	sbarrier.arrive $0xFFFF  }
0xf4: {  	_ =	shalt  }

// kernel: kernel.17.cloned.1.call-start
scs
__scs_entry_jumppad:
0x0: {  	(pc) =	sbr.rel $0x88, $3  }
0x1: {  	(tag) =	ssettag $0x0;
	lr =	simm.s32 $0x1  }
0x2: {  	[smem:$0x3F90] =	sst lr;
	_ =	strace $0xD0000000  }
0x3: {  	_ = 	snop  }
0x4: {  	_ = 	snop  }
0x5: {  	_ = 	snop  }
0x6: {  	_ = 	snop  }
0x7: {  	_ = 	snop  }
__scs_overlays_trampoline_lowered:
0x8: {  	[smem:$0x3F9F] =	sst s0  }
0x9: {  	[smem:$0x3FA0] =	sst s1  }
0xa: {  	[smem:$0x3FA1] =	sst s2  }
0xb: {  	[smem:$0x3FA2] =	sst s3  }
0xc: {  	[smem:$0x3FA3] =	sst s4  }
0xd: {  	[smem:$0x3FA4] =	sst s5  }
0xe: {  	[smem:$0x3FA5] =	sst s6  }
0xf: {  	[smem:$0x3FA6] =	sst s7  }
0x10: {  	[smem:$0x3FA7] =	sst s8  }
0x11: {  	[smem:$0x3FA8] =	sst s9;
	s0 =	simm.s32 @!p0 $0x0  }
0x12: {  	s1 =	sld [smem:$0x3F8E];
	s0 =	simm.s32 @p0 $0x1  }
0x13: {  	[smem:$0x3FA9] =	sst s0;
	s0 =	simm.s32 @!p1 $0x0  }
0x14: {  	s2 =	sld [smem:$0x3F8D];
	s0 =	simm.s32 @p1 $0x1  }
0x15: {  	[smem:$0x3FAA] =	sst s0;
	s0 =	simm.s32 @!p2 $0x0  }
0x16: {  	s3 =	sld [smem:$0x3FDB];
	s0 =	simm.s32 @p2 $0x1  }
0x17: {  	s4 =	simm.s32 $0x1BF5;
	[smem:$0x3FAC] =	sst s0  }
0x18: {  	s0 =	sld [smem:$0x3F8F];
	_ =	swait.ge [sflag:s4], $0x0  }
0x19: {  	s7 =	sld [smem:$0x3F90]  }
0x1a: {  	s8 =	sadd.s32 $0xFFFFE003, lr  }
0x1b: {  	s9 =	sadd.s32 $0xFFFFFEF7, lr;
	s5 =	simm.s32 $0xFFFFFFFF;
	p2 =	slt.u32 s8, $0xFFFFF086  }
0x1c: {  	p1 =	slt.u32 s9, $0xF7A;
	s5 =	simm.s32 @!p2 $0x0  }
0x1d: {  	s5 =	simm.s32 @p1 $0x1;
	p0 =	seq.s32 s7, s2  }
0x1e: {  	s7 =	smul.u32 @!p0 $0xF7A, s2;
	p2 =	seq.s32 @!p0 s5, $0x0  }
0x1f: {  	s9 =	smul.u32 $0xF7A, s1;
	s8 =	simm.s32 @!p0 $0x1BF5;
	p2 =	por !p2, p0  }
0x20: {  	[sflag:s8] =	ssyncset.s32 @!p0 $0xFFFFF086;
	s6 =	sadd.s32 @!p0 s3, s7;
	s7 =	simm.s32 @!p0 $0x108  }
0x21: {  	s3 =	sadd.s32 s3, s9;
	s6 =	sadd.s32 @!p0 $0x88, s6;
	s7 =	simm.s32 @p2 $0x1082  }
0x22: {  	[simem:s7], [sflag:s8] =	dma.local @!p0 [hbm:s6], $0xF7A  }
0x23: {  	s9 =	sor.u32 $0xD0000000, s2;
	s6 =	simm.s32 $0x108;
	_ =	swait.ge @!p0 [sflag:s8], $0x0  }
0x24: {  	s3 =	sadd.s32 $0x88, s3;
	s6 =	simm.s32 @!p1 $0x1082;
	[sflag:s4] =	ssyncset.s32 $0xFFFFF086  }
0x25: {  	[simem:s6], [sflag:s4] =	dma.local [hbm:s3], $0xF7A  }
0x26: {  	[smem:$0x3F90] =	sst s1;
	(tag) =	ssettag s2;
	_ =	strace s9  }
0x27: {  	s1 =	sld [smem:$0x3FA0]  }
0x28: {  	s2 =	sld [smem:$0x3FA1]  }
0x29: {  	s4 =	sld [smem:$0x3FA3]  }
0x2a: {  	p0 =	seq.s32 s5, $0x0;
	s5 =	sld [smem:$0x3FA4]  }
0x2b: {  	s6 =	sld [smem:$0x3FA5]  }
0x2c: {  	s7 =	sld [smem:$0x3FA6]  }
0x2d: {  	s3 =	simm.s32 $0x108;
	s8 =	sld [smem:$0x3FA7]  }
0x2e: {  	s3 =	simm.s32 @!p0 $0x1082;
	s9 =	sld [smem:$0x3FA8]  }
0x2f: {  	lr =	sadd.s32 s0, s3;
	s0 =	sld [smem:$0x3F9F]  }
0x30: {  	s3 =	sld [smem:$0x3FA2]  }
0x31: {  	[smem:$0x3FAB] =	sst s10  }
0x32: {  	s10 =	sld [smem:$0x3FA9];
	_ =	sdelay $0x3  }
0x33: {  	p0 =	seq.s32 s10, $0x1;
	s10 =	sld [smem:$0x3FAB];
	_ =	sdelay $0x3  }
0x34: {  	[smem:$0x3FAB] =	sst s10  }
0x35: {  	s10 =	sld [smem:$0x3FAA];
	_ =	sdelay $0x3  }
0x36: {  	p1 =	seq.s32 s10, $0x1;
	s10 =	sld [smem:$0x3FAB];
	_ =	sdelay $0x3  }
0x37: {  	[smem:$0x3FAB] =	sst s10  }
0x38: {  	s10 =	sld [smem:$0x3FAC]  }
0x39: {  	_ = 	snop;
	(pc) =	sbr.ind lr, $3  }
0x3a: {  	_ = 	snop  }
0x3b: {  	_ = 	snop  }
0x3c: {  	p2 =	seq.s32 s10, $0x1;
	s10 =	sld [smem:$0x3FAB]  }
0x3d: {  	_ =	shalt  }
0x3e: {  	_ =	shalt  }
0x3f: {  	_ =	shalt  }
0x40: {  	_ =	shalt  }
0x41: {  	_ =	shalt  }
0x42: {  	_ =	shalt  }
0x43: {  	_ =	shalt  }
0x44: {  	_ =	shalt  }
0x45: {  	_ =	shalt  }
0x46: {  	_ =	shalt  }
0x47: {  	_ =	shalt  }
0x48: {  	_ =	shalt  }
0x49: {  	_ =	shalt  }
0x4a: {  	_ =	shalt  }
0x4b: {  	_ =	shalt  }
0x4c: {  	_ =	shalt  }
0x4d: {  	_ =	shalt  }
0x4e: {  	_ =	shalt  }
0x4f: {  	_ =	shalt  }
0x50: {  	_ =	shalt  }
0x51: {  	_ =	shalt  }
0x52: {  	_ =	shalt  }
0x53: {  	_ =	shalt  }
0x54: {  	_ =	shalt  }
0x55: {  	_ =	shalt  }
0x56: {  	_ =	shalt  }
0x57: {  	_ =	shalt  }
0x58: {  	_ =	shalt  }
0x59: {  	_ =	shalt  }
0x5a: {  	_ =	shalt  }
0x5b: {  	_ =	shalt  }
0x5c: {  	_ =	shalt  }
0x5d: {  	_ =	shalt  }
0x5e: {  	_ =	shalt  }
0x5f: {  	_ =	shalt  }
0x60: {  	_ =	shalt  }
0x61: {  	_ =	shalt  }
0x62: {  	_ =	shalt  }
0x63: {  	_ =	shalt  }
0x64: {  	_ =	shalt  }
0x65: {  	_ =	shalt  }
0x66: {  	_ =	shalt  }
0x67: {  	_ =	shalt  }
0x68: {  	_ =	shalt  }
0x69: {  	_ =	shalt  }
0x6a: {  	_ =	shalt  }
0x6b: {  	_ =	shalt  }
0x6c: {  	_ =	shalt  }
0x6d: {  	_ =	shalt  }
0x6e: {  	_ =	shalt  }
0x6f: {  	_ =	shalt  }
0x70: {  	_ =	shalt  }
0x71: {  	_ =	shalt  }
0x72: {  	_ =	shalt  }
0x73: {  	_ =	shalt  }
0x74: {  	_ =	shalt  }
0x75: {  	_ =	shalt  }
0x76: {  	_ =	shalt  }
0x77: {  	_ =	shalt  }
0x78: {  	_ =	shalt  }
0x79: {  	_ =	shalt  }
0x7a: {  	_ =	shalt  }
0x7b: {  	_ =	shalt  }
0x7c: {  	_ =	shalt  }
0x7d: {  	_ =	shalt  }
0x7e: {  	_ =	shalt  }
0x7f: {  	_ =	shalt  }
0x80: {  	_ =	shalt  }
0x81: {  	_ =	shalt  }
0x82: {  	_ =	shalt  }
0x83: {  	_ =	shalt  }
0x84: {  	_ =	shalt  }
0x85: {  	_ =	shalt  }
0x86: {  	_ =	shalt  }
0x87: {  	_ =	shalt  }
.Lfunc_end0:
.L_simem_size_0:
called_computation.1_lowered:
.L_overlay_start_0:
0x88: {  	s2 =	sld [smem:$0x3FD9]  }
0x89: {  	s3 =	sld [smem:$0x3FFE];
	_ =	sdelay $0x1  }
0x8a: {  	s1 =	srdreg.scid  }
0x8b: {  	s0 =	sand.u32 $0x1, s1  }
0x8c: {  	s17 =	sshll.u32 s0, $0xA;
	s2 =	sadd.s32 s3, s2  }
0x8d: {  	s2 =	sadd.s32 s2, s17  }
0x8e: {  	[smem:$0x3FB7] =	sst s2  }
0x8f: {  	_ = 	snop  }
0x90: {  	s18 =	sld [smem:$0x3FC9];
	(tm) =	ssettm $0x1  }
0x91: {  	s19 =	sld [smem:$0x3FFB];
	_ =	sdelay $0x3  }
0x92: {  	_ =	strace s19  }
0x93: {  	s2 =	sld [smem:$0x3FFC];
	_ =	sdelay $0x3  }
0x94: {  	_ =	strace s2  }
0x95: {  	s2 =	sld [smem:$0x3FFD];
	_ =	sdelay $0x3  }
0x96: {  	_ =	strace s2  }
0x97: {  	_ =	strace $0x8FFFFFFF  }
0x98: {  	s20 =	sld [smem:$0x3FDB];
	_ =	sdelay $0x1  }
0x99: {  	s4 =	simm.s32 $_scs_section_size  }
0x9a: {  	s5 =	simm.s32 $_size__tile_overlayer_lowered;
	s6 =	simm.s32 $_tile_overlayer_lowered  }
0x9b: {  	s7 =	simm.s32 $0x1BFF;
	s21 =	sshll.u32 s6, $0x1;
	s4 =	sadd.s32 s4, s20  }
0x9c: {  	s22 =	simm.s32 $0x0;
	s5 =	sshll.u32 s5, $0x1;
	s6 =	sadd.s32 s21, s4  }
0x9d: {  	[timem:s22], [sflag:s7] =	dma.local [hbm:s6], s5  }
0x9e: {  	_ =	swait.ge [sflag:s7], s5  }
0x9f: {  	s5 =	ssub.s32 $0x0, s5;
	[sflag:s7] =	ssyncset.done $0x0  }
0xa0: {  	[sflag:s7] =	ssyncadd.s32 s5;
	_ =	sdelay $0x1  }
0xa1: {  	s23 =	simm.s32 $0x1B8B  }
0xa2: {  	_ =	swait.ge [sflag:s23], $0x1  }
0xa3: {  	[sflag:s23] =	ssyncset.done $0x0  }
0xa4: {  	[sflag:s23] =	ssyncadd.s32 $0xFFFFFFFF  }
0xa5: {  	s5 =	sld [smem:$0x0]  }
0xa6: {  	s6 =	sand.u32 $0xFFFFFFFE, s1  }
0xa7: {  	p0 =	sne.s32 s1, s6  }
0xa8: {  	s6 =	sshll.u32 @p0 s6, $0xE  }
0xa9: {  	s6 =	sadd.s32 @p0 $0x11B8D, s6;
	s7 =	sshll.u32 @p0 s5, $0x11  }
0xaa: {  	s6 =	sor.u32 @p0 s7, s6  }
0xab: {  	[sflag:s6] =	ssyncadd.remote.s32 @p0 $0x1;
	_ =	sdelay $0x1  }
0xac: {  	s6 =	simm.s32 @p0 $0x1B8D  }
0xad: {  	_ =	swait.eq @p0 [sflag:s6], $0x1  }
0xae: {  	[sflag:s6] =	ssyncadd.s32 @p0 $0xFFFFFFFF  }
0xaf: {  	s7 =	sshll.u32 @!p0 s1, $0xE  }
0xb0: {  	s7 =	sor.u32 @!p0 $0x4000, s7;
	s6 =	simm.s32 @!p0 $0x1B8D  }
0xb1: {  	s5 =	sshll.u32 @!p0 s5, $0x11;
	s7 =	sadd.s32 @!p0 $0x11B8D, s7;
	_ =	swait.eq @!p0 [sflag:s6], $0x1  }
0xb2: {  	s5 =	sor.u32 @!p0 s5, s7;
	[sflag:s6] =	ssyncadd.s32 @!p0 $0xFFFFFFFF  }
0xb3: {  	s25 =	simm.s32 $0x1B8E;
	s24 =	sld [smem:$0x3FFE];
	[sflag:s5] =	ssyncadd.remote.s32 @!p0 $0x1  }
0xb4: {  	s26 =	simm.s32 $execute0_lowered;
	[smem:$0x3FD2] =	sst s25  }
0xb5: {  	s6 =	sshll.u32 s26, $0x1;
	_ =	strace $0x80000049;
	[dreg:$0x1] =	wrdreg $0xFFFFFFFF  }
0xb6: {  	s28 =	simm.s32 $_size_execute0_lowered;
	s4 =	sadd.s32 s4, s6;
	[dreg:$0x0] =	wrdreg $0x0  }
0xb7: {  	s6 =	sshll.u32 s28, $0x1;
	[dreg:$0x2] =	wrdreg s4  }
0xb8: {  	[dreg:$0x3] =	wrdreg s6  }
0xb9: {  	[dreg:$0x4] =	wrdreg $0xC0  }
0xba: {  	_ =	task [dreg:s22], $0x5FFFF  }
0xbb: {  	[dreg:$0x1] =	wrdreg $0xFFFFFFFF  }
0xbc: {  	[dreg:$0x0] =	wrdreg $0x60  }
0xbd: {  	[dreg:$0x2] =	wrdreg s18  }
0xbe: {  	[dreg:$0x3] =	wrdreg s24  }
0xbf: {  	[dreg:$0x4] =	wrdreg $0x9  }
0xc0: {  	_ =	task.clear_ibuf [dreg:s22], $0x5FFFF;
	_ =	strace $0x90000049  }
0xc1: {  	s29 =	simm.s32 $0x9;
	_ =	strace $0x8000004B  }
0xc2: {  	_ =	swait.ge [sflag:s29], $0x1  }
0xc3: {  	[sflag:s29] =	ssyncadd.s32 $0xFFFFFFFF  }
0xc4: {  	_ =	strace $0x9000004B  }
0xc5: {  	_ =	sfence  }
0xc6: {  	s30 =	sld [smem:$0x0];
	_ =	sdelay $0x2  }
0xc7: {  	s31 =	sshll.u32 s1, $0xD;
	s1 =	sshrl.u32 s1, $0x2  }
0xc8: {  	s4 =	sand.u32 $0x4000, s31;
	s1 =	sadd.s32 s1, s30  }
0xc9: {  	s0 =	sor.u32 s4, s0;
	s1 =	sshll.u32 s1, $0x11  }
0xca: {  	s0 =	sor.u32 s1, s0  }
0xcb: {  	s0 =	sadd.s32 $0x8F2B, s0  }
0xcc: {  	[sflag:s0] =	ssyncadd.remote.s32 $0x1  }
0xcd: {  	_ =	sfence.sel $0xFFFF  }
0xce: {  	[dreg:$0x0] =	wrdreg $0xFFFFFFFF;
	(pc) =	sbr.abs _section_cstart, $3  }
0xcf: {  	[dreg:$0x1] =	wrdreg $0xFFFFFFFF  }
0xd0: {  	_ =	task.clear_ibuf [dreg:s22], $0x2FFFF;
	_ =	strace $0x9FFFFFFF  }
0xd1: {  	(tm) =	ssettm $0x7FFFFFFF  }
tec
execute0_lowered:
.L_overlay_start_1:
0x0: {  	(tag) =	ssettag $0x1  }
0x1: {  	s1 =	rddreg [dreg:$0x0]  }
0x2: {  	s0 =	rddreg [dreg:$0x1];
	s2 =	simm.s32 $0x0;
	s4 =	srdreg.scid  }
0x3: {  	s18 =	stileid.u32;
	s28 =	simm.s32 $0x2;
	[smem:$0x7FF] =	sst s2  }
0x4: {  	s29 =	simm.s32 $0x4;
	s3 =	sadd.s32 $0x27D600, s0;
	s5 =	sadd.s32 $0x27FE00, s0  }
0x5: {  	s30 =	simm.s32 $0x0;
	s11 =	sadd.s32 $0x282600, s0;
	s0 =	sadd.s32 $0x3BAE00, s0  }
0x6: {  	s4 =	sand.u32 $0x1, s4;
	s17 =	sshll.u32 s18, $0xB;
	_ =	strace $0x8000004A  }
0x7: {  	s6 =	ssub.s32 $0x2, s4;
	s7 =	sshll.u32 s4, $0x4;
	s14 =	sshll.u32 s4, $0xF  }
0x8: {  	s4 =	sshll.u32 s4, $0x8;
	s8 =	sshrl.u32 s6, $0x1;
	s15 =	sor.u32 s18, s7  }
0x9: {  	s16 =	sadd.s32 s14, s11;
	s12 =	ssub.s32 s6, s8;
	s19 =	sshll.u32 s15, $0x4  }
0xa: {  	s7 =	sshll.u32 s15, $0x7;
	s21 =	sshll.u32 s15, $0xB;
	s31 =	sadd.s32 s17, s16  }
0xb: {  	s16 =	sadd.s32 s4, s3;
	p0 =	sgt.u32 s15, $0x10;
	s20 =	sadd.s32 s3, s19  }
0xc: {  	s10 =	sor.u32 $0x13000, s7;
	s6 =	sadd.s32 s5, s19;
	[dreg:$0x3] =	wrdreg s31  }
0xd: {  	s22 =	sor.u32 $0x120000, s21;
	s12 =	smax.u32 s12, $0x1;
	[dreg:$0x4] =	wrdreg s20  }
0xe: {  	s19 =	simm.s32 $0x200;
	s21 =	simm.s32 $0x100;
	[dreg:$0x5] =	wrdreg s6  }
0xf: {  	s9 =	sshrl.u32 s10, $0x3;
	s23 =	sadd.s32 s11, s22;
	s24 =	sadd.s32 s0, s22  }
0x10: {  	s13 =	sshll.u32 s10, $0x4;
	s20 =	simm.s32 $0x8200;
	[dreg:$0x6] =	wrdreg s23  }
0x11: {  	s22 =	simm.s32 $0x180;
	[dreg:$0x7] =	wrdreg s24;
	s25 =	sadd.s32 s3, s9  }
0x12: {  	s26 =	sadd.s32 s5, s9;
	s10 =	sadd.s32 s11, s13;
	s11 =	sadd.s32 s0, s13  }
0x13: {  	s0 =	sadd.s32 s14, s0;
	s14 =	sshll.u32 s18, $0x4;
	s18 =	simm.s32 $0x80  }
0x14: {  	s23 =	simm.s32 $0x4200;
	s24 =	simm.s32 $0xC200;
	[dreg:$0x8] =	wrdreg s25  }
0x15: {  	[dreg:$0x9] =	wrdreg s26;
	s13 =	sadd.s32 s17, s0;
	s0 =	sadd.s32 s4, s5  }
0x16: {  	s17 =	simm.s32 $0x5;
	s25 =	simm.s32 $0x1;
	s26 =	simm.s32 $0x3  }
.LBB2_1:
0x17: {  	s3 =	rddreg [dreg:$0x4]  }
0x18: {  	[tilespmem:s2], [sflag:$0x5] =	stream.linear.gather [hbm4b:s3+s2], $0x80, $0x38;
	[tilespmem:$0x10200] =	vst v63  }
0x19: {  	_ =	swait.ge [sflag:s17], $0x80  }
0x1a: {  	[sflag:s17] =	ssyncset.done $0x0  }
0x1b: {  	s8 =	rddreg [dreg:$0x5];
	[sflag:s17] =	ssyncadd.s32 $0xFFFFFF80  }
0x1c: {  	[tilespmem:s18], [sflag:$0x5] =	stream.linear.gather [hbm4b:s8+s2], $0x80, $0x38;
	[tilespmem:$0x10200] =	vst v63  }
0x1d: {  	_ =	swait.ge [sflag:s17], $0x80  }
0x1e: {  	[sflag:s17] =	ssyncset.done $0x0  }
0x1f: {  	[sflag:s17] =	ssyncadd.s32 $0xFFFFFF80  }
0x20: {  	[tilespmem:s19], [sflag:$0x1] =	stream.indirect.gather [hbm4b:s1+s18], $0x80, s2, s18, $0xb8;
	[tilespmem:$0x10200] =	vst v63  }
0x21: {  	s9 =	sadd.s32 s16, s14  }
0x22: {  	[tilespmem:s20], [sflag:$0x3] =	stream.indirect.gather [hbm4b:s1+s18], $0x80, s18, s18, $0xb8;
	[tilespmem:$0x10200] =	vst v63  }
0x23: {  	s4 =	sadd.s32 $0x200, s9  }
0x24: {  	[tilespmem:s21], [sflag:$0x5] =	stream.linear.gather [hbm4b:s4+s2], $0x80, $0x38;
	[tilespmem:$0x10200] =	vst v63  }
0x25: {  	_ =	swait.ge [sflag:s17], $0x80  }
0x26: {  	s6 =	sadd.s32 s0, s14;
	[sflag:s17] =	ssyncset.done $0x0  }
0x27: {  	s5 =	sadd.s32 $0x200, s6;
	[sflag:s17] =	ssyncadd.s32 $0xFFFFFF80  }
0x28: {  	[tilespmem:s22], [sflag:$0x5] =	stream.linear.gather [hbm4b:s5+s2], $0x80, $0x38;
	[tilespmem:$0x10200] =	vst v63  }
0x29: {  	_ =	swait.ge [sflag:s17], $0x80  }
0x2a: {  	[sflag:s17] =	ssyncset.done $0x0  }
0x2b: {  	[sflag:s17] =	ssyncadd.s32 $0xFFFFFF80  }
0x2c: {  	[tilespmem:s23], [sflag:$0x2] =	stream.indirect.gather [hbm4b:s1+s18], $0x80, s21, s18, $0xb8;
	[tilespmem:$0x10200] =	vst v63  }
0x2d: {  	_ = 	snop  }
0x2e: {  	[tilespmem:s24], [sflag:$0x4] =	stream.indirect.gather [hbm4b:s1+s18], $0x80, s22, s18, $0xb8;
	[tilespmem:$0x10200] =	vst v63  }
0x2f: {  	_ =	swait.ge [sflag:s25], $0x4000  }
0x30: {  	s7 =	rddreg [dreg:$0x3];
	[sflag:s25] =	ssyncset.done $0x0  }
0x31: {  	[sflag:s25] =	ssyncadd.s32 $0xFFFFC000;
	s5 =	sadd.s32 $0x0, s7  }
0x32: {  	[hbm4b:s5+s2] =	stream.linear.scatter [tilespmem:s19], [sflag:$0x5], $0x4000, $0x38;
	[tilespmem:$0x10200] =	vst v63  }
0x33: {  	_ =	swait.ge [sflag:s17], $0x4000  }
0x34: {  	[sflag:s17] =	ssyncset.done $0x0  }
0x35: {  	[sflag:s17] =	ssyncadd.s32 $0xFFFFC000  }
0x36: {  	_ =	swait.ge [sflag:s26], $0x4000  }
0x37: {  	[sflag:s26] =	ssyncset.done $0x0  }
0x38: {  	s15 =	sadd.s32 $0x0, s13;
	[sflag:s26] =	ssyncadd.s32 $0xFFFFC000  }
0x39: {  	[hbm4b:s15+s2] =	stream.linear.scatter [tilespmem:s20], [sflag:$0x5], $0x4000, $0x38;
	[tilespmem:$0x10200] =	vst v63  }
0x3a: {  	_ =	swait.ge [sflag:s17], $0x4000  }
0x3b: {  	[sflag:s17] =	ssyncset.done $0x0  }
0x3c: {  	s3 =	sadd.s32 $0x400, s9;
	[sflag:s17] =	ssyncadd.s32 $0xFFFFC000  }
0x3d: {  	[tilespmem:s2], [sflag:$0x5] =	stream.linear.gather [hbm4b:s3+s2], $0x80, $0x38;
	[tilespmem:$0x10200] =	vst v63  }
0x3e: {  	_ =	swait.ge [sflag:s17], $0x80  }
0x3f: {  	[sflag:s17] =	ssyncset.done $0x0  }
0x40: {  	s8 =	sadd.s32 $0x400, s6;
	[sflag:s17] =	ssyncadd.s32 $0xFFFFFF80  }
0x41: {  	[tilespmem:s18], [sflag:$0x5] =	stream.linear.gather [hbm4b:s8+s2], $0x80, $0x38;
	[tilespmem:$0x10200] =	vst v63  }
0x42: {  	_ =	swait.ge [sflag:s17], $0x80  }
0x43: {  	[sflag:s17] =	ssyncset.done $0x0  }
0x44: {  	[sflag:s17] =	ssyncadd.s32 $0xFFFFFF80  }
0x45: {  	[tilespmem:s19], [sflag:$0x1] =	stream.indirect.gather [hbm4b:s1+s18], $0x80, s2, s18, $0xb8;
	[tilespmem:$0x10200] =	vst v63  }
0x46: {  	_ = 	snop  }
0x47: {  	[tilespmem:s20], [sflag:$0x3] =	stream.indirect.gather [hbm4b:s1+s18], $0x80, s18, s18, $0xb8;
	[tilespmem:$0x10200] =	vst v63  }
0x48: {  	_ =	swait.ge [sflag:s28], $0x4000  }
0x49: {  	[sflag:s28] =	ssyncset.done $0x0  }
0x4a: {  	s9 =	sadd.s32 $0x10000, s5;
	[sflag:s28] =	ssyncadd.s32 $0xFFFFC000  }
0x4b: {  	[hbm4b:s9+s2] =	stream.linear.scatter [tilespmem:s23], [sflag:$0x5], $0x4000, $0x38;
	[tilespmem:$0x10200] =	vst v63  }
0x4c: {  	_ =	swait.ge [sflag:s17], $0x4000  }
0x4d: {  	[sflag:s17] =	ssyncset.done $0x0  }
0x4e: {  	[sflag:s17] =	ssyncadd.s32 $0xFFFFC000  }
0x4f: {  	_ =	swait.ge [sflag:s29], $0x4000  }
0x50: {  	[sflag:s29] =	ssyncset.done $0x0  }
0x51: {  	s31 =	simm.s32 $0x20000;
	s15 =	sadd.s32 $0x10000, s15;
	[sflag:s29] =	ssyncadd.s32 $0xFFFFC000  }
0x52: {  	[hbm4b:s15+s2] =	stream.linear.scatter [tilespmem:s24], [sflag:$0x5], $0x4000, $0x38;
	[tilespmem:$0x10200] =	vst v63  }
0x53: {  	s4 =	simm.s32 $0x40000;
	s3 =	sadd.s32 $0x400, s16;
	_ =	swait.ge [sflag:s17], $0x4000  }
0x54: {  	s5 =	sadd.s32 s3, s14;
	s15 =	smov.u32 s0;
	[sflag:s17] =	ssyncset.done $0x0  }
.LBB2_2:
0x55: {  	s6 =	sadd.s32 $0x200, s5;
	[sflag:s17] =	ssyncadd.s32 $0xFFFFC000  }
0x56: {  	[tilespmem:s21], [sflag:$0x5] =	stream.linear.gather [hbm4b:s6+s2], $0x80, $0x38;
	[tilespmem:$0x10200] =	vst v63  }
0x57: {  	s15 =	sadd.s32 $0x400, s15;
	_ =	swait.ge [sflag:s17], $0x80  }
0x58: {  	s6 =	sadd.s32 s15, s14;
	[sflag:s17] =	ssyncset.done $0x0  }
0x59: {  	s8 =	sadd.s32 $0x200, s6;
	[sflag:s17] =	ssyncadd.s32 $0xFFFFFF80  }
0x5a: {  	[tilespmem:s22], [sflag:$0x5] =	stream.linear.gather [hbm4b:s8+s2], $0x80, $0x38;
	[tilespmem:$0x10200] =	vst v63  }
0x5b: {  	_ =	swait.ge [sflag:s17], $0x80  }
0x5c: {  	[sflag:s17] =	ssyncset.done $0x0  }
0x5d: {  	[sflag:s17] =	ssyncadd.s32 $0xFFFFFF80  }
0x5e: {  	[tilespmem:s23], [sflag:$0x2] =	stream.indirect.gather [hbm4b:s1+s18], $0x80, s21, s18, $0xb8;
	[tilespmem:$0x10200] =	vst v63  }
0x5f: {  	_ = 	snop  }
0x60: {  	[tilespmem:s24], [sflag:$0x4] =	stream.indirect.gather [hbm4b:s1+s18], $0x80, s22, s18, $0xb8;
	[tilespmem:$0x10200] =	vst v63  }
0x61: {  	_ =	swait.ge [sflag:s25], $0x4000  }
0x62: {  	s9 =	rddreg [dreg:$0x3];
	[sflag:s25] =	ssyncset.done $0x0  }
0x63: {  	[sflag:s25] =	ssyncadd.s32 $0xFFFFC000;
	s8 =	sadd.s32 s31, s9  }
0x64: {  	[hbm4b:s8+s2] =	stream.linear.scatter [tilespmem:s19], [sflag:$0x5], $0x4000, $0x38;
	[tilespmem:$0x10200] =	vst v63  }
0x65: {  	_ =	swait.ge [sflag:s17], $0x4000  }
0x66: {  	[sflag:s17] =	ssyncset.done $0x0  }
0x67: {  	[sflag:s17] =	ssyncadd.s32 $0xFFFFC000  }
0x68: {  	_ =	swait.ge [sflag:s26], $0x4000  }
0x69: {  	[sflag:s26] =	ssyncset.done $0x0  }
0x6a: {  	s9 =	sadd.s32 s31, s13;
	[sflag:s26] =	ssyncadd.s32 $0xFFFFC000  }
0x6b: {  	[hbm4b:s9+s2] =	stream.linear.scatter [tilespmem:s20], [sflag:$0x5], $0x4000, $0x38;
	[tilespmem:$0x10200] =	vst v63  }
0x6c: {  	_ =	swait.ge [sflag:s17], $0x4000  }
0x6d: {  	s7 =	smov.u32 s4;
	[sflag:s17] =	ssyncset.done $0x0  }
0x6e: {  	s31 =	smov.u32 s7;
	s7 =	sadd.s32 $0x400, s5;
	[sflag:s17] =	ssyncadd.s32 $0xFFFFC000  }
0x6f: {  	[tilespmem:s2], [sflag:$0x5] =	stream.linear.gather [hbm4b:s7+s2], $0x80, $0x38;
	[tilespmem:$0x10200] =	vst v63  }
0x70: {  	_ =	swait.ge [sflag:s17], $0x80  }
0x71: {  	[sflag:s17] =	ssyncset.done $0x0  }
0x72: {  	s7 =	sadd.s32 $0x400, s6;
	[sflag:s17] =	ssyncadd.s32 $0xFFFFFF80  }
0x73: {  	[tilespmem:s18], [sflag:$0x5] =	stream.linear.gather [hbm4b:s7+s2], $0x80, $0x38;
	[tilespmem:$0x10200] =	vst v63  }
0x74: {  	_ =	swait.ge [sflag:s17], $0x80  }
0x75: {  	[sflag:s17] =	ssyncset.done $0x0  }
0x76: {  	[sflag:s17] =	ssyncadd.s32 $0xFFFFFF80  }
0x77: {  	[tilespmem:s19], [sflag:$0x1] =	stream.indirect.gather [hbm4b:s1+s18], $0x80, s2, s18, $0xb8;
	[tilespmem:$0x10200] =	vst v63  }
0x78: {  	_ = 	snop  }
0x79: {  	[tilespmem:s20], [sflag:$0x3] =	stream.indirect.gather [hbm4b:s1+s18], $0x80, s18, s18, $0xb8;
	[tilespmem:$0x10200] =	vst v63  }
0x7a: {  	_ =	swait.ge [sflag:s28], $0x4000  }
0x7b: {  	[sflag:s28] =	ssyncset.done $0x0  }
0x7c: {  	s8 =	sadd.s32 $0x10000, s8;
	[sflag:s28] =	ssyncadd.s32 $0xFFFFC000  }
0x7d: {  	[hbm4b:s8+s2] =	stream.linear.scatter [tilespmem:s23], [sflag:$0x5], $0x4000, $0x38;
	[tilespmem:$0x10200] =	vst v63  }
0x7e: {  	_ =	swait.ge [sflag:s17], $0x4000  }
0x7f: {  	[sflag:s17] =	ssyncset.done $0x0  }
0x80: {  	[sflag:s17] =	ssyncadd.s32 $0xFFFFC000  }
0x81: {  	p1 =	sne.s32 s4, $0x100000;
	_ =	swait.ge [sflag:s29], $0x4000  }
.Ltmp0:
0x82: {  	[sflag:s29] =	ssyncset.done $0x0;
	(pc) =	sbr.rel @p1 .LBB2_2-.Ltmp0, $4  }
0x83: {  	s9 =	sadd.s32 $0x10000, s9;
	[sflag:s29] =	ssyncadd.s32 $0xFFFFC000  }
0x84: {  	[hbm4b:s9+s2] =	stream.linear.scatter [tilespmem:s24], [sflag:$0x5], $0x4000, $0x38;
	[tilespmem:$0x10200] =	vst v63  }
0x85: {  	s3 =	sadd.s32 $0x400, s3;
	_ =	swait.ge [sflag:s17], $0x4000  }
0x86: {  	s4 =	sadd.s32 $0x20000, s4;
	s5 =	sadd.s32 s3, s14;
	[sflag:s17] =	ssyncset.done $0x0  }
0x87: {  	s3 =	sadd.s32 $0x200, s5;
	[sflag:s17] =	ssyncadd.s32 $0xFFFFC000  }
0x88: {  	[tilespmem:s21], [sflag:$0x5] =	stream.linear.gather [hbm4b:s3+s2], $0x80, $0x38;
	[tilespmem:$0x10200] =	vst v63  }
0x89: {  	s4 =	sadd.s32 $0x400, s15;
	_ =	swait.ge [sflag:s17], $0x80  }
0x8a: {  	s3 =	sadd.s32 s4, s14;
	[sflag:s17] =	ssyncset.done $0x0  }
0x8b: {  	s4 =	sadd.s32 $0x200, s3;
	[sflag:s17] =	ssyncadd.s32 $0xFFFFFF80  }
0x8c: {  	[tilespmem:s22], [sflag:$0x5] =	stream.linear.gather [hbm4b:s4+s2], $0x80, $0x38;
	[tilespmem:$0x10200] =	vst v63  }
0x8d: {  	_ =	swait.ge [sflag:s17], $0x80  }
0x8e: {  	[sflag:s17] =	ssyncset.done $0x0  }
0x8f: {  	[sflag:s17] =	ssyncadd.s32 $0xFFFFFF80  }
0x90: {  	[tilespmem:s23], [sflag:$0x2] =	stream.indirect.gather [hbm4b:s1+s18], $0x80, s21, s18, $0xb8;
	[tilespmem:$0x10200] =	vst v63  }
0x91: {  	_ = 	snop  }
0x92: {  	[tilespmem:s24], [sflag:$0x4] =	stream.indirect.gather [hbm4b:s1+s18], $0x80, s22, s18, $0xb8;
	[tilespmem:$0x10200] =	vst v63  }
0x93: {  	_ =	swait.ge [sflag:s25], $0x4000  }
0x94: {  	s6 =	rddreg [dreg:$0x3];
	[sflag:s25] =	ssyncset.done $0x0  }
0x95: {  	[sflag:s25] =	ssyncadd.s32 $0xFFFFC000;
	s4 =	sadd.s32 s31, s6  }
0x96: {  	[hbm4b:s4+s2] =	stream.linear.scatter [tilespmem:s19], [sflag:$0x5], $0x4000, $0x38;
	[tilespmem:$0x10200] =	vst v63  }
0x97: {  	_ =	swait.ge [sflag:s17], $0x4000  }
0x98: {  	[sflag:s17] =	ssyncset.done $0x0  }
0x99: {  	[sflag:s17] =	ssyncadd.s32 $0xFFFFC000  }
0x9a: {  	_ =	swait.ge [sflag:s26], $0x4000  }
0x9b: {  	[sflag:s26] =	ssyncset.done $0x0  }
0x9c: {  	s6 =	sadd.s32 s31, s13;
	[sflag:s26] =	ssyncadd.s32 $0xFFFFC000  }
0x9d: {  	[hbm4b:s6+s2] =	stream.linear.scatter [tilespmem:s20], [sflag:$0x5], $0x4000, $0x38;
	[tilespmem:$0x10200] =	vst v63  }
0x9e: {  	_ =	swait.ge [sflag:s17], $0x4000  }
0x9f: {  	[sflag:s17] =	ssyncset.done $0x0  }
0xa0: {  	s7 =	sadd.s32 $0x400, s5;
	[sflag:s17] =	ssyncadd.s32 $0xFFFFC000  }
0xa1: {  	[tilespmem:s2], [sflag:$0x5] =	stream.linear.gather [hbm4b:s7+s2], $0x80, $0x38;
	[tilespmem:$0x10200] =	vst v63  }
0xa2: {  	_ =	swait.ge [sflag:s17], $0x80  }
0xa3: {  	[sflag:s17] =	ssyncset.done $0x0  }
0xa4: {  	s3 =	sadd.s32 $0x400, s3;
	[sflag:s17] =	ssyncadd.s32 $0xFFFFFF80  }
0xa5: {  	[tilespmem:s18], [sflag:$0x5] =	stream.linear.gather [hbm4b:s3+s2], $0x80, $0x38;
	[tilespmem:$0x10200] =	vst v63  }
0xa6: {  	_ =	swait.ge [sflag:s17], $0x80  }
0xa7: {  	[sflag:s17] =	ssyncset.done $0x0  }
0xa8: {  	[sflag:s17] =	ssyncadd.s32 $0xFFFFFF80  }
0xa9: {  	[tilespmem:s19], [sflag:$0x1] =	stream.indirect.gather [hbm4b:s1+s18], $0x80, s2, s18, $0xb8;
	[tilespmem:$0x10200] =	vst v63  }
0xaa: {  	_ = 	snop  }
0xab: {  	[tilespmem:s20], [sflag:$0x3] =	stream.indirect.gather [hbm4b:s1+s18], $0x80, s18, s18, $0xb8;
	[tilespmem:$0x10200] =	vst v63  }
0xac: {  	_ =	swait.ge [sflag:s28], $0x4000  }
0xad: {  	[sflag:s28] =	ssyncset.done $0x0  }
0xae: {  	s8 =	sadd.s32 $0x10000, s4;
	[sflag:s28] =	ssyncadd.s32 $0xFFFFC000  }
0xaf: {  	[hbm4b:s8+s2] =	stream.linear.scatter [tilespmem:s23], [sflag:$0x5], $0x4000, $0x38;
	[tilespmem:$0x10200] =	vst v63  }
0xb0: {  	_ =	swait.ge [sflag:s17], $0x4000  }
0xb1: {  	[sflag:s17] =	ssyncset.done $0x0  }
0xb2: {  	[sflag:s17] =	ssyncadd.s32 $0xFFFFC000  }
0xb3: {  	_ =	swait.ge [sflag:s29], $0x4000  }
0xb4: {  	[sflag:s29] =	ssyncset.done $0x0  }
0xb5: {  	s9 =	sadd.s32 $0x10000, s6;
	[sflag:s29] =	ssyncadd.s32 $0xFFFFC000  }
0xb6: {  	[hbm4b:s9+s2] =	stream.linear.scatter [tilespmem:s24], [sflag:$0x5], $0x4000, $0x38;
	[tilespmem:$0x10200] =	vst v63  }
0xb7: {  	_ =	swait.ge [sflag:s17], $0x4000  }
0xb8: {  	[sflag:s17] =	ssyncset.done $0x0  }
0xb9: {  	[sflag:s17] =	ssyncadd.s32 $0xFFFFC000  }
0xba: {  	_ =	swait.ge [sflag:s25], $0x4000  }
0xbb: {  	[sflag:s25] =	ssyncset.done $0x0  }
0xbc: {  	s15 =	rddreg [dreg:$0x6];
	[sflag:s25] =	ssyncadd.s32 $0xFFFFC000  }
0xbd: {  	[hbm4b:s15+s2] =	stream.linear.scatter [tilespmem:s19], [sflag:$0x5], $0x4000, $0x38;
	[tilespmem:$0x10200] =	vst v63  }
0xbe: {  	_ =	swait.ge [sflag:s17], $0x4000  }
0xbf: {  	[sflag:s17] =	ssyncset.done $0x0  }
0xc0: {  	[sflag:s17] =	ssyncadd.s32 $0xFFFFC000  }
0xc1: {  	_ =	swait.ge [sflag:s26], $0x4000  }
0xc2: {  	[sflag:s26] =	ssyncset.done $0x0  }
0xc3: {  	s31 =	rddreg [dreg:$0x7];
	[sflag:s26] =	ssyncadd.s32 $0xFFFFC000  }
0xc4: {  	[hbm4b:s31+s2] =	stream.linear.scatter [tilespmem:s20], [sflag:$0x5], $0x4000, $0x38;
	[tilespmem:$0x10200] =	vst v63  }
0xc5: {  	_ =	swait.ge [sflag:s17], $0x4000  }
0xc6: {  	s4 =	simm.s32 @!p0 $0x100;
	[sflag:s17] =	ssyncset.done $0x0  }
0xc7: {  	s3 =	simm.s32 @!p0 $0x0;
	s5 =	rddreg [dreg:$0x8];
	[sflag:s17] =	ssyncadd.s32 $0xFFFFC000  }
0xc8: {  	[tilespmem:s4], [sflag:$0x5] =	stream.linear.gather @!p0 [hbm4b:s5+s3], $0x80, $0x38;
	[tilespmem:$0x10200] =	vst v63  }
0xc9: {  	s5 =	simm.s32 @!p0 $0x5  }
0xca: {  	_ =	swait.ge @!p0 [sflag:s5], $0x80  }
0xcb: {  	[sflag:s5] =	ssyncset.done @!p0 $0x0  }
0xcc: {  	s6 =	simm.s32 @!p0 $0x180;
	s7 =	rddreg [dreg:$0x9];
	[sflag:s5] =	ssyncadd.s32 @!p0 $0xFFFFFF80  }
0xcd: {  	[tilespmem:s6], [sflag:$0x5] =	stream.linear.gather @!p0 [hbm4b:s7+s3], $0x80, $0x38;
	[tilespmem:$0x10200] =	vst v63  }
0xce: {  	_ =	swait.ge @!p0 [sflag:s5], $0x80  }
0xcf: {  	[sflag:s5] =	ssyncset.done @!p0 $0x0  }
0xd0: {  	s8 =	simm.s32 @!p0 $0x4200;
	s7 =	simm.s32 @!p0 $0x80;
	[sflag:s5] =	ssyncadd.s32 @!p0 $0xFFFFFF80  }
0xd1: {  	[tilespmem:s8], [sflag:$0x2] =	stream.indirect.gather @!p0 [hbm4b:s1+s7], $0x80, s4, s7, $0xb8;
	[tilespmem:$0x10200] =	vst v63  }
0xd2: {  	s4 =	simm.s32 @!p0 $0xC200  }
0xd3: {  	[tilespmem:s4], [sflag:$0x4] =	stream.indirect.gather @!p0 [hbm4b:s1+s7], $0x80, s6, s7, $0xb8;
	[tilespmem:$0x10200] =	vst v63  }
0xd4: {  	s6 =	simm.s32 @!p0 $0x2  }
0xd5: {  	_ =	swait.ge @!p0 [sflag:s6], $0x4000  }
0xd6: {  	[sflag:s6] =	ssyncset.done @!p0 $0x0  }
0xd7: {  	[sflag:s6] =	ssyncadd.s32 @!p0 $0xFFFFC000  }
0xd8: {  	[hbm4b:s10+s3] =	stream.linear.scatter @!p0 [tilespmem:s8], [sflag:$0x5], $0x4000, $0x38;
	[tilespmem:$0x10200] =	vst v63  }
0xd9: {  	_ =	swait.ge @!p0 [sflag:s5], $0x4000  }
0xda: {  	[sflag:s5] =	ssyncset.done @!p0 $0x0  }
0xdb: {  	s6 =	simm.s32 @!p0 $0x4;
	[sflag:s5] =	ssyncadd.s32 @!p0 $0xFFFFC000  }
0xdc: {  	s30 =	sadd.s32 $0x1, s30;
	_ =	swait.ge @!p0 [sflag:s6], $0x4000  }
0xdd: {  	p1 =	sne.s32 s30, s12;
	[sflag:s6] =	ssyncset.done @!p0 $0x0  }
.Ltmp1:
0xde: {  	[sflag:s6] =	ssyncadd.s32 @!p0 $0xFFFFC000;
	(pc) =	sbr.rel @p1 .LBB2_1-.Ltmp1, $4  }
0xdf: {  	[hbm4b:s11+s3] =	stream.linear.scatter @!p0 [tilespmem:s4], [sflag:$0x5], $0x4000, $0x38;
	[tilespmem:$0x10200] =	vst v63  }
0xe0: {  	_ =	swait.ge @!p0 [sflag:s5], $0x4000  }
0xe1: {  	[sflag:s5] =	ssyncset.done @!p0 $0x0  }
0xe2: {  	[sflag:s5] =	ssyncadd.s32 @!p0 $0xFFFFC000  }
0xe3: {  	_ =	sfence.sel $0x180000  }
0xe4: {  	[bflag:$0x0] =	sbarrier.arrive $0xFFFF  }
0xe5: {  	_ =	strace $0x9000004A  }
0xe6: {  	s0 =	stileid.u32;
	[bflag:$0x2] =	sbarrier.arrive $0xFFFF  }
0xe7: {  	p0 =	sne.s32 s0, $0x0;
	s0 =	rddreg [dreg:$0x2]  }
0xe8: {  	s0 =	sadd.s32 @!p0 $0x100000, s0  }
0xe9: {  	[sflag:s0] =	ssyncadd.tile.s32 @!p0 $0x1;
	_ =	shalt  }
.Lfunc_end2:
_tile_overlayer_lowered:
.L_overlay_start_2:
0xea: {  	(tag) =	ssettag $0x2  }
0xeb: {  	s0 =	rddreg [dreg:$0x0];
	s2 =	stileid.u32  }
0xec: {  	s1 =	rddreg [dreg:$0x1];
	p0 =	sne.s32 s2, $0x0  }
0xed: {  	s3 =	rddreg [dreg:$0x2];
	[bflag:$0x3] =	sbarrier.arrive $0xFFFF;
	s2 =	simm.s32 @!p0 $0x1C05  }
0xee: {  	[timem:s3], [sflag:s2] =	dma.local @!p0 [hbm:s0], s1  }
0xef: {  	s0 =	simm.s32 @!p0 $0x5  }
0xf0: {  	_ =	swait.ge @!p0 [sflag:s0], s1  }
0xf1: {  	s1 =	ssub.s32 @!p0 $0x0, s1;
	[sflag:s0] =	ssyncset.done @!p0 $0x0  }
0xf2: {  	[sflag:s0] =	ssyncadd.s32 @!p0 s1  }
0xf3: {  	[bflag:$0x3] =	sbarrier.arrive $0xFFFF  }
0xf4: {  	_ =	shalt  }

// kernel: kernel.20.cloned.1.call-start
scs
__scs_entry_jumppad:
0x0: {  	(pc) =	sbr.rel $0x88, $3  }
0x1: {  	(tag) =	ssettag $0x0;
	lr =	simm.s32 $0x1  }
0x2: {  	[smem:$0x3F90] =	sst lr;
	_ =	strace $0xD0000000  }
0x3: {  	_ = 	snop  }
0x4: {  	_ = 	snop  }
0x5: {  	_ = 	snop  }
0x6: {  	_ = 	snop  }
0x7: {  	_ = 	snop  }
__scs_overlays_trampoline_lowered:
0x8: {  	[smem:$0x3F9F] =	sst s0  }
0x9: {  	[smem:$0x3FA0] =	sst s1  }
0xa: {  	[smem:$0x3FA1] =	sst s2  }
0xb: {  	[smem:$0x3FA2] =	sst s3  }
0xc: {  	[smem:$0x3FA3] =	sst s4  }
0xd: {  	[smem:$0x3FA4] =	sst s5  }
0xe: {  	[smem:$0x3FA5] =	sst s6  }
0xf: {  	[smem:$0x3FA6] =	sst s7  }
0x10: {  	[smem:$0x3FA7] =	sst s8  }
0x11: {  	[smem:$0x3FA8] =	sst s9;
	s0 =	simm.s32 @!p0 $0x0  }
0x12: {  	s1 =	sld [smem:$0x3F8E];
	s0 =	simm.s32 @p0 $0x1  }
0x13: {  	[smem:$0x3FA9] =	sst s0;
	s0 =	simm.s32 @!p1 $0x0  }
0x14: {  	s2 =	sld [smem:$0x3F8D];
	s0 =	simm.s32 @p1 $0x1  }
0x15: {  	[smem:$0x3FAA] =	sst s0;
	s0 =	simm.s32 @!p2 $0x0  }
0x16: {  	s3 =	sld [smem:$0x3FDB];
	s0 =	simm.s32 @p2 $0x1  }
0x17: {  	s4 =	simm.s32 $0x1BF5;
	[smem:$0x3FAC] =	sst s0  }
0x18: {  	s0 =	sld [smem:$0x3F8F];
	_ =	swait.ge [sflag:s4], $0x0  }
0x19: {  	s7 =	sld [smem:$0x3F90]  }
0x1a: {  	s8 =	sadd.s32 $0xFFFFE003, lr  }
0x1b: {  	s9 =	sadd.s32 $0xFFFFFEF7, lr;
	s5 =	simm.s32 $0xFFFFFFFF;
	p2 =	slt.u32 s8, $0xFFFFF086  }
0x1c: {  	p1 =	slt.u32 s9, $0xF7A;
	s5 =	simm.s32 @!p2 $0x0  }
0x1d: {  	s5 =	simm.s32 @p1 $0x1;
	p0 =	seq.s32 s7, s2  }
0x1e: {  	s7 =	smul.u32 @!p0 $0xF7A, s2;
	p2 =	seq.s32 @!p0 s5, $0x0  }
0x1f: {  	s9 =	smul.u32 $0xF7A, s1;
	s8 =	simm.s32 @!p0 $0x1BF5;
	p2 =	por !p2, p0  }
0x20: {  	[sflag:s8] =	ssyncset.s32 @!p0 $0xFFFFF086;
	s6 =	sadd.s32 @!p0 s3, s7;
	s7 =	simm.s32 @!p0 $0x108  }
0x21: {  	s3 =	sadd.s32 s3, s9;
	s6 =	sadd.s32 @!p0 $0x88, s6;
	s7 =	simm.s32 @p2 $0x1082  }
0x22: {  	[simem:s7], [sflag:s8] =	dma.local @!p0 [hbm:s6], $0xF7A  }
0x23: {  	s9 =	sor.u32 $0xD0000000, s2;
	s6 =	simm.s32 $0x108;
	_ =	swait.ge @!p0 [sflag:s8], $0x0  }
0x24: {  	s3 =	sadd.s32 $0x88, s3;
	s6 =	simm.s32 @!p1 $0x1082;
	[sflag:s4] =	ssyncset.s32 $0xFFFFF086  }
0x25: {  	[simem:s6], [sflag:s4] =	dma.local [hbm:s3], $0xF7A  }
0x26: {  	[smem:$0x3F90] =	sst s1;
	(tag) =	ssettag s2;
	_ =	strace s9  }
0x27: {  	s1 =	sld [smem:$0x3FA0]  }
0x28: {  	s2 =	sld [smem:$0x3FA1]  }
0x29: {  	s4 =	sld [smem:$0x3FA3]  }
0x2a: {  	p0 =	seq.s32 s5, $0x0;
	s5 =	sld [smem:$0x3FA4]  }
0x2b: {  	s6 =	sld [smem:$0x3FA5]  }
0x2c: {  	s7 =	sld [smem:$0x3FA6]  }
0x2d: {  	s3 =	simm.s32 $0x108;
	s8 =	sld [smem:$0x3FA7]  }
0x2e: {  	s3 =	simm.s32 @!p0 $0x1082;
	s9 =	sld [smem:$0x3FA8]  }
0x2f: {  	lr =	sadd.s32 s0, s3;
	s0 =	sld [smem:$0x3F9F]  }
0x30: {  	s3 =	sld [smem:$0x3FA2]  }
0x31: {  	[smem:$0x3FAB] =	sst s10  }
0x32: {  	s10 =	sld [smem:$0x3FA9];
	_ =	sdelay $0x3  }
0x33: {  	p0 =	seq.s32 s10, $0x1;
	s10 =	sld [smem:$0x3FAB];
	_ =	sdelay $0x3  }
0x34: {  	[smem:$0x3FAB] =	sst s10  }
0x35: {  	s10 =	sld [smem:$0x3FAA];
	_ =	sdelay $0x3  }
0x36: {  	p1 =	seq.s32 s10, $0x1;
	s10 =	sld [smem:$0x3FAB];
	_ =	sdelay $0x3  }
0x37: {  	[smem:$0x3FAB] =	sst s10  }
0x38: {  	s10 =	sld [smem:$0x3FAC]  }
0x39: {  	_ = 	snop;
	(pc) =	sbr.ind lr, $3  }
0x3a: {  	_ = 	snop  }
0x3b: {  	_ = 	snop  }
0x3c: {  	p2 =	seq.s32 s10, $0x1;
	s10 =	sld [smem:$0x3FAB]  }
0x3d: {  	_ =	shalt  }
0x3e: {  	_ =	shalt  }
0x3f: {  	_ =	shalt  }
0x40: {  	_ =	shalt  }
0x41: {  	_ =	shalt  }
0x42: {  	_ =	shalt  }
0x43: {  	_ =	shalt  }
0x44: {  	_ =	shalt  }
0x45: {  	_ =	shalt  }
0x46: {  	_ =	shalt  }
0x47: {  	_ =	shalt  }
0x48: {  	_ =	shalt  }
0x49: {  	_ =	shalt  }
0x4a: {  	_ =	shalt  }
0x4b: {  	_ =	shalt  }
0x4c: {  	_ =	shalt  }
0x4d: {  	_ =	shalt  }
0x4e: {  	_ =	shalt  }
0x4f: {  	_ =	shalt  }
0x50: {  	_ =	shalt  }
0x51: {  	_ =	shalt  }
0x52: {  	_ =	shalt  }
0x53: {  	_ =	shalt  }
0x54: {  	_ =	shalt  }
0x55: {  	_ =	shalt  }
0x56: {  	_ =	shalt  }
0x57: {  	_ =	shalt  }
0x58: {  	_ =	shalt  }
0x59: {  	_ =	shalt  }
0x5a: {  	_ =	shalt  }
0x5b: {  	_ =	shalt  }
0x5c: {  	_ =	shalt  }
0x5d: {  	_ =	shalt  }
0x5e: {  	_ =	shalt  }
0x5f: {  	_ =	shalt  }
0x60: {  	_ =	shalt  }
0x61: {  	_ =	shalt  }
0x62: {  	_ =	shalt  }
0x63: {  	_ =	shalt  }
0x64: {  	_ =	shalt  }
0x65: {  	_ =	shalt  }
0x66: {  	_ =	shalt  }
0x67: {  	_ =	shalt  }
0x68: {  	_ =	shalt  }
0x69: {  	_ =	shalt  }
0x6a: {  	_ =	shalt  }
0x6b: {  	_ =	shalt  }
0x6c: {  	_ =	shalt  }
0x6d: {  	_ =	shalt  }
0x6e: {  	_ =	shalt  }
0x6f: {  	_ =	shalt  }
0x70: {  	_ =	shalt  }
0x71: {  	_ =	shalt  }
0x72: {  	_ =	shalt  }
0x73: {  	_ =	shalt  }
0x74: {  	_ =	shalt  }
0x75: {  	_ =	shalt  }
0x76: {  	_ =	shalt  }
0x77: {  	_ =	shalt  }
0x78: {  	_ =	shalt  }
0x79: {  	_ =	shalt  }
0x7a: {  	_ =	shalt  }
0x7b: {  	_ =	shalt  }
0x7c: {  	_ =	shalt  }
0x7d: {  	_ =	shalt  }
0x7e: {  	_ =	shalt  }
0x7f: {  	_ =	shalt  }
0x80: {  	_ =	shalt  }
0x81: {  	_ =	shalt  }
0x82: {  	_ =	shalt  }
0x83: {  	_ =	shalt  }
0x84: {  	_ =	shalt  }
0x85: {  	_ =	shalt  }
0x86: {  	_ =	shalt  }
0x87: {  	_ =	shalt  }
.Lfunc_end0:
.L_simem_size_0:
called_computation.2_lowered:
.L_overlay_start_0:
0x88: {  	s2 =	sld [smem:$0x3FD9]  }
0x89: {  	s3 =	sld [smem:$0x3FFE];
	_ =	sdelay $0x1  }
0x8a: {  	s1 =	srdreg.scid  }
0x8b: {  	s0 =	sand.u32 $0x1, s1  }
0x8c: {  	s17 =	sshll.u32 s0, $0xA;
	s2 =	sadd.s32 s3, s2  }
0x8d: {  	s2 =	sadd.s32 s2, s17  }
0x8e: {  	[smem:$0x3FB7] =	sst s2  }
0x8f: {  	_ = 	snop  }
0x90: {  	s18 =	sld [smem:$0x3FC9];
	(tm) =	ssettm $0x1  }
0x91: {  	s19 =	sld [smem:$0x3FFB];
	_ =	sdelay $0x3  }
0x92: {  	_ =	strace s19  }
0x93: {  	s2 =	sld [smem:$0x3FFC];
	_ =	sdelay $0x3  }
0x94: {  	_ =	strace s2  }
0x95: {  	s2 =	sld [smem:$0x3FFD];
	_ =	sdelay $0x3  }
0x96: {  	_ =	strace s2  }
0x97: {  	_ =	strace $0x8FFFFFFF  }
0x98: {  	s20 =	sld [smem:$0x3FDB];
	_ =	sdelay $0x1  }
0x99: {  	s4 =	simm.s32 $_scs_section_size  }
0x9a: {  	s5 =	simm.s32 $_size__tile_overlayer_lowered;
	s6 =	simm.s32 $_tile_overlayer_lowered  }
0x9b: {  	s7 =	simm.s32 $0x1BFF;
	s21 =	sshll.u32 s6, $0x1;
	s4 =	sadd.s32 s4, s20  }
0x9c: {  	s22 =	simm.s32 $0x0;
	s5 =	sshll.u32 s5, $0x1;
	s6 =	sadd.s32 s21, s4  }
0x9d: {  	[timem:s22], [sflag:s7] =	dma.local [hbm:s6], s5  }
0x9e: {  	_ =	swait.ge [sflag:s7], s5  }
0x9f: {  	s5 =	ssub.s32 $0x0, s5;
	[sflag:s7] =	ssyncset.done $0x0  }
0xa0: {  	[sflag:s7] =	ssyncadd.s32 s5;
	_ =	sdelay $0x1  }
0xa1: {  	s23 =	simm.s32 $0x1B8B  }
0xa2: {  	_ =	swait.ge [sflag:s23], $0x1  }
0xa3: {  	[sflag:s23] =	ssyncset.done $0x0  }
0xa4: {  	[sflag:s23] =	ssyncadd.s32 $0xFFFFFFFF  }
0xa5: {  	s5 =	sld [smem:$0x0]  }
0xa6: {  	s6 =	sand.u32 $0xFFFFFFFE, s1  }
0xa7: {  	p0 =	sne.s32 s1, s6  }
0xa8: {  	s6 =	sshll.u32 @p0 s6, $0xE  }
0xa9: {  	s6 =	sadd.s32 @p0 $0x11B8D, s6;
	s7 =	sshll.u32 @p0 s5, $0x11  }
0xaa: {  	s6 =	sor.u32 @p0 s7, s6  }
0xab: {  	[sflag:s6] =	ssyncadd.remote.s32 @p0 $0x1;
	_ =	sdelay $0x1  }
0xac: {  	s6 =	simm.s32 @p0 $0x1B8D  }
0xad: {  	_ =	swait.eq @p0 [sflag:s6], $0x1  }
0xae: {  	[sflag:s6] =	ssyncadd.s32 @p0 $0xFFFFFFFF  }
0xaf: {  	s7 =	sshll.u32 @!p0 s1, $0xE  }
0xb0: {  	s7 =	sor.u32 @!p0 $0x4000, s7;
	s6 =	simm.s32 @!p0 $0x1B8D  }
0xb1: {  	s5 =	sshll.u32 @!p0 s5, $0x11;
	s7 =	sadd.s32 @!p0 $0x11B8D, s7;
	_ =	swait.eq @!p0 [sflag:s6], $0x1  }
0xb2: {  	s5 =	sor.u32 @!p0 s5, s7;
	[sflag:s6] =	ssyncadd.s32 @!p0 $0xFFFFFFFF  }
0xb3: {  	s25 =	simm.s32 $0x1B8E;
	s24 =	sld [smem:$0x3FFE];
	[sflag:s5] =	ssyncadd.remote.s32 @!p0 $0x1  }
0xb4: {  	s26 =	simm.s32 $execute0_lowered;
	[smem:$0x3FD2] =	sst s25  }
0xb5: {  	s6 =	sshll.u32 s26, $0x1;
	_ =	strace $0x8000004C;
	[dreg:$0x1] =	wrdreg $0xFFFFFFFF  }
0xb6: {  	s28 =	simm.s32 $_size_execute0_lowered;
	s4 =	sadd.s32 s4, s6;
	[dreg:$0x0] =	wrdreg $0x0  }
0xb7: {  	s6 =	sshll.u32 s28, $0x1;
	[dreg:$0x2] =	wrdreg s4  }
0xb8: {  	[dreg:$0x3] =	wrdreg s6  }
0xb9: {  	[dreg:$0x4] =	wrdreg $0xC0  }
0xba: {  	_ =	task [dreg:s22], $0x5FFFF  }
0xbb: {  	[dreg:$0x1] =	wrdreg $0xFFFFFFFF  }
0xbc: {  	[dreg:$0x0] =	wrdreg $0x60  }
0xbd: {  	[dreg:$0x2] =	wrdreg s24  }
0xbe: {  	[dreg:$0x3] =	wrdreg s18  }
0xbf: {  	[dreg:$0x4] =	wrdreg $0x29000  }
0xc0: {  	[dreg:$0x5] =	wrdreg $0xA  }
0xc1: {  	_ =	task.clear_ibuf [dreg:s22], $0x6FFFF;
	_ =	strace $0x9000004C  }
0xc2: {  	s29 =	simm.s32 $0xA;
	_ =	strace $0x8000004E  }
0xc3: {  	_ =	swait.ge [sflag:s29], $0x1  }
0xc4: {  	[sflag:s29] =	ssyncadd.s32 $0xFFFFFFFF  }
0xc5: {  	_ =	strace $0x9000004E  }
0xc6: {  	_ =	sfence  }
0xc7: {  	s30 =	sld [smem:$0x0];
	_ =	sdelay $0x2  }
0xc8: {  	s31 =	sshll.u32 s1, $0xD;
	s1 =	sshrl.u32 s1, $0x2  }
0xc9: {  	s4 =	sand.u32 $0x4000, s31;
	s1 =	sadd.s32 s1, s30  }
0xca: {  	s0 =	sor.u32 s4, s0;
	s1 =	sshll.u32 s1, $0x11  }
0xcb: {  	s0 =	sor.u32 s1, s0  }
0xcc: {  	s0 =	sadd.s32 $0x8F2B, s0  }
0xcd: {  	[sflag:s0] =	ssyncadd.remote.s32 $0x1  }
0xce: {  	_ =	sfence.sel $0xFFFF  }
0xcf: {  	[dreg:$0x0] =	wrdreg $0xFFFFFFFF;
	(pc) =	sbr.abs _section_cstart, $3  }
0xd0: {  	[dreg:$0x1] =	wrdreg $0xFFFFFFFF  }
0xd1: {  	_ =	task.clear_ibuf [dreg:s22], $0x2FFFF;
	_ =	strace $0x9FFFFFFF  }
0xd2: {  	(tm) =	ssettm $0x7FFFFFFF  }
0xd3: {  	_ =	shalt  }
tec
execute0_lowered:
.L_overlay_start_1:
0x0: {  	(tag) =	ssettag $0x1  }
0x1: {  	s0 =	rddreg [dreg:$0x0]  }
0x2: {  	s5 =	rddreg [dreg:$0x1]  }
0x3: {  	s1 =	rddreg [dreg:$0x2]  }
0x4: {  	s3 =	simm.s32 $0x0;
	s4 =	srdreg.scid;
	s2 =	stileid.u32  }
0x5: {  	s28 =	simm.s32 $0x28;
	s29 =	simm.s32 $0x2;
	s30 =	simm.s32 $0x4  }
0x6: {  	s31 =	simm.s32 $0x0;
	[smem:$0x7FF] =	sst s3;
	s15 =	sand.u32 $0x1, s4  }
0x7: {  	s7 =	smul.u32 $0x2800, s2;
	s18 =	sadd.s32 $0x62FE00, s0;
	s19 =	sadd.s32 $0x9E00, s0  }
0x8: {  	p1 =	sne.s32 s2, $0xF;
	p3 =	seq.s32 s2, $0xF;
	s24 =	smul.u32 $0x50000, s2  }
0x9: {  	s9 =	sadd.s32 $0x25800, s5;
	_ =	strace $0x8000004D;
	s4 =	ssub.s32 $0x2, s15  }
0xa: {  	s23 =	sshll.u32 s15, $0x4;
	p0 =	seq.s32 s15, $0x0;
	[dreg:$0x4] =	wrdreg s9  }
0xb: {  	s6 =	sshrl.u32 s4, $0x1;
	s16 =	sadd.s32 s7, s0;
	s8 =	sor.u32 s2, s23  }
0xc: {  	p2 =	por !p0, !p1;
	s7 =	sadd.s32 s5, s7;
	s25 =	smul.u32 $0x5, s8  }
0xd: {  	s20 =	ssub.s32 s4, s6;
	s4 =	simm.s32 @!p3 $0x0;
	s11 =	smul.u32 $0x28, s8  }
0xe: {  	p2 =	por !p2, !p2;
	s6 =	sshrl.u32 s24, $0x2;
	s26 =	smul.u32 $0x280, s8  }
0xf: {  	s24 =	smul.u32 $0x50, s15;
	s4 =	simm.s32 @p3 $0x1;
	p3 =	por !p0, !p3  }
0x10: {  	s6 =	sadd.s32 s6, s1;
	p6 =	por !p2, !p0;
	[smem:$0x7F9] =	sst s4  }
0x11: {  	p3 =	por !p3, !p3;
	s12 =	sadd.s32 $0x13100, s11;
	s13 =	sadd.s32 s19, s25  }
0x12: {  	s14 =	sadd.s32 s18, s26;
	s4 =	simm.s32 @!p3 $0x0;
	[dreg:$0x5] =	wrdreg s13  }
0x13: {  	[dreg:$0x6] =	wrdreg s14;
	s17 =	sshrl.u32 s12, $0x3;
	s13 =	sadd.s32 $0x13600, s11  }
0x14: {  	s14 =	sadd.s32 $0x593A00, s16;
	s16 =	sadd.s32 $0x5BAC00, s16;
	s4 =	simm.s32 @p3 $0x1  }
0x15: {  	p3 =	seq.s32 s15, $0x1;
	s21 =	sadd.s32 s19, s17;
	s22 =	sshrl.u32 s13, $0x3  }
0x16: {  	s23 =	sshll.u32 s13, $0x4;
	s17 =	sadd.s32 $0x5E0400, s0;
	[smem:$0x7FA] =	sst s4  }
0x17: {  	s4 =	sadd.s32 $0x12C000, s1;
	s10 =	simm.s32 @!p3 $0x0;
	p1 =	por !p1, !p3  }
0x18: {  	[dreg:$0x7] =	wrdreg s21;
	s21 =	smul.u32 $0x2800, s15;
	s13 =	sadd.s32 s18, s23  }
0x19: {  	s15 =	sadd.s32 $0x5B9200, s0;
	s23 =	smul.u32 $0x5, s2;
	p1 =	por !p1, !p1  }
0x1a: {  	s0 =	simm.s32 @!p2 $0x0;
	s10 =	simm.s32 @p3 $0x1;
	s5 =	simm.s32 @!p1 $0x0  }
0x1b: {  	s0 =	simm.s32 @p2 $0x1;
	[smem:$0x7FB] =	sst s10;
	s5 =	simm.s32 @p1 $0x1  }
0x1c: {  	s25 =	sadd.s32 s21, s18;
	s21 =	simm.s32 $0x5;
	[smem:$0x7FC] =	sst s5  }
0x1d: {  	s5 =	sshll.u32 s12, $0x4;
	s12 =	sadd.s32 s19, s22;
	s22 =	smul.u32 $0x280, s2  }
0x1e: {  	[smem:$0x7FD] =	sst s0;
	s11 =	sadd.s32 s18, s5;
	s5 =	sadd.s32 s24, s19  }
0x1f: {  	s18 =	smax.u32 s20, $0x1;
	s24 =	simm.s32 $0x1500;
	s19 =	sadd.s32 s22, s25  }
0x20: {  	s26 =	sadd.s32 s23, s5;
	s22 =	simm.s32 $0x100;
	s23 =	simm.s32 $0x80  }
0x21: {  	s25 =	simm.s32 $0x1;
	s20 =	sadd.s32 $0xA0, s26;
	s26 =	simm.s32 $0x3  }
.LBB2_1:
0x22: {  	s0 =	sld [smem:$0x7FD];
	_ =	sdelay $0x2  }
0x23: {  	p1 =	seq.s32 s0, $0x1  }
.Ltmp0:
0x24: {  	_ = 	snop;
	(pc) =	sbr.rel @!p1 .LBB2_4-.Ltmp0, $1  }
0x25: {  	_ =	sdelay $0x3  }
0x26: {  	s0 =	sshll.u32 s2, $0x6  }
.Ltmp1:
0x27: {  	s5 =	sshrl.u32 s6, $0x3;
	s0 =	sor.u32 $0x1C05, s0;
	(pc) =	sbr.rel .LBB2_3-.Ltmp1, $4  }
0x28: {  	[spmem:s5], [sflag:s0] =	dma.local [hbm:s7], $0x2800  }
0x29: {  	_ =	swait.ge [sflag:s21], $0x2800  }
0x2a: {  	[sflag:s21] =	ssyncset.done $0x0  }
0x2b: {  	p2 =	por $0x0, $0x0;
	[sflag:s21] =	ssyncadd.s32 $0xFFFFD800  }
.LBB2_4:
0x2c: {  	s10 =	sld [smem:$0x7FA];
	_ =	sdelay $0x2  }
0x2d: {  	p1 =	seq.s32 s10, $0x1  }
.Ltmp2:
0x2e: {  	_ = 	snop;
	(pc) =	sbr.rel @!p1 .LBB2_3-.Ltmp2, $2  }
0x2f: {  	s0 =	sld [smem:$0x7F9];
	_ =	sdelay $0x2  }
0x30: {  	p2 =	seq.s32 s0, $0x1  }
.Ltmp3:
0x31: {  	(pc) =	sbr.rel .LBB2_6-.Ltmp3, $3  }
0x32: {  	_ =	sdelay $0x1  }
0x33: {  	p4 =	por $0x1, $0x1  }
0x34: {  	p2 =	por $0x0, $0x0;
	s0 =	simm.s32 $0xF;
	p5 =	por $0x0, $0x0  }
.LBB2_3:
0x35: {  	s0 =	sld [smem:$0x7FC];
	_ =	sdelay $0x2  }
0x36: {  	p5 =	seq.s32 s0, $0x1  }
0x37: {  	s0 =	sshll.u32 @p5 s2, $0x6  }
0x38: {  	s5 =	sshrl.u32 @p5 s6, $0x3;
	s0 =	sor.u32 @p5 $0x1C05, s0  }
0x39: {  	[spmem:s5], [sflag:s0] =	dma.local @p5 [hbm:s7], $0x2800  }
0x3a: {  	s0 =	simm.s32 @p5 $0x5  }
0x3b: {  	_ =	swait.ge @p5 [sflag:s0], $0x2800  }
0x3c: {  	s10 =	sld [smem:$0x7FB];
	_ =	sdelay $0x2  }
0x3d: {  	p3 =	por @p5 $0x1, $0x1;
	p1 =	seq.s32 s10, $0x1  }
0x3e: {  	p3 =	por @!p5 p1, p1  }
0x3f: {  	p2 =	por !p3, !p2  }
0x40: {  	p1 =	por !p2, !p2  }
.Ltmp4:
0x41: {  	_ = 	snop;
	(pc) =	sbr.rel @!p1 .LBB2_7-.Ltmp4, $4  }
0x42: {  	_ = 	snop  }
0x43: {  	[sflag:s0] =	ssyncset.done @p5 $0x0  }
0x44: {  	p4 =	por $0x0, $0x0;
	[sflag:s0] =	ssyncadd.s32 @p5 $0xFFFFD800  }
0x45: {  	s0 =	stileid.u32;
	p3 =	por $0x0, $0x0;
	p2 =	por $0x1, $0x1  }
.LBB2_6:
0x46: {  	s0 =	sshll.u32 s0, $0x6  }
0x47: {  	s5 =	sshrl.u32 s4, $0x3;
	s8 =	rddreg [dreg:$0x4];
	s0 =	sor.u32 $0x1C05, s0  }
0x48: {  	[spmem:s5], [sflag:s0] =	dma.local [hbm:s8], $0x1900  }
0x49: {  	_ =	swait.ge [sflag:s21], $0x1900  }
0x4a: {  	[sflag:s21] =	ssyncset.done $0x0  }
0x4b: {  	p3 =	por p4, p4;
	p4 =	por p2, p2;
	[sflag:s21] =	ssyncadd.s32 $0xFFFFE700  }
.LBB2_7:
0x4c: {  	[bflag:$0x0] =	sbarrier.arrive $0xFFFF  }
0x4d: {  	s0 =	simm.s32 $0x0;
	s5 =	rddreg [dreg:$0x5]  }
0x4e: {  	[tilespmem:s0], [sflag:$0x1] =	stream.linear.gather [hbm4b:s5+s0], $0x28, $0x38;
	[tilespmem:$0x16180] =	vst v63  }
0x4f: {  	s10 =	rddreg [dreg:$0x6]  }
0x50: {  	[tilespmem:s22], [sflag:$0x3] =	stream.linear.gather [hbm4b:s10+s0], $0x1400, $0x38;
	[tilespmem:$0x16180] =	vst v63  }
0x51: {  	s8 =	sadd.s32 $0x0, s19  }
0x52: {  	[tilespmem:s23], [sflag:$0x2] =	stream.linear.gather [hbm4b:s20+s3], $0x28, $0x38;
	[tilespmem:$0x16180] =	vst v63  }
0x53: {  	s9 =	sadd.s32 $0x5000, s8  }
0x54: {  	[tilespmem:s24], [sflag:$0x4] =	stream.linear.gather [hbm4b:s9+s3], $0x1400, $0x38;
	[tilespmem:$0x16180] =	vst v63  }
0x55: {  	_ =	swait.ge [sflag:s25], $0x28  }
0x56: {  	[sflag:s25] =	ssyncset.done $0x0  }
0x57: {  	[sflag:s25] =	ssyncadd.s32 $0xFFFFFFD8  }
0x58: {  	_ =	swait.ge [sflag:s26], $0x1400  }
0x59: {  	[sflag:s26] =	ssyncset.done $0x0  }
0x5a: {  	[sflag:s26] =	ssyncadd.s32 $0xFFFFEC00  }
0x5b: {  	[spmem:s1] =	stream.indirect.scatter.add.f32 [tilespmem:s22], [sflag:$0x5], $0x80, s3, s28, $0xb8;
	[tilespmem:$0x16180] =	vst v63  }
0x5c: {  	_ =	swait.ge [sflag:s21], $0x1400  }
0x5d: {  	[sflag:s21] =	ssyncset.done $0x0  }
0x5e: {  	s10 =	sadd.s32 $0xA0, s20;
	[sflag:s21] =	ssyncadd.s32 $0xFFFFEC00  }
0x5f: {  	[tilespmem:s3], [sflag:$0x1] =	stream.linear.gather [hbm4b:s10+s3], $0x28, $0x38;
	[tilespmem:$0x16180] =	vst v63  }
0x60: {  	s0 =	sadd.s32 $0xA000, s8  }
0x61: {  	[tilespmem:s22], [sflag:$0x3] =	stream.linear.gather [hbm4b:s0+s3], $0x1400, $0x38;
	[tilespmem:$0x16180] =	vst v63  }
0x62: {  	_ =	swait.ge [sflag:s29], $0x28  }
0x63: {  	[sflag:s29] =	ssyncset.done $0x0  }
0x64: {  	[sflag:s29] =	ssyncadd.s32 $0xFFFFFFD8  }
0x65: {  	_ =	swait.ge [sflag:s30], $0x1400  }
0x66: {  	[sflag:s30] =	ssyncset.done $0x0  }
0x67: {  	[sflag:s30] =	ssyncadd.s32 $0xFFFFEC00  }
0x68: {  	[spmem:s1] =	stream.indirect.scatter.add.f32 [tilespmem:s24], [sflag:$0x5], $0x80, s23, s28, $0xb8;
	[tilespmem:$0x16180] =	vst v63  }
0x69: {  	_ =	swait.ge [sflag:s21], $0x1400  }
0x6a: {  	s5 =	simm.s32 $0xA000;
	s0 =	sadd.s32 $0x140, s20;
	[sflag:s21] =	ssyncset.done $0x0  }
.LBB2_8:
0x6b: {  	s9 =	smov.u32 s5  }
0x6c: {  	s8 =	sadd.s32 s5, s19;
	[sflag:s21] =	ssyncadd.s32 $0xFFFFEC00;
	s9 =	sadd.s32 $0xA000, s5  }
0x6d: {  	[tilespmem:s23], [sflag:$0x2] =	stream.linear.gather [hbm4b:s0+s3], $0x28, $0x38;
	[tilespmem:$0x16180] =	vst v63  }
0x6e: {  	p2 =	sne.s32 s5, $0x122000;
	s10 =	sadd.s32 $0x5000, s8  }
0x6f: {  	[tilespmem:s24], [sflag:$0x4] =	stream.linear.gather [hbm4b:s10+s3], $0x1400, $0x38;
	[tilespmem:$0x16180] =	vst v63  }
0x70: {  	_ =	swait.ge [sflag:s25], $0x28  }
0x71: {  	[sflag:s25] =	ssyncset.done $0x0  }
0x72: {  	[sflag:s25] =	ssyncadd.s32 $0xFFFFFFD8  }
0x73: {  	_ =	swait.ge [sflag:s26], $0x1400  }
0x74: {  	[sflag:s26] =	ssyncset.done $0x0  }
0x75: {  	[sflag:s26] =	ssyncadd.s32 $0xFFFFEC00  }
0x76: {  	[spmem:s1] =	stream.indirect.scatter.add.f32 [tilespmem:s22], [sflag:$0x5], $0x80, s3, s28, $0xb8;
	[tilespmem:$0x16180] =	vst v63  }
0x77: {  	_ =	swait.ge [sflag:s21], $0x1400  }
0x78: {  	[sflag:s21] =	ssyncset.done $0x0  }
0x79: {  	s5 =	sadd.s32 $0xA0, s0;
	[sflag:s21] =	ssyncadd.s32 $0xFFFFEC00  }
0x7a: {  	[tilespmem:s3], [sflag:$0x1] =	stream.linear.gather [hbm4b:s5+s3], $0x28, $0x38;
	[tilespmem:$0x16180] =	vst v63  }
0x7b: {  	s5 =	sadd.s32 $0xA000, s8  }
0x7c: {  	[tilespmem:s22], [sflag:$0x3] =	stream.linear.gather [hbm4b:s5+s3], $0x1400, $0x38;
	[tilespmem:$0x16180] =	vst v63  }
0x7d: {  	_ =	swait.ge [sflag:s29], $0x28  }
0x7e: {  	[sflag:s29] =	ssyncset.done $0x0  }
0x7f: {  	[sflag:s29] =	ssyncadd.s32 $0xFFFFFFD8  }
0x80: {  	_ =	swait.ge [sflag:s30], $0x1400  }
.Ltmp5:
0x81: {  	[sflag:s30] =	ssyncset.done $0x0;
	(pc) =	sbr.rel @p2 .LBB2_8-.Ltmp5, $4  }
0x82: {  	[sflag:s30] =	ssyncadd.s32 $0xFFFFEC00  }
0x83: {  	[spmem:s1] =	stream.indirect.scatter.add.f32 [tilespmem:s24], [sflag:$0x5], $0x80, s23, s28, $0xb8;
	[tilespmem:$0x16180] =	vst v63  }
0x84: {  	_ =	swait.ge [sflag:s21], $0x1400  }
0x85: {  	s0 =	sadd.s32 $0x140, s0;
	s5 =	smov.u32 s9;
	[sflag:s21] =	ssyncset.done $0x0  }
0x86: {  	[sflag:s21] =	ssyncadd.s32 $0xFFFFEC00;
	s0 =	rddreg [dreg:$0x7]  }
0x87: {  	[tilespmem:s23], [sflag:$0x2] =	stream.linear.gather [hbm4b:s0+s3], $0x28, $0x38;
	[tilespmem:$0x16180] =	vst v63  }
0x88: {  	_ = 	snop  }
0x89: {  	[tilespmem:s24], [sflag:$0x4] =	stream.linear.gather [hbm4b:s11+s3], $0x1400, $0x38;
	[tilespmem:$0x16180] =	vst v63  }
0x8a: {  	_ =	swait.ge [sflag:s25], $0x28  }
0x8b: {  	[sflag:s25] =	ssyncset.done $0x0  }
0x8c: {  	[sflag:s25] =	ssyncadd.s32 $0xFFFFFFD8  }
0x8d: {  	_ =	swait.ge [sflag:s26], $0x1400  }
0x8e: {  	[sflag:s26] =	ssyncset.done $0x0  }
0x8f: {  	[sflag:s26] =	ssyncadd.s32 $0xFFFFEC00  }
0x90: {  	[spmem:s1] =	stream.indirect.scatter.add.f32 [tilespmem:s22], [sflag:$0x5], $0x80, s3, s28, $0xb8;
	[tilespmem:$0x16180] =	vst v63  }
0x91: {  	_ =	swait.ge [sflag:s21], $0x1400  }
0x92: {  	[sflag:s21] =	ssyncset.done $0x0  }
0x93: {  	[sflag:s21] =	ssyncadd.s32 $0xFFFFEC00  }
0x94: {  	_ =	swait.ge [sflag:s29], $0x28  }
0x95: {  	[sflag:s29] =	ssyncset.done $0x0  }
0x96: {  	[sflag:s29] =	ssyncadd.s32 $0xFFFFFFD8  }
0x97: {  	_ =	swait.ge [sflag:s30], $0x1400  }
0x98: {  	[sflag:s30] =	ssyncset.done $0x0  }
0x99: {  	[sflag:s30] =	ssyncadd.s32 $0xFFFFEC00  }
0x9a: {  	[spmem:s1] =	stream.indirect.scatter.add.f32 [tilespmem:s24], [sflag:$0x5], $0x80, s23, s28, $0xb8;
	[tilespmem:$0x16180] =	vst v63  }
0x9b: {  	_ =	swait.ge [sflag:s21], $0x1400  }
0x9c: {  	[sflag:s21] =	ssyncset.done $0x0  }
0x9d: {  	s0 =	simm.s32 @p0 $0x0;
	[sflag:s21] =	ssyncadd.s32 $0xFFFFEC00  }
0x9e: {  	[tilespmem:s0], [sflag:$0x1] =	stream.linear.gather @p0 [hbm4b:s12+s0], $0x28, $0x38;
	[tilespmem:$0x16180] =	vst v63  }
0x9f: {  	s5 =	simm.s32 @p0 $0x100;
	s8 =	simm.s32 @p0 $0x1  }
0xa0: {  	[tilespmem:s5], [sflag:$0x3] =	stream.linear.gather @p0 [hbm4b:s13+s0], $0x1400, $0x38;
	[tilespmem:$0x16180] =	vst v63  }
0xa1: {  	_ =	swait.ge @p0 [sflag:s8], $0x28  }
0xa2: {  	[sflag:s8] =	ssyncset.done @p0 $0x0  }
0xa3: {  	[sflag:s8] =	ssyncadd.s32 @p0 $0xFFFFFFD8;
	s8 =	simm.s32 @p0 $0x3  }
0xa4: {  	_ =	swait.ge @p0 [sflag:s8], $0x1400  }
0xa5: {  	[sflag:s8] =	ssyncset.done @p0 $0x0  }
0xa6: {  	[sflag:s8] =	ssyncadd.s32 @p0 $0xFFFFEC00;
	s8 =	simm.s32 @p0 $0x28  }
0xa7: {  	[spmem:s1] =	stream.indirect.scatter.add.f32 @p0 [tilespmem:s5], [sflag:$0x5], $0x80, s0, s8, $0xb8;
	[tilespmem:$0x16180] =	vst v63  }
0xa8: {  	s0 =	simm.s32 @p0 $0x5  }
0xa9: {  	_ =	swait.ge @p0 [sflag:s0], $0x1400  }
0xaa: {  	[sflag:s0] =	ssyncset.done @p0 $0x0  }
0xab: {  	[sflag:s0] =	ssyncadd.s32 @p0 $0xFFFFEC00;
	s0 =	sshll.u32 @!p6 s2, $0x6  }
0xac: {  	s5 =	sshrl.u32 @!p6 s6, $0x3;
	[bflag:$0x0] =	sbarrier.arrive @p0 $0xFFFF;
	s0 =	sor.u32 @!p6 $0x1C05, s0  }
0xad: {  	[hbm:s14], [sflag:s0] =	dma.local @!p6 [spmem:s5], $0x2800  }
0xae: {  	s0 =	simm.s32 @!p6 $0x5  }
0xaf: {  	_ =	swait.ge @!p6 [sflag:s0], $0x2800  }
0xb0: {  	[sflag:s0] =	ssyncset.done @!p6 $0x0  }
0xb1: {  	[sflag:s0] =	ssyncadd.s32 @!p6 $0xFFFFD800;
	s0 =	sshll.u32 @p3 s2, $0x6  }
0xb2: {  	s5 =	sshrl.u32 @p3 s4, $0x3;
	[bflag:$0x0] =	sbarrier.arrive @!p0 $0xFFFF;
	s0 =	sor.u32 @p3 $0x1C05, s0  }
0xb3: {  	[hbm:s15], [sflag:s0] =	dma.local @p3 [spmem:s5], $0x1900  }
0xb4: {  	s0 =	simm.s32 @p3 $0x5  }
0xb5: {  	_ =	swait.ge @p3 [sflag:s0], $0x1900  }
0xb6: {  	s5 =	sshll.u32 @p5 s2, $0x6;
	[sflag:s0] =	ssyncset.done @p3 $0x0  }
0xb7: {  	[sflag:s0] =	ssyncadd.s32 @p3 $0xFFFFE700;
	s0 =	sor.u32 @p5 $0x1C05, s5;
	s5 =	sshrl.u32 @p5 s6, $0x3  }
0xb8: {  	[hbm:s16], [sflag:s0] =	dma.local @p5 [spmem:s5], $0x2800  }
0xb9: {  	s0 =	simm.s32 @p5 $0x5  }
0xba: {  	s31 =	sadd.s32 $0x1, s31;
	_ =	swait.ge @p5 [sflag:s0], $0x2800  }
0xbb: {  	p1 =	sne.s32 s31, s18;
	s5 =	sshll.u32 @p4 s2, $0x6;
	[sflag:s0] =	ssyncset.done @p5 $0x0  }
0xbc: {  	[sflag:s0] =	ssyncadd.s32 @p5 $0xFFFFD800;
	s0 =	sor.u32 @p4 $0x1C05, s5;
	s5 =	sshrl.u32 @p4 s4, $0x3  }
0xbd: {  	[hbm:s17], [sflag:s0] =	dma.local @p4 [spmem:s5], $0x1900  }
.Ltmp6:
0xbe: {  	_ = 	snop;
	(pc) =	sbr.rel @p1 .LBB2_1-.Ltmp6, $4  }
0xbf: {  	s0 =	simm.s32 @p4 $0x5  }
0xc0: {  	_ =	swait.ge @p4 [sflag:s0], $0x1900  }
0xc1: {  	[sflag:s0] =	ssyncset.done @p4 $0x0  }
0xc2: {  	[sflag:s0] =	ssyncadd.s32 @p4 $0xFFFFE700  }
0xc3: {  	_ =	sfence.sel $0x180000  }
0xc4: {  	[bflag:$0x0] =	sbarrier.arrive $0xFFFF  }
0xc5: {  	_ =	strace $0x9000004D  }
0xc6: {  	[bflag:$0x2] =	sbarrier.arrive $0xFFFF  }
0xc7: {  	p0 =	sne.s32 s2, $0x0;
	s0 =	rddreg [dreg:$0x3]  }
0xc8: {  	s0 =	sadd.s32 @!p0 $0x100000, s0  }
0xc9: {  	[sflag:s0] =	ssyncadd.tile.s32 @!p0 $0x1;
	_ =	shalt  }
.Lfunc_end2:
_tile_overlayer_lowered:
.L_overlay_start_2:
0xca: {  	(tag) =	ssettag $0x2  }
0xcb: {  	s0 =	rddreg [dreg:$0x0];
	s2 =	stileid.u32  }
0xcc: {  	s1 =	rddreg [dreg:$0x1];
	p0 =	sne.s32 s2, $0x0  }
0xcd: {  	s3 =	rddreg [dreg:$0x2];
	[bflag:$0x3] =	sbarrier.arrive $0xFFFF;
	s2 =	simm.s32 @!p0 $0x1C05  }
0xce: {  	[timem:s3], [sflag:s2] =	dma.local @!p0 [hbm:s0], s1  }
0xcf: {  	s0 =	simm.s32 @!p0 $0x5  }
0xd0: {  	_ =	swait.ge @!p0 [sflag:s0], s1  }
0xd1: {  	s1 =	ssub.s32 @!p0 $0x0, s1;
	[sflag:s0] =	ssyncset.done @!p0 $0x0  }
0xd2: {  	[sflag:s0] =	ssyncadd.s32 @!p0 s1  }
0xd3: {  	[bflag:$0x3] =	sbarrier.arrive $0xFFFF  }
0xd4: {  	_ =	shalt  }

// kernel: kernel.23.cloned.1.call-start
scs
__scs_entry_jumppad:
0x0: {  	(pc) =	sbr.rel $0x88, $3  }
0x1: {  	(tag) =	ssettag $0x0;
	lr =	simm.s32 $0x1  }
0x2: {  	[smem:$0x3F90] =	sst lr;
	_ =	strace $0xD0000000  }
0x3: {  	_ = 	snop  }
0x4: {  	_ = 	snop  }
0x5: {  	_ = 	snop  }
0x6: {  	_ = 	snop  }
0x7: {  	_ = 	snop  }
__scs_overlays_trampoline_lowered:
0x8: {  	[smem:$0x3F9F] =	sst s0  }
0x9: {  	[smem:$0x3FA0] =	sst s1  }
0xa: {  	[smem:$0x3FA1] =	sst s2  }
0xb: {  	[smem:$0x3FA2] =	sst s3  }
0xc: {  	[smem:$0x3FA3] =	sst s4  }
0xd: {  	[smem:$0x3FA4] =	sst s5  }
0xe: {  	[smem:$0x3FA5] =	sst s6  }
0xf: {  	[smem:$0x3FA6] =	sst s7  }
0x10: {  	[smem:$0x3FA7] =	sst s8  }
0x11: {  	[smem:$0x3FA8] =	sst s9;
	s0 =	simm.s32 @!p0 $0x0  }
0x12: {  	s1 =	sld [smem:$0x3F8E];
	s0 =	simm.s32 @p0 $0x1  }
0x13: {  	[smem:$0x3FA9] =	sst s0;
	s0 =	simm.s32 @!p1 $0x0  }
0x14: {  	s2 =	sld [smem:$0x3F8D];
	s0 =	simm.s32 @p1 $0x1  }
0x15: {  	[smem:$0x3FAA] =	sst s0;
	s0 =	simm.s32 @!p2 $0x0  }
0x16: {  	s3 =	sld [smem:$0x3FDB];
	s0 =	simm.s32 @p2 $0x1  }
0x17: {  	s4 =	simm.s32 $0x1BF5;
	[smem:$0x3FAC] =	sst s0  }
0x18: {  	s0 =	sld [smem:$0x3F8F];
	_ =	swait.ge [sflag:s4], $0x0  }
0x19: {  	s7 =	sld [smem:$0x3F90]  }
0x1a: {  	s8 =	sadd.s32 $0xFFFFE003, lr  }
0x1b: {  	s9 =	sadd.s32 $0xFFFFFEF7, lr;
	s5 =	simm.s32 $0xFFFFFFFF;
	p2 =	slt.u32 s8, $0xFFFFF086  }
0x1c: {  	p1 =	slt.u32 s9, $0xF7A;
	s5 =	simm.s32 @!p2 $0x0  }
0x1d: {  	s5 =	simm.s32 @p1 $0x1;
	p0 =	seq.s32 s7, s2  }
0x1e: {  	s7 =	smul.u32 @!p0 $0xF7A, s2;
	p2 =	seq.s32 @!p0 s5, $0x0  }
0x1f: {  	s9 =	smul.u32 $0xF7A, s1;
	s8 =	simm.s32 @!p0 $0x1BF5;
	p2 =	por !p2, p0  }
0x20: {  	[sflag:s8] =	ssyncset.s32 @!p0 $0xFFFFF086;
	s6 =	sadd.s32 @!p0 s3, s7;
	s7 =	simm.s32 @!p0 $0x108  }
0x21: {  	s3 =	sadd.s32 s3, s9;
	s6 =	sadd.s32 @!p0 $0x88, s6;
	s7 =	simm.s32 @p2 $0x1082  }
0x22: {  	[simem:s7], [sflag:s8] =	dma.local @!p0 [hbm:s6], $0xF7A  }
0x23: {  	s9 =	sor.u32 $0xD0000000, s2;
	s6 =	simm.s32 $0x108;
	_ =	swait.ge @!p0 [sflag:s8], $0x0  }
0x24: {  	s3 =	sadd.s32 $0x88, s3;
	s6 =	simm.s32 @!p1 $0x1082;
	[sflag:s4] =	ssyncset.s32 $0xFFFFF086  }
0x25: {  	[simem:s6], [sflag:s4] =	dma.local [hbm:s3], $0xF7A  }
0x26: {  	[smem:$0x3F90] =	sst s1;
	(tag) =	ssettag s2;
	_ =	strace s9  }
0x27: {  	s1 =	sld [smem:$0x3FA0]  }
0x28: {  	s2 =	sld [smem:$0x3FA1]  }
0x29: {  	s4 =	sld [smem:$0x3FA3]  }
0x2a: {  	p0 =	seq.s32 s5, $0x0;
	s5 =	sld [smem:$0x3FA4]  }
0x2b: {  	s6 =	sld [smem:$0x3FA5]  }
0x2c: {  	s7 =	sld [smem:$0x3FA6]  }
0x2d: {  	s3 =	simm.s32 $0x108;
	s8 =	sld [smem:$0x3FA7]  }
0x2e: {  	s3 =	simm.s32 @!p0 $0x1082;
	s9 =	sld [smem:$0x3FA8]  }
0x2f: {  	lr =	sadd.s32 s0, s3;
	s0 =	sld [smem:$0x3F9F]  }
0x30: {  	s3 =	sld [smem:$0x3FA2]  }
0x31: {  	[smem:$0x3FAB] =	sst s10  }
0x32: {  	s10 =	sld [smem:$0x3FA9];
	_ =	sdelay $0x3  }
0x33: {  	p0 =	seq.s32 s10, $0x1;
	s10 =	sld [smem:$0x3FAB];
	_ =	sdelay $0x3  }
0x34: {  	[smem:$0x3FAB] =	sst s10  }
0x35: {  	s10 =	sld [smem:$0x3FAA];
	_ =	sdelay $0x3  }
0x36: {  	p1 =	seq.s32 s10, $0x1;
	s10 =	sld [smem:$0x3FAB];
	_ =	sdelay $0x3  }
0x37: {  	[smem:$0x3FAB] =	sst s10  }
0x38: {  	s10 =	sld [smem:$0x3FAC]  }
0x39: {  	_ = 	snop;
	(pc) =	sbr.ind lr, $3  }
0x3a: {  	_ = 	snop  }
0x3b: {  	_ = 	snop  }
0x3c: {  	p2 =	seq.s32 s10, $0x1;
	s10 =	sld [smem:$0x3FAB]  }
0x3d: {  	_ =	shalt  }
0x3e: {  	_ =	shalt  }
0x3f: {  	_ =	shalt  }
0x40: {  	_ =	shalt  }
0x41: {  	_ =	shalt  }
0x42: {  	_ =	shalt  }
0x43: {  	_ =	shalt  }
0x44: {  	_ =	shalt  }
0x45: {  	_ =	shalt  }
0x46: {  	_ =	shalt  }
0x47: {  	_ =	shalt  }
0x48: {  	_ =	shalt  }
0x49: {  	_ =	shalt  }
0x4a: {  	_ =	shalt  }
0x4b: {  	_ =	shalt  }
0x4c: {  	_ =	shalt  }
0x4d: {  	_ =	shalt  }
0x4e: {  	_ =	shalt  }
0x4f: {  	_ =	shalt  }
0x50: {  	_ =	shalt  }
0x51: {  	_ =	shalt  }
0x52: {  	_ =	shalt  }
0x53: {  	_ =	shalt  }
0x54: {  	_ =	shalt  }
0x55: {  	_ =	shalt  }
0x56: {  	_ =	shalt  }
0x57: {  	_ =	shalt  }
0x58: {  	_ =	shalt  }
0x59: {  	_ =	shalt  }
0x5a: {  	_ =	shalt  }
0x5b: {  	_ =	shalt  }
0x5c: {  	_ =	shalt  }
0x5d: {  	_ =	shalt  }
0x5e: {  	_ =	shalt  }
0x5f: {  	_ =	shalt  }
0x60: {  	_ =	shalt  }
0x61: {  	_ =	shalt  }
0x62: {  	_ =	shalt  }
0x63: {  	_ =	shalt  }
0x64: {  	_ =	shalt  }
0x65: {  	_ =	shalt  }
0x66: {  	_ =	shalt  }
0x67: {  	_ =	shalt  }
0x68: {  	_ =	shalt  }
0x69: {  	_ =	shalt  }
0x6a: {  	_ =	shalt  }
0x6b: {  	_ =	shalt  }
0x6c: {  	_ =	shalt  }
0x6d: {  	_ =	shalt  }
0x6e: {  	_ =	shalt  }
0x6f: {  	_ =	shalt  }
0x70: {  	_ =	shalt  }
0x71: {  	_ =	shalt  }
0x72: {  	_ =	shalt  }
0x73: {  	_ =	shalt  }
0x74: {  	_ =	shalt  }
0x75: {  	_ =	shalt  }
0x76: {  	_ =	shalt  }
0x77: {  	_ =	shalt  }
0x78: {  	_ =	shalt  }
0x79: {  	_ =	shalt  }
0x7a: {  	_ =	shalt  }
0x7b: {  	_ =	shalt  }
0x7c: {  	_ =	shalt  }
0x7d: {  	_ =	shalt  }
0x7e: {  	_ =	shalt  }
0x7f: {  	_ =	shalt  }
0x80: {  	_ =	shalt  }
0x81: {  	_ =	shalt  }
0x82: {  	_ =	shalt  }
0x83: {  	_ =	shalt  }
0x84: {  	_ =	shalt  }
0x85: {  	_ =	shalt  }
0x86: {  	_ =	shalt  }
0x87: {  	_ =	shalt  }
.Lfunc_end0:
.L_simem_size_0:
called_computation.3_lowered:
.L_overlay_start_0:
0x88: {  	s2 =	sld [smem:$0x3FD9]  }
0x89: {  	s3 =	sld [smem:$0x3FFE];
	_ =	sdelay $0x1  }
0x8a: {  	s1 =	srdreg.scid  }
0x8b: {  	s0 =	sand.u32 $0x1, s1  }
0x8c: {  	s16 =	sshll.u32 s0, $0xA;
	s2 =	sadd.s32 s3, s2  }
0x8d: {  	s2 =	sadd.s32 s2, s16  }
0x8e: {  	[smem:$0x3FB7] =	sst s2  }
0x8f: {  	_ = 	snop  }
0x90: {  	(tm) =	ssettm $0x1  }
0x91: {  	s17 =	sld [smem:$0x3FFB];
	_ =	sdelay $0x3  }
0x92: {  	_ =	strace s17  }
0x93: {  	s2 =	sld [smem:$0x3FFC];
	_ =	sdelay $0x3  }
0x94: {  	_ =	strace s2  }
0x95: {  	s2 =	sld [smem:$0x3FFD];
	_ =	sdelay $0x3  }
0x96: {  	_ =	strace s2  }
0x97: {  	_ =	strace $0x8FFFFFFF  }
0x98: {  	s18 =	sld [smem:$0x3FDB];
	_ =	sdelay $0x1  }
0x99: {  	s19 =	simm.s32 $_scs_section_size  }
0x9a: {  	s4 =	simm.s32 $_size__tile_overlayer_lowered;
	s5 =	simm.s32 $_tile_overlayer_lowered  }
0x9b: {  	s22 =	simm.s32 $0x1BFF;
	s21 =	sshll.u32 s5, $0x1;
	s2 =	sadd.s32 s19, s18  }
0x9c: {  	s6 =	simm.s32 $0x0;
	s20 =	sshll.u32 s4, $0x1;
	s4 =	sadd.s32 s21, s2  }
0x9d: {  	[timem:s6], [sflag:s22] =	dma.local [hbm:s4], s20  }
0x9e: {  	_ =	swait.ge [sflag:s22], s20  }
0x9f: {  	s3 =	ssub.s32 $0x0, s20;
	[sflag:s22] =	ssyncset.done $0x0  }
0xa0: {  	[sflag:s22] =	ssyncadd.s32 s3;
	_ =	sdelay $0x1  }
0xa1: {  	s23 =	simm.s32 $0x1B8B  }
0xa2: {  	_ =	swait.ge [sflag:s23], $0x1  }
0xa3: {  	[sflag:s23] =	ssyncset.done $0x0  }
0xa4: {  	s25 =	simm.s32 $0x1B8E;
	s24 =	sld [smem:$0x3FFE];
	[sflag:s23] =	ssyncadd.s32 $0xFFFFFFFF  }
0xa5: {  	s26 =	simm.s32 $execute0_lowered;
	[smem:$0x3FD2] =	sst s25  }
0xa6: {  	s4 =	sshll.u32 s26, $0x1;
	_ =	strace $0x8000004F;
	[dreg:$0x1] =	wrdreg $0xFFFFFFFF  }
0xa7: {  	s28 =	simm.s32 $_size_execute0_lowered;
	s2 =	sadd.s32 s2, s4;
	[dreg:$0x0] =	wrdreg $0x0  }
0xa8: {  	s4 =	sshll.u32 s28, $0x1;
	[dreg:$0x2] =	wrdreg s2  }
0xa9: {  	[dreg:$0x3] =	wrdreg s4  }
0xaa: {  	[dreg:$0x4] =	wrdreg $0xC0  }
0xab: {  	_ =	task [dreg:s6], $0x5FFFF  }
0xac: {  	[dreg:$0x1] =	wrdreg $0xFFFFFFFF  }
0xad: {  	[dreg:$0x0] =	wrdreg $0x60  }
0xae: {  	[dreg:$0x2] =	wrdreg s24  }
0xaf: {  	[dreg:$0x3] =	wrdreg $0x29000  }
0xb0: {  	[dreg:$0x4] =	wrdreg $0x9  }
0xb1: {  	_ =	task.clear_ibuf [dreg:s6], $0x5FFFF;
	_ =	strace $0x9000004F  }
0xb2: {  	s29 =	simm.s32 $0x9;
	_ =	strace $0x80000051  }
0xb3: {  	_ =	swait.ge [sflag:s29], $0x1  }
0xb4: {  	[sflag:s29] =	ssyncadd.s32 $0xFFFFFFFF  }
0xb5: {  	_ =	strace $0x90000051  }
0xb6: {  	_ =	sfence  }
0xb7: {  	s30 =	sld [smem:$0x0];
	_ =	sdelay $0x2  }
0xb8: {  	s31 =	sshll.u32 s1, $0xD;
	s1 =	sshrl.u32 s1, $0x2  }
0xb9: {  	s3 =	sand.u32 $0x4000, s31;
	s1 =	sadd.s32 s1, s30  }
0xba: {  	s0 =	sor.u32 s3, s0;
	s1 =	sshll.u32 s1, $0x11  }
0xbb: {  	s0 =	sor.u32 s1, s0  }
0xbc: {  	s0 =	sadd.s32 $0x8F2B, s0  }
0xbd: {  	[sflag:s0] =	ssyncadd.remote.s32 $0x1  }
0xbe: {  	_ =	sfence.sel $0xFFFF  }
0xbf: {  	[dreg:$0x0] =	wrdreg $0xFFFFFFFF;
	(pc) =	sbr.abs _section_cstart, $3  }
0xc0: {  	[dreg:$0x1] =	wrdreg $0xFFFFFFFF  }
0xc1: {  	_ =	task.clear_ibuf [dreg:s6], $0x2FFFF;
	_ =	strace $0x9FFFFFFF  }
0xc2: {  	(tm) =	ssettm $0x7FFFFFFF  }
0xc3: {  	_ =	shalt  }
tec
execute0_lowered:
.L_overlay_start_1:
0x0: {  	(tag) =	ssettag $0x1  }
0x1: {  	s0 =	rddreg [dreg:$0x0]  }
0x2: {  	s1 =	rddreg [dreg:$0x1];
	s2 =	simm.s32 $0x0  }
0x3: {  	s4 =	srdreg.scid;
	s3 =	stileid.u32;
	s28 =	simm.s32 $0x1  }
0x4: {  	s29 =	simm.s32 $0x3;
	s30 =	simm.s32 $0x28;
	[smem:$0x7FF] =	sst s2  }
0x5: {  	s31 =	simm.s32 $0x2;
	s5 =	sadd.s32 $0x144E00, s0;
	s11 =	sadd.s32 $0x593A00, s0  }
0x6: {  	s4 =	sand.u32 $0x1, s4;
	s8 =	smul.u32 $0x2800, s3;
	s12 =	sadd.s32 $0x5BAC00, s0  }
0x7: {  	s20 =	sadd.s32 $0x27D600, s0;
	p1 =	sne.s32 s3, $0xF;
	s14 =	smul.u32 $0x50000, s3  }
0x8: {  	p3 =	seq.s32 s3, $0xF;
	s25 =	smul.u32 $0x5, s3;
	_ =	strace $0x80000050  }
0x9: {  	s6 =	ssub.s32 $0x2, s4;
	s13 =	sshll.u32 s4, $0x4;
	[dreg:$0x3] =	wrdreg s11  }
0xa: {  	p0 =	seq.s32 s4, $0x0;
	[dreg:$0x4] =	wrdreg s12;
	s7 =	sshrl.u32 s6, $0x1  }
0xb: {  	s18 =	sadd.s32 s8, s0;
	p2 =	por !p0, !p1;
	s9 =	sor.u32 s3, s13  }
0xc: {  	s11 =	sadd.s32 s11, s8;
	s8 =	sadd.s32 s12, s8;
	s10 =	smul.u32 $0x5, s9  }
0xd: {  	s21 =	ssub.s32 s6, s7;
	s7 =	simm.s32 @!p3 $0x0;
	s13 =	smul.u32 $0x28, s9  }
0xe: {  	p2 =	por !p2, !p2;
	[dreg:$0x5] =	wrdreg s11;
	s15 =	smul.u32 $0x280, s9  }
0xf: {  	[dreg:$0x6] =	wrdreg s8;
	s7 =	simm.s32 @p3 $0x1;
	p3 =	por !p0, !p3  }
0x10: {  	p6 =	por !p2, !p0;
	[smem:$0x7F9] =	sst s7;
	p3 =	por !p3, !p3  }
0x11: {  	s7 =	sshrl.u32 s14, $0x2;
	s16 =	sadd.s32 $0x13100, s13;
	s17 =	sadd.s32 s20, s10  }
0x12: {  	s19 =	sadd.s32 s5, s15;
	s15 =	sadd.s32 $0x13600, s13;
	[dreg:$0x7] =	wrdreg s17  }
0x13: {  	s6 =	simm.s32 @!p3 $0x0;
	s7 =	sadd.s32 s7, s1;
	[dreg:$0x8] =	wrdreg s19  }
0x14: {  	s22 =	sshrl.u32 s16, $0x3;
	s8 =	sshll.u32 s16, $0x4;
	s23 =	sshrl.u32 s15, $0x3  }
0x15: {  	s19 =	smul.u32 $0x2800, s4;
	s24 =	sshll.u32 s15, $0x4;
	s16 =	sadd.s32 $0xA8A00, s18  }
0x16: {  	s17 =	sadd.s32 $0xCE200, s0;
	s18 =	sadd.s32 $0xCFC00, s18;
	s6 =	simm.s32 @p3 $0x1  }
0x17: {  	p3 =	seq.s32 s4, $0x1;
	s12 =	sadd.s32 s20, s22;
	s13 =	sadd.s32 s5, s8  }
0x18: {  	s14 =	sadd.s32 s20, s23;
	s22 =	smul.u32 $0x280, s3;
	s15 =	sadd.s32 s5, s24  }
0x19: {  	s4 =	smul.u32 $0x50, s4;
	s23 =	simm.s32 $0x5;
	s24 =	simm.s32 $0x100  }
0x1a: {  	[smem:$0x7FA] =	sst s6;
	s6 =	sadd.s32 $0x12C000, s1;
	s11 =	simm.s32 @!p3 $0x0  }
0x1b: {  	p1 =	por !p1, !p3;
	s5 =	sadd.s32 s19, s5;
	s19 =	sadd.s32 $0xF5400, s0  }
0x1c: {  	s11 =	simm.s32 @p3 $0x1;
	p1 =	por !p1, !p1;
	s26 =	sadd.s32 s4, s20  }
0x1d: {  	s20 =	smax.u32 s21, $0x1;
	s21 =	sadd.s32 s22, s5;
	s4 =	simm.s32 $0x0  }
0x1e: {  	[smem:$0x7FB] =	sst s11;
	s9 =	simm.s32 @!p1 $0x0;
	s0 =	sadd.s32 s25, s26  }
0x1f: {  	s9 =	simm.s32 @p1 $0x1;
	s22 =	sadd.s32 $0xA0, s0;
	s0 =	simm.s32 @!p2 $0x0  }
0x20: {  	s25 =	simm.s32 $0x80;
	[smem:$0x7FC] =	sst s9;
	s0 =	simm.s32 @p2 $0x1  }
0x21: {  	s26 =	simm.s32 $0x1500;
	[smem:$0x7FD] =	sst s0;
	s0 =	simm.s32 $0x4  }
.LBB2_1:
0x22: {  	s5 =	sld [smem:$0x7FD];
	_ =	sdelay $0x2  }
0x23: {  	p1 =	seq.s32 s5, $0x1  }
.Ltmp0:
0x24: {  	_ = 	snop;
	(pc) =	sbr.rel @!p1 .LBB2_4-.Ltmp0, $1  }
0x25: {  	_ =	sdelay $0x3  }
0x26: {  	s5 =	sshll.u32 s3, $0x6;
	s8 =	sshrl.u32 s7, $0x3  }
.Ltmp1:
0x27: {  	s9 =	rddreg [dreg:$0x5];
	s5 =	sor.u32 $0x1C05, s5;
	(pc) =	sbr.rel .LBB2_3-.Ltmp1, $4  }
0x28: {  	[spmem:s8], [sflag:s5] =	dma.local [hbm:s9], $0x2800  }
0x29: {  	_ =	swait.ge [sflag:s23], $0x2800  }
0x2a: {  	[sflag:s23] =	ssyncset.done $0x0  }
0x2b: {  	p2 =	por $0x0, $0x0;
	[sflag:s23] =	ssyncadd.s32 $0xFFFFD800  }
.LBB2_4:
0x2c: {  	s11 =	sld [smem:$0x7FA];
	_ =	sdelay $0x2  }
0x2d: {  	p1 =	seq.s32 s11, $0x1  }
.Ltmp2:
0x2e: {  	_ = 	snop;
	(pc) =	sbr.rel @!p1 .LBB2_3-.Ltmp2, $2  }
0x2f: {  	s5 =	sld [smem:$0x7F9];
	_ =	sdelay $0x2  }
0x30: {  	p2 =	seq.s32 s5, $0x1  }
.Ltmp3:
0x31: {  	(pc) =	sbr.rel .LBB2_6-.Ltmp3, $3  }
0x32: {  	_ =	sdelay $0x1  }
0x33: {  	p4 =	por $0x1, $0x1;
	p2 =	por $0x0, $0x0  }
0x34: {  	s8 =	simm.s32 $0xF;
	s5 =	rddreg [dreg:$0x3];
	p5 =	por $0x0, $0x0  }
.LBB2_3:
0x35: {  	s5 =	sld [smem:$0x7FC];
	_ =	sdelay $0x2  }
0x36: {  	p5 =	seq.s32 s5, $0x1  }
0x37: {  	s5 =	sshll.u32 @p5 s3, $0x6  }
0x38: {  	s9 =	rddreg [dreg:$0x6];
	s8 =	sshrl.u32 @p5 s7, $0x3;
	s5 =	sor.u32 @p5 $0x1C05, s5  }
0x39: {  	[spmem:s8], [sflag:s5] =	dma.local @p5 [hbm:s9], $0x2800  }
0x3a: {  	s5 =	simm.s32 @p5 $0x5  }
0x3b: {  	_ =	swait.ge @p5 [sflag:s5], $0x2800  }
0x3c: {  	s11 =	sld [smem:$0x7FB];
	_ =	sdelay $0x2  }
0x3d: {  	p3 =	por @p5 $0x1, $0x1;
	p1 =	seq.s32 s11, $0x1  }
0x3e: {  	p3 =	por @!p5 p1, p1  }
0x3f: {  	p2 =	por !p3, !p2  }
0x40: {  	p1 =	por !p2, !p2  }
.Ltmp4:
0x41: {  	_ = 	snop;
	(pc) =	sbr.rel @!p1 .LBB2_7-.Ltmp4, $4  }
0x42: {  	_ = 	snop  }
0x43: {  	[sflag:s5] =	ssyncset.done @p5 $0x0  }
0x44: {  	p4 =	por $0x0, $0x0;
	s8 =	stileid.u32;
	[sflag:s5] =	ssyncadd.s32 @p5 $0xFFFFD800  }
0x45: {  	s5 =	rddreg [dreg:$0x4];
	p3 =	por $0x0, $0x0;
	p2 =	por $0x1, $0x1  }
.LBB2_6:
0x46: {  	s8 =	sshll.u32 s8, $0x6  }
0x47: {  	s5 =	sadd.s32 $0x25800, s5;
	s9 =	sshrl.u32 s6, $0x3;
	s8 =	sor.u32 $0x1C05, s8  }
0x48: {  	[spmem:s9], [sflag:s8] =	dma.local [hbm:s5], $0x1900  }
0x49: {  	_ =	swait.ge [sflag:s23], $0x1900  }
0x4a: {  	[sflag:s23] =	ssyncset.done $0x0  }
0x4b: {  	p3 =	por p4, p4;
	p4 =	por p2, p2;
	[sflag:s23] =	ssyncadd.s32 $0xFFFFE700  }
.LBB2_7:
0x4c: {  	[bflag:$0x0] =	sbarrier.arrive $0xFFFF  }
0x4d: {  	s5 =	simm.s32 $0x0;
	s8 =	rddreg [dreg:$0x7]  }
0x4e: {  	[tilespmem:s5], [sflag:$0x1] =	stream.linear.gather [hbm4b:s8+s5], $0x28, $0x38;
	[tilespmem:$0x16180] =	vst v63  }
0x4f: {  	s11 =	rddreg [dreg:$0x8]  }
0x50: {  	[tilespmem:s24], [sflag:$0x3] =	stream.linear.gather [hbm4b:s11+s5], $0x1400, $0x38;
	[tilespmem:$0x16180] =	vst v63  }
0x51: {  	s9 =	sadd.s32 $0x0, s21  }
0x52: {  	[tilespmem:s25], [sflag:$0x2] =	stream.linear.gather [hbm4b:s22+s2], $0x28, $0x38;
	[tilespmem:$0x16180] =	vst v63  }
0x53: {  	s10 =	sadd.s32 $0x5000, s9  }
0x54: {  	[tilespmem:s26], [sflag:$0x4] =	stream.linear.gather [hbm4b:s10+s2], $0x1400, $0x38;
	[tilespmem:$0x16180] =	vst v63  }
0x55: {  	_ =	swait.ge [sflag:s28], $0x28  }
0x56: {  	[sflag:s28] =	ssyncset.done $0x0  }
0x57: {  	[sflag:s28] =	ssyncadd.s32 $0xFFFFFFD8  }
0x58: {  	_ =	swait.ge [sflag:s29], $0x1400  }
0x59: {  	[sflag:s29] =	ssyncset.done $0x0  }
0x5a: {  	[sflag:s29] =	ssyncadd.s32 $0xFFFFEC00  }
0x5b: {  	[spmem:s1] =	stream.indirect.scatter.add.f32 [tilespmem:s24], [sflag:$0x5], $0x80, s2, s30, $0xb8;
	[tilespmem:$0x16180] =	vst v63  }
0x5c: {  	_ =	swait.ge [sflag:s23], $0x1400  }
0x5d: {  	[sflag:s23] =	ssyncset.done $0x0  }
0x5e: {  	s11 =	sadd.s32 $0xA0, s22;
	[sflag:s23] =	ssyncadd.s32 $0xFFFFEC00  }
0x5f: {  	[tilespmem:s2], [sflag:$0x1] =	stream.linear.gather [hbm4b:s11+s2], $0x28, $0x38;
	[tilespmem:$0x16180] =	vst v63  }
0x60: {  	s5 =	sadd.s32 $0xA000, s9  }
0x61: {  	[tilespmem:s24], [sflag:$0x3] =	stream.linear.gather [hbm4b:s5+s2], $0x1400, $0x38;
	[tilespmem:$0x16180] =	vst v63  }
0x62: {  	_ =	swait.ge [sflag:s31], $0x28  }
0x63: {  	[sflag:s31] =	ssyncset.done $0x0  }
0x64: {  	[sflag:s31] =	ssyncadd.s32 $0xFFFFFFD8  }
0x65: {  	_ =	swait.ge [sflag:s0], $0x1400  }
0x66: {  	[sflag:s0] =	ssyncset.done $0x0  }
0x67: {  	[sflag:s0] =	ssyncadd.s32 $0xFFFFEC00  }
0x68: {  	[spmem:s1] =	stream.indirect.scatter.add.f32 [tilespmem:s26], [sflag:$0x5], $0x80, s25, s30, $0xb8;
	[tilespmem:$0x16180] =	vst v63  }
0x69: {  	_ =	swait.ge [sflag:s23], $0x1400  }
0x6a: {  	s8 =	sadd.s32 $0x140, s22;
	s5 =	simm.s32 $0xA000;
	[sflag:s23] =	ssyncset.done $0x0  }
.LBB2_8:
0x6b: {  	s10 =	smov.u32 s5  }
0x6c: {  	s9 =	sadd.s32 s5, s21;
	[sflag:s23] =	ssyncadd.s32 $0xFFFFEC00;
	s10 =	sadd.s32 $0xA000, s5  }
0x6d: {  	[tilespmem:s25], [sflag:$0x2] =	stream.linear.gather [hbm4b:s8+s2], $0x28, $0x38;
	[tilespmem:$0x16180] =	vst v63  }
0x6e: {  	p2 =	sne.s32 s5, $0x122000;
	s11 =	sadd.s32 $0x5000, s9  }
0x6f: {  	[tilespmem:s26], [sflag:$0x4] =	stream.linear.gather [hbm4b:s11+s2], $0x1400, $0x38;
	[tilespmem:$0x16180] =	vst v63  }
0x70: {  	_ =	swait.ge [sflag:s28], $0x28  }
0x71: {  	[sflag:s28] =	ssyncset.done $0x0  }
0x72: {  	[sflag:s28] =	ssyncadd.s32 $0xFFFFFFD8  }
0x73: {  	_ =	swait.ge [sflag:s29], $0x1400  }
0x74: {  	[sflag:s29] =	ssyncset.done $0x0  }
0x75: {  	[sflag:s29] =	ssyncadd.s32 $0xFFFFEC00  }
0x76: {  	[spmem:s1] =	stream.indirect.scatter.add.f32 [tilespmem:s24], [sflag:$0x5], $0x80, s2, s30, $0xb8;
	[tilespmem:$0x16180] =	vst v63  }
0x77: {  	_ =	swait.ge [sflag:s23], $0x1400  }
0x78: {  	[sflag:s23] =	ssyncset.done $0x0  }
0x79: {  	s5 =	sadd.s32 $0xA0, s8;
	[sflag:s23] =	ssyncadd.s32 $0xFFFFEC00  }
0x7a: {  	[tilespmem:s2], [sflag:$0x1] =	stream.linear.gather [hbm4b:s5+s2], $0x28, $0x38;
	[tilespmem:$0x16180] =	vst v63  }
0x7b: {  	s5 =	sadd.s32 $0xA000, s9  }
0x7c: {  	[tilespmem:s24], [sflag:$0x3] =	stream.linear.gather [hbm4b:s5+s2], $0x1400, $0x38;
	[tilespmem:$0x16180] =	vst v63  }
0x7d: {  	_ =	swait.ge [sflag:s31], $0x28  }
0x7e: {  	[sflag:s31] =	ssyncset.done $0x0  }
0x7f: {  	[sflag:s31] =	ssyncadd.s32 $0xFFFFFFD8  }
0x80: {  	_ =	swait.ge [sflag:s0], $0x1400  }
.Ltmp5:
0x81: {  	[sflag:s0] =	ssyncset.done $0x0;
	(pc) =	sbr.rel @p2 .LBB2_8-.Ltmp5, $4  }
0x82: {  	[sflag:s0] =	ssyncadd.s32 $0xFFFFEC00  }
0x83: {  	[spmem:s1] =	stream.indirect.scatter.add.f32 [tilespmem:s26], [sflag:$0x5], $0x80, s25, s30, $0xb8;
	[tilespmem:$0x16180] =	vst v63  }
0x84: {  	_ =	swait.ge [sflag:s23], $0x1400  }
0x85: {  	s8 =	sadd.s32 $0x140, s8;
	s5 =	smov.u32 s10;
	[sflag:s23] =	ssyncset.done $0x0  }
0x86: {  	[sflag:s23] =	ssyncadd.s32 $0xFFFFEC00  }
0x87: {  	[tilespmem:s25], [sflag:$0x2] =	stream.linear.gather [hbm4b:s12+s2], $0x28, $0x38;
	[tilespmem:$0x16180] =	vst v63  }
0x88: {  	_ = 	snop  }
0x89: {  	[tilespmem:s26], [sflag:$0x4] =	stream.linear.gather [hbm4b:s13+s2], $0x1400, $0x38;
	[tilespmem:$0x16180] =	vst v63  }
0x8a: {  	_ =	swait.ge [sflag:s28], $0x28  }
0x8b: {  	[sflag:s28] =	ssyncset.done $0x0  }
0x8c: {  	[sflag:s28] =	ssyncadd.s32 $0xFFFFFFD8  }
0x8d: {  	_ =	swait.ge [sflag:s29], $0x1400  }
0x8e: {  	[sflag:s29] =	ssyncset.done $0x0  }
0x8f: {  	[sflag:s29] =	ssyncadd.s32 $0xFFFFEC00  }
0x90: {  	[spmem:s1] =	stream.indirect.scatter.add.f32 [tilespmem:s24], [sflag:$0x5], $0x80, s2, s30, $0xb8;
	[tilespmem:$0x16180] =	vst v63  }
0x91: {  	_ =	swait.ge [sflag:s23], $0x1400  }
0x92: {  	[sflag:s23] =	ssyncset.done $0x0  }
0x93: {  	[sflag:s23] =	ssyncadd.s32 $0xFFFFEC00  }
0x94: {  	_ =	swait.ge [sflag:s31], $0x28  }
0x95: {  	[sflag:s31] =	ssyncset.done $0x0  }
0x96: {  	[sflag:s31] =	ssyncadd.s32 $0xFFFFFFD8  }
0x97: {  	_ =	swait.ge [sflag:s0], $0x1400  }
0x98: {  	[sflag:s0] =	ssyncset.done $0x0  }
0x99: {  	[sflag:s0] =	ssyncadd.s32 $0xFFFFEC00  }
0x9a: {  	[spmem:s1] =	stream.indirect.scatter.add.f32 [tilespmem:s26], [sflag:$0x5], $0x80, s25, s30, $0xb8;
	[tilespmem:$0x16180] =	vst v63  }
0x9b: {  	_ =	swait.ge [sflag:s23], $0x1400  }
0x9c: {  	[sflag:s23] =	ssyncset.done $0x0  }
0x9d: {  	s5 =	simm.s32 @p0 $0x0;
	[sflag:s23] =	ssyncadd.s32 $0xFFFFEC00  }
0x9e: {  	[tilespmem:s5], [sflag:$0x1] =	stream.linear.gather @p0 [hbm4b:s14+s5], $0x28, $0x38;
	[tilespmem:$0x16180] =	vst v63  }
0x9f: {  	s8 =	simm.s32 @p0 $0x100;
	s9 =	simm.s32 @p0 $0x1  }
0xa0: {  	[tilespmem:s8], [sflag:$0x3] =	stream.linear.gather @p0 [hbm4b:s15+s5], $0x1400, $0x38;
	[tilespmem:$0x16180] =	vst v63  }
0xa1: {  	_ =	swait.ge @p0 [sflag:s9], $0x28  }
0xa2: {  	[sflag:s9] =	ssyncset.done @p0 $0x0  }
0xa3: {  	[sflag:s9] =	ssyncadd.s32 @p0 $0xFFFFFFD8;
	s9 =	simm.s32 @p0 $0x3  }
0xa4: {  	_ =	swait.ge @p0 [sflag:s9], $0x1400  }
0xa5: {  	[sflag:s9] =	ssyncset.done @p0 $0x0  }
0xa6: {  	[sflag:s9] =	ssyncadd.s32 @p0 $0xFFFFEC00;
	s9 =	simm.s32 @p0 $0x28  }
0xa7: {  	[spmem:s1] =	stream.indirect.scatter.add.f32 @p0 [tilespmem:s8], [sflag:$0x5], $0x80, s5, s9, $0xb8;
	[tilespmem:$0x16180] =	vst v63  }
0xa8: {  	s5 =	simm.s32 @p0 $0x5  }
0xa9: {  	_ =	swait.ge @p0 [sflag:s5], $0x1400  }
0xaa: {  	[sflag:s5] =	ssyncset.done @p0 $0x0  }
0xab: {  	[sflag:s5] =	ssyncadd.s32 @p0 $0xFFFFEC00;
	s5 =	sshll.u32 @!p6 s3, $0x6  }
0xac: {  	s8 =	sshrl.u32 @!p6 s7, $0x3;
	[bflag:$0x0] =	sbarrier.arrive @p0 $0xFFFF;
	s5 =	sor.u32 @!p6 $0x1C05, s5  }
0xad: {  	[hbm:s16], [sflag:s5] =	dma.local @!p6 [spmem:s8], $0x2800  }
0xae: {  	s5 =	simm.s32 @!p6 $0x5  }
0xaf: {  	_ =	swait.ge @!p6 [sflag:s5], $0x2800  }
0xb0: {  	[sflag:s5] =	ssyncset.done @!p6 $0x0  }
0xb1: {  	[sflag:s5] =	ssyncadd.s32 @!p6 $0xFFFFD800;
	s5 =	sshll.u32 @p3 s3, $0x6  }
0xb2: {  	s8 =	sshrl.u32 @p3 s6, $0x3;
	[bflag:$0x0] =	sbarrier.arrive @!p0 $0xFFFF;
	s5 =	sor.u32 @p3 $0x1C05, s5  }
0xb3: {  	[hbm:s17], [sflag:s5] =	dma.local @p3 [spmem:s8], $0x1900  }
0xb4: {  	s5 =	simm.s32 @p3 $0x5  }
0xb5: {  	_ =	swait.ge @p3 [sflag:s5], $0x1900  }
0xb6: {  	s8 =	sshll.u32 @p5 s3, $0x6;
	[sflag:s5] =	ssyncset.done @p3 $0x0  }
0xb7: {  	[sflag:s5] =	ssyncadd.s32 @p3 $0xFFFFE700;
	s5 =	sor.u32 @p5 $0x1C05, s8;
	s8 =	sshrl.u32 @p5 s7, $0x3  }
0xb8: {  	[hbm:s18], [sflag:s5] =	dma.local @p5 [spmem:s8], $0x2800  }
0xb9: {  	s5 =	simm.s32 @p5 $0x5  }
0xba: {  	s4 =	sadd.s32 $0x1, s4;
	_ =	swait.ge @p5 [sflag:s5], $0x2800  }
0xbb: {  	p1 =	sne.s32 s4, s20;
	s8 =	sshll.u32 @p4 s3, $0x6;
	[sflag:s5] =	ssyncset.done @p5 $0x0  }
0xbc: {  	[sflag:s5] =	ssyncadd.s32 @p5 $0xFFFFD800;
	s5 =	sor.u32 @p4 $0x1C05, s8;
	s8 =	sshrl.u32 @p4 s6, $0x3  }
0xbd: {  	[hbm:s19], [sflag:s5] =	dma.local @p4 [spmem:s8], $0x1900  }
.Ltmp6:
0xbe: {  	_ = 	snop;
	(pc) =	sbr.rel @p1 .LBB2_1-.Ltmp6, $4  }
0xbf: {  	s5 =	simm.s32 @p4 $0x5  }
0xc0: {  	_ =	swait.ge @p4 [sflag:s5], $0x1900  }
0xc1: {  	[sflag:s5] =	ssyncset.done @p4 $0x0  }
0xc2: {  	[sflag:s5] =	ssyncadd.s32 @p4 $0xFFFFE700  }
0xc3: {  	_ =	sfence.sel $0x180000  }
0xc4: {  	[bflag:$0x0] =	sbarrier.arrive $0xFFFF  }
0xc5: {  	_ =	strace $0x90000050  }
0xc6: {  	[bflag:$0x2] =	sbarrier.arrive $0xFFFF  }
0xc7: {  	p0 =	sne.s32 s3, $0x0;
	s0 =	rddreg [dreg:$0x2]  }
0xc8: {  	s0 =	sadd.s32 @!p0 $0x100000, s0  }
0xc9: {  	[sflag:s0] =	ssyncadd.tile.s32 @!p0 $0x1;
	_ =	shalt  }
.Lfunc_end2:
_tile_overlayer_lowered:
.L_overlay_start_2:
0xca: {  	(tag) =	ssettag $0x2  }
0xcb: {  	s0 =	rddreg [dreg:$0x0];
	s2 =	stileid.u32  }
0xcc: {  	s1 =	rddreg [dreg:$0x1];
	p0 =	sne.s32 s2, $0x0  }
0xcd: {  	s3 =	rddreg [dreg:$0x2];
	[bflag:$0x3] =	sbarrier.arrive $0xFFFF;
	s2 =	simm.s32 @!p0 $0x1C05  }
0xce: {  	[timem:s3], [sflag:s2] =	dma.local @!p0 [hbm:s0], s1  }
0xcf: {  	s0 =	simm.s32 @!p0 $0x5  }
0xd0: {  	_ =	swait.ge @!p0 [sflag:s0], s1  }
0xd1: {  	s1 =	ssub.s32 @!p0 $0x0, s1;
	[sflag:s0] =	ssyncset.done @!p0 $0x0  }
0xd2: {  	[sflag:s0] =	ssyncadd.s32 @!p0 s1  }
0xd3: {  	[bflag:$0x3] =	sbarrier.arrive $0xFFFF  }
0xd4: {  	_ =	shalt  }

// kernel: kernel.26.cloned.1.call-start
scs
__scs_entry_jumppad:
0x0: {  	(pc) =	sbr.rel $0x88, $3  }
0x1: {  	(tag) =	ssettag $0x0;
	lr =	simm.s32 $0x1  }
0x2: {  	[smem:$0x3F90] =	sst lr;
	_ =	strace $0xD0000000  }
0x3: {  	_ = 	snop  }
0x4: {  	_ = 	snop  }
0x5: {  	_ = 	snop  }
0x6: {  	_ = 	snop  }
0x7: {  	_ = 	snop  }
__scs_overlays_trampoline_lowered:
0x8: {  	[smem:$0x3F9F] =	sst s0  }
0x9: {  	[smem:$0x3FA0] =	sst s1  }
0xa: {  	[smem:$0x3FA1] =	sst s2  }
0xb: {  	[smem:$0x3FA2] =	sst s3  }
0xc: {  	[smem:$0x3FA3] =	sst s4  }
0xd: {  	[smem:$0x3FA4] =	sst s5  }
0xe: {  	[smem:$0x3FA5] =	sst s6  }
0xf: {  	[smem:$0x3FA6] =	sst s7  }
0x10: {  	[smem:$0x3FA7] =	sst s8  }
0x11: {  	[smem:$0x3FA8] =	sst s9;
	s0 =	simm.s32 @!p0 $0x0  }
0x12: {  	s1 =	sld [smem:$0x3F8E];
	s0 =	simm.s32 @p0 $0x1  }
0x13: {  	[smem:$0x3FA9] =	sst s0;
	s0 =	simm.s32 @!p1 $0x0  }
0x14: {  	s2 =	sld [smem:$0x3F8D];
	s0 =	simm.s32 @p1 $0x1  }
0x15: {  	[smem:$0x3FAA] =	sst s0;
	s0 =	simm.s32 @!p2 $0x0  }
0x16: {  	s3 =	sld [smem:$0x3FDB];
	s0 =	simm.s32 @p2 $0x1  }
0x17: {  	s4 =	simm.s32 $0x1BF5;
	[smem:$0x3FAC] =	sst s0  }
0x18: {  	s0 =	sld [smem:$0x3F8F];
	_ =	swait.ge [sflag:s4], $0x0  }
0x19: {  	s7 =	sld [smem:$0x3F90]  }
0x1a: {  	s8 =	sadd.s32 $0xFFFFE003, lr  }
0x1b: {  	s9 =	sadd.s32 $0xFFFFFEF7, lr;
	s5 =	simm.s32 $0xFFFFFFFF;
	p2 =	slt.u32 s8, $0xFFFFF086  }
0x1c: {  	p1 =	slt.u32 s9, $0xF7A;
	s5 =	simm.s32 @!p2 $0x0  }
0x1d: {  	s5 =	simm.s32 @p1 $0x1;
	p0 =	seq.s32 s7, s2  }
0x1e: {  	s7 =	smul.u32 @!p0 $0xF7A, s2;
	p2 =	seq.s32 @!p0 s5, $0x0  }
0x1f: {  	s9 =	smul.u32 $0xF7A, s1;
	s8 =	simm.s32 @!p0 $0x1BF5;
	p2 =	por !p2, p0  }
0x20: {  	[sflag:s8] =	ssyncset.s32 @!p0 $0xFFFFF086;
	s6 =	sadd.s32 @!p0 s3, s7;
	s7 =	simm.s32 @!p0 $0x108  }
0x21: {  	s3 =	sadd.s32 s3, s9;
	s6 =	sadd.s32 @!p0 $0x88, s6;
	s7 =	simm.s32 @p2 $0x1082  }
0x22: {  	[simem:s7], [sflag:s8] =	dma.local @!p0 [hbm:s6], $0xF7A  }
0x23: {  	s9 =	sor.u32 $0xD0000000, s2;
	s6 =	simm.s32 $0x108;
	_ =	swait.ge @!p0 [sflag:s8], $0x0  }
0x24: {  	s3 =	sadd.s32 $0x88, s3;
	s6 =	simm.s32 @!p1 $0x1082;
	[sflag:s4] =	ssyncset.s32 $0xFFFFF086  }
0x25: {  	[simem:s6], [sflag:s4] =	dma.local [hbm:s3], $0xF7A  }
0x26: {  	[smem:$0x3F90] =	sst s1;
	(tag) =	ssettag s2;
	_ =	strace s9  }
0x27: {  	s1 =	sld [smem:$0x3FA0]  }
0x28: {  	s2 =	sld [smem:$0x3FA1]  }
0x29: {  	s4 =	sld [smem:$0x3FA3]  }
0x2a: {  	p0 =	seq.s32 s5, $0x0;
	s5 =	sld [smem:$0x3FA4]  }
0x2b: {  	s6 =	sld [smem:$0x3FA5]  }
0x2c: {  	s7 =	sld [smem:$0x3FA6]  }
0x2d: {  	s3 =	simm.s32 $0x108;
	s8 =	sld [smem:$0x3FA7]  }
0x2e: {  	s3 =	simm.s32 @!p0 $0x1082;
	s9 =	sld [smem:$0x3FA8]  }
0x2f: {  	lr =	sadd.s32 s0, s3;
	s0 =	sld [smem:$0x3F9F]  }
0x30: {  	s3 =	sld [smem:$0x3FA2]  }
0x31: {  	[smem:$0x3FAB] =	sst s10  }
0x32: {  	s10 =	sld [smem:$0x3FA9];
	_ =	sdelay $0x3  }
0x33: {  	p0 =	seq.s32 s10, $0x1;
	s10 =	sld [smem:$0x3FAB];
	_ =	sdelay $0x3  }
0x34: {  	[smem:$0x3FAB] =	sst s10  }
0x35: {  	s10 =	sld [smem:$0x3FAA];
	_ =	sdelay $0x3  }
0x36: {  	p1 =	seq.s32 s10, $0x1;
	s10 =	sld [smem:$0x3FAB];
	_ =	sdelay $0x3  }
0x37: {  	[smem:$0x3FAB] =	sst s10  }
0x38: {  	s10 =	sld [smem:$0x3FAC]  }
0x39: {  	_ = 	snop;
	(pc) =	sbr.ind lr, $3  }
0x3a: {  	_ = 	snop  }
0x3b: {  	_ = 	snop  }
0x3c: {  	p2 =	seq.s32 s10, $0x1;
	s10 =	sld [smem:$0x3FAB]  }
0x3d: {  	_ =	shalt  }
0x3e: {  	_ =	shalt  }
0x3f: {  	_ =	shalt  }
0x40: {  	_ =	shalt  }
0x41: {  	_ =	shalt  }
0x42: {  	_ =	shalt  }
0x43: {  	_ =	shalt  }
0x44: {  	_ =	shalt  }
0x45: {  	_ =	shalt  }
0x46: {  	_ =	shalt  }
0x47: {  	_ =	shalt  }
0x48: {  	_ =	shalt  }
0x49: {  	_ =	shalt  }
0x4a: {  	_ =	shalt  }
0x4b: {  	_ =	shalt  }
0x4c: {  	_ =	shalt  }
0x4d: {  	_ =	shalt  }
0x4e: {  	_ =	shalt  }
0x4f: {  	_ =	shalt  }
0x50: {  	_ =	shalt  }
0x51: {  	_ =	shalt  }
0x52: {  	_ =	shalt  }
0x53: {  	_ =	shalt  }
0x54: {  	_ =	shalt  }
0x55: {  	_ =	shalt  }
0x56: {  	_ =	shalt  }
0x57: {  	_ =	shalt  }
0x58: {  	_ =	shalt  }
0x59: {  	_ =	shalt  }
0x5a: {  	_ =	shalt  }
0x5b: {  	_ =	shalt  }
0x5c: {  	_ =	shalt  }
0x5d: {  	_ =	shalt  }
0x5e: {  	_ =	shalt  }
0x5f: {  	_ =	shalt  }
0x60: {  	_ =	shalt  }
0x61: {  	_ =	shalt  }
0x62: {  	_ =	shalt  }
0x63: {  	_ =	shalt  }
0x64: {  	_ =	shalt  }
0x65: {  	_ =	shalt  }
0x66: {  	_ =	shalt  }
0x67: {  	_ =	shalt  }
0x68: {  	_ =	shalt  }
0x69: {  	_ =	shalt  }
0x6a: {  	_ =	shalt  }
0x6b: {  	_ =	shalt  }
0x6c: {  	_ =	shalt  }
0x6d: {  	_ =	shalt  }
0x6e: {  	_ =	shalt  }
0x6f: {  	_ =	shalt  }
0x70: {  	_ =	shalt  }
0x71: {  	_ =	shalt  }
0x72: {  	_ =	shalt  }
0x73: {  	_ =	shalt  }
0x74: {  	_ =	shalt  }
0x75: {  	_ =	shalt  }
0x76: {  	_ =	shalt  }
0x77: {  	_ =	shalt  }
0x78: {  	_ =	shalt  }
0x79: {  	_ =	shalt  }
0x7a: {  	_ =	shalt  }
0x7b: {  	_ =	shalt  }
0x7c: {  	_ =	shalt  }
0x7d: {  	_ =	shalt  }
0x7e: {  	_ =	shalt  }
0x7f: {  	_ =	shalt  }
0x80: {  	_ =	shalt  }
0x81: {  	_ =	shalt  }
0x82: {  	_ =	shalt  }
0x83: {  	_ =	shalt  }
0x84: {  	_ =	shalt  }
0x85: {  	_ =	shalt  }
0x86: {  	_ =	shalt  }
0x87: {  	_ =	shalt  }
.Lfunc_end0:
.L_simem_size_0:
called_computation.4_lowered:
.L_overlay_start_0:
0x88: {  	s2 =	sld [smem:$0x3FD9]  }
0x89: {  	s3 =	sld [smem:$0x3FFE];
	_ =	sdelay $0x1  }
0x8a: {  	s1 =	srdreg.scid  }
0x8b: {  	s0 =	sand.u32 $0x1, s1  }
0x8c: {  	s17 =	sshll.u32 s0, $0xA;
	s2 =	sadd.s32 s3, s2  }
0x8d: {  	s2 =	sadd.s32 s2, s17  }
0x8e: {  	[smem:$0x3FB7] =	sst s2  }
0x8f: {  	_ = 	snop  }
0x90: {  	(tm) =	ssettm $0x1  }
0x91: {  	s18 =	sld [smem:$0x3FFB];
	_ =	sdelay $0x3  }
0x92: {  	_ =	strace s18  }
0x93: {  	s2 =	sld [smem:$0x3FFC];
	_ =	sdelay $0x3  }
0x94: {  	_ =	strace s2  }
0x95: {  	s2 =	sld [smem:$0x3FFD];
	_ =	sdelay $0x3  }
0x96: {  	_ =	strace s2  }
0x97: {  	_ =	strace $0x8FFFFFFF  }
0x98: {  	s19 =	sld [smem:$0x3FDB];
	_ =	sdelay $0x1  }
0x99: {  	s20 =	simm.s32 $_scs_section_size  }
0x9a: {  	s4 =	simm.s32 $_size__tile_overlayer_lowered;
	s5 =	simm.s32 $_tile_overlayer_lowered  }
0x9b: {  	s6 =	simm.s32 $0x1BFF;
	s21 =	sshll.u32 s5, $0x1;
	s3 =	sadd.s32 s20, s19  }
0x9c: {  	s22 =	simm.s32 $0x0;
	s4 =	sshll.u32 s4, $0x1;
	s5 =	sadd.s32 s21, s3  }
0x9d: {  	[timem:s22], [sflag:s6] =	dma.local [hbm:s5], s4  }
0x9e: {  	_ =	swait.ge [sflag:s6], s4  }
0x9f: {  	s4 =	ssub.s32 $0x0, s4;
	[sflag:s6] =	ssyncset.done $0x0  }
0xa0: {  	[sflag:s6] =	ssyncadd.s32 s4;
	_ =	sdelay $0x1  }
0xa1: {  	s23 =	simm.s32 $0x1B8B  }
0xa2: {  	_ =	swait.ge [sflag:s23], $0x1  }
0xa3: {  	[sflag:s23] =	ssyncset.done $0x0  }
0xa4: {  	[sflag:s23] =	ssyncadd.s32 $0xFFFFFFFF  }
0xa5: {  	s4 =	sld [smem:$0x0]  }
0xa6: {  	s5 =	sand.u32 $0xFFFFFFFE, s1  }
0xa7: {  	p0 =	sne.s32 s1, s5  }
0xa8: {  	s5 =	sshll.u32 @p0 s5, $0xE  }
0xa9: {  	s5 =	sadd.s32 @p0 $0x11B8D, s5;
	s6 =	sshll.u32 @p0 s4, $0x11  }
0xaa: {  	s5 =	sor.u32 @p0 s6, s5  }
0xab: {  	[sflag:s5] =	ssyncadd.remote.s32 @p0 $0x1;
	_ =	sdelay $0x1  }
0xac: {  	s5 =	simm.s32 @p0 $0x1B8D  }
0xad: {  	_ =	swait.eq @p0 [sflag:s5], $0x1  }
0xae: {  	[sflag:s5] =	ssyncadd.s32 @p0 $0xFFFFFFFF  }
0xaf: {  	s6 =	sshll.u32 @!p0 s1, $0xE  }
0xb0: {  	s6 =	sor.u32 @!p0 $0x4000, s6;
	s5 =	simm.s32 @!p0 $0x1B8D  }
0xb1: {  	s4 =	sshll.u32 @!p0 s4, $0x11;
	s6 =	sadd.s32 @!p0 $0x11B8D, s6;
	_ =	swait.eq @!p0 [sflag:s5], $0x1  }
0xb2: {  	s4 =	sor.u32 @!p0 s4, s6;
	[sflag:s5] =	ssyncadd.s32 @!p0 $0xFFFFFFFF  }
0xb3: {  	s25 =	simm.s32 $0x1B8E;
	s24 =	sld [smem:$0x3FFE];
	[sflag:s4] =	ssyncadd.remote.s32 @!p0 $0x1  }
0xb4: {  	s26 =	simm.s32 $execute0_lowered;
	[smem:$0x3FD2] =	sst s25  }
0xb5: {  	s5 =	sshll.u32 s26, $0x1;
	_ =	strace $0x80000055;
	[dreg:$0x1] =	wrdreg $0xFFFFFFFF  }
0xb6: {  	s28 =	simm.s32 $_size_execute0_lowered;
	s3 =	sadd.s32 s3, s5;
	[dreg:$0x0] =	wrdreg $0x0  }
0xb7: {  	s5 =	sshll.u32 s28, $0x1;
	[dreg:$0x2] =	wrdreg s3  }
0xb8: {  	[dreg:$0x3] =	wrdreg s5  }
0xb9: {  	[dreg:$0x4] =	wrdreg $0xC0  }
0xba: {  	_ =	task [dreg:s22], $0x5FFFF  }
0xbb: {  	[dreg:$0x1] =	wrdreg $0xFFFFFFFF  }
0xbc: {  	[dreg:$0x0] =	wrdreg $0x60  }
0xbd: {  	[dreg:$0x2] =	wrdreg s24  }
0xbe: {  	[dreg:$0x3] =	wrdreg $0x9  }
0xbf: {  	_ =	task.clear_ibuf [dreg:s22], $0x4FFFF;
	_ =	strace $0x90000055  }
0xc0: {  	s29 =	simm.s32 $0x9;
	_ =	strace $0x80000057  }
0xc1: {  	_ =	swait.ge [sflag:s29], $0x1  }
0xc2: {  	[sflag:s29] =	ssyncadd.s32 $0xFFFFFFFF  }
0xc3: {  	_ =	strace $0x90000057  }
0xc4: {  	_ =	sfence  }
0xc5: {  	s30 =	sld [smem:$0x0];
	_ =	sdelay $0x2  }
0xc6: {  	s31 =	sshll.u32 s1, $0xD;
	s1 =	sshrl.u32 s1, $0x2  }
0xc7: {  	s4 =	sand.u32 $0x4000, s31;
	s1 =	sadd.s32 s1, s30  }
0xc8: {  	s0 =	sor.u32 s4, s0;
	s1 =	sshll.u32 s1, $0x11  }
0xc9: {  	s0 =	sor.u32 s1, s0  }
0xca: {  	s0 =	sadd.s32 $0x8F2B, s0  }
0xcb: {  	[sflag:s0] =	ssyncadd.remote.s32 $0x1  }
0xcc: {  	_ =	sfence.sel $0xFFFF  }
0xcd: {  	[dreg:$0x0] =	wrdreg $0xFFFFFFFF;
	(pc) =	sbr.abs _section_cstart, $3  }
0xce: {  	[dreg:$0x1] =	wrdreg $0xFFFFFFFF  }
0xcf: {  	_ =	task.clear_ibuf [dreg:s22], $0x2FFFF;
	_ =	strace $0x9FFFFFFF  }
0xd0: {  	(tm) =	ssettm $0x7FFFFFFF  }
0xd1: {  	_ =	shalt  }
tec
execute0_lowered:
.L_overlay_start_1:
0x0: {  	(tag) =	ssettag $0x1  }
0x1: {  	s0 =	rddreg [dreg:$0x0]  }
0x2: {  	s1 =	simm.s32 $0x0;
	s4 =	srdreg.scid;
	s18 =	stileid.u32  }
0x3: {  	s28 =	simm.s32 $0x2;
	s29 =	simm.s32 $0x4;
	[smem:$0x7FF] =	sst s1  }
0x4: {  	s2 =	sadd.s32 $0xA8A00, s0;
	s3 =	sadd.s32 $0x9E00, s0;
	s5 =	sadd.s32 $0x7600, s0  }
0x5: {  	s30 =	simm.s32 $0x0;
	s11 =	sadd.s32 $0x282600, s0;
	s0 =	sadd.s32 $0x3BAE00, s0  }
0x6: {  	s4 =	sand.u32 $0x1, s4;
	s17 =	sshll.u32 s18, $0xB;
	_ =	strace $0x80000056  }
0x7: {  	s6 =	ssub.s32 $0x2, s4;
	s7 =	sshll.u32 s4, $0x4;
	s14 =	sshll.u32 s4, $0xF  }
0x8: {  	s4 =	sshll.u32 s4, $0x8;
	s8 =	sshrl.u32 s6, $0x1;
	s15 =	sor.u32 s18, s7  }
0x9: {  	s16 =	sadd.s32 s14, s11;
	s12 =	ssub.s32 s6, s8;
	s19 =	sshll.u32 s15, $0x4  }
0xa: {  	s7 =	sshll.u32 s15, $0x7;
	s21 =	sshll.u32 s15, $0xB;
	s31 =	sadd.s32 s17, s16  }
0xb: {  	s16 =	sadd.s32 s4, s3;
	p0 =	sgt.u32 s15, $0x10;
	s20 =	sadd.s32 s3, s19  }
0xc: {  	s10 =	sor.u32 $0x13000, s7;
	s6 =	sadd.s32 s5, s19;
	[dreg:$0x2] =	wrdreg s31  }
0xd: {  	s22 =	sor.u32 $0x120000, s21;
	s12 =	smax.u32 s12, $0x1;
	[dreg:$0x3] =	wrdreg s20  }
0xe: {  	s19 =	simm.s32 $0x200;
	s21 =	simm.s32 $0x100;
	[dreg:$0x4] =	wrdreg s6  }
0xf: {  	s9 =	sshrl.u32 s10, $0x3;
	s23 =	sadd.s32 s11, s22;
	s24 =	sadd.s32 s0, s22  }
0x10: {  	s13 =	sshll.u32 s10, $0x4;
	s20 =	simm.s32 $0x8200;
	[dreg:$0x5] =	wrdreg s23  }
0x11: {  	s22 =	simm.s32 $0x180;
	[dreg:$0x6] =	wrdreg s24;
	s25 =	sadd.s32 s3, s9  }
0x12: {  	s26 =	sadd.s32 s5, s9;
	s10 =	sadd.s32 s11, s13;
	s11 =	sadd.s32 s0, s13  }
0x13: {  	s0 =	sadd.s32 s14, s0;
	s14 =	sshll.u32 s18, $0x4;
	s18 =	simm.s32 $0x80  }
0x14: {  	s23 =	simm.s32 $0x4200;
	s24 =	simm.s32 $0xC200;
	[dreg:$0x7] =	wrdreg s25  }
0x15: {  	[dreg:$0x8] =	wrdreg s26;
	s13 =	sadd.s32 s17, s0;
	s0 =	sadd.s32 s4, s5  }
0x16: {  	s17 =	simm.s32 $0x5;
	s25 =	simm.s32 $0x1;
	s26 =	simm.s32 $0x3  }
.LBB2_1:
0x17: {  	s3 =	rddreg [dreg:$0x3]  }
0x18: {  	[tilespmem:s1], [sflag:$0x5] =	stream.linear.gather [hbm4b:s3+s1], $0x80, $0x38;
	[tilespmem:$0x10200] =	vst v63  }
0x19: {  	_ =	swait.ge [sflag:s17], $0x80  }
0x1a: {  	[sflag:s17] =	ssyncset.done $0x0  }
0x1b: {  	s8 =	rddreg [dreg:$0x4];
	[sflag:s17] =	ssyncadd.s32 $0xFFFFFF80  }
0x1c: {  	[tilespmem:s18], [sflag:$0x5] =	stream.linear.gather [hbm4b:s8+s1], $0x80, $0x38;
	[tilespmem:$0x10200] =	vst v63  }
0x1d: {  	_ =	swait.ge [sflag:s17], $0x80  }
0x1e: {  	[sflag:s17] =	ssyncset.done $0x0  }
0x1f: {  	[sflag:s17] =	ssyncadd.s32 $0xFFFFFF80  }
0x20: {  	[tilespmem:s19], [sflag:$0x1] =	stream.indirect.gather [hbm4b:s2+s18], $0x80, s1, s18, $0xb8;
	[tilespmem:$0x10200] =	vst v63  }
0x21: {  	s9 =	sadd.s32 s16, s14  }
0x22: {  	[tilespmem:s20], [sflag:$0x3] =	stream.indirect.gather [hbm4b:s2+s18], $0x80, s18, s18, $0xb8;
	[tilespmem:$0x10200] =	vst v63  }
0x23: {  	s4 =	sadd.s32 $0x200, s9  }
0x24: {  	[tilespmem:s21], [sflag:$0x5] =	stream.linear.gather [hbm4b:s4+s1], $0x80, $0x38;
	[tilespmem:$0x10200] =	vst v63  }
0x25: {  	_ =	swait.ge [sflag:s17], $0x80  }
0x26: {  	s6 =	sadd.s32 s0, s14;
	[sflag:s17] =	ssyncset.done $0x0  }
0x27: {  	s5 =	sadd.s32 $0x200, s6;
	[sflag:s17] =	ssyncadd.s32 $0xFFFFFF80  }
0x28: {  	[tilespmem:s22], [sflag:$0x5] =	stream.linear.gather [hbm4b:s5+s1], $0x80, $0x38;
	[tilespmem:$0x10200] =	vst v63  }
0x29: {  	_ =	swait.ge [sflag:s17], $0x80  }
0x2a: {  	[sflag:s17] =	ssyncset.done $0x0  }
0x2b: {  	[sflag:s17] =	ssyncadd.s32 $0xFFFFFF80  }
0x2c: {  	[tilespmem:s23], [sflag:$0x2] =	stream.indirect.gather [hbm4b:s2+s18], $0x80, s21, s18, $0xb8;
	[tilespmem:$0x10200] =	vst v63  }
0x2d: {  	_ = 	snop  }
0x2e: {  	[tilespmem:s24], [sflag:$0x4] =	stream.indirect.gather [hbm4b:s2+s18], $0x80, s22, s18, $0xb8;
	[tilespmem:$0x10200] =	vst v63  }
0x2f: {  	_ =	swait.ge [sflag:s25], $0x4000  }
0x30: {  	s7 =	rddreg [dreg:$0x2];
	[sflag:s25] =	ssyncset.done $0x0  }
0x31: {  	[sflag:s25] =	ssyncadd.s32 $0xFFFFC000;
	s5 =	sadd.s32 $0x0, s7  }
0x32: {  	[hbm4b:s5+s1] =	stream.linear.scatter [tilespmem:s19], [sflag:$0x5], $0x4000, $0x38;
	[tilespmem:$0x10200] =	vst v63  }
0x33: {  	_ =	swait.ge [sflag:s17], $0x4000  }
0x34: {  	[sflag:s17] =	ssyncset.done $0x0  }
0x35: {  	[sflag:s17] =	ssyncadd.s32 $0xFFFFC000  }
0x36: {  	_ =	swait.ge [sflag:s26], $0x4000  }
0x37: {  	[sflag:s26] =	ssyncset.done $0x0  }
0x38: {  	s15 =	sadd.s32 $0x0, s13;
	[sflag:s26] =	ssyncadd.s32 $0xFFFFC000  }
0x39: {  	[hbm4b:s15+s1] =	stream.linear.scatter [tilespmem:s20], [sflag:$0x5], $0x4000, $0x38;
	[tilespmem:$0x10200] =	vst v63  }
0x3a: {  	_ =	swait.ge [sflag:s17], $0x4000  }
0x3b: {  	[sflag:s17] =	ssyncset.done $0x0  }
0x3c: {  	s3 =	sadd.s32 $0x400, s9;
	[sflag:s17] =	ssyncadd.s32 $0xFFFFC000  }
0x3d: {  	[tilespmem:s1], [sflag:$0x5] =	stream.linear.gather [hbm4b:s3+s1], $0x80, $0x38;
	[tilespmem:$0x10200] =	vst v63  }
0x3e: {  	_ =	swait.ge [sflag:s17], $0x80  }
0x3f: {  	[sflag:s17] =	ssyncset.done $0x0  }
0x40: {  	s8 =	sadd.s32 $0x400, s6;
	[sflag:s17] =	ssyncadd.s32 $0xFFFFFF80  }
0x41: {  	[tilespmem:s18], [sflag:$0x5] =	stream.linear.gather [hbm4b:s8+s1], $0x80, $0x38;
	[tilespmem:$0x10200] =	vst v63  }
0x42: {  	_ =	swait.ge [sflag:s17], $0x80  }
0x43: {  	[sflag:s17] =	ssyncset.done $0x0  }
0x44: {  	[sflag:s17] =	ssyncadd.s32 $0xFFFFFF80  }
0x45: {  	[tilespmem:s19], [sflag:$0x1] =	stream.indirect.gather [hbm4b:s2+s18], $0x80, s1, s18, $0xb8;
	[tilespmem:$0x10200] =	vst v63  }
0x46: {  	_ = 	snop  }
0x47: {  	[tilespmem:s20], [sflag:$0x3] =	stream.indirect.gather [hbm4b:s2+s18], $0x80, s18, s18, $0xb8;
	[tilespmem:$0x10200] =	vst v63  }
0x48: {  	_ =	swait.ge [sflag:s28], $0x4000  }
0x49: {  	[sflag:s28] =	ssyncset.done $0x0  }
0x4a: {  	s9 =	sadd.s32 $0x10000, s5;
	[sflag:s28] =	ssyncadd.s32 $0xFFFFC000  }
0x4b: {  	[hbm4b:s9+s1] =	stream.linear.scatter [tilespmem:s23], [sflag:$0x5], $0x4000, $0x38;
	[tilespmem:$0x10200] =	vst v63  }
0x4c: {  	_ =	swait.ge [sflag:s17], $0x4000  }
0x4d: {  	[sflag:s17] =	ssyncset.done $0x0  }
0x4e: {  	[sflag:s17] =	ssyncadd.s32 $0xFFFFC000  }
0x4f: {  	_ =	swait.ge [sflag:s29], $0x4000  }
0x50: {  	[sflag:s29] =	ssyncset.done $0x0  }
0x51: {  	s31 =	simm.s32 $0x20000;
	s15 =	sadd.s32 $0x10000, s15;
	[sflag:s29] =	ssyncadd.s32 $0xFFFFC000  }
0x52: {  	[hbm4b:s15+s1] =	stream.linear.scatter [tilespmem:s24], [sflag:$0x5], $0x4000, $0x38;
	[tilespmem:$0x10200] =	vst v63  }
0x53: {  	s4 =	simm.s32 $0x40000;
	s3 =	sadd.s32 $0x400, s16;
	_ =	swait.ge [sflag:s17], $0x4000  }
0x54: {  	s5 =	sadd.s32 s3, s14;
	s15 =	smov.u32 s0;
	[sflag:s17] =	ssyncset.done $0x0  }
.LBB2_2:
0x55: {  	s6 =	sadd.s32 $0x200, s5;
	[sflag:s17] =	ssyncadd.s32 $0xFFFFC000  }
0x56: {  	[tilespmem:s21], [sflag:$0x5] =	stream.linear.gather [hbm4b:s6+s1], $0x80, $0x38;
	[tilespmem:$0x10200] =	vst v63  }
0x57: {  	s15 =	sadd.s32 $0x400, s15;
	_ =	swait.ge [sflag:s17], $0x80  }
0x58: {  	s6 =	sadd.s32 s15, s14;
	[sflag:s17] =	ssyncset.done $0x0  }
0x59: {  	s8 =	sadd.s32 $0x200, s6;
	[sflag:s17] =	ssyncadd.s32 $0xFFFFFF80  }
0x5a: {  	[tilespmem:s22], [sflag:$0x5] =	stream.linear.gather [hbm4b:s8+s1], $0x80, $0x38;
	[tilespmem:$0x10200] =	vst v63  }
0x5b: {  	_ =	swait.ge [sflag:s17], $0x80  }
0x5c: {  	[sflag:s17] =	ssyncset.done $0x0  }
0x5d: {  	[sflag:s17] =	ssyncadd.s32 $0xFFFFFF80  }
0x5e: {  	[tilespmem:s23], [sflag:$0x2] =	stream.indirect.gather [hbm4b:s2+s18], $0x80, s21, s18, $0xb8;
	[tilespmem:$0x10200] =	vst v63  }
0x5f: {  	_ = 	snop  }
0x60: {  	[tilespmem:s24], [sflag:$0x4] =	stream.indirect.gather [hbm4b:s2+s18], $0x80, s22, s18, $0xb8;
	[tilespmem:$0x10200] =	vst v63  }
0x61: {  	_ =	swait.ge [sflag:s25], $0x4000  }
0x62: {  	s9 =	rddreg [dreg:$0x2];
	[sflag:s25] =	ssyncset.done $0x0  }
0x63: {  	[sflag:s25] =	ssyncadd.s32 $0xFFFFC000;
	s8 =	sadd.s32 s31, s9  }
0x64: {  	[hbm4b:s8+s1] =	stream.linear.scatter [tilespmem:s19], [sflag:$0x5], $0x4000, $0x38;
	[tilespmem:$0x10200] =	vst v63  }
0x65: {  	_ =	swait.ge [sflag:s17], $0x4000  }
0x66: {  	[sflag:s17] =	ssyncset.done $0x0  }
0x67: {  	[sflag:s17] =	ssyncadd.s32 $0xFFFFC000  }
0x68: {  	_ =	swait.ge [sflag:s26], $0x4000  }
0x69: {  	[sflag:s26] =	ssyncset.done $0x0  }
0x6a: {  	s9 =	sadd.s32 s31, s13;
	[sflag:s26] =	ssyncadd.s32 $0xFFFFC000  }
0x6b: {  	[hbm4b:s9+s1] =	stream.linear.scatter [tilespmem:s20], [sflag:$0x5], $0x4000, $0x38;
	[tilespmem:$0x10200] =	vst v63  }
0x6c: {  	_ =	swait.ge [sflag:s17], $0x4000  }
0x6d: {  	s7 =	smov.u32 s4;
	[sflag:s17] =	ssyncset.done $0x0  }
0x6e: {  	s31 =	smov.u32 s7;
	s7 =	sadd.s32 $0x400, s5;
	[sflag:s17] =	ssyncadd.s32 $0xFFFFC000  }
0x6f: {  	[tilespmem:s1], [sflag:$0x5] =	stream.linear.gather [hbm4b:s7+s1], $0x80, $0x38;
	[tilespmem:$0x10200] =	vst v63  }
0x70: {  	_ =	swait.ge [sflag:s17], $0x80  }
0x71: {  	[sflag:s17] =	ssyncset.done $0x0  }
0x72: {  	s7 =	sadd.s32 $0x400, s6;
	[sflag:s17] =	ssyncadd.s32 $0xFFFFFF80  }
0x73: {  	[tilespmem:s18], [sflag:$0x5] =	stream.linear.gather [hbm4b:s7+s1], $0x80, $0x38;
	[tilespmem:$0x10200] =	vst v63  }
0x74: {  	_ =	swait.ge [sflag:s17], $0x80  }
0x75: {  	[sflag:s17] =	ssyncset.done $0x0  }
0x76: {  	[sflag:s17] =	ssyncadd.s32 $0xFFFFFF80  }
0x77: {  	[tilespmem:s19], [sflag:$0x1] =	stream.indirect.gather [hbm4b:s2+s18], $0x80, s1, s18, $0xb8;
	[tilespmem:$0x10200] =	vst v63  }
0x78: {  	_ = 	snop  }
0x79: {  	[tilespmem:s20], [sflag:$0x3] =	stream.indirect.gather [hbm4b:s2+s18], $0x80, s18, s18, $0xb8;
	[tilespmem:$0x10200] =	vst v63  }
0x7a: {  	_ =	swait.ge [sflag:s28], $0x4000  }
0x7b: {  	[sflag:s28] =	ssyncset.done $0x0  }
0x7c: {  	s8 =	sadd.s32 $0x10000, s8;
	[sflag:s28] =	ssyncadd.s32 $0xFFFFC000  }
0x7d: {  	[hbm4b:s8+s1] =	stream.linear.scatter [tilespmem:s23], [sflag:$0x5], $0x4000, $0x38;
	[tilespmem:$0x10200] =	vst v63  }
0x7e: {  	_ =	swait.ge [sflag:s17], $0x4000  }
0x7f: {  	[sflag:s17] =	ssyncset.done $0x0  }
0x80: {  	[sflag:s17] =	ssyncadd.s32 $0xFFFFC000  }
0x81: {  	p1 =	sne.s32 s4, $0x100000;
	_ =	swait.ge [sflag:s29], $0x4000  }
.Ltmp0:
0x82: {  	[sflag:s29] =	ssyncset.done $0x0;
	(pc) =	sbr.rel @p1 .LBB2_2-.Ltmp0, $4  }
0x83: {  	s9 =	sadd.s32 $0x10000, s9;
	[sflag:s29] =	ssyncadd.s32 $0xFFFFC000  }
0x84: {  	[hbm4b:s9+s1] =	stream.linear.scatter [tilespmem:s24], [sflag:$0x5], $0x4000, $0x38;
	[tilespmem:$0x10200] =	vst v63  }
0x85: {  	s3 =	sadd.s32 $0x400, s3;
	_ =	swait.ge [sflag:s17], $0x4000  }
0x86: {  	s4 =	sadd.s32 $0x20000, s4;
	s5 =	sadd.s32 s3, s14;
	[sflag:s17] =	ssyncset.done $0x0  }
0x87: {  	s3 =	sadd.s32 $0x200, s5;
	[sflag:s17] =	ssyncadd.s32 $0xFFFFC000  }
0x88: {  	[tilespmem:s21], [sflag:$0x5] =	stream.linear.gather [hbm4b:s3+s1], $0x80, $0x38;
	[tilespmem:$0x10200] =	vst v63  }
0x89: {  	s4 =	sadd.s32 $0x400, s15;
	_ =	swait.ge [sflag:s17], $0x80  }
0x8a: {  	s3 =	sadd.s32 s4, s14;
	[sflag:s17] =	ssyncset.done $0x0  }
0x8b: {  	s4 =	sadd.s32 $0x200, s3;
	[sflag:s17] =	ssyncadd.s32 $0xFFFFFF80  }
0x8c: {  	[tilespmem:s22], [sflag:$0x5] =	stream.linear.gather [hbm4b:s4+s1], $0x80, $0x38;
	[tilespmem:$0x10200] =	vst v63  }
0x8d: {  	_ =	swait.ge [sflag:s17], $0x80  }
0x8e: {  	[sflag:s17] =	ssyncset.done $0x0  }
0x8f: {  	[sflag:s17] =	ssyncadd.s32 $0xFFFFFF80  }
0x90: {  	[tilespmem:s23], [sflag:$0x2] =	stream.indirect.gather [hbm4b:s2+s18], $0x80, s21, s18, $0xb8;
	[tilespmem:$0x10200] =	vst v63  }
0x91: {  	_ = 	snop  }
0x92: {  	[tilespmem:s24], [sflag:$0x4] =	stream.indirect.gather [hbm4b:s2+s18], $0x80, s22, s18, $0xb8;
	[tilespmem:$0x10200] =	vst v63  }
0x93: {  	_ =	swait.ge [sflag:s25], $0x4000  }
0x94: {  	s6 =	rddreg [dreg:$0x2];
	[sflag:s25] =	ssyncset.done $0x0  }
0x95: {  	[sflag:s25] =	ssyncadd.s32 $0xFFFFC000;
	s4 =	sadd.s32 s31, s6  }
0x96: {  	[hbm4b:s4+s1] =	stream.linear.scatter [tilespmem:s19], [sflag:$0x5], $0x4000, $0x38;
	[tilespmem:$0x10200] =	vst v63  }
0x97: {  	_ =	swait.ge [sflag:s17], $0x4000  }
0x98: {  	[sflag:s17] =	ssyncset.done $0x0  }
0x99: {  	[sflag:s17] =	ssyncadd.s32 $0xFFFFC000  }
0x9a: {  	_ =	swait.ge [sflag:s26], $0x4000  }
0x9b: {  	[sflag:s26] =	ssyncset.done $0x0  }
0x9c: {  	s6 =	sadd.s32 s31, s13;
	[sflag:s26] =	ssyncadd.s32 $0xFFFFC000  }
0x9d: {  	[hbm4b:s6+s1] =	stream.linear.scatter [tilespmem:s20], [sflag:$0x5], $0x4000, $0x38;
	[tilespmem:$0x10200] =	vst v63  }
0x9e: {  	_ =	swait.ge [sflag:s17], $0x4000  }
0x9f: {  	[sflag:s17] =	ssyncset.done $0x0  }
0xa0: {  	s7 =	sadd.s32 $0x400, s5;
	[sflag:s17] =	ssyncadd.s32 $0xFFFFC000  }
0xa1: {  	[tilespmem:s1], [sflag:$0x5] =	stream.linear.gather [hbm4b:s7+s1], $0x80, $0x38;
	[tilespmem:$0x10200] =	vst v63  }
0xa2: {  	_ =	swait.ge [sflag:s17], $0x80  }
0xa3: {  	[sflag:s17] =	ssyncset.done $0x0  }
0xa4: {  	s3 =	sadd.s32 $0x400, s3;
	[sflag:s17] =	ssyncadd.s32 $0xFFFFFF80  }
0xa5: {  	[tilespmem:s18], [sflag:$0x5] =	stream.linear.gather [hbm4b:s3+s1], $0x80, $0x38;
	[tilespmem:$0x10200] =	vst v63  }
0xa6: {  	_ =	swait.ge [sflag:s17], $0x80  }
0xa7: {  	[sflag:s17] =	ssyncset.done $0x0  }
0xa8: {  	[sflag:s17] =	ssyncadd.s32 $0xFFFFFF80  }
0xa9: {  	[tilespmem:s19], [sflag:$0x1] =	stream.indirect.gather [hbm4b:s2+s18], $0x80, s1, s18, $0xb8;
	[tilespmem:$0x10200] =	vst v63  }
0xaa: {  	_ = 	snop  }
0xab: {  	[tilespmem:s20], [sflag:$0x3] =	stream.indirect.gather [hbm4b:s2+s18], $0x80, s18, s18, $0xb8;
	[tilespmem:$0x10200] =	vst v63  }
0xac: {  	_ =	swait.ge [sflag:s28], $0x4000  }
0xad: {  	[sflag:s28] =	ssyncset.done $0x0  }
0xae: {  	s8 =	sadd.s32 $0x10000, s4;
	[sflag:s28] =	ssyncadd.s32 $0xFFFFC000  }
0xaf: {  	[hbm4b:s8+s1] =	stream.linear.scatter [tilespmem:s23], [sflag:$0x5], $0x4000, $0x38;
	[tilespmem:$0x10200] =	vst v63  }
0xb0: {  	_ =	swait.ge [sflag:s17], $0x4000  }
0xb1: {  	[sflag:s17] =	ssyncset.done $0x0  }
0xb2: {  	[sflag:s17] =	ssyncadd.s32 $0xFFFFC000  }
0xb3: {  	_ =	swait.ge [sflag:s29], $0x4000  }
0xb4: {  	[sflag:s29] =	ssyncset.done $0x0  }
0xb5: {  	s9 =	sadd.s32 $0x10000, s6;
	[sflag:s29] =	ssyncadd.s32 $0xFFFFC000  }
0xb6: {  	[hbm4b:s9+s1] =	stream.linear.scatter [tilespmem:s24], [sflag:$0x5], $0x4000, $0x38;
	[tilespmem:$0x10200] =	vst v63  }
0xb7: {  	_ =	swait.ge [sflag:s17], $0x4000  }
0xb8: {  	[sflag:s17] =	ssyncset.done $0x0  }
0xb9: {  	[sflag:s17] =	ssyncadd.s32 $0xFFFFC000  }
0xba: {  	_ =	swait.ge [sflag:s25], $0x4000  }
0xbb: {  	[sflag:s25] =	ssyncset.done $0x0  }
0xbc: {  	s15 =	rddreg [dreg:$0x5];
	[sflag:s25] =	ssyncadd.s32 $0xFFFFC000  }
0xbd: {  	[hbm4b:s15+s1] =	stream.linear.scatter [tilespmem:s19], [sflag:$0x5], $0x4000, $0x38;
	[tilespmem:$0x10200] =	vst v63  }
0xbe: {  	_ =	swait.ge [sflag:s17], $0x4000  }
0xbf: {  	[sflag:s17] =	ssyncset.done $0x0  }
0xc0: {  	[sflag:s17] =	ssyncadd.s32 $0xFFFFC000  }
0xc1: {  	_ =	swait.ge [sflag:s26], $0x4000  }
0xc2: {  	[sflag:s26] =	ssyncset.done $0x0  }
0xc3: {  	s31 =	rddreg [dreg:$0x6];
	[sflag:s26] =	ssyncadd.s32 $0xFFFFC000  }
0xc4: {  	[hbm4b:s31+s1] =	stream.linear.scatter [tilespmem:s20], [sflag:$0x5], $0x4000, $0x38;
	[tilespmem:$0x10200] =	vst v63  }
0xc5: {  	_ =	swait.ge [sflag:s17], $0x4000  }
0xc6: {  	s4 =	simm.s32 @!p0 $0x100;
	[sflag:s17] =	ssyncset.done $0x0  }
0xc7: {  	s3 =	simm.s32 @!p0 $0x0;
	s5 =	rddreg [dreg:$0x7];
	[sflag:s17] =	ssyncadd.s32 $0xFFFFC000  }
0xc8: {  	[tilespmem:s4], [sflag:$0x5] =	stream.linear.gather @!p0 [hbm4b:s5+s3], $0x80, $0x38;
	[tilespmem:$0x10200] =	vst v63  }
0xc9: {  	s5 =	simm.s32 @!p0 $0x5  }
0xca: {  	_ =	swait.ge @!p0 [sflag:s5], $0x80  }
0xcb: {  	[sflag:s5] =	ssyncset.done @!p0 $0x0  }
0xcc: {  	s6 =	simm.s32 @!p0 $0x180;
	s7 =	rddreg [dreg:$0x8];
	[sflag:s5] =	ssyncadd.s32 @!p0 $0xFFFFFF80  }
0xcd: {  	[tilespmem:s6], [sflag:$0x5] =	stream.linear.gather @!p0 [hbm4b:s7+s3], $0x80, $0x38;
	[tilespmem:$0x10200] =	vst v63  }
0xce: {  	_ =	swait.ge @!p0 [sflag:s5], $0x80  }
0xcf: {  	[sflag:s5] =	ssyncset.done @!p0 $0x0  }
0xd0: {  	s8 =	simm.s32 @!p0 $0x4200;
	s7 =	simm.s32 @!p0 $0x80;
	[sflag:s5] =	ssyncadd.s32 @!p0 $0xFFFFFF80  }
0xd1: {  	[tilespmem:s8], [sflag:$0x2] =	stream.indirect.gather @!p0 [hbm4b:s2+s7], $0x80, s4, s7, $0xb8;
	[tilespmem:$0x10200] =	vst v63  }
0xd2: {  	s4 =	simm.s32 @!p0 $0xC200  }
0xd3: {  	[tilespmem:s4], [sflag:$0x4] =	stream.indirect.gather @!p0 [hbm4b:s2+s7], $0x80, s6, s7, $0xb8;
	[tilespmem:$0x10200] =	vst v63  }
0xd4: {  	s6 =	simm.s32 @!p0 $0x2  }
0xd5: {  	_ =	swait.ge @!p0 [sflag:s6], $0x4000  }
0xd6: {  	[sflag:s6] =	ssyncset.done @!p0 $0x0  }
0xd7: {  	[sflag:s6] =	ssyncadd.s32 @!p0 $0xFFFFC000  }
0xd8: {  	[hbm4b:s10+s3] =	stream.linear.scatter @!p0 [tilespmem:s8], [sflag:$0x5], $0x4000, $0x38;
	[tilespmem:$0x10200] =	vst v63  }
0xd9: {  	_ =	swait.ge @!p0 [sflag:s5], $0x4000  }
0xda: {  	[sflag:s5] =	ssyncset.done @!p0 $0x0  }
0xdb: {  	s6 =	simm.s32 @!p0 $0x4;
	[sflag:s5] =	ssyncadd.s32 @!p0 $0xFFFFC000  }
0xdc: {  	s30 =	sadd.s32 $0x1, s30;
	_ =	swait.ge @!p0 [sflag:s6], $0x4000  }
0xdd: {  	p1 =	sne.s32 s30, s12;
	[sflag:s6] =	ssyncset.done @!p0 $0x0  }
.Ltmp1:
0xde: {  	[sflag:s6] =	ssyncadd.s32 @!p0 $0xFFFFC000;
	(pc) =	sbr.rel @p1 .LBB2_1-.Ltmp1, $4  }
0xdf: {  	[hbm4b:s11+s3] =	stream.linear.scatter @!p0 [tilespmem:s4], [sflag:$0x5], $0x4000, $0x38;
	[tilespmem:$0x10200] =	vst v63  }
0xe0: {  	_ =	swait.ge @!p0 [sflag:s5], $0x4000  }
0xe1: {  	[sflag:s5] =	ssyncset.done @!p0 $0x0  }
0xe2: {  	[sflag:s5] =	ssyncadd.s32 @!p0 $0xFFFFC000  }
0xe3: {  	_ =	sfence.sel $0x180000  }
0xe4: {  	[bflag:$0x0] =	sbarrier.arrive $0xFFFF  }
0xe5: {  	_ =	strace $0x90000056  }
0xe6: {  	s0 =	stileid.u32;
	[bflag:$0x2] =	sbarrier.arrive $0xFFFF  }
0xe7: {  	p0 =	sne.s32 s0, $0x0;
	s0 =	rddreg [dreg:$0x1]  }
0xe8: {  	s0 =	sadd.s32 @!p0 $0x100000, s0  }
0xe9: {  	[sflag:s0] =	ssyncadd.tile.s32 @!p0 $0x1;
	_ =	shalt  }
.Lfunc_end2:
_tile_overlayer_lowered:
.L_overlay_start_2:
0xea: {  	(tag) =	ssettag $0x2  }
0xeb: {  	s0 =	rddreg [dreg:$0x0];
	s2 =	stileid.u32  }
0xec: {  	s1 =	rddreg [dreg:$0x1];
	p0 =	sne.s32 s2, $0x0  }
0xed: {  	s3 =	rddreg [dreg:$0x2];
	[bflag:$0x3] =	sbarrier.arrive $0xFFFF;
	s2 =	simm.s32 @!p0 $0x1C05  }
0xee: {  	[timem:s3], [sflag:s2] =	dma.local @!p0 [hbm:s0], s1  }
0xef: {  	s0 =	simm.s32 @!p0 $0x5  }
0xf0: {  	_ =	swait.ge @!p0 [sflag:s0], s1  }
0xf1: {  	s1 =	ssub.s32 @!p0 $0x0, s1;
	[sflag:s0] =	ssyncset.done @!p0 $0x0  }
0xf2: {  	[sflag:s0] =	ssyncadd.s32 @!p0 s1  }
0xf3: {  	[bflag:$0x3] =	sbarrier.arrive $0xFFFF  }
0xf4: {  	_ =	shalt  }

// kernel: kernel.29.cloned.1.call-start
scs
__scs_entry_jumppad:
0x0: {  	(pc) =	sbr.rel $0x88, $3  }
0x1: {  	(tag) =	ssettag $0x0;
	lr =	simm.s32 $0x1  }
0x2: {  	[smem:$0x3F90] =	sst lr;
	_ =	strace $0xD0000000  }
0x3: {  	_ = 	snop  }
0x4: {  	_ = 	snop  }
0x5: {  	_ = 	snop  }
0x6: {  	_ = 	snop  }
0x7: {  	_ = 	snop  }
__scs_overlays_trampoline_lowered:
0x8: {  	[smem:$0x3F9F] =	sst s0  }
0x9: {  	[smem:$0x3FA0] =	sst s1  }
0xa: {  	[smem:$0x3FA1] =	sst s2  }
0xb: {  	[smem:$0x3FA2] =	sst s3  }
0xc: {  	[smem:$0x3FA3] =	sst s4  }
0xd: {  	[smem:$0x3FA4] =	sst s5  }
0xe: {  	[smem:$0x3FA5] =	sst s6  }
0xf: {  	[smem:$0x3FA6] =	sst s7  }
0x10: {  	[smem:$0x3FA7] =	sst s8  }
0x11: {  	[smem:$0x3FA8] =	sst s9;
	s0 =	simm.s32 @!p0 $0x0  }
0x12: {  	s1 =	sld [smem:$0x3F8E];
	s0 =	simm.s32 @p0 $0x1  }
0x13: {  	[smem:$0x3FA9] =	sst s0;
	s0 =	simm.s32 @!p1 $0x0  }
0x14: {  	s2 =	sld [smem:$0x3F8D];
	s0 =	simm.s32 @p1 $0x1  }
0x15: {  	[smem:$0x3FAA] =	sst s0;
	s0 =	simm.s32 @!p2 $0x0  }
0x16: {  	s3 =	sld [smem:$0x3FDB];
	s0 =	simm.s32 @p2 $0x1  }
0x17: {  	s4 =	simm.s32 $0x1BF5;
	[smem:$0x3FAC] =	sst s0  }
0x18: {  	s0 =	sld [smem:$0x3F8F];
	_ =	swait.ge [sflag:s4], $0x0  }
0x19: {  	s7 =	sld [smem:$0x3F90]  }
0x1a: {  	s8 =	sadd.s32 $0xFFFFE003, lr  }
0x1b: {  	s9 =	sadd.s32 $0xFFFFFEF7, lr;
	s5 =	simm.s32 $0xFFFFFFFF;
	p2 =	slt.u32 s8, $0xFFFFF086  }
0x1c: {  	p1 =	slt.u32 s9, $0xF7A;
	s5 =	simm.s32 @!p2 $0x0  }
0x1d: {  	s5 =	simm.s32 @p1 $0x1;
	p0 =	seq.s32 s7, s2  }
0x1e: {  	s7 =	smul.u32 @!p0 $0xF7A, s2;
	p2 =	seq.s32 @!p0 s5, $0x0  }
0x1f: {  	s9 =	smul.u32 $0xF7A, s1;
	s8 =	simm.s32 @!p0 $0x1BF5;
	p2 =	por !p2, p0  }
0x20: {  	[sflag:s8] =	ssyncset.s32 @!p0 $0xFFFFF086;
	s6 =	sadd.s32 @!p0 s3, s7;
	s7 =	simm.s32 @!p0 $0x108  }
0x21: {  	s3 =	sadd.s32 s3, s9;
	s6 =	sadd.s32 @!p0 $0x88, s6;
	s7 =	simm.s32 @p2 $0x1082  }
0x22: {  	[simem:s7], [sflag:s8] =	dma.local @!p0 [hbm:s6], $0xF7A  }
0x23: {  	s9 =	sor.u32 $0xD0000000, s2;
	s6 =	simm.s32 $0x108;
	_ =	swait.ge @!p0 [sflag:s8], $0x0  }
0x24: {  	s3 =	sadd.s32 $0x88, s3;
	s6 =	simm.s32 @!p1 $0x1082;
	[sflag:s4] =	ssyncset.s32 $0xFFFFF086  }
0x25: {  	[simem:s6], [sflag:s4] =	dma.local [hbm:s3], $0xF7A  }
0x26: {  	[smem:$0x3F90] =	sst s1;
	(tag) =	ssettag s2;
	_ =	strace s9  }
0x27: {  	s1 =	sld [smem:$0x3FA0]  }
0x28: {  	s2 =	sld [smem:$0x3FA1]  }
0x29: {  	s4 =	sld [smem:$0x3FA3]  }
0x2a: {  	p0 =	seq.s32 s5, $0x0;
	s5 =	sld [smem:$0x3FA4]  }
0x2b: {  	s6 =	sld [smem:$0x3FA5]  }
0x2c: {  	s7 =	sld [smem:$0x3FA6]  }
0x2d: {  	s3 =	simm.s32 $0x108;
	s8 =	sld [smem:$0x3FA7]  }
0x2e: {  	s3 =	simm.s32 @!p0 $0x1082;
	s9 =	sld [smem:$0x3FA8]  }
0x2f: {  	lr =	sadd.s32 s0, s3;
	s0 =	sld [smem:$0x3F9F]  }
0x30: {  	s3 =	sld [smem:$0x3FA2]  }
0x31: {  	[smem:$0x3FAB] =	sst s10  }
0x32: {  	s10 =	sld [smem:$0x3FA9];
	_ =	sdelay $0x3  }
0x33: {  	p0 =	seq.s32 s10, $0x1;
	s10 =	sld [smem:$0x3FAB];
	_ =	sdelay $0x3  }
0x34: {  	[smem:$0x3FAB] =	sst s10  }
0x35: {  	s10 =	sld [smem:$0x3FAA];
	_ =	sdelay $0x3  }
0x36: {  	p1 =	seq.s32 s10, $0x1;
	s10 =	sld [smem:$0x3FAB];
	_ =	sdelay $0x3  }
0x37: {  	[smem:$0x3FAB] =	sst s10  }
0x38: {  	s10 =	sld [smem:$0x3FAC]  }
0x39: {  	_ = 	snop;
	(pc) =	sbr.ind lr, $3  }
0x3a: {  	_ = 	snop  }
0x3b: {  	_ = 	snop  }
0x3c: {  	p2 =	seq.s32 s10, $0x1;
	s10 =	sld [smem:$0x3FAB]  }
0x3d: {  	_ =	shalt  }
0x3e: {  	_ =	shalt  }
0x3f: {  	_ =	shalt  }
0x40: {  	_ =	shalt  }
0x41: {  	_ =	shalt  }
0x42: {  	_ =	shalt  }
0x43: {  	_ =	shalt  }
0x44: {  	_ =	shalt  }
0x45: {  	_ =	shalt  }
0x46: {  	_ =	shalt  }
0x47: {  	_ =	shalt  }
0x48: {  	_ =	shalt  }
0x49: {  	_ =	shalt  }
0x4a: {  	_ =	shalt  }
0x4b: {  	_ =	shalt  }
0x4c: {  	_ =	shalt  }
0x4d: {  	_ =	shalt  }
0x4e: {  	_ =	shalt  }
0x4f: {  	_ =	shalt  }
0x50: {  	_ =	shalt  }
0x51: {  	_ =	shalt  }
0x52: {  	_ =	shalt  }
0x53: {  	_ =	shalt  }
0x54: {  	_ =	shalt  }
0x55: {  	_ =	shalt  }
0x56: {  	_ =	shalt  }
0x57: {  	_ =	shalt  }
0x58: {  	_ =	shalt  }
0x59: {  	_ =	shalt  }
0x5a: {  	_ =	shalt  }
0x5b: {  	_ =	shalt  }
0x5c: {  	_ =	shalt  }
0x5d: {  	_ =	shalt  }
0x5e: {  	_ =	shalt  }
0x5f: {  	_ =	shalt  }
0x60: {  	_ =	shalt  }
0x61: {  	_ =	shalt  }
0x62: {  	_ =	shalt  }
0x63: {  	_ =	shalt  }
0x64: {  	_ =	shalt  }
0x65: {  	_ =	shalt  }
0x66: {  	_ =	shalt  }
0x67: {  	_ =	shalt  }
0x68: {  	_ =	shalt  }
0x69: {  	_ =	shalt  }
0x6a: {  	_ =	shalt  }
0x6b: {  	_ =	shalt  }
0x6c: {  	_ =	shalt  }
0x6d: {  	_ =	shalt  }
0x6e: {  	_ =	shalt  }
0x6f: {  	_ =	shalt  }
0x70: {  	_ =	shalt  }
0x71: {  	_ =	shalt  }
0x72: {  	_ =	shalt  }
0x73: {  	_ =	shalt  }
0x74: {  	_ =	shalt  }
0x75: {  	_ =	shalt  }
0x76: {  	_ =	shalt  }
0x77: {  	_ =	shalt  }
0x78: {  	_ =	shalt  }
0x79: {  	_ =	shalt  }
0x7a: {  	_ =	shalt  }
0x7b: {  	_ =	shalt  }
0x7c: {  	_ =	shalt  }
0x7d: {  	_ =	shalt  }
0x7e: {  	_ =	shalt  }
0x7f: {  	_ =	shalt  }
0x80: {  	_ =	shalt  }
0x81: {  	_ =	shalt  }
0x82: {  	_ =	shalt  }
0x83: {  	_ =	shalt  }
0x84: {  	_ =	shalt  }
0x85: {  	_ =	shalt  }
0x86: {  	_ =	shalt  }
0x87: {  	_ =	shalt  }
.Lfunc_end0:
.L_simem_size_0:
called_computation.5_lowered:
.L_overlay_start_0:
0x88: {  	s2 =	sld [smem:$0x3FD9]  }
0x89: {  	s3 =	sld [smem:$0x3FFE];
	_ =	sdelay $0x1  }
0x8a: {  	s1 =	srdreg.scid  }
0x8b: {  	s0 =	sand.u32 $0x1, s1  }
0x8c: {  	s16 =	sshll.u32 s0, $0xA;
	s2 =	sadd.s32 s3, s2  }
0x8d: {  	s2 =	sadd.s32 s2, s16  }
0x8e: {  	[smem:$0x3FB7] =	sst s2  }
0x8f: {  	_ = 	snop  }
0x90: {  	(tm) =	ssettm $0x1  }
0x91: {  	s17 =	sld [smem:$0x3FFB];
	_ =	sdelay $0x3  }
0x92: {  	_ =	strace s17  }
0x93: {  	s2 =	sld [smem:$0x3FFC];
	_ =	sdelay $0x3  }
0x94: {  	_ =	strace s2  }
0x95: {  	s2 =	sld [smem:$0x3FFD];
	_ =	sdelay $0x3  }
0x96: {  	_ =	strace s2  }
0x97: {  	_ =	strace $0x8FFFFFFF  }
0x98: {  	s18 =	sld [smem:$0x3FDB];
	_ =	sdelay $0x1  }
0x99: {  	s19 =	simm.s32 $_scs_section_size  }
0x9a: {  	s4 =	simm.s32 $_size__tile_overlayer_lowered;
	s5 =	simm.s32 $_tile_overlayer_lowered  }
0x9b: {  	s22 =	simm.s32 $0x1BFF;
	s21 =	sshll.u32 s5, $0x1;
	s2 =	sadd.s32 s19, s18  }
0x9c: {  	s6 =	simm.s32 $0x0;
	s20 =	sshll.u32 s4, $0x1;
	s4 =	sadd.s32 s21, s2  }
0x9d: {  	[timem:s6], [sflag:s22] =	dma.local [hbm:s4], s20  }
0x9e: {  	_ =	swait.ge [sflag:s22], s20  }
0x9f: {  	s3 =	ssub.s32 $0x0, s20;
	[sflag:s22] =	ssyncset.done $0x0  }
0xa0: {  	[sflag:s22] =	ssyncadd.s32 s3;
	_ =	sdelay $0x1  }
0xa1: {  	s23 =	simm.s32 $0x1B8B  }
0xa2: {  	_ =	swait.ge [sflag:s23], $0x1  }
0xa3: {  	[sflag:s23] =	ssyncset.done $0x0  }
0xa4: {  	s25 =	simm.s32 $0x1B8E;
	s24 =	sld [smem:$0x3FFE];
	[sflag:s23] =	ssyncadd.s32 $0xFFFFFFFF  }
0xa5: {  	s26 =	simm.s32 $execute0_lowered;
	[smem:$0x3FD2] =	sst s25  }
0xa6: {  	s4 =	sshll.u32 s26, $0x1;
	_ =	strace $0x80000052;
	[dreg:$0x1] =	wrdreg $0xFFFFFFFF  }
0xa7: {  	s28 =	simm.s32 $_size_execute0_lowered;
	s2 =	sadd.s32 s2, s4;
	[dreg:$0x0] =	wrdreg $0x0  }
0xa8: {  	s4 =	sshll.u32 s28, $0x1;
	[dreg:$0x2] =	wrdreg s2  }
0xa9: {  	[dreg:$0x3] =	wrdreg s4  }
0xaa: {  	[dreg:$0x4] =	wrdreg $0xC0  }
0xab: {  	_ =	task [dreg:s6], $0x5FFFF  }
0xac: {  	[dreg:$0x1] =	wrdreg $0xFFFFFFFF  }
0xad: {  	[dreg:$0x0] =	wrdreg $0x60  }
0xae: {  	[dreg:$0x2] =	wrdreg s24  }
0xaf: {  	[dreg:$0x3] =	wrdreg $0xA  }
0xb0: {  	_ =	task.clear_ibuf [dreg:s6], $0x4FFFF;
	_ =	strace $0x90000052  }
0xb1: {  	s29 =	simm.s32 $0xA;
	_ =	strace $0x80000054  }
0xb2: {  	_ =	swait.ge [sflag:s29], $0x1  }
0xb3: {  	[sflag:s29] =	ssyncadd.s32 $0xFFFFFFFF  }
0xb4: {  	_ =	strace $0x90000054  }
0xb5: {  	_ =	sfence  }
0xb6: {  	s30 =	sld [smem:$0x0];
	_ =	sdelay $0x2  }
0xb7: {  	s31 =	sshll.u32 s1, $0xD;
	s1 =	sshrl.u32 s1, $0x2  }
0xb8: {  	s3 =	sand.u32 $0x4000, s31;
	s1 =	sadd.s32 s1, s30  }
0xb9: {  	s0 =	sor.u32 s3, s0;
	s1 =	sshll.u32 s1, $0x11  }
0xba: {  	s0 =	sor.u32 s1, s0  }
0xbb: {  	s0 =	sadd.s32 $0x8F2B, s0  }
0xbc: {  	[sflag:s0] =	ssyncadd.remote.s32 $0x1  }
0xbd: {  	_ =	sfence.sel $0xFFFF  }
0xbe: {  	[dreg:$0x0] =	wrdreg $0xFFFFFFFF;
	(pc) =	sbr.abs _section_cstart, $3  }
0xbf: {  	[dreg:$0x1] =	wrdreg $0xFFFFFFFF  }
0xc0: {  	_ =	task.clear_ibuf [dreg:s6], $0x2FFFF;
	_ =	strace $0x9FFFFFFF  }
0xc1: {  	(tm) =	ssettm $0x7FFFFFFF  }
tec
execute0_lowered:
.L_overlay_start_1:
0x0: {  	(tag) =	ssettag $0x1  }
0x1: {  	s0 =	rddreg [dreg:$0x0]  }
0x2: {  	s1 =	simm.s32 $0x0;
	s4 =	srdreg.scid;
	s18 =	stileid.u32  }
0x3: {  	s28 =	simm.s32 $0x2;
	s29 =	simm.s32 $0x4;
	[smem:$0x7FF] =	sst s1  }
0x4: {  	s30 =	simm.s32 $0x0;
	s3 =	sadd.s32 $0x27D600, s0;
	s5 =	sadd.s32 $0x27FE00, s0  }
0x5: {  	s2 =	sadd.s32 $0xA8A00, s0;
	s11 =	sadd.s32 $0xCFC00, s0;
	s0 =	sadd.s32 $0x593A00, s0  }
0x6: {  	s4 =	sand.u32 $0x1, s4;
	s17 =	sshll.u32 s18, $0xB;
	_ =	strace $0x80000053  }
0x7: {  	s6 =	ssub.s32 $0x2, s4;
	s7 =	sshll.u32 s4, $0x4;
	s14 =	sshll.u32 s4, $0xF  }
0x8: {  	s4 =	sshll.u32 s4, $0x8;
	s8 =	sshrl.u32 s6, $0x1;
	s15 =	sor.u32 s18, s7  }
0x9: {  	s16 =	sadd.s32 s14, s11;
	s12 =	ssub.s32 s6, s8;
	s19 =	sshll.u32 s15, $0x4  }
0xa: {  	s7 =	sshll.u32 s15, $0x7;
	s21 =	sshll.u32 s15, $0xB;
	s31 =	sadd.s32 s17, s16  }
0xb: {  	s16 =	sadd.s32 s4, s3;
	p0 =	sgt.u32 s15, $0x10;
	s20 =	sadd.s32 s3, s19  }
0xc: {  	s10 =	sor.u32 $0x13000, s7;
	s6 =	sadd.s32 s5, s19;
	[dreg:$0x2] =	wrdreg s31  }
0xd: {  	s22 =	sor.u32 $0x120000, s21;
	s12 =	smax.u32 s12, $0x1;
	[dreg:$0x3] =	wrdreg s20  }
0xe: {  	s19 =	simm.s32 $0x200;
	s21 =	simm.s32 $0x100;
	[dreg:$0x4] =	wrdreg s6  }
0xf: {  	s9 =	sshrl.u32 s10, $0x3;
	s23 =	sadd.s32 s11, s22;
	s24 =	sadd.s32 s0, s22  }
0x10: {  	s13 =	sshll.u32 s10, $0x4;
	s20 =	simm.s32 $0x8200;
	[dreg:$0x5] =	wrdreg s23  }
0x11: {  	s22 =	simm.s32 $0x180;
	[dreg:$0x6] =	wrdreg s24;
	s25 =	sadd.s32 s3, s9  }
0x12: {  	s26 =	sadd.s32 s5, s9;
	s10 =	sadd.s32 s11, s13;
	s11 =	sadd.s32 s0, s13  }
0x13: {  	s0 =	sadd.s32 s14, s0;
	s14 =	sshll.u32 s18, $0x4;
	s18 =	simm.s32 $0x80  }
0x14: {  	s23 =	simm.s32 $0x4200;
	s24 =	simm.s32 $0xC200;
	[dreg:$0x7] =	wrdreg s25  }
0x15: {  	[dreg:$0x8] =	wrdreg s26;
	s13 =	sadd.s32 s17, s0;
	s0 =	sadd.s32 s4, s5  }
0x16: {  	s17 =	simm.s32 $0x5;
	s25 =	simm.s32 $0x1;
	s26 =	simm.s32 $0x3  }
.LBB2_1:
0x17: {  	s3 =	rddreg [dreg:$0x3]  }
0x18: {  	[tilespmem:s1], [sflag:$0x5] =	stream.linear.gather [hbm4b:s3+s1], $0x80, $0x38;
	[tilespmem:$0x10200] =	vst v63  }
0x19: {  	_ =	swait.ge [sflag:s17], $0x80  }
0x1a: {  	[sflag:s17] =	ssyncset.done $0x0  }
0x1b: {  	s8 =	rddreg [dreg:$0x4];
	[sflag:s17] =	ssyncadd.s32 $0xFFFFFF80  }
0x1c: {  	[tilespmem:s18], [sflag:$0x5] =	stream.linear.gather [hbm4b:s8+s1], $0x80, $0x38;
	[tilespmem:$0x10200] =	vst v63  }
0x1d: {  	_ =	swait.ge [sflag:s17], $0x80  }
0x1e: {  	[sflag:s17] =	ssyncset.done $0x0  }
0x1f: {  	[sflag:s17] =	ssyncadd.s32 $0xFFFFFF80  }
0x20: {  	[tilespmem:s19], [sflag:$0x1] =	stream.indirect.gather [hbm4b:s2+s18], $0x80, s1, s18, $0xb8;
	[tilespmem:$0x10200] =	vst v63  }
0x21: {  	s9 =	sadd.s32 s16, s14  }
0x22: {  	[tilespmem:s20], [sflag:$0x3] =	stream.indirect.gather [hbm4b:s2+s18], $0x80, s18, s18, $0xb8;
	[tilespmem:$0x10200] =	vst v63  }
0x23: {  	s4 =	sadd.s32 $0x200, s9  }
0x24: {  	[tilespmem:s21], [sflag:$0x5] =	stream.linear.gather [hbm4b:s4+s1], $0x80, $0x38;
	[tilespmem:$0x10200] =	vst v63  }
0x25: {  	_ =	swait.ge [sflag:s17], $0x80  }
0x26: {  	s6 =	sadd.s32 s0, s14;
	[sflag:s17] =	ssyncset.done $0x0  }
0x27: {  	s5 =	sadd.s32 $0x200, s6;
	[sflag:s17] =	ssyncadd.s32 $0xFFFFFF80  }
0x28: {  	[tilespmem:s22], [sflag:$0x5] =	stream.linear.gather [hbm4b:s5+s1], $0x80, $0x38;
	[tilespmem:$0x10200] =	vst v63  }
0x29: {  	_ =	swait.ge [sflag:s17], $0x80  }
0x2a: {  	[sflag:s17] =	ssyncset.done $0x0  }
0x2b: {  	[sflag:s17] =	ssyncadd.s32 $0xFFFFFF80  }
0x2c: {  	[tilespmem:s23], [sflag:$0x2] =	stream.indirect.gather [hbm4b:s2+s18], $0x80, s21, s18, $0xb8;
	[tilespmem:$0x10200] =	vst v63  }
0x2d: {  	_ = 	snop  }
0x2e: {  	[tilespmem:s24], [sflag:$0x4] =	stream.indirect.gather [hbm4b:s2+s18], $0x80, s22, s18, $0xb8;
	[tilespmem:$0x10200] =	vst v63  }
0x2f: {  	_ =	swait.ge [sflag:s25], $0x4000  }
0x30: {  	s7 =	rddreg [dreg:$0x2];
	[sflag:s25] =	ssyncset.done $0x0  }
0x31: {  	[sflag:s25] =	ssyncadd.s32 $0xFFFFC000;
	s5 =	sadd.s32 $0x0, s7  }
0x32: {  	[hbm4b:s5+s1] =	stream.linear.scatter [tilespmem:s19], [sflag:$0x5], $0x4000, $0x38;
	[tilespmem:$0x10200] =	vst v63  }
0x33: {  	_ =	swait.ge [sflag:s17], $0x4000  }
0x34: {  	[sflag:s17] =	ssyncset.done $0x0  }
0x35: {  	[sflag:s17] =	ssyncadd.s32 $0xFFFFC000  }
0x36: {  	_ =	swait.ge [sflag:s26], $0x4000  }
0x37: {  	[sflag:s26] =	ssyncset.done $0x0  }
0x38: {  	s15 =	sadd.s32 $0x0, s13;
	[sflag:s26] =	ssyncadd.s32 $0xFFFFC000  }
0x39: {  	[hbm4b:s15+s1] =	stream.linear.scatter [tilespmem:s20], [sflag:$0x5], $0x4000, $0x38;
	[tilespmem:$0x10200] =	vst v63  }
0x3a: {  	_ =	swait.ge [sflag:s17], $0x4000  }
0x3b: {  	[sflag:s17] =	ssyncset.done $0x0  }
0x3c: {  	s3 =	sadd.s32 $0x400, s9;
	[sflag:s17] =	ssyncadd.s32 $0xFFFFC000  }
0x3d: {  	[tilespmem:s1], [sflag:$0x5] =	stream.linear.gather [hbm4b:s3+s1], $0x80, $0x38;
	[tilespmem:$0x10200] =	vst v63  }
0x3e: {  	_ =	swait.ge [sflag:s17], $0x80  }
0x3f: {  	[sflag:s17] =	ssyncset.done $0x0  }
0x40: {  	s8 =	sadd.s32 $0x400, s6;
	[sflag:s17] =	ssyncadd.s32 $0xFFFFFF80  }
0x41: {  	[tilespmem:s18], [sflag:$0x5] =	stream.linear.gather [hbm4b:s8+s1], $0x80, $0x38;
	[tilespmem:$0x10200] =	vst v63  }
0x42: {  	_ =	swait.ge [sflag:s17], $0x80  }
0x43: {  	[sflag:s17] =	ssyncset.done $0x0  }
0x44: {  	[sflag:s17] =	ssyncadd.s32 $0xFFFFFF80  }
0x45: {  	[tilespmem:s19], [sflag:$0x1] =	stream.indirect.gather [hbm4b:s2+s18], $0x80, s1, s18, $0xb8;
	[tilespmem:$0x10200] =	vst v63  }
0x46: {  	_ = 	snop  }
0x47: {  	[tilespmem:s20], [sflag:$0x3] =	stream.indirect.gather [hbm4b:s2+s18], $0x80, s18, s18, $0xb8;
	[tilespmem:$0x10200] =	vst v63  }
0x48: {  	_ =	swait.ge [sflag:s28], $0x4000  }
0x49: {  	[sflag:s28] =	ssyncset.done $0x0  }
0x4a: {  	s9 =	sadd.s32 $0x10000, s5;
	[sflag:s28] =	ssyncadd.s32 $0xFFFFC000  }
0x4b: {  	[hbm4b:s9+s1] =	stream.linear.scatter [tilespmem:s23], [sflag:$0x5], $0x4000, $0x38;
	[tilespmem:$0x10200] =	vst v63  }
0x4c: {  	_ =	swait.ge [sflag:s17], $0x4000  }
0x4d: {  	[sflag:s17] =	ssyncset.done $0x0  }
0x4e: {  	[sflag:s17] =	ssyncadd.s32 $0xFFFFC000  }
0x4f: {  	_ =	swait.ge [sflag:s29], $0x4000  }
0x50: {  	[sflag:s29] =	ssyncset.done $0x0  }
0x51: {  	s31 =	simm.s32 $0x20000;
	s15 =	sadd.s32 $0x10000, s15;
	[sflag:s29] =	ssyncadd.s32 $0xFFFFC000  }
0x52: {  	[hbm4b:s15+s1] =	stream.linear.scatter [tilespmem:s24], [sflag:$0x5], $0x4000, $0x38;
	[tilespmem:$0x10200] =	vst v63  }
0x53: {  	s4 =	simm.s32 $0x40000;
	s3 =	sadd.s32 $0x400, s16;
	_ =	swait.ge [sflag:s17], $0x4000  }
0x54: {  	s5 =	sadd.s32 s3, s14;
	s15 =	smov.u32 s0;
	[sflag:s17] =	ssyncset.done $0x0  }
.LBB2_2:
0x55: {  	s6 =	sadd.s32 $0x200, s5;
	[sflag:s17] =	ssyncadd.s32 $0xFFFFC000  }
0x56: {  	[tilespmem:s21], [sflag:$0x5] =	stream.linear.gather [hbm4b:s6+s1], $0x80, $0x38;
	[tilespmem:$0x10200] =	vst v63  }
0x57: {  	s15 =	sadd.s32 $0x400, s15;
	_ =	swait.ge [sflag:s17], $0x80  }
0x58: {  	s6 =	sadd.s32 s15, s14;
	[sflag:s17] =	ssyncset.done $0x0  }
0x59: {  	s8 =	sadd.s32 $0x200, s6;
	[sflag:s17] =	ssyncadd.s32 $0xFFFFFF80  }
0x5a: {  	[tilespmem:s22], [sflag:$0x5] =	stream.linear.gather [hbm4b:s8+s1], $0x80, $0x38;
	[tilespmem:$0x10200] =	vst v63  }
0x5b: {  	_ =	swait.ge [sflag:s17], $0x80  }
0x5c: {  	[sflag:s17] =	ssyncset.done $0x0  }
0x5d: {  	[sflag:s17] =	ssyncadd.s32 $0xFFFFFF80  }
0x5e: {  	[tilespmem:s23], [sflag:$0x2] =	stream.indirect.gather [hbm4b:s2+s18], $0x80, s21, s18, $0xb8;
	[tilespmem:$0x10200] =	vst v63  }
0x5f: {  	_ = 	snop  }
0x60: {  	[tilespmem:s24], [sflag:$0x4] =	stream.indirect.gather [hbm4b:s2+s18], $0x80, s22, s18, $0xb8;
	[tilespmem:$0x10200] =	vst v63  }
0x61: {  	_ =	swait.ge [sflag:s25], $0x4000  }
0x62: {  	s9 =	rddreg [dreg:$0x2];
	[sflag:s25] =	ssyncset.done $0x0  }
0x63: {  	[sflag:s25] =	ssyncadd.s32 $0xFFFFC000;
	s8 =	sadd.s32 s31, s9  }
0x64: {  	[hbm4b:s8+s1] =	stream.linear.scatter [tilespmem:s19], [sflag:$0x5], $0x4000, $0x38;
	[tilespmem:$0x10200] =	vst v63  }
0x65: {  	_ =	swait.ge [sflag:s17], $0x4000  }
0x66: {  	[sflag:s17] =	ssyncset.done $0x0  }
0x67: {  	[sflag:s17] =	ssyncadd.s32 $0xFFFFC000  }
0x68: {  	_ =	swait.ge [sflag:s26], $0x4000  }
0x69: {  	[sflag:s26] =	ssyncset.done $0x0  }
0x6a: {  	s9 =	sadd.s32 s31, s13;
	[sflag:s26] =	ssyncadd.s32 $0xFFFFC000  }
0x6b: {  	[hbm4b:s9+s1] =	stream.linear.scatter [tilespmem:s20], [sflag:$0x5], $0x4000, $0x38;
	[tilespmem:$0x10200] =	vst v63  }
0x6c: {  	_ =	swait.ge [sflag:s17], $0x4000  }
0x6d: {  	s7 =	smov.u32 s4;
	[sflag:s17] =	ssyncset.done $0x0  }
0x6e: {  	s31 =	smov.u32 s7;
	s7 =	sadd.s32 $0x400, s5;
	[sflag:s17] =	ssyncadd.s32 $0xFFFFC000  }
0x6f: {  	[tilespmem:s1], [sflag:$0x5] =	stream.linear.gather [hbm4b:s7+s1], $0x80, $0x38;
	[tilespmem:$0x10200] =	vst v63  }
0x70: {  	_ =	swait.ge [sflag:s17], $0x80  }
0x71: {  	[sflag:s17] =	ssyncset.done $0x0  }
0x72: {  	s7 =	sadd.s32 $0x400, s6;
	[sflag:s17] =	ssyncadd.s32 $0xFFFFFF80  }
0x73: {  	[tilespmem:s18], [sflag:$0x5] =	stream.linear.gather [hbm4b:s7+s1], $0x80, $0x38;
	[tilespmem:$0x10200] =	vst v63  }
0x74: {  	_ =	swait.ge [sflag:s17], $0x80  }
0x75: {  	[sflag:s17] =	ssyncset.done $0x0  }
0x76: {  	[sflag:s17] =	ssyncadd.s32 $0xFFFFFF80  }
0x77: {  	[tilespmem:s19], [sflag:$0x1] =	stream.indirect.gather [hbm4b:s2+s18], $0x80, s1, s18, $0xb8;
	[tilespmem:$0x10200] =	vst v63  }
0x78: {  	_ = 	snop  }
0x79: {  	[tilespmem:s20], [sflag:$0x3] =	stream.indirect.gather [hbm4b:s2+s18], $0x80, s18, s18, $0xb8;
	[tilespmem:$0x10200] =	vst v63  }
0x7a: {  	_ =	swait.ge [sflag:s28], $0x4000  }
0x7b: {  	[sflag:s28] =	ssyncset.done $0x0  }
0x7c: {  	s8 =	sadd.s32 $0x10000, s8;
	[sflag:s28] =	ssyncadd.s32 $0xFFFFC000  }
0x7d: {  	[hbm4b:s8+s1] =	stream.linear.scatter [tilespmem:s23], [sflag:$0x5], $0x4000, $0x38;
	[tilespmem:$0x10200] =	vst v63  }
0x7e: {  	_ =	swait.ge [sflag:s17], $0x4000  }
0x7f: {  	[sflag:s17] =	ssyncset.done $0x0  }
0x80: {  	[sflag:s17] =	ssyncadd.s32 $0xFFFFC000  }
0x81: {  	p1 =	sne.s32 s4, $0x100000;
	_ =	swait.ge [sflag:s29], $0x4000  }
.Ltmp0:
0x82: {  	[sflag:s29] =	ssyncset.done $0x0;
	(pc) =	sbr.rel @p1 .LBB2_2-.Ltmp0, $4  }
0x83: {  	s9 =	sadd.s32 $0x10000, s9;
	[sflag:s29] =	ssyncadd.s32 $0xFFFFC000  }
0x84: {  	[hbm4b:s9+s1] =	stream.linear.scatter [tilespmem:s24], [sflag:$0x5], $0x4000, $0x38;
	[tilespmem:$0x10200] =	vst v63  }
0x85: {  	s3 =	sadd.s32 $0x400, s3;
	_ =	swait.ge [sflag:s17], $0x4000  }
0x86: {  	s4 =	sadd.s32 $0x20000, s4;
	s5 =	sadd.s32 s3, s14;
	[sflag:s17] =	ssyncset.done $0x0  }
0x87: {  	s3 =	sadd.s32 $0x200, s5;
	[sflag:s17] =	ssyncadd.s32 $0xFFFFC000  }
0x88: {  	[tilespmem:s21], [sflag:$0x5] =	stream.linear.gather [hbm4b:s3+s1], $0x80, $0x38;
	[tilespmem:$0x10200] =	vst v63  }
0x89: {  	s4 =	sadd.s32 $0x400, s15;
	_ =	swait.ge [sflag:s17], $0x80  }
0x8a: {  	s3 =	sadd.s32 s4, s14;
	[sflag:s17] =	ssyncset.done $0x0  }
0x8b: {  	s4 =	sadd.s32 $0x200, s3;
	[sflag:s17] =	ssyncadd.s32 $0xFFFFFF80  }
0x8c: {  	[tilespmem:s22], [sflag:$0x5] =	stream.linear.gather [hbm4b:s4+s1], $0x80, $0x38;
	[tilespmem:$0x10200] =	vst v63  }
0x8d: {  	_ =	swait.ge [sflag:s17], $0x80  }
0x8e: {  	[sflag:s17] =	ssyncset.done $0x0  }
0x8f: {  	[sflag:s17] =	ssyncadd.s32 $0xFFFFFF80  }
0x90: {  	[tilespmem:s23], [sflag:$0x2] =	stream.indirect.gather [hbm4b:s2+s18], $0x80, s21, s18, $0xb8;
	[tilespmem:$0x10200] =	vst v63  }
0x91: {  	_ = 	snop  }
0x92: {  	[tilespmem:s24], [sflag:$0x4] =	stream.indirect.gather [hbm4b:s2+s18], $0x80, s22, s18, $0xb8;
	[tilespmem:$0x10200] =	vst v63  }
0x93: {  	_ =	swait.ge [sflag:s25], $0x4000  }
0x94: {  	s6 =	rddreg [dreg:$0x2];
	[sflag:s25] =	ssyncset.done $0x0  }
0x95: {  	[sflag:s25] =	ssyncadd.s32 $0xFFFFC000;
	s4 =	sadd.s32 s31, s6  }
0x96: {  	[hbm4b:s4+s1] =	stream.linear.scatter [tilespmem:s19], [sflag:$0x5], $0x4000, $0x38;
	[tilespmem:$0x10200] =	vst v63  }
0x97: {  	_ =	swait.ge [sflag:s17], $0x4000  }
0x98: {  	[sflag:s17] =	ssyncset.done $0x0  }
0x99: {  	[sflag:s17] =	ssyncadd.s32 $0xFFFFC000  }
0x9a: {  	_ =	swait.ge [sflag:s26], $0x4000  }
0x9b: {  	[sflag:s26] =	ssyncset.done $0x0  }
0x9c: {  	s6 =	sadd.s32 s31, s13;
	[sflag:s26] =	ssyncadd.s32 $0xFFFFC000  }
0x9d: {  	[hbm4b:s6+s1] =	stream.linear.scatter [tilespmem:s20], [sflag:$0x5], $0x4000, $0x38;
	[tilespmem:$0x10200] =	vst v63  }
0x9e: {  	_ =	swait.ge [sflag:s17], $0x4000  }
0x9f: {  	[sflag:s17] =	ssyncset.done $0x0  }
0xa0: {  	s7 =	sadd.s32 $0x400, s5;
	[sflag:s17] =	ssyncadd.s32 $0xFFFFC000  }
0xa1: {  	[tilespmem:s1], [sflag:$0x5] =	stream.linear.gather [hbm4b:s7+s1], $0x80, $0x38;
	[tilespmem:$0x10200] =	vst v63  }
0xa2: {  	_ =	swait.ge [sflag:s17], $0x80  }
0xa3: {  	[sflag:s17] =	ssyncset.done $0x0  }
0xa4: {  	s3 =	sadd.s32 $0x400, s3;
	[sflag:s17] =	ssyncadd.s32 $0xFFFFFF80  }
0xa5: {  	[tilespmem:s18], [sflag:$0x5] =	stream.linear.gather [hbm4b:s3+s1], $0x80, $0x38;
	[tilespmem:$0x10200] =	vst v63  }
0xa6: {  	_ =	swait.ge [sflag:s17], $0x80  }
0xa7: {  	[sflag:s17] =	ssyncset.done $0x0  }
0xa8: {  	[sflag:s17] =	ssyncadd.s32 $0xFFFFFF80  }
0xa9: {  	[tilespmem:s19], [sflag:$0x1] =	stream.indirect.gather [hbm4b:s2+s18], $0x80, s1, s18, $0xb8;
	[tilespmem:$0x10200] =	vst v63  }
0xaa: {  	_ = 	snop  }
0xab: {  	[tilespmem:s20], [sflag:$0x3] =	stream.indirect.gather [hbm4b:s2+s18], $0x80, s18, s18, $0xb8;
	[tilespmem:$0x10200] =	vst v63  }
0xac: {  	_ =	swait.ge [sflag:s28], $0x4000  }
0xad: {  	[sflag:s28] =	ssyncset.done $0x0  }
0xae: {  	s8 =	sadd.s32 $0x10000, s4;
	[sflag:s28] =	ssyncadd.s32 $0xFFFFC000  }
0xaf: {  	[hbm4b:s8+s1] =	stream.linear.scatter [tilespmem:s23], [sflag:$0x5], $0x4000, $0x38;
	[tilespmem:$0x10200] =	vst v63  }
0xb0: {  	_ =	swait.ge [sflag:s17], $0x4000  }
0xb1: {  	[sflag:s17] =	ssyncset.done $0x0  }
0xb2: {  	[sflag:s17] =	ssyncadd.s32 $0xFFFFC000  }
0xb3: {  	_ =	swait.ge [sflag:s29], $0x4000  }
0xb4: {  	[sflag:s29] =	ssyncset.done $0x0  }
0xb5: {  	s9 =	sadd.s32 $0x10000, s6;
	[sflag:s29] =	ssyncadd.s32 $0xFFFFC000  }
0xb6: {  	[hbm4b:s9+s1] =	stream.linear.scatter [tilespmem:s24], [sflag:$0x5], $0x4000, $0x38;
	[tilespmem:$0x10200] =	vst v63  }
0xb7: {  	_ =	swait.ge [sflag:s17], $0x4000  }
0xb8: {  	[sflag:s17] =	ssyncset.done $0x0  }
0xb9: {  	[sflag:s17] =	ssyncadd.s32 $0xFFFFC000  }
0xba: {  	_ =	swait.ge [sflag:s25], $0x4000  }
0xbb: {  	[sflag:s25] =	ssyncset.done $0x0  }
0xbc: {  	s15 =	rddreg [dreg:$0x5];
	[sflag:s25] =	ssyncadd.s32 $0xFFFFC000  }
0xbd: {  	[hbm4b:s15+s1] =	stream.linear.scatter [tilespmem:s19], [sflag:$0x5], $0x4000, $0x38;
	[tilespmem:$0x10200] =	vst v63  }
0xbe: {  	_ =	swait.ge [sflag:s17], $0x4000  }
0xbf: {  	[sflag:s17] =	ssyncset.done $0x0  }
0xc0: {  	[sflag:s17] =	ssyncadd.s32 $0xFFFFC000  }
0xc1: {  	_ =	swait.ge [sflag:s26], $0x4000  }
0xc2: {  	[sflag:s26] =	ssyncset.done $0x0  }
0xc3: {  	s31 =	rddreg [dreg:$0x6];
	[sflag:s26] =	ssyncadd.s32 $0xFFFFC000  }
0xc4: {  	[hbm4b:s31+s1] =	stream.linear.scatter [tilespmem:s20], [sflag:$0x5], $0x4000, $0x38;
	[tilespmem:$0x10200] =	vst v63  }
0xc5: {  	_ =	swait.ge [sflag:s17], $0x4000  }
0xc6: {  	s4 =	simm.s32 @!p0 $0x100;
	[sflag:s17] =	ssyncset.done $0x0  }
0xc7: {  	s3 =	simm.s32 @!p0 $0x0;
	s5 =	rddreg [dreg:$0x7];
	[sflag:s17] =	ssyncadd.s32 $0xFFFFC000  }
0xc8: {  	[tilespmem:s4], [sflag:$0x5] =	stream.linear.gather @!p0 [hbm4b:s5+s3], $0x80, $0x38;
	[tilespmem:$0x10200] =	vst v63  }
0xc9: {  	s5 =	simm.s32 @!p0 $0x5  }
0xca: {  	_ =	swait.ge @!p0 [sflag:s5], $0x80  }
0xcb: {  	[sflag:s5] =	ssyncset.done @!p0 $0x0  }
0xcc: {  	s6 =	simm.s32 @!p0 $0x180;
	s7 =	rddreg [dreg:$0x8];
	[sflag:s5] =	ssyncadd.s32 @!p0 $0xFFFFFF80  }
0xcd: {  	[tilespmem:s6], [sflag:$0x5] =	stream.linear.gather @!p0 [hbm4b:s7+s3], $0x80, $0x38;
	[tilespmem:$0x10200] =	vst v63  }
0xce: {  	_ =	swait.ge @!p0 [sflag:s5], $0x80  }
0xcf: {  	[sflag:s5] =	ssyncset.done @!p0 $0x0  }
0xd0: {  	s8 =	simm.s32 @!p0 $0x4200;
	s7 =	simm.s32 @!p0 $0x80;
	[sflag:s5] =	ssyncadd.s32 @!p0 $0xFFFFFF80  }
0xd1: {  	[tilespmem:s8], [sflag:$0x2] =	stream.indirect.gather @!p0 [hbm4b:s2+s7], $0x80, s4, s7, $0xb8;
	[tilespmem:$0x10200] =	vst v63  }
0xd2: {  	s4 =	simm.s32 @!p0 $0xC200  }
0xd3: {  	[tilespmem:s4], [sflag:$0x4] =	stream.indirect.gather @!p0 [hbm4b:s2+s7], $0x80, s6, s7, $0xb8;
	[tilespmem:$0x10200] =	vst v63  }
0xd4: {  	s6 =	simm.s32 @!p0 $0x2  }
0xd5: {  	_ =	swait.ge @!p0 [sflag:s6], $0x4000  }
0xd6: {  	[sflag:s6] =	ssyncset.done @!p0 $0x0  }
0xd7: {  	[sflag:s6] =	ssyncadd.s32 @!p0 $0xFFFFC000  }
0xd8: {  	[hbm4b:s10+s3] =	stream.linear.scatter @!p0 [tilespmem:s8], [sflag:$0x5], $0x4000, $0x38;
	[tilespmem:$0x10200] =	vst v63  }
0xd9: {  	_ =	swait.ge @!p0 [sflag:s5], $0x4000  }
0xda: {  	[sflag:s5] =	ssyncset.done @!p0 $0x0  }
0xdb: {  	s6 =	simm.s32 @!p0 $0x4;
	[sflag:s5] =	ssyncadd.s32 @!p0 $0xFFFFC000  }
0xdc: {  	s30 =	sadd.s32 $0x1, s30;
	_ =	swait.ge @!p0 [sflag:s6], $0x4000  }
0xdd: {  	p1 =	sne.s32 s30, s12;
	[sflag:s6] =	ssyncset.done @!p0 $0x0  }
.Ltmp1:
0xde: {  	[sflag:s6] =	ssyncadd.s32 @!p0 $0xFFFFC000;
	(pc) =	sbr.rel @p1 .LBB2_1-.Ltmp1, $4  }
0xdf: {  	[hbm4b:s11+s3] =	stream.linear.scatter @!p0 [tilespmem:s4], [sflag:$0x5], $0x4000, $0x38;
	[tilespmem:$0x10200] =	vst v63  }
0xe0: {  	_ =	swait.ge @!p0 [sflag:s5], $0x4000  }
0xe1: {  	[sflag:s5] =	ssyncset.done @!p0 $0x0  }
0xe2: {  	[sflag:s5] =	ssyncadd.s32 @!p0 $0xFFFFC000  }
0xe3: {  	_ =	sfence.sel $0x180000  }
0xe4: {  	[bflag:$0x0] =	sbarrier.arrive $0xFFFF  }
0xe5: {  	_ =	strace $0x90000053  }
0xe6: {  	s0 =	stileid.u32;
	[bflag:$0x2] =	sbarrier.arrive $0xFFFF  }
0xe7: {  	p0 =	sne.s32 s0, $0x0;
	s0 =	rddreg [dreg:$0x1]  }
0xe8: {  	s0 =	sadd.s32 @!p0 $0x100000, s0  }
0xe9: {  	[sflag:s0] =	ssyncadd.tile.s32 @!p0 $0x1;
	_ =	shalt  }
.Lfunc_end2:
_tile_overlayer_lowered:
.L_overlay_start_2:
0xea: {  	(tag) =	ssettag $0x2  }
0xeb: {  	s0 =	rddreg [dreg:$0x0];
	s2 =	stileid.u32  }
0xec: {  	s1 =	rddreg [dreg:$0x1];
	p0 =	sne.s32 s2, $0x0  }
0xed: {  	s3 =	rddreg [dreg:$0x2];
	[bflag:$0x3] =	sbarrier.arrive $0xFFFF;
	s2 =	simm.s32 @!p0 $0x1C05  }
0xee: {  	[timem:s3], [sflag:s2] =	dma.local @!p0 [hbm:s0], s1  }
0xef: {  	s0 =	simm.s32 @!p0 $0x5  }
0xf0: {  	_ =	swait.ge @!p0 [sflag:s0], s1  }
0xf1: {  	s1 =	ssub.s32 @!p0 $0x0, s1;
	[sflag:s0] =	ssyncset.done @!p0 $0x0  }
0xf2: {  	[sflag:s0] =	ssyncadd.s32 @!p0 s1  }
0xf3: {  	[bflag:$0x3] =	sbarrier.arrive $0xFFFF  }
0xf4: {  	_ =	shalt  }

</sc_bundles>
